<compile_context>
chip_gen: v7x
topology: tpu7x:2x2x1
jax: 0.10.2.dev20260603
libtpu: 0.0.44.dev20260713+nightly
codegen_flags: <defaults>
</compile_context>

<pallas_src>
import jax
import jax.numpy as jnp
import numpy as np
from jax import lax
from jax.experimental import pallas as pl
from jax.experimental.pallas import tpu as pltpu
from jax.experimental.pallas import tpu_sc as plsc

B, LEN, CH = 4, 4096, 1024
ROWS = B * LEN
NC, NS = 2, 16
NW = NC * NS
WPW = ROWS // NW
CHUNK = 16
NCHUNK = WPW // CHUNK
NB = 7
LEAD = 4


def _body(in_hbm, out_hbm, idx_v, rows_v, gsem, ssem):
    wid = lax.axis_index("s") * NC + lax.axis_index("c")
    base = wid * WPW
    b = base // LEN
    hi = (base % LEN) // (LEN // 4)
    lo0 = base % (LEN // 4)
    src0 = b * LEN + hi + 4 * lo0
    lanes = lax.iota(jnp.int32, 16)
    for g16 in range(WPW // 16):
        idx_v[pl.ds(g16 * 16, 16)] = src0 + 4 * (g16 * 16) + 4 * lanes

    def gather(k, buf):
        return pltpu.async_copy(
            in_hbm.at[idx_v.at[pl.ds(k * CHUNK, CHUNK)]],
            rows_v.at[buf],
            gsem.at[buf],
        )

    def store(k, buf):
        return pltpu.async_copy(
            rows_v.at[buf],
            out_hbm.at[pl.ds(base + k * CHUNK, CHUNK)],
            ssem.at[buf],
        )

    g = [None] * NB
    s = [None] * NB
    for j in range(LEAD):
        g[j % NB] = gather(j, j % NB)
    for m in range(NCHUNK):
        cur = m % NB
        g[cur].wait()
        s[cur] = store(m, cur)
        j = m + LEAD
        if j < NCHUNK:
            bj = j % NB
            if s[bj] is not None:
                s[bj].wait()
                s[bj] = None
            g[bj] = gather(j, bj)
    for bb in range(NB):
        if s[bb] is not None:
            s[bb].wait()


_shuffle = pl.kernel(
    _body,
    out_type=jax.ShapeDtypeStruct((ROWS, CH), jnp.float32),
    mesh=plsc.VectorSubcoreMesh(core_axis_name="c", subcore_axis_name="s"),
    scratch_types=[
        pltpu.VMEM((WPW,), jnp.int32),
        pltpu.VMEM((NB, CHUNK, CH), jnp.float32),
        pltpu.SemaphoreType.DMA((NB,)),
        pltpu.SemaphoreType.DMA((NB,)),
    ],
)


def kernel(inputs):
    in_flat = inputs.reshape(ROWS, CH)
    out_flat = _shuffle(in_flat)
    return out_flat.reshape(B, LEN, CH)

# --- scband reference (transcript-rebuilt; emitter-appended) ---
"""Pipeline reference for scband-quaternary-shuffle-layer-17798344474632 (READ-ONLY COPY).

The authoritative reference and input builder live on the scoring server;
editing this copy changes nothing except your own understanding.
"""

import jax, jax.numpy as jnp
import numpy as np


def quaternary_digits(n):
    # number of base-4 digits needed to represent n (n >= 0)
    d = 1
    while n >= 4:
        n //= 4
        d += 1
    return d


def qrol(x, digits, level=0):
    # quaternary rotate-left by one base-4 digit, keeping the lowest `level` digits fixed
    fixed = x % (4 ** level)
    y = x // (4 ** level)
    d = digits - level
    mask = (4 ** d) - 1
    y = ((y * 4) | (y >> (2 * (d - 1)))) & mask
    return y * (4 ** level) + fixed


def setup_inputs(seed: int = 0) -> dict:
    key = jax.random.key(seed)
    x = jax.random.normal(key, (4, 4096, 1024), dtype=jnp.float32)
    return {"inputs": x}


def reference(inputs):
    # QuaternaryShuffleLayer with ShuffleType.LEFT, layer_level=0
    length = inputs.shape[1]
    digits = quaternary_digits(length - 1)
    level = 0
    shuffled_indices = np.array([qrol(i, digits, level) for i in range(length)], dtype=np.int64)
    idx = jnp.asarray(shuffled_indices)
    # tf.gather(inputs, shuffled_indices, axis=1)
    return jnp.take(inputs, idx, axis=1)

if __name__ == "__main__":
    import jax
    _d = setup_inputs()
    print(jax.jit(kernel)(*tuple(_d.values())))

</pallas_src>

<mosaic_0001>
#map = affine_map<(d0, d1) -> (0, 0)>
module attributes {stable_mosaic.version = 14 : i64} {
  func.func @_body(%arg0: i32, %arg1: i32, %arg2: memref<16384x1024xf32, #tpu.memory_space<hbm>>, %arg3: memref<16384x1024xf32, #tpu.memory_space<hbm>>, %arg4: memref<512xi32, #tpu.memory_space<vmem>>, %arg5: memref<7x16x1024xf32, #tpu.memory_space<vmem>>, %arg6: memref<7x!tpu.dma_semaphore, #tpu.memory_space<semaphore_mem>>, %arg7: memref<7x!tpu.dma_semaphore, #tpu.memory_space<semaphore_mem>>) attributes {dimension_semantics = [#tpu.dimension_semantics<core_parallel>, #tpu.dimension_semantics<subcore_parallel>], iteration_bounds = array<i64: 2, 16>, scalar_prefetch = 0 : i64, scratch_operands = 4 : i64, tpu.core_type = #tpu.core_type<sc_vector_subcore>, window_params = [{transform_indices = #map}, {transform_indices = #map}]} {
    %mul3A = arith.constant 2 : i32
    %mul3A_0 = arith.muli %arg1, %mul3A : i32
    %add3A = arith.addi %mul3A_0, %arg0 : i32
    %mul3A_1 = arith.constant 512 : i32
    %mul3A_2 = arith.muli %add3A, %mul3A_1 : i32
    %jit3A = arith.constant 4096 : i32
    %div3A = arith.divsi %mul3A_2, %jit3A : i32
    %sign3A = arith.constant 0 : i32
    %sign3A_3 = arith.cmpi sgt, %mul3A_2, %sign3A : i32
    %sign3A_4 = arith.extui %sign3A_3 : i1 to i32
    %sign3A_5 = arith.constant 0 : i32
    %sign3A_6 = arith.cmpi slt, %mul3A_2, %sign3A_5 : i32
    %sign3A_7 = arith.extui %sign3A_6 : i1 to i32
    %sign3A_8 = arith.subi %sign3A_4, %sign3A_7 : i32
    %sign3A_9 = arith.constant 0 : i32
    %sign3A_10 = arith.cmpi sgt, %jit3A, %sign3A_9 : i32
    %sign3A_11 = arith.extui %sign3A_10 : i1 to i32
    %sign3A_12 = arith.constant 0 : i32
    %sign3A_13 = arith.cmpi slt, %jit3A, %sign3A_12 : i32
    %sign3A_14 = arith.extui %sign3A_13 : i1 to i32
    %sign3A_15 = arith.subi %sign3A_11, %sign3A_14 : i32
    %ne3A = arith.cmpi ne, %sign3A_8, %sign3A_15 : i32
    %rem3A = arith.remsi %mul3A_2, %jit3A : i32
    %ne3A_16 = arith.constant 0 : i32
    %ne3A_17 = arith.cmpi ne, %rem3A, %ne3A_16 : i32
    %and3A = arith.andi %ne3A, %ne3A_17 : i1
    %sub3A = arith.constant 1 : i32
    %sub3A_18 = arith.subi %div3A, %sub3A : i32
    %select_n3A = arith.select %and3A, %sub3A_18, %div3A : i32
    %jit3A_19 = arith.constant 4096 : i32
    %eq3A = arith.constant 0 : i32
    %eq3A_20 = arith.cmpi eq, %jit3A_19, %eq3A : i32
    %jit3A_21 = arith.constant 1 : i32
    %select_n3A_22 = arith.select %eq3A_20, %jit3A_21, %jit3A_19 : i32
    %rem3A_23 = arith.remsi %mul3A_2, %select_n3A_22 : i32
    %ne3A_24 = arith.constant 0 : i32
    %ne3A_25 = arith.cmpi ne, %rem3A_23, %ne3A_24 : i32
    %lt3A = arith.constant 0 : i32
    %lt3A_26 = arith.cmpi slt, %rem3A_23, %lt3A : i32
    %lt3A_27 = arith.constant 0 : i32
    %lt3A_28 = arith.cmpi slt, %select_n3A_22, %lt3A_27 : i32
    %ne3A_29 = arith.xori %lt3A_26, %lt3A_28 : i1
    %and3A_30 = arith.andi %ne3A_29, %ne3A_25 : i1
    %add3A_31 = arith.addi %rem3A_23, %select_n3A_22 : i32
    %select_n3A_32 = arith.select %and3A_30, %add3A_31, %rem3A_23 : i32
    %jit3A_33 = arith.constant 1024 : i32
    %div3A_34 = arith.divsi %select_n3A_32, %jit3A_33 : i32
    %sign3A_35 = arith.constant 0 : i32
    %sign3A_36 = arith.cmpi sgt, %select_n3A_32, %sign3A_35 : i32
    %sign3A_37 = arith.extui %sign3A_36 : i1 to i32
    %sign3A_38 = arith.constant 0 : i32
    %sign3A_39 = arith.cmpi slt, %select_n3A_32, %sign3A_38 : i32
    %sign3A_40 = arith.extui %sign3A_39 : i1 to i32
    %sign3A_41 = arith.subi %sign3A_37, %sign3A_40 : i32
    %sign3A_42 = arith.constant 0 : i32
    %sign3A_43 = arith.cmpi sgt, %jit3A_33, %sign3A_42 : i32
    %sign3A_44 = arith.extui %sign3A_43 : i1 to i32
    %sign3A_45 = arith.constant 0 : i32
    %sign3A_46 = arith.cmpi slt, %jit3A_33, %sign3A_45 : i32
    %sign3A_47 = arith.extui %sign3A_46 : i1 to i32
    %sign3A_48 = arith.subi %sign3A_44, %sign3A_47 : i32
    %ne3A_49 = arith.cmpi ne, %sign3A_41, %sign3A_48 : i32
    %rem3A_50 = arith.remsi %select_n3A_32, %jit3A_33 : i32
    %ne3A_51 = arith.constant 0 : i32
    %ne3A_52 = arith.cmpi ne, %rem3A_50, %ne3A_51 : i32
    %and3A_53 = arith.andi %ne3A_49, %ne3A_52 : i1
    %sub3A_54 = arith.constant 1 : i32
    %sub3A_55 = arith.subi %div3A_34, %sub3A_54 : i32
    %select_n3A_56 = arith.select %and3A_53, %sub3A_55, %div3A_34 : i32
    %jit3A_57 = arith.constant 1024 : i32
    %eq3A_58 = arith.constant 0 : i32
    %eq3A_59 = arith.cmpi eq, %jit3A_57, %eq3A_58 : i32
    %jit3A_60 = arith.constant 1 : i32
    %select_n3A_61 = arith.select %eq3A_59, %jit3A_60, %jit3A_57 : i32
    %rem3A_62 = arith.remsi %mul3A_2, %select_n3A_61 : i32
    %ne3A_63 = arith.constant 0 : i32
    %ne3A_64 = arith.cmpi ne, %rem3A_62, %ne3A_63 : i32
    %lt3A_65 = arith.constant 0 : i32
    %lt3A_66 = arith.cmpi slt, %rem3A_62, %lt3A_65 : i32
    %lt3A_67 = arith.constant 0 : i32
    %lt3A_68 = arith.cmpi slt, %select_n3A_61, %lt3A_67 : i32
    %ne3A_69 = arith.xori %lt3A_66, %lt3A_68 : i1
    %and3A_70 = arith.andi %ne3A_69, %ne3A_64 : i1
    %add3A_71 = arith.addi %rem3A_62, %select_n3A_61 : i32
    %select_n3A_72 = arith.select %and3A_70, %add3A_71, %rem3A_62 : i32
    %mul3A_73 = arith.constant 4096 : i32
    %mul3A_74 = arith.muli %select_n3A, %mul3A_73 : i32
    %add3A_75 = arith.addi %mul3A_74, %select_n3A_56 : i32
    %mul3A_76 = arith.constant 4 : i32
    %mul3A_77 = arith.muli %mul3A_76, %select_n3A_72 : i32
    %add3A_78 = arith.addi %add3A_75, %mul3A_77 : i32
    %iota3A = tpu.iota {dimensions = array<i32: 0>} : vector<16xi32>
    %add3A_79 = arith.constant 0 : i32
    %add3A_80 = arith.addi %add3A_78, %add3A_79 : i32
    %mul3A_81 = arith.constant 4 : i32
    %mul3A_82 = vector.broadcast %mul3A_81 : i32 to vector<16xi32>
    %mul3A_83 = arith.muli %mul3A_82, %iota3A : vector<16xi32>
    %add3A_84 = vector.broadcast %add3A_80 : i32 to vector<16xi32>
    %add3A_85 = arith.addi %add3A_84, %mul3A_83 : vector<16xi32>
    %swap3A = arith.constant 0 : index
    %swap3A_86 = tpu.vector_load %arg4[%swap3A] {strides = array<i32>} : memref<512xi32, #tpu.memory_space<vmem>>, vector<16xi32>,
    %swap3A_87 = vector.shape_cast %swap3A_86 : vector<16xi32> to vector<16xi32>
    %swap3A_88 = vector.shape_cast %add3A_85 : vector<16xi32> to vector<16xi32>
    tpu.vector_store %arg4[%swap3A], %swap3A_88 {strides = array<i32>} : memref<512xi32, #tpu.memory_space<vmem>>, vector<16xi32>,
    %add3A_89 = arith.constant 64 : i32
    %add3A_90 = arith.addi %add3A_78, %add3A_89 : i32
    %mul3A_91 = arith.constant 4 : i32
    %mul3A_92 = vector.broadcast %mul3A_91 : i32 to vector<16xi32>
    %mul3A_93 = arith.muli %mul3A_92, %iota3A : vector<16xi32>
    %add3A_94 = vector.broadcast %add3A_90 : i32 to vector<16xi32>
    %add3A_95 = arith.addi %add3A_94, %mul3A_93 : vector<16xi32>
    %swap3A_96 = arith.constant 16 : index
    %swap3A_97 = tpu.vector_load %arg4[%swap3A_96] {strides = array<i32>} : memref<512xi32, #tpu.memory_space<vmem>>, vector<16xi32>,
    %swap3A_98 = vector.shape_cast %swap3A_97 : vector<16xi32> to vector<16xi32>
    %swap3A_99 = vector.shape_cast %add3A_95 : vector<16xi32> to vector<16xi32>
    tpu.vector_store %arg4[%swap3A_96], %swap3A_99 {strides = array<i32>} : memref<512xi32, #tpu.memory_space<vmem>>, vector<16xi32>,
    %add3A_100 = arith.constant 128 : i32
    %add3A_101 = arith.addi %add3A_78, %add3A_100 : i32
    %mul3A_102 = arith.constant 4 : i32
    %mul3A_103 = vector.broadcast %mul3A_102 : i32 to vector<16xi32>
    %mul3A_104 = arith.muli %mul3A_103, %iota3A : vector<16xi32>
    %add3A_105 = vector.broadcast %add3A_101 : i32 to vector<16xi32>
    %add3A_106 = arith.addi %add3A_105, %mul3A_104 : vector<16xi32>
    %swap3A_107 = arith.constant 32 : index
    %swap3A_108 = tpu.vector_load %arg4[%swap3A_107] {strides = array<i32>} : memref<512xi32, #tpu.memory_space<vmem>>, vector<16xi32>,
    %swap3A_109 = vector.shape_cast %swap3A_108 : vector<16xi32> to vector<16xi32>
    %swap3A_110 = vector.shape_cast %add3A_106 : vector<16xi32> to vector<16xi32>
    tpu.vector_store %arg4[%swap3A_107], %swap3A_110 {strides = array<i32>} : memref<512xi32, #tpu.memory_space<vmem>>, vector<16xi32>,
    %add3A_111 = arith.constant 192 : i32
    %add3A_112 = arith.addi %add3A_78, %add3A_111 : i32
    %mul3A_113 = arith.constant 4 : i32
    %mul3A_114 = vector.broadcast %mul3A_113 : i32 to vector<16xi32>
    %mul3A_115 = arith.muli %mul3A_114, %iota3A : vector<16xi32>
    %add3A_116 = vector.broadcast %add3A_112 : i32 to vector<16xi32>
    %add3A_117 = arith.addi %add3A_116, %mul3A_115 : vector<16xi32>
    %swap3A_118 = arith.constant 48 : index
    %swap3A_119 = tpu.vector_load %arg4[%swap3A_118] {strides = array<i32>} : memref<512xi32, #tpu.memory_space<vmem>>, vector<16xi32>,
    %swap3A_120 = vector.shape_cast %swap3A_119 : vector<16xi32> to vector<16xi32>
    %swap3A_121 = vector.shape_cast %add3A_117 : vector<16xi32> to vector<16xi32>
    tpu.vector_store %arg4[%swap3A_118], %swap3A_121 {strides = array<i32>} : memref<512xi32, #tpu.memory_space<vmem>>, vector<16xi32>,
    %add3A_122 = arith.constant 256 : i32
    %add3A_123 = arith.addi %add3A_78, %add3A_122 : i32
    %mul3A_124 = arith.constant 4 : i32
    %mul3A_125 = vector.broadcast %mul3A_124 : i32 to vector<16xi32>
    %mul3A_126 = arith.muli %mul3A_125, %iota3A : vector<16xi32>
    %add3A_127 = vector.broadcast %add3A_123 : i32 to vector<16xi32>
    %add3A_128 = arith.addi %add3A_127, %mul3A_126 : vector<16xi32>
    %swap3A_129 = arith.constant 64 : index
    %swap3A_130 = tpu.vector_load %arg4[%swap3A_129] {strides = array<i32>} : memref<512xi32, #tpu.memory_space<vmem>>, vector<16xi32>,
    %swap3A_131 = vector.shape_cast %swap3A_130 : vector<16xi32> to vector<16xi32>
    %swap3A_132 = vector.shape_cast %add3A_128 : vector<16xi32> to vector<16xi32>
    tpu.vector_store %arg4[%swap3A_129], %swap3A_132 {strides = array<i32>} : memref<512xi32, #tpu.memory_space<vmem>>, vector<16xi32>,
    %add3A_133 = arith.constant 320 : i32
    %add3A_134 = arith.addi %add3A_78, %add3A_133 : i32
    %mul3A_135 = arith.constant 4 : i32
    %mul3A_136 = vector.broadcast %mul3A_135 : i32 to vector<16xi32>
    %mul3A_137 = arith.muli %mul3A_136, %iota3A : vector<16xi32>
    %add3A_138 = vector.broadcast %add3A_134 : i32 to vector<16xi32>
    %add3A_139 = arith.addi %add3A_138, %mul3A_137 : vector<16xi32>
    %swap3A_140 = arith.constant 80 : index
    %swap3A_141 = tpu.vector_load %arg4[%swap3A_140] {strides = array<i32>} : memref<512xi32, #tpu.memory_space<vmem>>, vector<16xi32>,
    %swap3A_142 = vector.shape_cast %swap3A_141 : vector<16xi32> to vector<16xi32>
    %swap3A_143 = vector.shape_cast %add3A_139 : vector<16xi32> to vector<16xi32>
    tpu.vector_store %arg4[%swap3A_140], %swap3A_143 {strides = array<i32>} : memref<512xi32, #tpu.memory_space<vmem>>, vector<16xi32>,
    %add3A_144 = arith.constant 384 : i32
    %add3A_145 = arith.addi %add3A_78, %add3A_144 : i32
    %mul3A_146 = arith.constant 4 : i32
    %mul3A_147 = vector.broadcast %mul3A_146 : i32 to vector<16xi32>
    %mul3A_148 = arith.muli %mul3A_147, %iota3A : vector<16xi32>
    %add3A_149 = vector.broadcast %add3A_145 : i32 to vector<16xi32>
    %add3A_150 = arith.addi %add3A_149, %mul3A_148 : vector<16xi32>
    %swap3A_151 = arith.constant 96 : index
    %swap3A_152 = tpu.vector_load %arg4[%swap3A_151] {strides = array<i32>} : memref<512xi32, #tpu.memory_space<vmem>>, vector<16xi32>,
    %swap3A_153 = vector.shape_cast %swap3A_152 : vector<16xi32> to vector<16xi32>
    %swap3A_154 = vector.shape_cast %add3A_150 : vector<16xi32> to vector<16xi32>
    tpu.vector_store %arg4[%swap3A_151], %swap3A_154 {strides = array<i32>} : memref<512xi32, #tpu.memory_space<vmem>>, vector<16xi32>,
    %add3A_155 = arith.constant 448 : i32
    %add3A_156 = arith.addi %add3A_78, %add3A_155 : i32
    %mul3A_157 = arith.constant 4 : i32
    %mul3A_158 = vector.broadcast %mul3A_157 : i32 to vector<16xi32>
    %mul3A_159 = arith.muli %mul3A_158, %iota3A : vector<16xi32>
    %add3A_160 = vector.broadcast %add3A_156 : i32 to vector<16xi32>
    %add3A_161 = arith.addi %add3A_160, %mul3A_159 : vector<16xi32>
    %swap3A_162 = arith.constant 112 : index
    %swap3A_163 = tpu.vector_load %arg4[%swap3A_162] {strides = array<i32>} : memref<512xi32, #tpu.memory_space<vmem>>, vector<16xi32>,
    %swap3A_164 = vector.shape_cast %swap3A_163 : vector<16xi32> to vector<16xi32>
    %swap3A_165 = vector.shape_cast %add3A_161 : vector<16xi32> to vector<16xi32>
    tpu.vector_store %arg4[%swap3A_162], %swap3A_165 {strides = array<i32>} : memref<512xi32, #tpu.memory_space<vmem>>, vector<16xi32>,
    %add3A_166 = arith.constant 512 : i32
    %add3A_167 = arith.addi %add3A_78, %add3A_166 : i32
    %mul3A_168 = arith.constant 4 : i32
    %mul3A_169 = vector.broadcast %mul3A_168 : i32 to vector<16xi32>
    %mul3A_170 = arith.muli %mul3A_169, %iota3A : vector<16xi32>
    %add3A_171 = vector.broadcast %add3A_167 : i32 to vector<16xi32>
    %add3A_172 = arith.addi %add3A_171, %mul3A_170 : vector<16xi32>
    %swap3A_173 = arith.constant 128 : index
    %swap3A_174 = tpu.vector_load %arg4[%swap3A_173] {strides = array<i32>} : memref<512xi32, #tpu.memory_space<vmem>>, vector<16xi32>,
    %swap3A_175 = vector.shape_cast %swap3A_174 : vector<16xi32> to vector<16xi32>
    %swap3A_176 = vector.shape_cast %add3A_172 : vector<16xi32> to vector<16xi32>
    tpu.vector_store %arg4[%swap3A_173], %swap3A_176 {strides = array<i32>} : memref<512xi32, #tpu.memory_space<vmem>>, vector<16xi32>,
    %add3A_177 = arith.constant 576 : i32
    %add3A_178 = arith.addi %add3A_78, %add3A_177 : i32
    %mul3A_179 = arith.constant 4 : i32
    %mul3A_180 = vector.broadcast %mul3A_179 : i32 to vector<16xi32>
    %mul3A_181 = arith.muli %mul3A_180, %iota3A : vector<16xi32>
    %add3A_182 = vector.broadcast %add3A_178 : i32 to vector<16xi32>
    %add3A_183 = arith.addi %add3A_182, %mul3A_181 : vector<16xi32>
    %swap3A_184 = arith.constant 144 : index
    %swap3A_185 = tpu.vector_load %arg4[%swap3A_184] {strides = array<i32>} : memref<512xi32, #tpu.memory_space<vmem>>, vector<16xi32>,
    %swap3A_186 = vector.shape_cast %swap3A_185 : vector<16xi32> to vector<16xi32>
    %swap3A_187 = vector.shape_cast %add3A_183 : vector<16xi32> to vector<16xi32>
    tpu.vector_store %arg4[%swap3A_184], %swap3A_187 {strides = array<i32>} : memref<512xi32, #tpu.memory_space<vmem>>, vector<16xi32>,
    %add3A_188 = arith.constant 640 : i32
    %add3A_189 = arith.addi %add3A_78, %add3A_188 : i32
    %mul3A_190 = arith.constant 4 : i32
    %mul3A_191 = vector.broadcast %mul3A_190 : i32 to vector<16xi32>
    %mul3A_192 = arith.muli %mul3A_191, %iota3A : vector<16xi32>
    %add3A_193 = vector.broadcast %add3A_189 : i32 to vector<16xi32>
    %add3A_194 = arith.addi %add3A_193, %mul3A_192 : vector<16xi32>
    %swap3A_195 = arith.constant 160 : index
    %swap3A_196 = tpu.vector_load %arg4[%swap3A_195] {strides = array<i32>} : memref<512xi32, #tpu.memory_space<vmem>>, vector<16xi32>,
    %swap3A_197 = vector.shape_cast %swap3A_196 : vector<16xi32> to vector<16xi32>
    %swap3A_198 = vector.shape_cast %add3A_194 : vector<16xi32> to vector<16xi32>
    tpu.vector_store %arg4[%swap3A_195], %swap3A_198 {strides = array<i32>} : memref<512xi32, #tpu.memory_space<vmem>>, vector<16xi32>,
    %add3A_199 = arith.constant 704 : i32
    %add3A_200 = arith.addi %add3A_78, %add3A_199 : i32
    %mul3A_201 = arith.constant 4 : i32
    %mul3A_202 = vector.broadcast %mul3A_201 : i32 to vector<16xi32>
    %mul3A_203 = arith.muli %mul3A_202, %iota3A : vector<16xi32>
    %add3A_204 = vector.broadcast %add3A_200 : i32 to vector<16xi32>
    %add3A_205 = arith.addi %add3A_204, %mul3A_203 : vector<16xi32>
    %swap3A_206 = arith.constant 176 : index
    %swap3A_207 = tpu.vector_load %arg4[%swap3A_206] {strides = array<i32>} : memref<512xi32, #tpu.memory_space<vmem>>, vector<16xi32>,
    %swap3A_208 = vector.shape_cast %swap3A_207 : vector<16xi32> to vector<16xi32>
    %swap3A_209 = vector.shape_cast %add3A_205 : vector<16xi32> to vector<16xi32>
    tpu.vector_store %arg4[%swap3A_206], %swap3A_209 {strides = array<i32>} : memref<512xi32, #tpu.memory_space<vmem>>, vector<16xi32>,
    %add3A_210 = arith.constant 768 : i32
    %add3A_211 = arith.addi %add3A_78, %add3A_210 : i32
    %mul3A_212 = arith.constant 4 : i32
    %mul3A_213 = vector.broadcast %mul3A_212 : i32 to vector<16xi32>
    %mul3A_214 = arith.muli %mul3A_213, %iota3A : vector<16xi32>
    %add3A_215 = vector.broadcast %add3A_211 : i32 to vector<16xi32>
    %add3A_216 = arith.addi %add3A_215, %mul3A_214 : vector<16xi32>
    %swap3A_217 = arith.constant 192 : index
    %swap3A_218 = tpu.vector_load %arg4[%swap3A_217] {strides = array<i32>} : memref<512xi32, #tpu.memory_space<vmem>>, vector<16xi32>,
    %swap3A_219 = vector.shape_cast %swap3A_218 : vector<16xi32> to vector<16xi32>
    %swap3A_220 = vector.shape_cast %add3A_216 : vector<16xi32> to vector<16xi32>
    tpu.vector_store %arg4[%swap3A_217], %swap3A_220 {strides = array<i32>} : memref<512xi32, #tpu.memory_space<vmem>>, vector<16xi32>,
    %add3A_221 = arith.constant 832 : i32
    %add3A_222 = arith.addi %add3A_78, %add3A_221 : i32
    %mul3A_223 = arith.constant 4 : i32
    %mul3A_224 = vector.broadcast %mul3A_223 : i32 to vector<16xi32>
    %mul3A_225 = arith.muli %mul3A_224, %iota3A : vector<16xi32>
    %add3A_226 = vector.broadcast %add3A_222 : i32 to vector<16xi32>
    %add3A_227 = arith.addi %add3A_226, %mul3A_225 : vector<16xi32>
    %swap3A_228 = arith.constant 208 : index
    %swap3A_229 = tpu.vector_load %arg4[%swap3A_228] {strides = array<i32>} : memref<512xi32, #tpu.memory_space<vmem>>, vector<16xi32>,
    %swap3A_230 = vector.shape_cast %swap3A_229 : vector<16xi32> to vector<16xi32>
    %swap3A_231 = vector.shape_cast %add3A_227 : vector<16xi32> to vector<16xi32>
    tpu.vector_store %arg4[%swap3A_228], %swap3A_231 {strides = array<i32>} : memref<512xi32, #tpu.memory_space<vmem>>, vector<16xi32>,
    %add3A_232 = arith.constant 896 : i32
    %add3A_233 = arith.addi %add3A_78, %add3A_232 : i32
    %mul3A_234 = arith.constant 4 : i32
    %mul3A_235 = vector.broadcast %mul3A_234 : i32 to vector<16xi32>
    %mul3A_236 = arith.muli %mul3A_235, %iota3A : vector<16xi32>
    %add3A_237 = vector.broadcast %add3A_233 : i32 to vector<16xi32>
    %add3A_238 = arith.addi %add3A_237, %mul3A_236 : vector<16xi32>
    %swap3A_239 = arith.constant 224 : index
    %swap3A_240 = tpu.vector_load %arg4[%swap3A_239] {strides = array<i32>} : memref<512xi32, #tpu.memory_space<vmem>>, vector<16xi32>,
    %swap3A_241 = vector.shape_cast %swap3A_240 : vector<16xi32> to vector<16xi32>
    %swap3A_242 = vector.shape_cast %add3A_238 : vector<16xi32> to vector<16xi32>
    tpu.vector_store %arg4[%swap3A_239], %swap3A_242 {strides = array<i32>} : memref<512xi32, #tpu.memory_space<vmem>>, vector<16xi32>,
    %add3A_243 = arith.constant 960 : i32
    %add3A_244 = arith.addi %add3A_78, %add3A_243 : i32
    %mul3A_245 = arith.constant 4 : i32
    %mul3A_246 = vector.broadcast %mul3A_245 : i32 to vector<16xi32>
    %mul3A_247 = arith.muli %mul3A_246, %iota3A : vector<16xi32>
    %add3A_248 = vector.broadcast %add3A_244 : i32 to vector<16xi32>
    %add3A_249 = arith.addi %add3A_248, %mul3A_247 : vector<16xi32>
    %swap3A_250 = arith.constant 240 : index
    %swap3A_251 = tpu.vector_load %arg4[%swap3A_250] {strides = array<i32>} : memref<512xi32, #tpu.memory_space<vmem>>, vector<16xi32>,
    %swap3A_252 = vector.shape_cast %swap3A_251 : vector<16xi32> to vector<16xi32>
    %swap3A_253 = vector.shape_cast %add3A_249 : vector<16xi32> to vector<16xi32>
    tpu.vector_store %arg4[%swap3A_250], %swap3A_253 {strides = array<i32>} : memref<512xi32, #tpu.memory_space<vmem>>, vector<16xi32>,
    %add3A_254 = arith.constant 1024 : i32
    %add3A_255 = arith.addi %add3A_78, %add3A_254 : i32
    %mul3A_256 = arith.constant 4 : i32
    %mul3A_257 = vector.broadcast %mul3A_256 : i32 to vector<16xi32>
    %mul3A_258 = arith.muli %mul3A_257, %iota3A : vector<16xi32>
    %add3A_259 = vector.broadcast %add3A_255 : i32 to vector<16xi32>
    %add3A_260 = arith.addi %add3A_259, %mul3A_258 : vector<16xi32>
    %swap3A_261 = arith.constant 256 : index
    %swap3A_262 = tpu.vector_load %arg4[%swap3A_261] {strides = array<i32>} : memref<512xi32, #tpu.memory_space<vmem>>, vector<16xi32>,
    %swap3A_263 = vector.shape_cast %swap3A_262 : vector<16xi32> to vector<16xi32>
    %swap3A_264 = vector.shape_cast %add3A_260 : vector<16xi32> to vector<16xi32>
    tpu.vector_store %arg4[%swap3A_261], %swap3A_264 {strides = array<i32>} : memref<512xi32, #tpu.memory_space<vmem>>, vector<16xi32>,
    %add3A_265 = arith.constant 1088 : i32
    %add3A_266 = arith.addi %add3A_78, %add3A_265 : i32
    %mul3A_267 = arith.constant 4 : i32
    %mul3A_268 = vector.broadcast %mul3A_267 : i32 to vector<16xi32>
    %mul3A_269 = arith.muli %mul3A_268, %iota3A : vector<16xi32>
    %add3A_270 = vector.broadcast %add3A_266 : i32 to vector<16xi32>
    %add3A_271 = arith.addi %add3A_270, %mul3A_269 : vector<16xi32>
    %swap3A_272 = arith.constant 272 : index
    %swap3A_273 = tpu.vector_load %arg4[%swap3A_272] {strides = array<i32>} : memref<512xi32, #tpu.memory_space<vmem>>, vector<16xi32>,
    %swap3A_274 = vector.shape_cast %swap3A_273 : vector<16xi32> to vector<16xi32>
    %swap3A_275 = vector.shape_cast %add3A_271 : vector<16xi32> to vector<16xi32>
    tpu.vector_store %arg4[%swap3A_272], %swap3A_275 {strides = array<i32>} : memref<512xi32, #tpu.memory_space<vmem>>, vector<16xi32>,
    %add3A_276 = arith.constant 1152 : i32
    %add3A_277 = arith.addi %add3A_78, %add3A_276 : i32
    %mul3A_278 = arith.constant 4 : i32
    %mul3A_279 = vector.broadcast %mul3A_278 : i32 to vector<16xi32>
    %mul3A_280 = arith.muli %mul3A_279, %iota3A : vector<16xi32>
    %add3A_281 = vector.broadcast %add3A_277 : i32 to vector<16xi32>
    %add3A_282 = arith.addi %add3A_281, %mul3A_280 : vector<16xi32>
    %swap3A_283 = arith.constant 288 : index
    %swap3A_284 = tpu.vector_load %arg4[%swap3A_283] {strides = array<i32>} : memref<512xi32, #tpu.memory_space<vmem>>, vector<16xi32>,
    %swap3A_285 = vector.shape_cast %swap3A_284 : vector<16xi32> to vector<16xi32>
    %swap3A_286 = vector.shape_cast %add3A_282 : vector<16xi32> to vector<16xi32>
    tpu.vector_store %arg4[%swap3A_283], %swap3A_286 {strides = array<i32>} : memref<512xi32, #tpu.memory_space<vmem>>, vector<16xi32>,
    %add3A_287 = arith.constant 1216 : i32
    %add3A_288 = arith.addi %add3A_78, %add3A_287 : i32
    %mul3A_289 = arith.constant 4 : i32
    %mul3A_290 = vector.broadcast %mul3A_289 : i32 to vector<16xi32>
    %mul3A_291 = arith.muli %mul3A_290, %iota3A : vector<16xi32>
    %add3A_292 = vector.broadcast %add3A_288 : i32 to vector<16xi32>
    %add3A_293 = arith.addi %add3A_292, %mul3A_291 : vector<16xi32>
    %swap3A_294 = arith.constant 304 : index
    %swap3A_295 = tpu.vector_load %arg4[%swap3A_294] {strides = array<i32>} : memref<512xi32, #tpu.memory_space<vmem>>, vector<16xi32>,
    %swap3A_296 = vector.shape_cast %swap3A_295 : vector<16xi32> to vector<16xi32>
    %swap3A_297 = vector.shape_cast %add3A_293 : vector<16xi32> to vector<16xi32>
    tpu.vector_store %arg4[%swap3A_294], %swap3A_297 {strides = array<i32>} : memref<512xi32, #tpu.memory_space<vmem>>, vector<16xi32>,
    %add3A_298 = arith.constant 1280 : i32
    %add3A_299 = arith.addi %add3A_78, %add3A_298 : i32
    %mul3A_300 = arith.constant 4 : i32
    %mul3A_301 = vector.broadcast %mul3A_300 : i32 to vector<16xi32>
    %mul3A_302 = arith.muli %mul3A_301, %iota3A : vector<16xi32>
    %add3A_303 = vector.broadcast %add3A_299 : i32 to vector<16xi32>
    %add3A_304 = arith.addi %add3A_303, %mul3A_302 : vector<16xi32>
    %swap3A_305 = arith.constant 320 : index
    %swap3A_306 = tpu.vector_load %arg4[%swap3A_305] {strides = array<i32>} : memref<512xi32, #tpu.memory_space<vmem>>, vector<16xi32>,
    %swap3A_307 = vector.shape_cast %swap3A_306 : vector<16xi32> to vector<16xi32>
    %swap3A_308 = vector.shape_cast %add3A_304 : vector<16xi32> to vector<16xi32>
    tpu.vector_store %arg4[%swap3A_305], %swap3A_308 {strides = array<i32>} : memref<512xi32, #tpu.memory_space<vmem>>, vector<16xi32>,
    %add3A_309 = arith.constant 1344 : i32
    %add3A_310 = arith.addi %add3A_78, %add3A_309 : i32
    %mul3A_311 = arith.constant 4 : i32
    %mul3A_312 = vector.broadcast %mul3A_311 : i32 to vector<16xi32>
    %mul3A_313 = arith.muli %mul3A_312, %iota3A : vector<16xi32>
    %add3A_314 = vector.broadcast %add3A_310 : i32 to vector<16xi32>
    %add3A_315 = arith.addi %add3A_314, %mul3A_313 : vector<16xi32>
    %swap3A_316 = arith.constant 336 : index
    %swap3A_317 = tpu.vector_load %arg4[%swap3A_316] {strides = array<i32>} : memref<512xi32, #tpu.memory_space<vmem>>, vector<16xi32>,
    %swap3A_318 = vector.shape_cast %swap3A_317 : vector<16xi32> to vector<16xi32>
    %swap3A_319 = vector.shape_cast %add3A_315 : vector<16xi32> to vector<16xi32>
    tpu.vector_store %arg4[%swap3A_316], %swap3A_319 {strides = array<i32>} : memref<512xi32, #tpu.memory_space<vmem>>, vector<16xi32>,
    %add3A_320 = arith.constant 1408 : i32
    %add3A_321 = arith.addi %add3A_78, %add3A_320 : i32
    %mul3A_322 = arith.constant 4 : i32
    %mul3A_323 = vector.broadcast %mul3A_322 : i32 to vector<16xi32>
    %mul3A_324 = arith.muli %mul3A_323, %iota3A : vector<16xi32>
    %add3A_325 = vector.broadcast %add3A_321 : i32 to vector<16xi32>
    %add3A_326 = arith.addi %add3A_325, %mul3A_324 : vector<16xi32>
    %swap3A_327 = arith.constant 352 : index
    %swap3A_328 = tpu.vector_load %arg4[%swap3A_327] {strides = array<i32>} : memref<512xi32, #tpu.memory_space<vmem>>, vector<16xi32>,
    %swap3A_329 = vector.shape_cast %swap3A_328 : vector<16xi32> to vector<16xi32>
    %swap3A_330 = vector.shape_cast %add3A_326 : vector<16xi32> to vector<16xi32>
    tpu.vector_store %arg4[%swap3A_327], %swap3A_330 {strides = array<i32>} : memref<512xi32, #tpu.memory_space<vmem>>, vector<16xi32>,
    %add3A_331 = arith.constant 1472 : i32
    %add3A_332 = arith.addi %add3A_78, %add3A_331 : i32
    %mul3A_333 = arith.constant 4 : i32
    %mul3A_334 = vector.broadcast %mul3A_333 : i32 to vector<16xi32>
    %mul3A_335 = arith.muli %mul3A_334, %iota3A : vector<16xi32>
    %add3A_336 = vector.broadcast %add3A_332 : i32 to vector<16xi32>
    %add3A_337 = arith.addi %add3A_336, %mul3A_335 : vector<16xi32>
    %swap3A_338 = arith.constant 368 : index
    %swap3A_339 = tpu.vector_load %arg4[%swap3A_338] {strides = array<i32>} : memref<512xi32, #tpu.memory_space<vmem>>, vector<16xi32>,
    %swap3A_340 = vector.shape_cast %swap3A_339 : vector<16xi32> to vector<16xi32>
    %swap3A_341 = vector.shape_cast %add3A_337 : vector<16xi32> to vector<16xi32>
    tpu.vector_store %arg4[%swap3A_338], %swap3A_341 {strides = array<i32>} : memref<512xi32, #tpu.memory_space<vmem>>, vector<16xi32>,
    %add3A_342 = arith.constant 1536 : i32
    %add3A_343 = arith.addi %add3A_78, %add3A_342 : i32
    %mul3A_344 = arith.constant 4 : i32
    %mul3A_345 = vector.broadcast %mul3A_344 : i32 to vector<16xi32>
    %mul3A_346 = arith.muli %mul3A_345, %iota3A : vector<16xi32>
    %add3A_347 = vector.broadcast %add3A_343 : i32 to vector<16xi32>
    %add3A_348 = arith.addi %add3A_347, %mul3A_346 : vector<16xi32>
    %swap3A_349 = arith.constant 384 : index
    %swap3A_350 = tpu.vector_load %arg4[%swap3A_349] {strides = array<i32>} : memref<512xi32, #tpu.memory_space<vmem>>, vector<16xi32>,
    %swap3A_351 = vector.shape_cast %swap3A_350 : vector<16xi32> to vector<16xi32>
    %swap3A_352 = vector.shape_cast %add3A_348 : vector<16xi32> to vector<16xi32>
    tpu.vector_store %arg4[%swap3A_349], %swap3A_352 {strides = array<i32>} : memref<512xi32, #tpu.memory_space<vmem>>, vector<16xi32>,
    %add3A_353 = arith.constant 1600 : i32
    %add3A_354 = arith.addi %add3A_78, %add3A_353 : i32
    %mul3A_355 = arith.constant 4 : i32
    %mul3A_356 = vector.broadcast %mul3A_355 : i32 to vector<16xi32>
    %mul3A_357 = arith.muli %mul3A_356, %iota3A : vector<16xi32>
    %add3A_358 = vector.broadcast %add3A_354 : i32 to vector<16xi32>
    %add3A_359 = arith.addi %add3A_358, %mul3A_357 : vector<16xi32>
    %swap3A_360 = arith.constant 400 : index
    %swap3A_361 = tpu.vector_load %arg4[%swap3A_360] {strides = array<i32>} : memref<512xi32, #tpu.memory_space<vmem>>, vector<16xi32>,
    %swap3A_362 = vector.shape_cast %swap3A_361 : vector<16xi32> to vector<16xi32>
    %swap3A_363 = vector.shape_cast %add3A_359 : vector<16xi32> to vector<16xi32>
    tpu.vector_store %arg4[%swap3A_360], %swap3A_363 {strides = array<i32>} : memref<512xi32, #tpu.memory_space<vmem>>, vector<16xi32>,
    %add3A_364 = arith.constant 1664 : i32
    %add3A_365 = arith.addi %add3A_78, %add3A_364 : i32
    %mul3A_366 = arith.constant 4 : i32
    %mul3A_367 = vector.broadcast %mul3A_366 : i32 to vector<16xi32>
    %mul3A_368 = arith.muli %mul3A_367, %iota3A : vector<16xi32>
    %add3A_369 = vector.broadcast %add3A_365 : i32 to vector<16xi32>
    %add3A_370 = arith.addi %add3A_369, %mul3A_368 : vector<16xi32>
    %swap3A_371 = arith.constant 416 : index
    %swap3A_372 = tpu.vector_load %arg4[%swap3A_371] {strides = array<i32>} : memref<512xi32, #tpu.memory_space<vmem>>, vector<16xi32>,
    %swap3A_373 = vector.shape_cast %swap3A_372 : vector<16xi32> to vector<16xi32>
    %swap3A_374 = vector.shape_cast %add3A_370 : vector<16xi32> to vector<16xi32>
    tpu.vector_store %arg4[%swap3A_371], %swap3A_374 {strides = array<i32>} : memref<512xi32, #tpu.memory_space<vmem>>, vector<16xi32>,
    %add3A_375 = arith.constant 1728 : i32
    %add3A_376 = arith.addi %add3A_78, %add3A_375 : i32
    %mul3A_377 = arith.constant 4 : i32
    %mul3A_378 = vector.broadcast %mul3A_377 : i32 to vector<16xi32>
    %mul3A_379 = arith.muli %mul3A_378, %iota3A : vector<16xi32>
    %add3A_380 = vector.broadcast %add3A_376 : i32 to vector<16xi32>
    %add3A_381 = arith.addi %add3A_380, %mul3A_379 : vector<16xi32>
    %swap3A_382 = arith.constant 432 : index
    %swap3A_383 = tpu.vector_load %arg4[%swap3A_382] {strides = array<i32>} : memref<512xi32, #tpu.memory_space<vmem>>, vector<16xi32>,
    %swap3A_384 = vector.shape_cast %swap3A_383 : vector<16xi32> to vector<16xi32>
    %swap3A_385 = vector.shape_cast %add3A_381 : vector<16xi32> to vector<16xi32>
    tpu.vector_store %arg4[%swap3A_382], %swap3A_385 {strides = array<i32>} : memref<512xi32, #tpu.memory_space<vmem>>, vector<16xi32>,
    %add3A_386 = arith.constant 1792 : i32
    %add3A_387 = arith.addi %add3A_78, %add3A_386 : i32
    %mul3A_388 = arith.constant 4 : i32
    %mul3A_389 = vector.broadcast %mul3A_388 : i32 to vector<16xi32>
    %mul3A_390 = arith.muli %mul3A_389, %iota3A : vector<16xi32>
    %add3A_391 = vector.broadcast %add3A_387 : i32 to vector<16xi32>
    %add3A_392 = arith.addi %add3A_391, %mul3A_390 : vector<16xi32>
    %swap3A_393 = arith.constant 448 : index
    %swap3A_394 = tpu.vector_load %arg4[%swap3A_393] {strides = array<i32>} : memref<512xi32, #tpu.memory_space<vmem>>, vector<16xi32>,
    %swap3A_395 = vector.shape_cast %swap3A_394 : vector<16xi32> to vector<16xi32>
    %swap3A_396 = vector.shape_cast %add3A_392 : vector<16xi32> to vector<16xi32>
    tpu.vector_store %arg4[%swap3A_393], %swap3A_396 {strides = array<i32>} : memref<512xi32, #tpu.memory_space<vmem>>, vector<16xi32>,
    %add3A_397 = arith.constant 1856 : i32
    %add3A_398 = arith.addi %add3A_78, %add3A_397 : i32
    %mul3A_399 = arith.constant 4 : i32
    %mul3A_400 = vector.broadcast %mul3A_399 : i32 to vector<16xi32>
    %mul3A_401 = arith.muli %mul3A_400, %iota3A : vector<16xi32>
    %add3A_402 = vector.broadcast %add3A_398 : i32 to vector<16xi32>
    %add3A_403 = arith.addi %add3A_402, %mul3A_401 : vector<16xi32>
    %swap3A_404 = arith.constant 464 : index
    %swap3A_405 = tpu.vector_load %arg4[%swap3A_404] {strides = array<i32>} : memref<512xi32, #tpu.memory_space<vmem>>, vector<16xi32>,
    %swap3A_406 = vector.shape_cast %swap3A_405 : vector<16xi32> to vector<16xi32>
    %swap3A_407 = vector.shape_cast %add3A_403 : vector<16xi32> to vector<16xi32>
    tpu.vector_store %arg4[%swap3A_404], %swap3A_407 {strides = array<i32>} : memref<512xi32, #tpu.memory_space<vmem>>, vector<16xi32>,
    %add3A_408 = arith.constant 1920 : i32
    %add3A_409 = arith.addi %add3A_78, %add3A_408 : i32
    %mul3A_410 = arith.constant 4 : i32
    %mul3A_411 = vector.broadcast %mul3A_410 : i32 to vector<16xi32>
    %mul3A_412 = arith.muli %mul3A_411, %iota3A : vector<16xi32>
    %add3A_413 = vector.broadcast %add3A_409 : i32 to vector<16xi32>
    %add3A_414 = arith.addi %add3A_413, %mul3A_412 : vector<16xi32>
    %swap3A_415 = arith.constant 480 : index
    %swap3A_416 = tpu.vector_load %arg4[%swap3A_415] {strides = array<i32>} : memref<512xi32, #tpu.memory_space<vmem>>, vector<16xi32>,
    %swap3A_417 = vector.shape_cast %swap3A_416 : vector<16xi32> to vector<16xi32>
    %swap3A_418 = vector.shape_cast %add3A_414 : vector<16xi32> to vector<16xi32>
    tpu.vector_store %arg4[%swap3A_415], %swap3A_418 {strides = array<i32>} : memref<512xi32, #tpu.memory_space<vmem>>, vector<16xi32>,
    %add3A_419 = arith.constant 1984 : i32
    %add3A_420 = arith.addi %add3A_78, %add3A_419 : i32
    %mul3A_421 = arith.constant 4 : i32
    %mul3A_422 = vector.broadcast %mul3A_421 : i32 to vector<16xi32>
    %mul3A_423 = arith.muli %mul3A_422, %iota3A : vector<16xi32>
    %add3A_424 = vector.broadcast %add3A_420 : i32 to vector<16xi32>
    %add3A_425 = arith.addi %add3A_424, %mul3A_423 : vector<16xi32>
    %swap3A_426 = arith.constant 496 : index
    %swap3A_427 = tpu.vector_load %arg4[%swap3A_426] {strides = array<i32>} : memref<512xi32, #tpu.memory_space<vmem>>, vector<16xi32>,
    %swap3A_428 = vector.shape_cast %swap3A_427 : vector<16xi32> to vector<16xi32>
    %swap3A_429 = vector.shape_cast %add3A_425 : vector<16xi32> to vector<16xi32>
    tpu.vector_store %arg4[%swap3A_426], %swap3A_429 {strides = array<i32>} : memref<512xi32, #tpu.memory_space<vmem>>, vector<16xi32>,
    %dma_start3A = arith.constant 0 : i32
    %dma_start3A_430 = arith.constant 0 : i32
    %dma_start3A_431 = arith.constant 0 : i32
    %dma_start3A_432 = arith.constant 0 : i32
    %dma_start3A_433 = tpu.memref_slice %arg5[%dma_start3A, %dma_start3A_431, %dma_start3A_432] : memref<7x16x1024xf32, #tpu.memory_space<vmem>> -> memref<1x16x1024xf32, #tpu.memory_space<vmem>>
    %dma_start3A_434 = tpu.memref_squeeze %dma_start3A_433 : memref<1x16x1024xf32, #tpu.memory_space<vmem>> -> memref<16x1024xf32, #tpu.memory_space<vmem>>
    %dma_start3A_435 = arith.constant 0 : i32
    %dma_start3A_436 = tpu.memref_slice %arg4[%dma_start3A_435] : memref<512xi32, #tpu.memory_space<vmem>> -> memref<16xi32, #tpu.memory_space<vmem>>
    %dma_start3A_437 = arith.constant 0 : i32
    %dma_start3A_438 = arith.constant 0 : i32
    %dma_start3A_439 = tpu.memref_slice %arg2[%dma_start3A_437, %dma_start3A_438] : memref<16384x1024xf32, #tpu.memory_space<hbm>> -> memref<16384x1024xf32, #tpu.memory_space<hbm>>
    %dma_start3A_440 = tpu.memref_slice %arg6[%dma_start3A_430] : memref<7x!tpu.dma_semaphore, #tpu.memory_space<semaphore_mem>> -> memref<1x!tpu.dma_semaphore, #tpu.memory_space<semaphore_mem>>
    %dma_start3A_441 = tpu.memref_squeeze %dma_start3A_440 : memref<1x!tpu.dma_semaphore, #tpu.memory_space<semaphore_mem>> -> memref<!tpu.dma_semaphore, #tpu.memory_space<semaphore_mem>>
    tpu.enqueue_indirect_dma source(%dma_start3A_439 : memref<16384x1024xf32, #tpu.memory_space<hbm>>) target(%dma_start3A_434 : memref<16x1024xf32, #tpu.memory_space<vmem>>) offsets(%dma_start3A_436 : memref<16xi32, #tpu.memory_space<vmem>>) semaphore(%dma_start3A_441 : memref<!tpu.dma_semaphore, #tpu.memory_space<semaphore_mem>>)
    %dma_start3A_442 = arith.constant 1 : i32
    %dma_start3A_443 = arith.constant 1 : i32
    %dma_start3A_444 = arith.constant 0 : i32
    %dma_start3A_445 = arith.constant 0 : i32
    %dma_start3A_446 = tpu.memref_slice %arg5[%dma_start3A_442, %dma_start3A_444, %dma_start3A_445] : memref<7x16x1024xf32, #tpu.memory_space<vmem>> -> memref<1x16x1024xf32, #tpu.memory_space<vmem>>
    %dma_start3A_447 = tpu.memref_squeeze %dma_start3A_446 : memref<1x16x1024xf32, #tpu.memory_space<vmem>> -> memref<16x1024xf32, #tpu.memory_space<vmem>>
    %dma_start3A_448 = arith.constant 16 : i32
    %dma_start3A_449 = tpu.memref_slice %arg4[%dma_start3A_448] : memref<512xi32, #tpu.memory_space<vmem>> -> memref<16xi32, #tpu.memory_space<vmem>>
    %dma_start3A_450 = arith.constant 0 : i32
    %dma_start3A_451 = arith.constant 0 : i32
    %dma_start3A_452 = tpu.memref_slice %arg2[%dma_start3A_450, %dma_start3A_451] : memref<16384x1024xf32, #tpu.memory_space<hbm>> -> memref<16384x1024xf32, #tpu.memory_space<hbm>>
    %dma_start3A_453 = tpu.memref_slice %arg6[%dma_start3A_443] : memref<7x!tpu.dma_semaphore, #tpu.memory_space<semaphore_mem>> -> memref<1x!tpu.dma_semaphore, #tpu.memory_space<semaphore_mem>>
    %dma_start3A_454 = tpu.memref_squeeze %dma_start3A_453 : memref<1x!tpu.dma_semaphore, #tpu.memory_space<semaphore_mem>> -> memref<!tpu.dma_semaphore, #tpu.memory_space<semaphore_mem>>
    tpu.enqueue_indirect_dma source(%dma_start3A_452 : memref<16384x1024xf32, #tpu.memory_space<hbm>>) target(%dma_start3A_447 : memref<16x1024xf32, #tpu.memory_space<vmem>>) offsets(%dma_start3A_449 : memref<16xi32, #tpu.memory_space<vmem>>) semaphore(%dma_start3A_454 : memref<!tpu.dma_semaphore, #tpu.memory_space<semaphore_mem>>)
    %dma_start3A_455 = arith.constant 2 : i32
    %dma_start3A_456 = arith.constant 2 : i32
    %dma_start3A_457 = arith.constant 0 : i32
    %dma_start3A_458 = arith.constant 0 : i32
    %dma_start3A_459 = tpu.memref_slice %arg5[%dma_start3A_455, %dma_start3A_457, %dma_start3A_458] : memref<7x16x1024xf32, #tpu.memory_space<vmem>> -> memref<1x16x1024xf32, #tpu.memory_space<vmem>>
    %dma_start3A_460 = tpu.memref_squeeze %dma_start3A_459 : memref<1x16x1024xf32, #tpu.memory_space<vmem>> -> memref<16x1024xf32, #tpu.memory_space<vmem>>
    %dma_start3A_461 = arith.constant 32 : i32
    %dma_start3A_462 = tpu.memref_slice %arg4[%dma_start3A_461] : memref<512xi32, #tpu.memory_space<vmem>> -> memref<16xi32, #tpu.memory_space<vmem>>
    %dma_start3A_463 = arith.constant 0 : i32
    %dma_start3A_464 = arith.constant 0 : i32
    %dma_start3A_465 = tpu.memref_slice %arg2[%dma_start3A_463, %dma_start3A_464] : memref<16384x1024xf32, #tpu.memory_space<hbm>> -> memref<16384x1024xf32, #tpu.memory_space<hbm>>
    %dma_start3A_466 = tpu.memref_slice %arg6[%dma_start3A_456] : memref<7x!tpu.dma_semaphore, #tpu.memory_space<semaphore_mem>> -> memref<1x!tpu.dma_semaphore, #tpu.memory_space<semaphore_mem>>
    %dma_start3A_467 = tpu.memref_squeeze %dma_start3A_466 : memref<1x!tpu.dma_semaphore, #tpu.memory_space<semaphore_mem>> -> memref<!tpu.dma_semaphore, #tpu.memory_space<semaphore_mem>>
    tpu.enqueue_indirect_dma source(%dma_start3A_465 : memref<16384x1024xf32, #tpu.memory_space<hbm>>) target(%dma_start3A_460 : memref<16x1024xf32, #tpu.memory_space<vmem>>) offsets(%dma_start3A_462 : memref<16xi32, #tpu.memory_space<vmem>>) semaphore(%dma_start3A_467 : memref<!tpu.dma_semaphore, #tpu.memory_space<semaphore_mem>>)
    %dma_start3A_468 = arith.constant 3 : i32
    %dma_start3A_469 = arith.constant 3 : i32
    %dma_start3A_470 = arith.constant 0 : i32
    %dma_start3A_471 = arith.constant 0 : i32
    %dma_start3A_472 = tpu.memref_slice %arg5[%dma_start3A_468, %dma_start3A_470, %dma_start3A_471] : memref<7x16x1024xf32, #tpu.memory_space<vmem>> -> memref<1x16x1024xf32, #tpu.memory_space<vmem>>
    %dma_start3A_473 = tpu.memref_squeeze %dma_start3A_472 : memref<1x16x1024xf32, #tpu.memory_space<vmem>> -> memref<16x1024xf32, #tpu.memory_space<vmem>>
    %dma_start3A_474 = arith.constant 48 : i32
    %dma_start3A_475 = tpu.memref_slice %arg4[%dma_start3A_474] : memref<512xi32, #tpu.memory_space<vmem>> -> memref<16xi32, #tpu.memory_space<vmem>>
    %dma_start3A_476 = arith.constant 0 : i32
    %dma_start3A_477 = arith.constant 0 : i32
    %dma_start3A_478 = tpu.memref_slice %arg2[%dma_start3A_476, %dma_start3A_477] : memref<16384x1024xf32, #tpu.memory_space<hbm>> -> memref<16384x1024xf32, #tpu.memory_space<hbm>>
    %dma_start3A_479 = tpu.memref_slice %arg6[%dma_start3A_469] : memref<7x!tpu.dma_semaphore, #tpu.memory_space<semaphore_mem>> -> memref<1x!tpu.dma_semaphore, #tpu.memory_space<semaphore_mem>>
    %dma_start3A_480 = tpu.memref_squeeze %dma_start3A_479 : memref<1x!tpu.dma_semaphore, #tpu.memory_space<semaphore_mem>> -> memref<!tpu.dma_semaphore, #tpu.memory_space<semaphore_mem>>
    tpu.enqueue_indirect_dma source(%dma_start3A_478 : memref<16384x1024xf32, #tpu.memory_space<hbm>>) target(%dma_start3A_473 : memref<16x1024xf32, #tpu.memory_space<vmem>>) offsets(%dma_start3A_475 : memref<16xi32, #tpu.memory_space<vmem>>) semaphore(%dma_start3A_480 : memref<!tpu.dma_semaphore, #tpu.memory_space<semaphore_mem>>)
    %dma_wait3A = arith.constant 0 : i32
    %dma_wait3A_481 = arith.constant 0 : i32
    %dma_wait3A_482 = arith.constant 0 : i32
    %dma_wait3A_483 = arith.constant 0 : i32
    %dma_wait3A_484 = tpu.memref_slice %arg5[%dma_wait3A, %dma_wait3A_482, %dma_wait3A_483] : memref<7x16x1024xf32, #tpu.memory_space<vmem>> -> memref<1x16x1024xf32, #tpu.memory_space<vmem>>
    %dma_wait3A_485 = tpu.memref_squeeze %dma_wait3A_484 : memref<1x16x1024xf32, #tpu.memory_space<vmem>> -> memref<16x1024xf32, #tpu.memory_space<vmem>>
    %dma_wait3A_486 = arith.constant 0 : i32
    %dma_wait3A_487 = tpu.memref_slice %arg4[%dma_wait3A_486] : memref<512xi32, #tpu.memory_space<vmem>> -> memref<16xi32, #tpu.memory_space<vmem>>
    %dma_wait3A_488 = arith.constant 0 : i32
    %dma_wait3A_489 = arith.constant 0 : i32
    %dma_wait3A_490 = tpu.memref_slice %arg2[%dma_wait3A_488, %dma_wait3A_489] : memref<16384x1024xf32, #tpu.memory_space<hbm>> -> memref<16384x1024xf32, #tpu.memory_space<hbm>>
    %dma_wait3A_491 = tpu.memref_slice %arg6[%dma_wait3A_481] : memref<7x!tpu.dma_semaphore, #tpu.memory_space<semaphore_mem>> -> memref<1x!tpu.dma_semaphore, #tpu.memory_space<semaphore_mem>>
    %dma_wait3A_492 = tpu.memref_squeeze %dma_wait3A_491 : memref<1x!tpu.dma_semaphore, #tpu.memory_space<semaphore_mem>> -> memref<!tpu.dma_semaphore, #tpu.memory_space<semaphore_mem>>
    tpu.wait_indirect_dma semaphore(%dma_wait3A_492 : memref<!tpu.dma_semaphore, #tpu.memory_space<semaphore_mem>>) src(%dma_wait3A_490 : memref<16384x1024xf32, #tpu.memory_space<hbm>>) dst(%dma_wait3A_485 : memref<16x1024xf32, #tpu.memory_space<vmem>>)
    %add3A_493 = arith.constant 0 : i32
    %add3A_494 = arith.addi %mul3A_2, %add3A_493 : i32
    %dma_start3A_495 = arith.constant 0 : i32
    %dma_start3A_496 = arith.constant 0 : i32
    %dma_start3A_497 = arith.constant 0 : i32
    %dma_start3A_498 = arith.constant 0 : i32
    %dma_start3A_499 = tpu.memref_slice %arg5[%dma_start3A_495, %dma_start3A_497, %dma_start3A_498] : memref<7x16x1024xf32, #tpu.memory_space<vmem>> -> memref<1x16x1024xf32, #tpu.memory_space<vmem>>
    %dma_start3A_500 = tpu.memref_squeeze %dma_start3A_499 : memref<1x16x1024xf32, #tpu.memory_space<vmem>> -> memref<16x1024xf32, #tpu.memory_space<vmem>>
    %dma_start3A_501 = arith.constant 0 : i32
    %dma_start3A_502 = tpu.memref_slice %arg3[%add3A_494, %dma_start3A_501] : memref<16384x1024xf32, #tpu.memory_space<hbm>> -> memref<16x1024xf32, #tpu.memory_space<hbm>>
    %dma_start3A_503 = tpu.memref_slice %arg7[%dma_start3A_496] : memref<7x!tpu.dma_semaphore, #tpu.memory_space<semaphore_mem>> -> memref<1x!tpu.dma_semaphore, #tpu.memory_space<semaphore_mem>>
    %dma_start3A_504 = tpu.memref_squeeze %dma_start3A_503 : memref<1x!tpu.dma_semaphore, #tpu.memory_space<semaphore_mem>> -> memref<!tpu.dma_semaphore, #tpu.memory_space<semaphore_mem>>
    %dma_start3A_505 = arith.constant 0 : i32
    %dma_start3A_506 = tpu.memref_slice %arg3[%add3A_494, %dma_start3A_505] : memref<16384x1024xf32, #tpu.memory_space<hbm>> -> memref<16x1024xf32, #tpu.memory_space<hbm>>
    %dma_start3A_507 = arith.constant 0 : i32
    %dma_start3A_508 = arith.constant 0 : i32
    %dma_start3A_509 = tpu.memref_slice %arg5[%dma_start3A_495, %dma_start3A_507, %dma_start3A_508] : memref<7x16x1024xf32, #tpu.memory_space<vmem>> -> memref<1x16x1024xf32, #tpu.memory_space<vmem>>
    %dma_start3A_510 = tpu.memref_squeeze %dma_start3A_509 : memref<1x16x1024xf32, #tpu.memory_space<vmem>> -> memref<16x1024xf32, #tpu.memory_space<vmem>>
    tpu.enqueue_dma source(%dma_start3A_510 : memref<16x1024xf32, #tpu.memory_space<vmem>>) target(%dma_start3A_506 : memref<16x1024xf32, #tpu.memory_space<hbm>>) target_semaphore(%dma_start3A_504 : memref<!tpu.dma_semaphore, #tpu.memory_space<semaphore_mem>>)
    %dma_start3A_511 = arith.constant 4 : i32
    %dma_start3A_512 = arith.constant 4 : i32
    %dma_start3A_513 = arith.constant 0 : i32
    %dma_start3A_514 = arith.constant 0 : i32
    %dma_start3A_515 = tpu.memref_slice %arg5[%dma_start3A_511, %dma_start3A_513, %dma_start3A_514] : memref<7x16x1024xf32, #tpu.memory_space<vmem>> -> memref<1x16x1024xf32, #tpu.memory_space<vmem>>
    %dma_start3A_516 = tpu.memref_squeeze %dma_start3A_515 : memref<1x16x1024xf32, #tpu.memory_space<vmem>> -> memref<16x1024xf32, #tpu.memory_space<vmem>>
    %dma_start3A_517 = arith.constant 64 : i32
    %dma_start3A_518 = tpu.memref_slice %arg4[%dma_start3A_517] : memref<512xi32, #tpu.memory_space<vmem>> -> memref<16xi32, #tpu.memory_space<vmem>>
    %dma_start3A_519 = arith.constant 0 : i32
    %dma_start3A_520 = arith.constant 0 : i32
    %dma_start3A_521 = tpu.memref_slice %arg2[%dma_start3A_519, %dma_start3A_520] : memref<16384x1024xf32, #tpu.memory_space<hbm>> -> memref<16384x1024xf32, #tpu.memory_space<hbm>>
    %dma_start3A_522 = tpu.memref_slice %arg6[%dma_start3A_512] : memref<7x!tpu.dma_semaphore, #tpu.memory_space<semaphore_mem>> -> memref<1x!tpu.dma_semaphore, #tpu.memory_space<semaphore_mem>>
    %dma_start3A_523 = tpu.memref_squeeze %dma_start3A_522 : memref<1x!tpu.dma_semaphore, #tpu.memory_space<semaphore_mem>> -> memref<!tpu.dma_semaphore, #tpu.memory_space<semaphore_mem>>
    tpu.enqueue_indirect_dma source(%dma_start3A_521 : memref<16384x1024xf32, #tpu.memory_space<hbm>>) target(%dma_start3A_516 : memref<16x1024xf32, #tpu.memory_space<vmem>>) offsets(%dma_start3A_518 : memref<16xi32, #tpu.memory_space<vmem>>) semaphore(%dma_start3A_523 : memref<!tpu.dma_semaphore, #tpu.memory_space<semaphore_mem>>)
    %dma_wait3A_524 = arith.constant 1 : i32
    %dma_wait3A_525 = arith.constant 1 : i32
    %dma_wait3A_526 = arith.constant 0 : i32
    %dma_wait3A_527 = arith.constant 0 : i32
    %dma_wait3A_528 = tpu.memref_slice %arg5[%dma_wait3A_524, %dma_wait3A_526, %dma_wait3A_527] : memref<7x16x1024xf32, #tpu.memory_space<vmem>> -> memref<1x16x1024xf32, #tpu.memory_space<vmem>>
    %dma_wait3A_529 = tpu.memref_squeeze %dma_wait3A_528 : memref<1x16x1024xf32, #tpu.memory_space<vmem>> -> memref<16x1024xf32, #tpu.memory_space<vmem>>
    %dma_wait3A_530 = arith.constant 16 : i32
    %dma_wait3A_531 = tpu.memref_slice %arg4[%dma_wait3A_530] : memref<512xi32, #tpu.memory_space<vmem>> -> memref<16xi32, #tpu.memory_space<vmem>>
    %dma_wait3A_532 = arith.constant 0 : i32
    %dma_wait3A_533 = arith.constant 0 : i32
    %dma_wait3A_534 = tpu.memref_slice %arg2[%dma_wait3A_532, %dma_wait3A_533] : memref<16384x1024xf32, #tpu.memory_space<hbm>> -> memref<16384x1024xf32, #tpu.memory_space<hbm>>
    %dma_wait3A_535 = tpu.memref_slice %arg6[%dma_wait3A_525] : memref<7x!tpu.dma_semaphore, #tpu.memory_space<semaphore_mem>> -> memref<1x!tpu.dma_semaphore, #tpu.memory_space<semaphore_mem>>
    %dma_wait3A_536 = tpu.memref_squeeze %dma_wait3A_535 : memref<1x!tpu.dma_semaphore, #tpu.memory_space<semaphore_mem>> -> memref<!tpu.dma_semaphore, #tpu.memory_space<semaphore_mem>>
    tpu.wait_indirect_dma semaphore(%dma_wait3A_536 : memref<!tpu.dma_semaphore, #tpu.memory_space<semaphore_mem>>) src(%dma_wait3A_534 : memref<16384x1024xf32, #tpu.memory_space<hbm>>) dst(%dma_wait3A_529 : memref<16x1024xf32, #tpu.memory_space<vmem>>)
    %add3A_537 = arith.constant 16 : i32
    %add3A_538 = arith.addi %mul3A_2, %add3A_537 : i32
    %dma_start3A_539 = arith.constant 1 : i32
    %dma_start3A_540 = arith.constant 1 : i32
    %dma_start3A_541 = arith.constant 0 : i32
    %dma_start3A_542 = arith.constant 0 : i32
    %dma_start3A_543 = tpu.memref_slice %arg5[%dma_start3A_539, %dma_start3A_541, %dma_start3A_542] : memref<7x16x1024xf32, #tpu.memory_space<vmem>> -> memref<1x16x1024xf32, #tpu.memory_space<vmem>>
    %dma_start3A_544 = tpu.memref_squeeze %dma_start3A_543 : memref<1x16x1024xf32, #tpu.memory_space<vmem>> -> memref<16x1024xf32, #tpu.memory_space<vmem>>
    %dma_start3A_545 = arith.constant 0 : i32
    %dma_start3A_546 = tpu.memref_slice %arg3[%add3A_538, %dma_start3A_545] : memref<16384x1024xf32, #tpu.memory_space<hbm>> -> memref<16x1024xf32, #tpu.memory_space<hbm>>
    %dma_start3A_547 = tpu.memref_slice %arg7[%dma_start3A_540] : memref<7x!tpu.dma_semaphore, #tpu.memory_space<semaphore_mem>> -> memref<1x!tpu.dma_semaphore, #tpu.memory_space<semaphore_mem>>
    %dma_start3A_548 = tpu.memref_squeeze %dma_start3A_547 : memref<1x!tpu.dma_semaphore, #tpu.memory_space<semaphore_mem>> -> memref<!tpu.dma_semaphore, #tpu.memory_space<semaphore_mem>>
    %dma_start3A_549 = arith.constant 0 : i32
    %dma_start3A_550 = tpu.memref_slice %arg3[%add3A_538, %dma_start3A_549] : memref<16384x1024xf32, #tpu.memory_space<hbm>> -> memref<16x1024xf32, #tpu.memory_space<hbm>>
    %dma_start3A_551 = arith.constant 0 : i32
    %dma_start3A_552 = arith.constant 0 : i32
    %dma_start3A_553 = tpu.memref_slice %arg5[%dma_start3A_539, %dma_start3A_551, %dma_start3A_552] : memref<7x16x1024xf32, #tpu.memory_space<vmem>> -> memref<1x16x1024xf32, #tpu.memory_space<vmem>>
    %dma_start3A_554 = tpu.memref_squeeze %dma_start3A_553 : memref<1x16x1024xf32, #tpu.memory_space<vmem>> -> memref<16x1024xf32, #tpu.memory_space<vmem>>
    tpu.enqueue_dma source(%dma_start3A_554 : memref<16x1024xf32, #tpu.memory_space<vmem>>) target(%dma_start3A_550 : memref<16x1024xf32, #tpu.memory_space<hbm>>) target_semaphore(%dma_start3A_548 : memref<!tpu.dma_semaphore, #tpu.memory_space<semaphore_mem>>)
    %dma_start3A_555 = arith.constant 5 : i32
    %dma_start3A_556 = arith.constant 5 : i32
    %dma_start3A_557 = arith.constant 0 : i32
    %dma_start3A_558 = arith.constant 0 : i32
    %dma_start3A_559 = tpu.memref_slice %arg5[%dma_start3A_555, %dma_start3A_557, %dma_start3A_558] : memref<7x16x1024xf32, #tpu.memory_space<vmem>> -> memref<1x16x1024xf32, #tpu.memory_space<vmem>>
    %dma_start3A_560 = tpu.memref_squeeze %dma_start3A_559 : memref<1x16x1024xf32, #tpu.memory_space<vmem>> -> memref<16x1024xf32, #tpu.memory_space<vmem>>
    %dma_start3A_561 = arith.constant 80 : i32
    %dma_start3A_562 = tpu.memref_slice %arg4[%dma_start3A_561] : memref<512xi32, #tpu.memory_space<vmem>> -> memref<16xi32, #tpu.memory_space<vmem>>
    %dma_start3A_563 = arith.constant 0 : i32
    %dma_start3A_564 = arith.constant 0 : i32
    %dma_start3A_565 = tpu.memref_slice %arg2[%dma_start3A_563, %dma_start3A_564] : memref<16384x1024xf32, #tpu.memory_space<hbm>> -> memref<16384x1024xf32, #tpu.memory_space<hbm>>
    %dma_start3A_566 = tpu.memref_slice %arg6[%dma_start3A_556] : memref<7x!tpu.dma_semaphore, #tpu.memory_space<semaphore_mem>> -> memref<1x!tpu.dma_semaphore, #tpu.memory_space<semaphore_mem>>
    %dma_start3A_567 = tpu.memref_squeeze %dma_start3A_566 : memref<1x!tpu.dma_semaphore, #tpu.memory_space<semaphore_mem>> -> memref<!tpu.dma_semaphore, #tpu.memory_space<semaphore_mem>>
    tpu.enqueue_indirect_dma source(%dma_start3A_565 : memref<16384x1024xf32, #tpu.memory_space<hbm>>) target(%dma_start3A_560 : memref<16x1024xf32, #tpu.memory_space<vmem>>) offsets(%dma_start3A_562 : memref<16xi32, #tpu.memory_space<vmem>>) semaphore(%dma_start3A_567 : memref<!tpu.dma_semaphore, #tpu.memory_space<semaphore_mem>>)
    %dma_wait3A_568 = arith.constant 2 : i32
    %dma_wait3A_569 = arith.constant 2 : i32
    %dma_wait3A_570 = arith.constant 0 : i32
    %dma_wait3A_571 = arith.constant 0 : i32
    %dma_wait3A_572 = tpu.memref_slice %arg5[%dma_wait3A_568, %dma_wait3A_570, %dma_wait3A_571] : memref<7x16x1024xf32, #tpu.memory_space<vmem>> -> memref<1x16x1024xf32, #tpu.memory_space<vmem>>
    %dma_wait3A_573 = tpu.memref_squeeze %dma_wait3A_572 : memref<1x16x1024xf32, #tpu.memory_space<vmem>> -> memref<16x1024xf32, #tpu.memory_space<vmem>>
    %dma_wait3A_574 = arith.constant 32 : i32
    %dma_wait3A_575 = tpu.memref_slice %arg4[%dma_wait3A_574] : memref<512xi32, #tpu.memory_space<vmem>> -> memref<16xi32, #tpu.memory_space<vmem>>
    %dma_wait3A_576 = arith.constant 0 : i32
    %dma_wait3A_577 = arith.constant 0 : i32
    %dma_wait3A_578 = tpu.memref_slice %arg2[%dma_wait3A_576, %dma_wait3A_577] : memref<16384x1024xf32, #tpu.memory_space<hbm>> -> memref<16384x1024xf32, #tpu.memory_space<hbm>>
    %dma_wait3A_579 = tpu.memref_slice %arg6[%dma_wait3A_569] : memref<7x!tpu.dma_semaphore, #tpu.memory_space<semaphore_mem>> -> memref<1x!tpu.dma_semaphore, #tpu.memory_space<semaphore_mem>>
    %dma_wait3A_580 = tpu.memref_squeeze %dma_wait3A_579 : memref<1x!tpu.dma_semaphore, #tpu.memory_space<semaphore_mem>> -> memref<!tpu.dma_semaphore, #tpu.memory_space<semaphore_mem>>
    tpu.wait_indirect_dma semaphore(%dma_wait3A_580 : memref<!tpu.dma_semaphore, #tpu.memory_space<semaphore_mem>>) src(%dma_wait3A_578 : memref<16384x1024xf32, #tpu.memory_space<hbm>>) dst(%dma_wait3A_573 : memref<16x1024xf32, #tpu.memory_space<vmem>>)
    %add3A_581 = arith.constant 32 : i32
    %add3A_582 = arith.addi %mul3A_2, %add3A_581 : i32
    %dma_start3A_583 = arith.constant 2 : i32
    %dma_start3A_584 = arith.constant 2 : i32
    %dma_start3A_585 = arith.constant 0 : i32
    %dma_start3A_586 = arith.constant 0 : i32
    %dma_start3A_587 = tpu.memref_slice %arg5[%dma_start3A_583, %dma_start3A_585, %dma_start3A_586] : memref<7x16x1024xf32, #tpu.memory_space<vmem>> -> memref<1x16x1024xf32, #tpu.memory_space<vmem>>
    %dma_start3A_588 = tpu.memref_squeeze %dma_start3A_587 : memref<1x16x1024xf32, #tpu.memory_space<vmem>> -> memref<16x1024xf32, #tpu.memory_space<vmem>>
    %dma_start3A_589 = arith.constant 0 : i32
    %dma_start3A_590 = tpu.memref_slice %arg3[%add3A_582, %dma_start3A_589] : memref<16384x1024xf32, #tpu.memory_space<hbm>> -> memref<16x1024xf32, #tpu.memory_space<hbm>>
    %dma_start3A_591 = tpu.memref_slice %arg7[%dma_start3A_584] : memref<7x!tpu.dma_semaphore, #tpu.memory_space<semaphore_mem>> -> memref<1x!tpu.dma_semaphore, #tpu.memory_space<semaphore_mem>>
    %dma_start3A_592 = tpu.memref_squeeze %dma_start3A_591 : memref<1x!tpu.dma_semaphore, #tpu.memory_space<semaphore_mem>> -> memref<!tpu.dma_semaphore, #tpu.memory_space<semaphore_mem>>
    %dma_start3A_593 = arith.constant 0 : i32
    %dma_start3A_594 = tpu.memref_slice %arg3[%add3A_582, %dma_start3A_593] : memref<16384x1024xf32, #tpu.memory_space<hbm>> -> memref<16x1024xf32, #tpu.memory_space<hbm>>
    %dma_start3A_595 = arith.constant 0 : i32
    %dma_start3A_596 = arith.constant 0 : i32
    %dma_start3A_597 = tpu.memref_slice %arg5[%dma_start3A_583, %dma_start3A_595, %dma_start3A_596] : memref<7x16x1024xf32, #tpu.memory_space<vmem>> -> memref<1x16x1024xf32, #tpu.memory_space<vmem>>
    %dma_start3A_598 = tpu.memref_squeeze %dma_start3A_597 : memref<1x16x1024xf32, #tpu.memory_space<vmem>> -> memref<16x1024xf32, #tpu.memory_space<vmem>>
    tpu.enqueue_dma source(%dma_start3A_598 : memref<16x1024xf32, #tpu.memory_space<vmem>>) target(%dma_start3A_594 : memref<16x1024xf32, #tpu.memory_space<hbm>>) target_semaphore(%dma_start3A_592 : memref<!tpu.dma_semaphore, #tpu.memory_space<semaphore_mem>>)
    %dma_start3A_599 = arith.constant 6 : i32
    %dma_start3A_600 = arith.constant 6 : i32
    %dma_start3A_601 = arith.constant 0 : i32
    %dma_start3A_602 = arith.constant 0 : i32
    %dma_start3A_603 = tpu.memref_slice %arg5[%dma_start3A_599, %dma_start3A_601, %dma_start3A_602] : memref<7x16x1024xf32, #tpu.memory_space<vmem>> -> memref<1x16x1024xf32, #tpu.memory_space<vmem>>
    %dma_start3A_604 = tpu.memref_squeeze %dma_start3A_603 : memref<1x16x1024xf32, #tpu.memory_space<vmem>> -> memref<16x1024xf32, #tpu.memory_space<vmem>>
    %dma_start3A_605 = arith.constant 96 : i32
    %dma_start3A_606 = tpu.memref_slice %arg4[%dma_start3A_605] : memref<512xi32, #tpu.memory_space<vmem>> -> memref<16xi32, #tpu.memory_space<vmem>>
    %dma_start3A_607 = arith.constant 0 : i32
    %dma_start3A_608 = arith.constant 0 : i32
    %dma_start3A_609 = tpu.memref_slice %arg2[%dma_start3A_607, %dma_start3A_608] : memref<16384x1024xf32, #tpu.memory_space<hbm>> -> memref<16384x1024xf32, #tpu.memory_space<hbm>>
    %dma_start3A_610 = tpu.memref_slice %arg6[%dma_start3A_600] : memref<7x!tpu.dma_semaphore, #tpu.memory_space<semaphore_mem>> -> memref<1x!tpu.dma_semaphore, #tpu.memory_space<semaphore_mem>>
    %dma_start3A_611 = tpu.memref_squeeze %dma_start3A_610 : memref<1x!tpu.dma_semaphore, #tpu.memory_space<semaphore_mem>> -> memref<!tpu.dma_semaphore, #tpu.memory_space<semaphore_mem>>
    tpu.enqueue_indirect_dma source(%dma_start3A_609 : memref<16384x1024xf32, #tpu.memory_space<hbm>>) target(%dma_start3A_604 : memref<16x1024xf32, #tpu.memory_space<vmem>>) offsets(%dma_start3A_606 : memref<16xi32, #tpu.memory_space<vmem>>) semaphore(%dma_start3A_611 : memref<!tpu.dma_semaphore, #tpu.memory_space<semaphore_mem>>)
    %dma_wait3A_612 = arith.constant 3 : i32
    %dma_wait3A_613 = arith.constant 3 : i32
    %dma_wait3A_614 = arith.constant 0 : i32
    %dma_wait3A_615 = arith.constant 0 : i32
    %dma_wait3A_616 = tpu.memref_slice %arg5[%dma_wait3A_612, %dma_wait3A_614, %dma_wait3A_615] : memref<7x16x1024xf32, #tpu.memory_space<vmem>> -> memref<1x16x1024xf32, #tpu.memory_space<vmem>>
    %dma_wait3A_617 = tpu.memref_squeeze %dma_wait3A_616 : memref<1x16x1024xf32, #tpu.memory_space<vmem>> -> memref<16x1024xf32, #tpu.memory_space<vmem>>
    %dma_wait3A_618 = arith.constant 48 : i32
    %dma_wait3A_619 = tpu.memref_slice %arg4[%dma_wait3A_618] : memref<512xi32, #tpu.memory_space<vmem>> -> memref<16xi32, #tpu.memory_space<vmem>>
    %dma_wait3A_620 = arith.constant 0 : i32
    %dma_wait3A_621 = arith.constant 0 : i32
    %dma_wait3A_622 = tpu.memref_slice %arg2[%dma_wait3A_620, %dma_wait3A_621] : memref<16384x1024xf32, #tpu.memory_space<hbm>> -> memref<16384x1024xf32, #tpu.memory_space<hbm>>
    %dma_wait3A_623 = tpu.memref_slice %arg6[%dma_wait3A_613] : memref<7x!tpu.dma_semaphore, #tpu.memory_space<semaphore_mem>> -> memref<1x!tpu.dma_semaphore, #tpu.memory_space<semaphore_mem>>
    %dma_wait3A_624 = tpu.memref_squeeze %dma_wait3A_623 : memref<1x!tpu.dma_semaphore, #tpu.memory_space<semaphore_mem>> -> memref<!tpu.dma_semaphore, #tpu.memory_space<semaphore_mem>>
    tpu.wait_indirect_dma semaphore(%dma_wait3A_624 : memref<!tpu.dma_semaphore, #tpu.memory_space<semaphore_mem>>) src(%dma_wait3A_622 : memref<16384x1024xf32, #tpu.memory_space<hbm>>) dst(%dma_wait3A_617 : memref<16x1024xf32, #tpu.memory_space<vmem>>)
    %add3A_625 = arith.constant 48 : i32
    %add3A_626 = arith.addi %mul3A_2, %add3A_625 : i32
    %dma_start3A_627 = arith.constant 3 : i32
    %dma_start3A_628 = arith.constant 3 : i32
    %dma_start3A_629 = arith.constant 0 : i32
    %dma_start3A_630 = arith.constant 0 : i32
    %dma_start3A_631 = tpu.memref_slice %arg5[%dma_start3A_627, %dma_start3A_629, %dma_start3A_630] : memref<7x16x1024xf32, #tpu.memory_space<vmem>> -> memref<1x16x1024xf32, #tpu.memory_space<vmem>>
    %dma_start3A_632 = tpu.memref_squeeze %dma_start3A_631 : memref<1x16x1024xf32, #tpu.memory_space<vmem>> -> memref<16x1024xf32, #tpu.memory_space<vmem>>
    %dma_start3A_633 = arith.constant 0 : i32
    %dma_start3A_634 = tpu.memref_slice %arg3[%add3A_626, %dma_start3A_633] : memref<16384x1024xf32, #tpu.memory_space<hbm>> -> memref<16x1024xf32, #tpu.memory_space<hbm>>
    %dma_start3A_635 = tpu.memref_slice %arg7[%dma_start3A_628] : memref<7x!tpu.dma_semaphore, #tpu.memory_space<semaphore_mem>> -> memref<1x!tpu.dma_semaphore, #tpu.memory_space<semaphore_mem>>
    %dma_start3A_636 = tpu.memref_squeeze %dma_start3A_635 : memref<1x!tpu.dma_semaphore, #tpu.memory_space<semaphore_mem>> -> memref<!tpu.dma_semaphore, #tpu.memory_space<semaphore_mem>>
    %dma_start3A_637 = arith.constant 0 : i32
    %dma_start3A_638 = tpu.memref_slice %arg3[%add3A_626, %dma_start3A_637] : memref<16384x1024xf32, #tpu.memory_space<hbm>> -> memref<16x1024xf32, #tpu.memory_space<hbm>>
    %dma_start3A_639 = arith.constant 0 : i32
    %dma_start3A_640 = arith.constant 0 : i32
    %dma_start3A_641 = tpu.memref_slice %arg5[%dma_start3A_627, %dma_start3A_639, %dma_start3A_640] : memref<7x16x1024xf32, #tpu.memory_space<vmem>> -> memref<1x16x1024xf32, #tpu.memory_space<vmem>>
    %dma_start3A_642 = tpu.memref_squeeze %dma_start3A_641 : memref<1x16x1024xf32, #tpu.memory_space<vmem>> -> memref<16x1024xf32, #tpu.memory_space<vmem>>
    tpu.enqueue_dma source(%dma_start3A_642 : memref<16x1024xf32, #tpu.memory_space<vmem>>) target(%dma_start3A_638 : memref<16x1024xf32, #tpu.memory_space<hbm>>) target_semaphore(%dma_start3A_636 : memref<!tpu.dma_semaphore, #tpu.memory_space<semaphore_mem>>)
    %dma_wait3A_643 = arith.constant 0 : i32
    %dma_wait3A_644 = arith.constant 0 : i32
    %dma_wait3A_645 = arith.constant 0 : i32
    %dma_wait3A_646 = arith.constant 0 : i32
    %dma_wait3A_647 = tpu.memref_slice %arg5[%dma_wait3A_643, %dma_wait3A_645, %dma_wait3A_646] : memref<7x16x1024xf32, #tpu.memory_space<vmem>> -> memref<1x16x1024xf32, #tpu.memory_space<vmem>>
    %dma_wait3A_648 = tpu.memref_squeeze %dma_wait3A_647 : memref<1x16x1024xf32, #tpu.memory_space<vmem>> -> memref<16x1024xf32, #tpu.memory_space<vmem>>
    %dma_wait3A_649 = arith.constant 0 : i32
    %dma_wait3A_650 = tpu.memref_slice %arg3[%add3A_494, %dma_wait3A_649] : memref<16384x1024xf32, #tpu.memory_space<hbm>> -> memref<16x1024xf32, #tpu.memory_space<hbm>>
    %dma_wait3A_651 = tpu.memref_slice %arg7[%dma_wait3A_644] : memref<7x!tpu.dma_semaphore, #tpu.memory_space<semaphore_mem>> -> memref<1x!tpu.dma_semaphore, #tpu.memory_space<semaphore_mem>>
    %dma_wait3A_652 = tpu.memref_squeeze %dma_wait3A_651 : memref<1x!tpu.dma_semaphore, #tpu.memory_space<semaphore_mem>> -> memref<!tpu.dma_semaphore, #tpu.memory_space<semaphore_mem>>
    %dma_wait3A_653 = arith.constant 0 : i32
    %dma_wait3A_654 = tpu.memref_slice %arg3[%add3A_494, %dma_wait3A_653] : memref<16384x1024xf32, #tpu.memory_space<hbm>> -> memref<16x1024xf32, #tpu.memory_space<hbm>>
    %dma_wait3A_655 = arith.constant 0 : i32
    %dma_wait3A_656 = arith.constant 0 : i32
    %dma_wait3A_657 = tpu.memref_slice %arg5[%dma_wait3A_643, %dma_wait3A_655, %dma_wait3A_656] : memref<7x16x1024xf32, #tpu.memory_space<vmem>> -> memref<1x16x1024xf32, #tpu.memory_space<vmem>>
    %dma_wait3A_658 = tpu.memref_squeeze %dma_wait3A_657 : memref<1x16x1024xf32, #tpu.memory_space<vmem>> -> memref<16x1024xf32, #tpu.memory_space<vmem>>
    tpu.wait_dma2 semaphore(%dma_wait3A_652 : memref<!tpu.dma_semaphore, #tpu.memory_space<semaphore_mem>>) src(%dma_wait3A_658 : memref<16x1024xf32, #tpu.memory_space<vmem>>) dst(%dma_wait3A_654 : memref<16x1024xf32, #tpu.memory_space<hbm>>)
    %dma_start3A_659 = arith.constant 0 : i32
    %dma_start3A_660 = arith.constant 0 : i32
    %dma_start3A_661 = arith.constant 0 : i32
    %dma_start3A_662 = arith.constant 0 : i32
    %dma_start3A_663 = tpu.memref_slice %arg5[%dma_start3A_659, %dma_start3A_661, %dma_start3A_662] : memref<7x16x1024xf32, #tpu.memory_space<vmem>> -> memref<1x16x1024xf32, #tpu.memory_space<vmem>>
    %dma_start3A_664 = tpu.memref_squeeze %dma_start3A_663 : memref<1x16x1024xf32, #tpu.memory_space<vmem>> -> memref<16x1024xf32, #tpu.memory_space<vmem>>
    %dma_start3A_665 = arith.constant 112 : i32
    %dma_start3A_666 = tpu.memref_slice %arg4[%dma_start3A_665] : memref<512xi32, #tpu.memory_space<vmem>> -> memref<16xi32, #tpu.memory_space<vmem>>
    %dma_start3A_667 = arith.constant 0 : i32
    %dma_start3A_668 = arith.constant 0 : i32
    %dma_start3A_669 = tpu.memref_slice %arg2[%dma_start3A_667, %dma_start3A_668] : memref<16384x1024xf32, #tpu.memory_space<hbm>> -> memref<16384x1024xf32, #tpu.memory_space<hbm>>
    %dma_start3A_670 = tpu.memref_slice %arg6[%dma_start3A_660] : memref<7x!tpu.dma_semaphore, #tpu.memory_space<semaphore_mem>> -> memref<1x!tpu.dma_semaphore, #tpu.memory_space<semaphore_mem>>
    %dma_start3A_671 = tpu.memref_squeeze %dma_start3A_670 : memref<1x!tpu.dma_semaphore, #tpu.memory_space<semaphore_mem>> -> memref<!tpu.dma_semaphore, #tpu.memory_space<semaphore_mem>>
    tpu.enqueue_indirect_dma source(%dma_start3A_669 : memref<16384x1024xf32, #tpu.memory_space<hbm>>) target(%dma_start3A_664 : memref<16x1024xf32, #tpu.memory_space<vmem>>) offsets(%dma_start3A_666 : memref<16xi32, #tpu.memory_space<vmem>>) semaphore(%dma_start3A_671 : memref<!tpu.dma_semaphore, #tpu.memory_space<semaphore_mem>>)
    %dma_wait3A_672 = arith.constant 4 : i32
    %dma_wait3A_673 = arith.constant 4 : i32
    %dma_wait3A_674 = arith.constant 0 : i32
    %dma_wait3A_675 = arith.constant 0 : i32
    %dma_wait3A_676 = tpu.memref_slice %arg5[%dma_wait3A_672, %dma_wait3A_674, %dma_wait3A_675] : memref<7x16x1024xf32, #tpu.memory_space<vmem>> -> memref<1x16x1024xf32, #tpu.memory_space<vmem>>
    %dma_wait3A_677 = tpu.memref_squeeze %dma_wait3A_676 : memref<1x16x1024xf32, #tpu.memory_space<vmem>> -> memref<16x1024xf32, #tpu.memory_space<vmem>>
    %dma_wait3A_678 = arith.constant 64 : i32
    %dma_wait3A_679 = tpu.memref_slice %arg4[%dma_wait3A_678] : memref<512xi32, #tpu.memory_space<vmem>> -> memref<16xi32, #tpu.memory_space<vmem>>
    %dma_wait3A_680 = arith.constant 0 : i32
    %dma_wait3A_681 = arith.constant 0 : i32
    %dma_wait3A_682 = tpu.memref_slice %arg2[%dma_wait3A_680, %dma_wait3A_681] : memref<16384x1024xf32, #tpu.memory_space<hbm>> -> memref<16384x1024xf32, #tpu.memory_space<hbm>>
    %dma_wait3A_683 = tpu.memref_slice %arg6[%dma_wait3A_673] : memref<7x!tpu.dma_semaphore, #tpu.memory_space<semaphore_mem>> -> memref<1x!tpu.dma_semaphore, #tpu.memory_space<semaphore_mem>>
    %dma_wait3A_684 = tpu.memref_squeeze %dma_wait3A_683 : memref<1x!tpu.dma_semaphore, #tpu.memory_space<semaphore_mem>> -> memref<!tpu.dma_semaphore, #tpu.memory_space<semaphore_mem>>
    tpu.wait_indirect_dma semaphore(%dma_wait3A_684 : memref<!tpu.dma_semaphore, #tpu.memory_space<semaphore_mem>>) src(%dma_wait3A_682 : memref<16384x1024xf32, #tpu.memory_space<hbm>>) dst(%dma_wait3A_677 : memref<16x1024xf32, #tpu.memory_space<vmem>>)
    %add3A_685 = arith.constant 64 : i32
    %add3A_686 = arith.addi %mul3A_2, %add3A_685 : i32
    %dma_start3A_687 = arith.constant 4 : i32
    %dma_start3A_688 = arith.constant 4 : i32
    %dma_start3A_689 = arith.constant 0 : i32
    %dma_start3A_690 = arith.constant 0 : i32
    %dma_start3A_691 = tpu.memref_slice %arg5[%dma_start3A_687, %dma_start3A_689, %dma_start3A_690] : memref<7x16x1024xf32, #tpu.memory_space<vmem>> -> memref<1x16x1024xf32, #tpu.memory_space<vmem>>
    %dma_start3A_692 = tpu.memref_squeeze %dma_start3A_691 : memref<1x16x1024xf32, #tpu.memory_space<vmem>> -> memref<16x1024xf32, #tpu.memory_space<vmem>>
    %dma_start3A_693 = arith.constant 0 : i32
    %dma_start3A_694 = tpu.memref_slice %arg3[%add3A_686, %dma_start3A_693] : memref<16384x1024xf32, #tpu.memory_space<hbm>> -> memref<16x1024xf32, #tpu.memory_space<hbm>>
    %dma_start3A_695 = tpu.memref_slice %arg7[%dma_start3A_688] : memref<7x!tpu.dma_semaphore, #tpu.memory_space<semaphore_mem>> -> memref<1x!tpu.dma_semaphore, #tpu.memory_space<semaphore_mem>>
    %dma_start3A_696 = tpu.memref_squeeze %dma_start3A_695 : memref<1x!tpu.dma_semaphore, #tpu.memory_space<semaphore_mem>> -> memref<!tpu.dma_semaphore, #tpu.memory_space<semaphore_mem>>
    %dma_start3A_697 = arith.constant 0 : i32
    %dma_start3A_698 = tpu.memref_slice %arg3[%add3A_686, %dma_start3A_697] : memref<16384x1024xf32, #tpu.memory_space<hbm>> -> memref<16x1024xf32, #tpu.memory_space<hbm>>
    %dma_start3A_699 = arith.constant 0 : i32
    %dma_start3A_700 = arith.constant 0 : i32
    %dma_start3A_701 = tpu.memref_slice %arg5[%dma_start3A_687, %dma_start3A_699, %dma_start3A_700] : memref<7x16x1024xf32, #tpu.memory_space<vmem>> -> memref<1x16x1024xf32, #tpu.memory_space<vmem>>
    %dma_start3A_702 = tpu.memref_squeeze %dma_start3A_701 : memref<1x16x1024xf32, #tpu.memory_space<vmem>> -> memref<16x1024xf32, #tpu.memory_space<vmem>>
    tpu.enqueue_dma source(%dma_start3A_702 : memref<16x1024xf32, #tpu.memory_space<vmem>>) target(%dma_start3A_698 : memref<16x1024xf32, #tpu.memory_space<hbm>>) target_semaphore(%dma_start3A_696 : memref<!tpu.dma_semaphore, #tpu.memory_space<semaphore_mem>>)
    %dma_wait3A_703 = arith.constant 1 : i32
    %dma_wait3A_704 = arith.constant 1 : i32
    %dma_wait3A_705 = arith.constant 0 : i32
    %dma_wait3A_706 = arith.constant 0 : i32
    %dma_wait3A_707 = tpu.memref_slice %arg5[%dma_wait3A_703, %dma_wait3A_705, %dma_wait3A_706] : memref<7x16x1024xf32, #tpu.memory_space<vmem>> -> memref<1x16x1024xf32, #tpu.memory_space<vmem>>
    %dma_wait3A_708 = tpu.memref_squeeze %dma_wait3A_707 : memref<1x16x1024xf32, #tpu.memory_space<vmem>> -> memref<16x1024xf32, #tpu.memory_space<vmem>>
    %dma_wait3A_709 = arith.constant 0 : i32
    %dma_wait3A_710 = tpu.memref_slice %arg3[%add3A_538, %dma_wait3A_709] : memref<16384x1024xf32, #tpu.memory_space<hbm>> -> memref<16x1024xf32, #tpu.memory_space<hbm>>
    %dma_wait3A_711 = tpu.memref_slice %arg7[%dma_wait3A_704] : memref<7x!tpu.dma_semaphore, #tpu.memory_space<semaphore_mem>> -> memref<1x!tpu.dma_semaphore, #tpu.memory_space<semaphore_mem>>
    %dma_wait3A_712 = tpu.memref_squeeze %dma_wait3A_711 : memref<1x!tpu.dma_semaphore, #tpu.memory_space<semaphore_mem>> -> memref<!tpu.dma_semaphore, #tpu.memory_space<semaphore_mem>>
    %dma_wait3A_713 = arith.constant 0 : i32
    %dma_wait3A_714 = tpu.memref_slice %arg3[%add3A_538, %dma_wait3A_713] : memref<16384x1024xf32, #tpu.memory_space<hbm>> -> memref<16x1024xf32, #tpu.memory_space<hbm>>
    %dma_wait3A_715 = arith.constant 0 : i32
    %dma_wait3A_716 = arith.constant 0 : i32
    %dma_wait3A_717 = tpu.memref_slice %arg5[%dma_wait3A_703, %dma_wait3A_715, %dma_wait3A_716] : memref<7x16x1024xf32, #tpu.memory_space<vmem>> -> memref<1x16x1024xf32, #tpu.memory_space<vmem>>
    %dma_wait3A_718 = tpu.memref_squeeze %dma_wait3A_717 : memref<1x16x1024xf32, #tpu.memory_space<vmem>> -> memref<16x1024xf32, #tpu.memory_space<vmem>>
    tpu.wait_dma2 semaphore(%dma_wait3A_712 : memref<!tpu.dma_semaphore, #tpu.memory_space<semaphore_mem>>) src(%dma_wait3A_718 : memref<16x1024xf32, #tpu.memory_space<vmem>>) dst(%dma_wait3A_714 : memref<16x1024xf32, #tpu.memory_space<hbm>>)
    %dma_start3A_719 = arith.constant 1 : i32
    %dma_start3A_720 = arith.constant 1 : i32
    %dma_start3A_721 = arith.constant 0 : i32
    %dma_start3A_722 = arith.constant 0 : i32
    %dma_start3A_723 = tpu.memref_slice %arg5[%dma_start3A_719, %dma_start3A_721, %dma_start3A_722] : memref<7x16x1024xf32, #tpu.memory_space<vmem>> -> memref<1x16x1024xf32, #tpu.memory_space<vmem>>
    %dma_start3A_724 = tpu.memref_squeeze %dma_start3A_723 : memref<1x16x1024xf32, #tpu.memory_space<vmem>> -> memref<16x1024xf32, #tpu.memory_space<vmem>>
    %dma_start3A_725 = arith.constant 128 : i32
    %dma_start3A_726 = tpu.memref_slice %arg4[%dma_start3A_725] : memref<512xi32, #tpu.memory_space<vmem>> -> memref<16xi32, #tpu.memory_space<vmem>>
    %dma_start3A_727 = arith.constant 0 : i32
    %dma_start3A_728 = arith.constant 0 : i32
    %dma_start3A_729 = tpu.memref_slice %arg2[%dma_start3A_727, %dma_start3A_728] : memref<16384x1024xf32, #tpu.memory_space<hbm>> -> memref<16384x1024xf32, #tpu.memory_space<hbm>>
    %dma_start3A_730 = tpu.memref_slice %arg6[%dma_start3A_720] : memref<7x!tpu.dma_semaphore, #tpu.memory_space<semaphore_mem>> -> memref<1x!tpu.dma_semaphore, #tpu.memory_space<semaphore_mem>>
    %dma_start3A_731 = tpu.memref_squeeze %dma_start3A_730 : memref<1x!tpu.dma_semaphore, #tpu.memory_space<semaphore_mem>> -> memref<!tpu.dma_semaphore, #tpu.memory_space<semaphore_mem>>
    tpu.enqueue_indirect_dma source(%dma_start3A_729 : memref<16384x1024xf32, #tpu.memory_space<hbm>>) target(%dma_start3A_724 : memref<16x1024xf32, #tpu.memory_space<vmem>>) offsets(%dma_start3A_726 : memref<16xi32, #tpu.memory_space<vmem>>) semaphore(%dma_start3A_731 : memref<!tpu.dma_semaphore, #tpu.memory_space<semaphore_mem>>)
    %dma_wait3A_732 = arith.constant 5 : i32
    %dma_wait3A_733 = arith.constant 5 : i32
    %dma_wait3A_734 = arith.constant 0 : i32
    %dma_wait3A_735 = arith.constant 0 : i32
    %dma_wait3A_736 = tpu.memref_slice %arg5[%dma_wait3A_732, %dma_wait3A_734, %dma_wait3A_735] : memref<7x16x1024xf32, #tpu.memory_space<vmem>> -> memref<1x16x1024xf32, #tpu.memory_space<vmem>>
    %dma_wait3A_737 = tpu.memref_squeeze %dma_wait3A_736 : memref<1x16x1024xf32, #tpu.memory_space<vmem>> -> memref<16x1024xf32, #tpu.memory_space<vmem>>
    %dma_wait3A_738 = arith.constant 80 : i32
    %dma_wait3A_739 = tpu.memref_slice %arg4[%dma_wait3A_738] : memref<512xi32, #tpu.memory_space<vmem>> -> memref<16xi32, #tpu.memory_space<vmem>>
    %dma_wait3A_740 = arith.constant 0 : i32
    %dma_wait3A_741 = arith.constant 0 : i32
    %dma_wait3A_742 = tpu.memref_slice %arg2[%dma_wait3A_740, %dma_wait3A_741] : memref<16384x1024xf32, #tpu.memory_space<hbm>> -> memref<16384x1024xf32, #tpu.memory_space<hbm>>
    %dma_wait3A_743 = tpu.memref_slice %arg6[%dma_wait3A_733] : memref<7x!tpu.dma_semaphore, #tpu.memory_space<semaphore_mem>> -> memref<1x!tpu.dma_semaphore, #tpu.memory_space<semaphore_mem>>
    %dma_wait3A_744 = tpu.memref_squeeze %dma_wait3A_743 : memref<1x!tpu.dma_semaphore, #tpu.memory_space<semaphore_mem>> -> memref<!tpu.dma_semaphore, #tpu.memory_space<semaphore_mem>>
    tpu.wait_indirect_dma semaphore(%dma_wait3A_744 : memref<!tpu.dma_semaphore, #tpu.memory_space<semaphore_mem>>) src(%dma_wait3A_742 : memref<16384x1024xf32, #tpu.memory_space<hbm>>) dst(%dma_wait3A_737 : memref<16x1024xf32, #tpu.memory_space<vmem>>)
    %add3A_745 = arith.constant 80 : i32
    %add3A_746 = arith.addi %mul3A_2, %add3A_745 : i32
    %dma_start3A_747 = arith.constant 5 : i32
    %dma_start3A_748 = arith.constant 5 : i32
    %dma_start3A_749 = arith.constant 0 : i32
    %dma_start3A_750 = arith.constant 0 : i32
    %dma_start3A_751 = tpu.memref_slice %arg5[%dma_start3A_747, %dma_start3A_749, %dma_start3A_750] : memref<7x16x1024xf32, #tpu.memory_space<vmem>> -> memref<1x16x1024xf32, #tpu.memory_space<vmem>>
    %dma_start3A_752 = tpu.memref_squeeze %dma_start3A_751 : memref<1x16x1024xf32, #tpu.memory_space<vmem>> -> memref<16x1024xf32, #tpu.memory_space<vmem>>
    %dma_start3A_753 = arith.constant 0 : i32
    %dma_start3A_754 = tpu.memref_slice %arg3[%add3A_746, %dma_start3A_753] : memref<16384x1024xf32, #tpu.memory_space<hbm>> -> memref<16x1024xf32, #tpu.memory_space<hbm>>
    %dma_start3A_755 = tpu.memref_slice %arg7[%dma_start3A_748] : memref<7x!tpu.dma_semaphore, #tpu.memory_space<semaphore_mem>> -> memref<1x!tpu.dma_semaphore, #tpu.memory_space<semaphore_mem>>
    %dma_start3A_756 = tpu.memref_squeeze %dma_start3A_755 : memref<1x!tpu.dma_semaphore, #tpu.memory_space<semaphore_mem>> -> memref<!tpu.dma_semaphore, #tpu.memory_space<semaphore_mem>>
    %dma_start3A_757 = arith.constant 0 : i32
    %dma_start3A_758 = tpu.memref_slice %arg3[%add3A_746, %dma_start3A_757] : memref<16384x1024xf32, #tpu.memory_space<hbm>> -> memref<16x1024xf32, #tpu.memory_space<hbm>>
    %dma_start3A_759 = arith.constant 0 : i32
    %dma_start3A_760 = arith.constant 0 : i32
    %dma_start3A_761 = tpu.memref_slice %arg5[%dma_start3A_747, %dma_start3A_759, %dma_start3A_760] : memref<7x16x1024xf32, #tpu.memory_space<vmem>> -> memref<1x16x1024xf32, #tpu.memory_space<vmem>>
    %dma_start3A_762 = tpu.memref_squeeze %dma_start3A_761 : memref<1x16x1024xf32, #tpu.memory_space<vmem>> -> memref<16x1024xf32, #tpu.memory_space<vmem>>
    tpu.enqueue_dma source(%dma_start3A_762 : memref<16x1024xf32, #tpu.memory_space<vmem>>) target(%dma_start3A_758 : memref<16x1024xf32, #tpu.memory_space<hbm>>) target_semaphore(%dma_start3A_756 : memref<!tpu.dma_semaphore, #tpu.memory_space<semaphore_mem>>)
    %dma_wait3A_763 = arith.constant 2 : i32
    %dma_wait3A_764 = arith.constant 2 : i32
    %dma_wait3A_765 = arith.constant 0 : i32
    %dma_wait3A_766 = arith.constant 0 : i32
    %dma_wait3A_767 = tpu.memref_slice %arg5[%dma_wait3A_763, %dma_wait3A_765, %dma_wait3A_766] : memref<7x16x1024xf32, #tpu.memory_space<vmem>> -> memref<1x16x1024xf32, #tpu.memory_space<vmem>>
    %dma_wait3A_768 = tpu.memref_squeeze %dma_wait3A_767 : memref<1x16x1024xf32, #tpu.memory_space<vmem>> -> memref<16x1024xf32, #tpu.memory_space<vmem>>
    %dma_wait3A_769 = arith.constant 0 : i32
    %dma_wait3A_770 = tpu.memref_slice %arg3[%add3A_582, %dma_wait3A_769] : memref<16384x1024xf32, #tpu.memory_space<hbm>> -> memref<16x1024xf32, #tpu.memory_space<hbm>>
    %dma_wait3A_771 = tpu.memref_slice %arg7[%dma_wait3A_764] : memref<7x!tpu.dma_semaphore, #tpu.memory_space<semaphore_mem>> -> memref<1x!tpu.dma_semaphore, #tpu.memory_space<semaphore_mem>>
    %dma_wait3A_772 = tpu.memref_squeeze %dma_wait3A_771 : memref<1x!tpu.dma_semaphore, #tpu.memory_space<semaphore_mem>> -> memref<!tpu.dma_semaphore, #tpu.memory_space<semaphore_mem>>
    %dma_wait3A_773 = arith.constant 0 : i32
    %dma_wait3A_774 = tpu.memref_slice %arg3[%add3A_582, %dma_wait3A_773] : memref<16384x1024xf32, #tpu.memory_space<hbm>> -> memref<16x1024xf32, #tpu.memory_space<hbm>>
    %dma_wait3A_775 = arith.constant 0 : i32
    %dma_wait3A_776 = arith.constant 0 : i32
    %dma_wait3A_777 = tpu.memref_slice %arg5[%dma_wait3A_763, %dma_wait3A_775, %dma_wait3A_776] : memref<7x16x1024xf32, #tpu.memory_space<vmem>> -> memref<1x16x1024xf32, #tpu.memory_space<vmem>>
    %dma_wait3A_778 = tpu.memref_squeeze %dma_wait3A_777 : memref<1x16x1024xf32, #tpu.memory_space<vmem>> -> memref<16x1024xf32, #tpu.memory_space<vmem>>
    tpu.wait_dma2 semaphore(%dma_wait3A_772 : memref<!tpu.dma_semaphore, #tpu.memory_space<semaphore_mem>>) src(%dma_wait3A_778 : memref<16x1024xf32, #tpu.memory_space<vmem>>) dst(%dma_wait3A_774 : memref<16x1024xf32, #tpu.memory_space<hbm>>)
    %dma_start3A_779 = arith.constant 2 : i32
    %dma_start3A_780 = arith.constant 2 : i32
    %dma_start3A_781 = arith.constant 0 : i32
    %dma_start3A_782 = arith.constant 0 : i32
    %dma_start3A_783 = tpu.memref_slice %arg5[%dma_start3A_779, %dma_start3A_781, %dma_start3A_782] : memref<7x16x1024xf32, #tpu.memory_space<vmem>> -> memref<1x16x1024xf32, #tpu.memory_space<vmem>>
    %dma_start3A_784 = tpu.memref_squeeze %dma_start3A_783 : memref<1x16x1024xf32, #tpu.memory_space<vmem>> -> memref<16x1024xf32, #tpu.memory_space<vmem>>
    %dma_start3A_785 = arith.constant 144 : i32
    %dma_start3A_786 = tpu.memref_slice %arg4[%dma_start3A_785] : memref<512xi32, #tpu.memory_space<vmem>> -> memref<16xi32, #tpu.memory_space<vmem>>
    %dma_start3A_787 = arith.constant 0 : i32
    %dma_start3A_788 = arith.constant 0 : i32
    %dma_start3A_789 = tpu.memref_slice %arg2[%dma_start3A_787, %dma_start3A_788] : memref<16384x1024xf32, #tpu.memory_space<hbm>> -> memref<16384x1024xf32, #tpu.memory_space<hbm>>
    %dma_start3A_790 = tpu.memref_slice %arg6[%dma_start3A_780] : memref<7x!tpu.dma_semaphore, #tpu.memory_space<semaphore_mem>> -> memref<1x!tpu.dma_semaphore, #tpu.memory_space<semaphore_mem>>
    %dma_start3A_791 = tpu.memref_squeeze %dma_start3A_790 : memref<1x!tpu.dma_semaphore, #tpu.memory_space<semaphore_mem>> -> memref<!tpu.dma_semaphore, #tpu.memory_space<semaphore_mem>>
    tpu.enqueue_indirect_dma source(%dma_start3A_789 : memref<16384x1024xf32, #tpu.memory_space<hbm>>) target(%dma_start3A_784 : memref<16x1024xf32, #tpu.memory_space<vmem>>) offsets(%dma_start3A_786 : memref<16xi32, #tpu.memory_space<vmem>>) semaphore(%dma_start3A_791 : memref<!tpu.dma_semaphore, #tpu.memory_space<semaphore_mem>>)
    %dma_wait3A_792 = arith.constant 6 : i32
    %dma_wait3A_793 = arith.constant 6 : i32
    %dma_wait3A_794 = arith.constant 0 : i32
    %dma_wait3A_795 = arith.constant 0 : i32
    %dma_wait3A_796 = tpu.memref_slice %arg5[%dma_wait3A_792, %dma_wait3A_794, %dma_wait3A_795] : memref<7x16x1024xf32, #tpu.memory_space<vmem>> -> memref<1x16x1024xf32, #tpu.memory_space<vmem>>
    %dma_wait3A_797 = tpu.memref_squeeze %dma_wait3A_796 : memref<1x16x1024xf32, #tpu.memory_space<vmem>> -> memref<16x1024xf32, #tpu.memory_space<vmem>>
    %dma_wait3A_798 = arith.constant 96 : i32
    %dma_wait3A_799 = tpu.memref_slice %arg4[%dma_wait3A_798] : memref<512xi32, #tpu.memory_space<vmem>> -> memref<16xi32, #tpu.memory_space<vmem>>
    %dma_wait3A_800 = arith.constant 0 : i32
    %dma_wait3A_801 = arith.constant 0 : i32
    %dma_wait3A_802 = tpu.memref_slice %arg2[%dma_wait3A_800, %dma_wait3A_801] : memref<16384x1024xf32, #tpu.memory_space<hbm>> -> memref<16384x1024xf32, #tpu.memory_space<hbm>>
    %dma_wait3A_803 = tpu.memref_slice %arg6[%dma_wait3A_793] : memref<7x!tpu.dma_semaphore, #tpu.memory_space<semaphore_mem>> -> memref<1x!tpu.dma_semaphore, #tpu.memory_space<semaphore_mem>>
    %dma_wait3A_804 = tpu.memref_squeeze %dma_wait3A_803 : memref<1x!tpu.dma_semaphore, #tpu.memory_space<semaphore_mem>> -> memref<!tpu.dma_semaphore, #tpu.memory_space<semaphore_mem>>
    tpu.wait_indirect_dma semaphore(%dma_wait3A_804 : memref<!tpu.dma_semaphore, #tpu.memory_space<semaphore_mem>>) src(%dma_wait3A_802 : memref<16384x1024xf32, #tpu.memory_space<hbm>>) dst(%dma_wait3A_797 : memref<16x1024xf32, #tpu.memory_space<vmem>>)
    %add3A_805 = arith.constant 96 : i32
    %add3A_806 = arith.addi %mul3A_2, %add3A_805 : i32
    %dma_start3A_807 = arith.constant 6 : i32
    %dma_start3A_808 = arith.constant 6 : i32
    %dma_start3A_809 = arith.constant 0 : i32
    %dma_start3A_810 = arith.constant 0 : i32
    %dma_start3A_811 = tpu.memref_slice %arg5[%dma_start3A_807, %dma_start3A_809, %dma_start3A_810] : memref<7x16x1024xf32, #tpu.memory_space<vmem>> -> memref<1x16x1024xf32, #tpu.memory_space<vmem>>
    %dma_start3A_812 = tpu.memref_squeeze %dma_start3A_811 : memref<1x16x1024xf32, #tpu.memory_space<vmem>> -> memref<16x1024xf32, #tpu.memory_space<vmem>>
    %dma_start3A_813 = arith.constant 0 : i32
    %dma_start3A_814 = tpu.memref_slice %arg3[%add3A_806, %dma_start3A_813] : memref<16384x1024xf32, #tpu.memory_space<hbm>> -> memref<16x1024xf32, #tpu.memory_space<hbm>>
    %dma_start3A_815 = tpu.memref_slice %arg7[%dma_start3A_808] : memref<7x!tpu.dma_semaphore, #tpu.memory_space<semaphore_mem>> -> memref<1x!tpu.dma_semaphore, #tpu.memory_space<semaphore_mem>>
    %dma_start3A_816 = tpu.memref_squeeze %dma_start3A_815 : memref<1x!tpu.dma_semaphore, #tpu.memory_space<semaphore_mem>> -> memref<!tpu.dma_semaphore, #tpu.memory_space<semaphore_mem>>
    %dma_start3A_817 = arith.constant 0 : i32
    %dma_start3A_818 = tpu.memref_slice %arg3[%add3A_806, %dma_start3A_817] : memref<16384x1024xf32, #tpu.memory_space<hbm>> -> memref<16x1024xf32, #tpu.memory_space<hbm>>
    %dma_start3A_819 = arith.constant 0 : i32
    %dma_start3A_820 = arith.constant 0 : i32
    %dma_start3A_821 = tpu.memref_slice %arg5[%dma_start3A_807, %dma_start3A_819, %dma_start3A_820] : memref<7x16x1024xf32, #tpu.memory_space<vmem>> -> memref<1x16x1024xf32, #tpu.memory_space<vmem>>
    %dma_start3A_822 = tpu.memref_squeeze %dma_start3A_821 : memref<1x16x1024xf32, #tpu.memory_space<vmem>> -> memref<16x1024xf32, #tpu.memory_space<vmem>>
    tpu.enqueue_dma source(%dma_start3A_822 : memref<16x1024xf32, #tpu.memory_space<vmem>>) target(%dma_start3A_818 : memref<16x1024xf32, #tpu.memory_space<hbm>>) target_semaphore(%dma_start3A_816 : memref<!tpu.dma_semaphore, #tpu.memory_space<semaphore_mem>>)
    %dma_wait3A_823 = arith.constant 3 : i32
    %dma_wait3A_824 = arith.constant 3 : i32
    %dma_wait3A_825 = arith.constant 0 : i32
    %dma_wait3A_826 = arith.constant 0 : i32
    %dma_wait3A_827 = tpu.memref_slice %arg5[%dma_wait3A_823, %dma_wait3A_825, %dma_wait3A_826] : memref<7x16x1024xf32, #tpu.memory_space<vmem>> -> memref<1x16x1024xf32, #tpu.memory_space<vmem>>
    %dma_wait3A_828 = tpu.memref_squeeze %dma_wait3A_827 : memref<1x16x1024xf32, #tpu.memory_space<vmem>> -> memref<16x1024xf32, #tpu.memory_space<vmem>>
    %dma_wait3A_829 = arith.constant 0 : i32
    %dma_wait3A_830 = tpu.memref_slice %arg3[%add3A_626, %dma_wait3A_829] : memref<16384x1024xf32, #tpu.memory_space<hbm>> -> memref<16x1024xf32, #tpu.memory_space<hbm>>
    %dma_wait3A_831 = tpu.memref_slice %arg7[%dma_wait3A_824] : memref<7x!tpu.dma_semaphore, #tpu.memory_space<semaphore_mem>> -> memref<1x!tpu.dma_semaphore, #tpu.memory_space<semaphore_mem>>
    %dma_wait3A_832 = tpu.memref_squeeze %dma_wait3A_831 : memref<1x!tpu.dma_semaphore, #tpu.memory_space<semaphore_mem>> -> memref<!tpu.dma_semaphore, #tpu.memory_space<semaphore_mem>>
    %dma_wait3A_833 = arith.constant 0 : i32
    %dma_wait3A_834 = tpu.memref_slice %arg3[%add3A_626, %dma_wait3A_833] : memref<16384x1024xf32, #tpu.memory_space<hbm>> -> memref<16x1024xf32, #tpu.memory_space<hbm>>
    %dma_wait3A_835 = arith.constant 0 : i32
    %dma_wait3A_836 = arith.constant 0 : i32
    %dma_wait3A_837 = tpu.memref_slice %arg5[%dma_wait3A_823, %dma_wait3A_835, %dma_wait3A_836] : memref<7x16x1024xf32, #tpu.memory_space<vmem>> -> memref<1x16x1024xf32, #tpu.memory_space<vmem>>
    %dma_wait3A_838 = tpu.memref_squeeze %dma_wait3A_837 : memref<1x16x1024xf32, #tpu.memory_space<vmem>> -> memref<16x1024xf32, #tpu.memory_space<vmem>>
    tpu.wait_dma2 semaphore(%dma_wait3A_832 : memref<!tpu.dma_semaphore, #tpu.memory_space<semaphore_mem>>) src(%dma_wait3A_838 : memref<16x1024xf32, #tpu.memory_space<vmem>>) dst(%dma_wait3A_834 : memref<16x1024xf32, #tpu.memory_space<hbm>>)
    %dma_start3A_839 = arith.constant 3 : i32
    %dma_start3A_840 = arith.constant 3 : i32
    %dma_start3A_841 = arith.constant 0 : i32
    %dma_start3A_842 = arith.constant 0 : i32
    %dma_start3A_843 = tpu.memref_slice %arg5[%dma_start3A_839, %dma_start3A_841, %dma_start3A_842] : memref<7x16x1024xf32, #tpu.memory_space<vmem>> -> memref<1x16x1024xf32, #tpu.memory_space<vmem>>
    %dma_start3A_844 = tpu.memref_squeeze %dma_start3A_843 : memref<1x16x1024xf32, #tpu.memory_space<vmem>> -> memref<16x1024xf32, #tpu.memory_space<vmem>>
    %dma_start3A_845 = arith.constant 160 : i32
    %dma_start3A_846 = tpu.memref_slice %arg4[%dma_start3A_845] : memref<512xi32, #tpu.memory_space<vmem>> -> memref<16xi32, #tpu.memory_space<vmem>>
    %dma_start3A_847 = arith.constant 0 : i32
    %dma_start3A_848 = arith.constant 0 : i32
    %dma_start3A_849 = tpu.memref_slice %arg2[%dma_start3A_847, %dma_start3A_848] : memref<16384x1024xf32, #tpu.memory_space<hbm>> -> memref<16384x1024xf32, #tpu.memory_space<hbm>>
    %dma_start3A_850 = tpu.memref_slice %arg6[%dma_start3A_840] : memref<7x!tpu.dma_semaphore, #tpu.memory_space<semaphore_mem>> -> memref<1x!tpu.dma_semaphore, #tpu.memory_space<semaphore_mem>>
    %dma_start3A_851 = tpu.memref_squeeze %dma_start3A_850 : memref<1x!tpu.dma_semaphore, #tpu.memory_space<semaphore_mem>> -> memref<!tpu.dma_semaphore, #tpu.memory_space<semaphore_mem>>
    tpu.enqueue_indirect_dma source(%dma_start3A_849 : memref<16384x1024xf32, #tpu.memory_space<hbm>>) target(%dma_start3A_844 : memref<16x1024xf32, #tpu.memory_space<vmem>>) offsets(%dma_start3A_846 : memref<16xi32, #tpu.memory_space<vmem>>) semaphore(%dma_start3A_851 : memref<!tpu.dma_semaphore, #tpu.memory_space<semaphore_mem>>)
    %dma_wait3A_852 = arith.constant 0 : i32
    %dma_wait3A_853 = arith.constant 0 : i32
    %dma_wait3A_854 = arith.constant 0 : i32
    %dma_wait3A_855 = arith.constant 0 : i32
    %dma_wait3A_856 = tpu.memref_slice %arg5[%dma_wait3A_852, %dma_wait3A_854, %dma_wait3A_855] : memref<7x16x1024xf32, #tpu.memory_space<vmem>> -> memref<1x16x1024xf32, #tpu.memory_space<vmem>>
    %dma_wait3A_857 = tpu.memref_squeeze %dma_wait3A_856 : memref<1x16x1024xf32, #tpu.memory_space<vmem>> -> memref<16x1024xf32, #tpu.memory_space<vmem>>
    %dma_wait3A_858 = arith.constant 112 : i32
    %dma_wait3A_859 = tpu.memref_slice %arg4[%dma_wait3A_858] : memref<512xi32, #tpu.memory_space<vmem>> -> memref<16xi32, #tpu.memory_space<vmem>>
    %dma_wait3A_860 = arith.constant 0 : i32
    %dma_wait3A_861 = arith.constant 0 : i32
    %dma_wait3A_862 = tpu.memref_slice %arg2[%dma_wait3A_860, %dma_wait3A_861] : memref<16384x1024xf32, #tpu.memory_space<hbm>> -> memref<16384x1024xf32, #tpu.memory_space<hbm>>
    %dma_wait3A_863 = tpu.memref_slice %arg6[%dma_wait3A_853] : memref<7x!tpu.dma_semaphore, #tpu.memory_space<semaphore_mem>> -> memref<1x!tpu.dma_semaphore, #tpu.memory_space<semaphore_mem>>
    %dma_wait3A_864 = tpu.memref_squeeze %dma_wait3A_863 : memref<1x!tpu.dma_semaphore, #tpu.memory_space<semaphore_mem>> -> memref<!tpu.dma_semaphore, #tpu.memory_space<semaphore_mem>>
    tpu.wait_indirect_dma semaphore(%dma_wait3A_864 : memref<!tpu.dma_semaphore, #tpu.memory_space<semaphore_mem>>) src(%dma_wait3A_862 : memref<16384x1024xf32, #tpu.memory_space<hbm>>) dst(%dma_wait3A_857 : memref<16x1024xf32, #tpu.memory_space<vmem>>)
    %add3A_865 = arith.constant 112 : i32
    %add3A_866 = arith.addi %mul3A_2, %add3A_865 : i32
    %dma_start3A_867 = arith.constant 0 : i32
    %dma_start3A_868 = arith.constant 0 : i32
    %dma_start3A_869 = arith.constant 0 : i32
    %dma_start3A_870 = arith.constant 0 : i32
    %dma_start3A_871 = tpu.memref_slice %arg5[%dma_start3A_867, %dma_start3A_869, %dma_start3A_870] : memref<7x16x1024xf32, #tpu.memory_space<vmem>> -> memref<1x16x1024xf32, #tpu.memory_space<vmem>>
    %dma_start3A_872 = tpu.memref_squeeze %dma_start3A_871 : memref<1x16x1024xf32, #tpu.memory_space<vmem>> -> memref<16x1024xf32, #tpu.memory_space<vmem>>
    %dma_start3A_873 = arith.constant 0 : i32
    %dma_start3A_874 = tpu.memref_slice %arg3[%add3A_866, %dma_start3A_873] : memref<16384x1024xf32, #tpu.memory_space<hbm>> -> memref<16x1024xf32, #tpu.memory_space<hbm>>
    %dma_start3A_875 = tpu.memref_slice %arg7[%dma_start3A_868] : memref<7x!tpu.dma_semaphore, #tpu.memory_space<semaphore_mem>> -> memref<1x!tpu.dma_semaphore, #tpu.memory_space<semaphore_mem>>
    %dma_start3A_876 = tpu.memref_squeeze %dma_start3A_875 : memref<1x!tpu.dma_semaphore, #tpu.memory_space<semaphore_mem>> -> memref<!tpu.dma_semaphore, #tpu.memory_space<semaphore_mem>>
    %dma_start3A_877 = arith.constant 0 : i32
    %dma_start3A_878 = tpu.memref_slice %arg3[%add3A_866, %dma_start3A_877] : memref<16384x1024xf32, #tpu.memory_space<hbm>> -> memref<16x1024xf32, #tpu.memory_space<hbm>>
    %dma_start3A_879 = arith.constant 0 : i32
    %dma_start3A_880 = arith.constant 0 : i32
    %dma_start3A_881 = tpu.memref_slice %arg5[%dma_start3A_867, %dma_start3A_879, %dma_start3A_880] : memref<7x16x1024xf32, #tpu.memory_space<vmem>> -> memref<1x16x1024xf32, #tpu.memory_space<vmem>>
    %dma_start3A_882 = tpu.memref_squeeze %dma_start3A_881 : memref<1x16x1024xf32, #tpu.memory_space<vmem>> -> memref<16x1024xf32, #tpu.memory_space<vmem>>
    tpu.enqueue_dma source(%dma_start3A_882 : memref<16x1024xf32, #tpu.memory_space<vmem>>) target(%dma_start3A_878 : memref<16x1024xf32, #tpu.memory_space<hbm>>) target_semaphore(%dma_start3A_876 : memref<!tpu.dma_semaphore, #tpu.memory_space<semaphore_mem>>)
    %dma_wait3A_883 = arith.constant 4 : i32
    %dma_wait3A_884 = arith.constant 4 : i32
    %dma_wait3A_885 = arith.constant 0 : i32
    %dma_wait3A_886 = arith.constant 0 : i32
    %dma_wait3A_887 = tpu.memref_slice %arg5[%dma_wait3A_883, %dma_wait3A_885, %dma_wait3A_886] : memref<7x16x1024xf32, #tpu.memory_space<vmem>> -> memref<1x16x1024xf32, #tpu.memory_space<vmem>>
    %dma_wait3A_888 = tpu.memref_squeeze %dma_wait3A_887 : memref<1x16x1024xf32, #tpu.memory_space<vmem>> -> memref<16x1024xf32, #tpu.memory_space<vmem>>
    %dma_wait3A_889 = arith.constant 0 : i32
    %dma_wait3A_890 = tpu.memref_slice %arg3[%add3A_686, %dma_wait3A_889] : memref<16384x1024xf32, #tpu.memory_space<hbm>> -> memref<16x1024xf32, #tpu.memory_space<hbm>>
    %dma_wait3A_891 = tpu.memref_slice %arg7[%dma_wait3A_884] : memref<7x!tpu.dma_semaphore, #tpu.memory_space<semaphore_mem>> -> memref<1x!tpu.dma_semaphore, #tpu.memory_space<semaphore_mem>>
    %dma_wait3A_892 = tpu.memref_squeeze %dma_wait3A_891 : memref<1x!tpu.dma_semaphore, #tpu.memory_space<semaphore_mem>> -> memref<!tpu.dma_semaphore, #tpu.memory_space<semaphore_mem>>
    %dma_wait3A_893 = arith.constant 0 : i32
    %dma_wait3A_894 = tpu.memref_slice %arg3[%add3A_686, %dma_wait3A_893] : memref<16384x1024xf32, #tpu.memory_space<hbm>> -> memref<16x1024xf32, #tpu.memory_space<hbm>>
    %dma_wait3A_895 = arith.constant 0 : i32
    %dma_wait3A_896 = arith.constant 0 : i32
    %dma_wait3A_897 = tpu.memref_slice %arg5[%dma_wait3A_883, %dma_wait3A_895, %dma_wait3A_896] : memref<7x16x1024xf32, #tpu.memory_space<vmem>> -> memref<1x16x1024xf32, #tpu.memory_space<vmem>>
    %dma_wait3A_898 = tpu.memref_squeeze %dma_wait3A_897 : memref<1x16x1024xf32, #tpu.memory_space<vmem>> -> memref<16x1024xf32, #tpu.memory_space<vmem>>
    tpu.wait_dma2 semaphore(%dma_wait3A_892 : memref<!tpu.dma_semaphore, #tpu.memory_space<semaphore_mem>>) src(%dma_wait3A_898 : memref<16x1024xf32, #tpu.memory_space<vmem>>) dst(%dma_wait3A_894 : memref<16x1024xf32, #tpu.memory_space<hbm>>)
    %dma_start3A_899 = arith.constant 4 : i32
    %dma_start3A_900 = arith.constant 4 : i32
    %dma_start3A_901 = arith.constant 0 : i32
    %dma_start3A_902 = arith.constant 0 : i32
    %dma_start3A_903 = tpu.memref_slice %arg5[%dma_start3A_899, %dma_start3A_901, %dma_start3A_902] : memref<7x16x1024xf32, #tpu.memory_space<vmem>> -> memref<1x16x1024xf32, #tpu.memory_space<vmem>>
    %dma_start3A_904 = tpu.memref_squeeze %dma_start3A_903 : memref<1x16x1024xf32, #tpu.memory_space<vmem>> -> memref<16x1024xf32, #tpu.memory_space<vmem>>
    %dma_start3A_905 = arith.constant 176 : i32
    %dma_start3A_906 = tpu.memref_slice %arg4[%dma_start3A_905] : memref<512xi32, #tpu.memory_space<vmem>> -> memref<16xi32, #tpu.memory_space<vmem>>
    %dma_start3A_907 = arith.constant 0 : i32
    %dma_start3A_908 = arith.constant 0 : i32
    %dma_start3A_909 = tpu.memref_slice %arg2[%dma_start3A_907, %dma_start3A_908] : memref<16384x1024xf32, #tpu.memory_space<hbm>> -> memref<16384x1024xf32, #tpu.memory_space<hbm>>
    %dma_start3A_910 = tpu.memref_slice %arg6[%dma_start3A_900] : memref<7x!tpu.dma_semaphore, #tpu.memory_space<semaphore_mem>> -> memref<1x!tpu.dma_semaphore, #tpu.memory_space<semaphore_mem>>
    %dma_start3A_911 = tpu.memref_squeeze %dma_start3A_910 : memref<1x!tpu.dma_semaphore, #tpu.memory_space<semaphore_mem>> -> memref<!tpu.dma_semaphore, #tpu.memory_space<semaphore_mem>>
    tpu.enqueue_indirect_dma source(%dma_start3A_909 : memref<16384x1024xf32, #tpu.memory_space<hbm>>) target(%dma_start3A_904 : memref<16x1024xf32, #tpu.memory_space<vmem>>) offsets(%dma_start3A_906 : memref<16xi32, #tpu.memory_space<vmem>>) semaphore(%dma_start3A_911 : memref<!tpu.dma_semaphore, #tpu.memory_space<semaphore_mem>>)
    %dma_wait3A_912 = arith.constant 1 : i32
    %dma_wait3A_913 = arith.constant 1 : i32
    %dma_wait3A_914 = arith.constant 0 : i32
    %dma_wait3A_915 = arith.constant 0 : i32
    %dma_wait3A_916 = tpu.memref_slice %arg5[%dma_wait3A_912, %dma_wait3A_914, %dma_wait3A_915] : memref<7x16x1024xf32, #tpu.memory_space<vmem>> -> memref<1x16x1024xf32, #tpu.memory_space<vmem>>
    %dma_wait3A_917 = tpu.memref_squeeze %dma_wait3A_916 : memref<1x16x1024xf32, #tpu.memory_space<vmem>> -> memref<16x1024xf32, #tpu.memory_space<vmem>>
    %dma_wait3A_918 = arith.constant 128 : i32
    %dma_wait3A_919 = tpu.memref_slice %arg4[%dma_wait3A_918] : memref<512xi32, #tpu.memory_space<vmem>> -> memref<16xi32, #tpu.memory_space<vmem>>
    %dma_wait3A_920 = arith.constant 0 : i32
    %dma_wait3A_921 = arith.constant 0 : i32
    %dma_wait3A_922 = tpu.memref_slice %arg2[%dma_wait3A_920, %dma_wait3A_921] : memref<16384x1024xf32, #tpu.memory_space<hbm>> -> memref<16384x1024xf32, #tpu.memory_space<hbm>>
    %dma_wait3A_923 = tpu.memref_slice %arg6[%dma_wait3A_913] : memref<7x!tpu.dma_semaphore, #tpu.memory_space<semaphore_mem>> -> memref<1x!tpu.dma_semaphore, #tpu.memory_space<semaphore_mem>>
    %dma_wait3A_924 = tpu.memref_squeeze %dma_wait3A_923 : memref<1x!tpu.dma_semaphore, #tpu.memory_space<semaphore_mem>> -> memref<!tpu.dma_semaphore, #tpu.memory_space<semaphore_mem>>
    tpu.wait_indirect_dma semaphore(%dma_wait3A_924 : memref<!tpu.dma_semaphore, #tpu.memory_space<semaphore_mem>>) src(%dma_wait3A_922 : memref<16384x1024xf32, #tpu.memory_space<hbm>>) dst(%dma_wait3A_917 : memref<16x1024xf32, #tpu.memory_space<vmem>>)
    %add3A_925 = arith.constant 128 : i32
    %add3A_926 = arith.addi %mul3A_2, %add3A_925 : i32
    %dma_start3A_927 = arith.constant 1 : i32
    %dma_start3A_928 = arith.constant 1 : i32
    %dma_start3A_929 = arith.constant 0 : i32
    %dma_start3A_930 = arith.constant 0 : i32
    %dma_start3A_931 = tpu.memref_slice %arg5[%dma_start3A_927, %dma_start3A_929, %dma_start3A_930] : memref<7x16x1024xf32, #tpu.memory_space<vmem>> -> memref<1x16x1024xf32, #tpu.memory_space<vmem>>
    %dma_start3A_932 = tpu.memref_squeeze %dma_start3A_931 : memref<1x16x1024xf32, #tpu.memory_space<vmem>> -> memref<16x1024xf32, #tpu.memory_space<vmem>>
    %dma_start3A_933 = arith.constant 0 : i32
    %dma_start3A_934 = tpu.memref_slice %arg3[%add3A_926, %dma_start3A_933] : memref<16384x1024xf32, #tpu.memory_space<hbm>> -> memref<16x1024xf32, #tpu.memory_space<hbm>>
    %dma_start3A_935 = tpu.memref_slice %arg7[%dma_start3A_928] : memref<7x!tpu.dma_semaphore, #tpu.memory_space<semaphore_mem>> -> memref<1x!tpu.dma_semaphore, #tpu.memory_space<semaphore_mem>>
    %dma_start3A_936 = tpu.memref_squeeze %dma_start3A_935 : memref<1x!tpu.dma_semaphore, #tpu.memory_space<semaphore_mem>> -> memref<!tpu.dma_semaphore, #tpu.memory_space<semaphore_mem>>
    %dma_start3A_937 = arith.constant 0 : i32
    %dma_start3A_938 = tpu.memref_slice %arg3[%add3A_926, %dma_start3A_937] : memref<16384x1024xf32, #tpu.memory_space<hbm>> -> memref<16x1024xf32, #tpu.memory_space<hbm>>
    %dma_start3A_939 = arith.constant 0 : i32
    %dma_start3A_940 = arith.constant 0 : i32
    %dma_start3A_941 = tpu.memref_slice %arg5[%dma_start3A_927, %dma_start3A_939, %dma_start3A_940] : memref<7x16x1024xf32, #tpu.memory_space<vmem>> -> memref<1x16x1024xf32, #tpu.memory_space<vmem>>
    %dma_start3A_942 = tpu.memref_squeeze %dma_start3A_941 : memref<1x16x1024xf32, #tpu.memory_space<vmem>> -> memref<16x1024xf32, #tpu.memory_space<vmem>>
    tpu.enqueue_dma source(%dma_start3A_942 : memref<16x1024xf32, #tpu.memory_space<vmem>>) target(%dma_start3A_938 : memref<16x1024xf32, #tpu.memory_space<hbm>>) target_semaphore(%dma_start3A_936 : memref<!tpu.dma_semaphore, #tpu.memory_space<semaphore_mem>>)
    %dma_wait3A_943 = arith.constant 5 : i32
    %dma_wait3A_944 = arith.constant 5 : i32
    %dma_wait3A_945 = arith.constant 0 : i32
    %dma_wait3A_946 = arith.constant 0 : i32
    %dma_wait3A_947 = tpu.memref_slice %arg5[%dma_wait3A_943, %dma_wait3A_945, %dma_wait3A_946] : memref<7x16x1024xf32, #tpu.memory_space<vmem>> -> memref<1x16x1024xf32, #tpu.memory_space<vmem>>
    %dma_wait3A_948 = tpu.memref_squeeze %dma_wait3A_947 : memref<1x16x1024xf32, #tpu.memory_space<vmem>> -> memref<16x1024xf32, #tpu.memory_space<vmem>>
    %dma_wait3A_949 = arith.constant 0 : i32
    %dma_wait3A_950 = tpu.memref_slice %arg3[%add3A_746, %dma_wait3A_949] : memref<16384x1024xf32, #tpu.memory_space<hbm>> -> memref<16x1024xf32, #tpu.memory_space<hbm>>
    %dma_wait3A_951 = tpu.memref_slice %arg7[%dma_wait3A_944] : memref<7x!tpu.dma_semaphore, #tpu.memory_space<semaphore_mem>> -> memref<1x!tpu.dma_semaphore, #tpu.memory_space<semaphore_mem>>
    %dma_wait3A_952 = tpu.memref_squeeze %dma_wait3A_951 : memref<1x!tpu.dma_semaphore, #tpu.memory_space<semaphore_mem>> -> memref<!tpu.dma_semaphore, #tpu.memory_space<semaphore_mem>>
    %dma_wait3A_953 = arith.constant 0 : i32
    %dma_wait3A_954 = tpu.memref_slice %arg3[%add3A_746, %dma_wait3A_953] : memref<16384x1024xf32, #tpu.memory_space<hbm>> -> memref<16x1024xf32, #tpu.memory_space<hbm>>
    %dma_wait3A_955 = arith.constant 0 : i32
    %dma_wait3A_956 = arith.constant 0 : i32
    %dma_wait3A_957 = tpu.memref_slice %arg5[%dma_wait3A_943, %dma_wait3A_955, %dma_wait3A_956] : memref<7x16x1024xf32, #tpu.memory_space<vmem>> -> memref<1x16x1024xf32, #tpu.memory_space<vmem>>
    %dma_wait3A_958 = tpu.memref_squeeze %dma_wait3A_957 : memref<1x16x1024xf32, #tpu.memory_space<vmem>> -> memref<16x1024xf32, #tpu.memory_space<vmem>>
    tpu.wait_dma2 semaphore(%dma_wait3A_952 : memref<!tpu.dma_semaphore, #tpu.memory_space<semaphore_mem>>) src(%dma_wait3A_958 : memref<16x1024xf32, #tpu.memory_space<vmem>>) dst(%dma_wait3A_954 : memref<16x1024xf32, #tpu.memory_space<hbm>>)
    %dma_start3A_959 = arith.constant 5 : i32
    %dma_start3A_960 = arith.constant 5 : i32
    %dma_start3A_961 = arith.constant 0 : i32
    %dma_start3A_962 = arith.constant 0 : i32
    %dma_start3A_963 = tpu.memref_slice %arg5[%dma_start3A_959, %dma_start3A_961, %dma_start3A_962] : memref<7x16x1024xf32, #tpu.memory_space<vmem>> -> memref<1x16x1024xf32, #tpu.memory_space<vmem>>
    %dma_start3A_964 = tpu.memref_squeeze %dma_start3A_963 : memref<1x16x1024xf32, #tpu.memory_space<vmem>> -> memref<16x1024xf32, #tpu.memory_space<vmem>>
    %dma_start3A_965 = arith.constant 192 : i32
    %dma_start3A_966 = tpu.memref_slice %arg4[%dma_start3A_965] : memref<512xi32, #tpu.memory_space<vmem>> -> memref<16xi32, #tpu.memory_space<vmem>>
    %dma_start3A_967 = arith.constant 0 : i32
    %dma_start3A_968 = arith.constant 0 : i32
    %dma_start3A_969 = tpu.memref_slice %arg2[%dma_start3A_967, %dma_start3A_968] : memref<16384x1024xf32, #tpu.memory_space<hbm>> -> memref<16384x1024xf32, #tpu.memory_space<hbm>>
    %dma_start3A_970 = tpu.memref_slice %arg6[%dma_start3A_960] : memref<7x!tpu.dma_semaphore, #tpu.memory_space<semaphore_mem>> -> memref<1x!tpu.dma_semaphore, #tpu.memory_space<semaphore_mem>>
    %dma_start3A_971 = tpu.memref_squeeze %dma_start3A_970 : memref<1x!tpu.dma_semaphore, #tpu.memory_space<semaphore_mem>> -> memref<!tpu.dma_semaphore, #tpu.memory_space<semaphore_mem>>
    tpu.enqueue_indirect_dma source(%dma_start3A_969 : memref<16384x1024xf32, #tpu.memory_space<hbm>>) target(%dma_start3A_964 : memref<16x1024xf32, #tpu.memory_space<vmem>>) offsets(%dma_start3A_966 : memref<16xi32, #tpu.memory_space<vmem>>) semaphore(%dma_start3A_971 : memref<!tpu.dma_semaphore, #tpu.memory_space<semaphore_mem>>)
    %dma_wait3A_972 = arith.constant 2 : i32
    %dma_wait3A_973 = arith.constant 2 : i32
    %dma_wait3A_974 = arith.constant 0 : i32
    %dma_wait3A_975 = arith.constant 0 : i32
    %dma_wait3A_976 = tpu.memref_slice %arg5[%dma_wait3A_972, %dma_wait3A_974, %dma_wait3A_975] : memref<7x16x1024xf32, #tpu.memory_space<vmem>> -> memref<1x16x1024xf32, #tpu.memory_space<vmem>>
    %dma_wait3A_977 = tpu.memref_squeeze %dma_wait3A_976 : memref<1x16x1024xf32, #tpu.memory_space<vmem>> -> memref<16x1024xf32, #tpu.memory_space<vmem>>
    %dma_wait3A_978 = arith.constant 144 : i32
    %dma_wait3A_979 = tpu.memref_slice %arg4[%dma_wait3A_978] : memref<512xi32, #tpu.memory_space<vmem>> -> memref<16xi32, #tpu.memory_space<vmem>>
    %dma_wait3A_980 = arith.constant 0 : i32
    %dma_wait3A_981 = arith.constant 0 : i32
    %dma_wait3A_982 = tpu.memref_slice %arg2[%dma_wait3A_980, %dma_wait3A_981] : memref<16384x1024xf32, #tpu.memory_space<hbm>> -> memref<16384x1024xf32, #tpu.memory_space<hbm>>
    %dma_wait3A_983 = tpu.memref_slice %arg6[%dma_wait3A_973] : memref<7x!tpu.dma_semaphore, #tpu.memory_space<semaphore_mem>> -> memref<1x!tpu.dma_semaphore, #tpu.memory_space<semaphore_mem>>
    %dma_wait3A_984 = tpu.memref_squeeze %dma_wait3A_983 : memref<1x!tpu.dma_semaphore, #tpu.memory_space<semaphore_mem>> -> memref<!tpu.dma_semaphore, #tpu.memory_space<semaphore_mem>>
    tpu.wait_indirect_dma semaphore(%dma_wait3A_984 : memref<!tpu.dma_semaphore, #tpu.memory_space<semaphore_mem>>) src(%dma_wait3A_982 : memref<16384x1024xf32, #tpu.memory_space<hbm>>) dst(%dma_wait3A_977 : memref<16x1024xf32, #tpu.memory_space<vmem>>)
    %add3A_985 = arith.constant 144 : i32
    %add3A_986 = arith.addi %mul3A_2, %add3A_985 : i32
    %dma_start3A_987 = arith.constant 2 : i32
    %dma_start3A_988 = arith.constant 2 : i32
    %dma_start3A_989 = arith.constant 0 : i32
    %dma_start3A_990 = arith.constant 0 : i32
    %dma_start3A_991 = tpu.memref_slice %arg5[%dma_start3A_987, %dma_start3A_989, %dma_start3A_990] : memref<7x16x1024xf32, #tpu.memory_space<vmem>> -> memref<1x16x1024xf32, #tpu.memory_space<vmem>>
    %dma_start3A_992 = tpu.memref_squeeze %dma_start3A_991 : memref<1x16x1024xf32, #tpu.memory_space<vmem>> -> memref<16x1024xf32, #tpu.memory_space<vmem>>
    %dma_start3A_993 = arith.constant 0 : i32
    %dma_start3A_994 = tpu.memref_slice %arg3[%add3A_986, %dma_start3A_993] : memref<16384x1024xf32, #tpu.memory_space<hbm>> -> memref<16x1024xf32, #tpu.memory_space<hbm>>
    %dma_start3A_995 = tpu.memref_slice %arg7[%dma_start3A_988] : memref<7x!tpu.dma_semaphore, #tpu.memory_space<semaphore_mem>> -> memref<1x!tpu.dma_semaphore, #tpu.memory_space<semaphore_mem>>
    %dma_start3A_996 = tpu.memref_squeeze %dma_start3A_995 : memref<1x!tpu.dma_semaphore, #tpu.memory_space<semaphore_mem>> -> memref<!tpu.dma_semaphore, #tpu.memory_space<semaphore_mem>>
    %dma_start3A_997 = arith.constant 0 : i32
    %dma_start3A_998 = tpu.memref_slice %arg3[%add3A_986, %dma_start3A_997] : memref<16384x1024xf32, #tpu.memory_space<hbm>> -> memref<16x1024xf32, #tpu.memory_space<hbm>>
    %dma_start3A_999 = arith.constant 0 : i32
    %dma_start3A_1000 = arith.constant 0 : i32
    %dma_start3A_1001 = tpu.memref_slice %arg5[%dma_start3A_987, %dma_start3A_999, %dma_start3A_1000] : memref<7x16x1024xf32, #tpu.memory_space<vmem>> -> memref<1x16x1024xf32, #tpu.memory_space<vmem>>
    %dma_start3A_1002 = tpu.memref_squeeze %dma_start3A_1001 : memref<1x16x1024xf32, #tpu.memory_space<vmem>> -> memref<16x1024xf32, #tpu.memory_space<vmem>>
    tpu.enqueue_dma source(%dma_start3A_1002 : memref<16x1024xf32, #tpu.memory_space<vmem>>) target(%dma_start3A_998 : memref<16x1024xf32, #tpu.memory_space<hbm>>) target_semaphore(%dma_start3A_996 : memref<!tpu.dma_semaphore, #tpu.memory_space<semaphore_mem>>)
    %dma_wait3A_1003 = arith.constant 6 : i32
    %dma_wait3A_1004 = arith.constant 6 : i32
    %dma_wait3A_1005 = arith.constant 0 : i32
    %dma_wait3A_1006 = arith.constant 0 : i32
    %dma_wait3A_1007 = tpu.memref_slice %arg5[%dma_wait3A_1003, %dma_wait3A_1005, %dma_wait3A_1006] : memref<7x16x1024xf32, #tpu.memory_space<vmem>> -> memref<1x16x1024xf32, #tpu.memory_space<vmem>>
    %dma_wait3A_1008 = tpu.memref_squeeze %dma_wait3A_1007 : memref<1x16x1024xf32, #tpu.memory_space<vmem>> -> memref<16x1024xf32, #tpu.memory_space<vmem>>
    %dma_wait3A_1009 = arith.constant 0 : i32
    %dma_wait3A_1010 = tpu.memref_slice %arg3[%add3A_806, %dma_wait3A_1009] : memref<16384x1024xf32, #tpu.memory_space<hbm>> -> memref<16x1024xf32, #tpu.memory_space<hbm>>
    %dma_wait3A_1011 = tpu.memref_slice %arg7[%dma_wait3A_1004] : memref<7x!tpu.dma_semaphore, #tpu.memory_space<semaphore_mem>> -> memref<1x!tpu.dma_semaphore, #tpu.memory_space<semaphore_mem>>
    %dma_wait3A_1012 = tpu.memref_squeeze %dma_wait3A_1011 : memref<1x!tpu.dma_semaphore, #tpu.memory_space<semaphore_mem>> -> memref<!tpu.dma_semaphore, #tpu.memory_space<semaphore_mem>>
    %dma_wait3A_1013 = arith.constant 0 : i32
    %dma_wait3A_1014 = tpu.memref_slice %arg3[%add3A_806, %dma_wait3A_1013] : memref<16384x1024xf32, #tpu.memory_space<hbm>> -> memref<16x1024xf32, #tpu.memory_space<hbm>>
    %dma_wait3A_1015 = arith.constant 0 : i32
    %dma_wait3A_1016 = arith.constant 0 : i32
    %dma_wait3A_1017 = tpu.memref_slice %arg5[%dma_wait3A_1003, %dma_wait3A_1015, %dma_wait3A_1016] : memref<7x16x1024xf32, #tpu.memory_space<vmem>> -> memref<1x16x1024xf32, #tpu.memory_space<vmem>>
    %dma_wait3A_1018 = tpu.memref_squeeze %dma_wait3A_1017 : memref<1x16x1024xf32, #tpu.memory_space<vmem>> -> memref<16x1024xf32, #tpu.memory_space<vmem>>
    tpu.wait_dma2 semaphore(%dma_wait3A_1012 : memref<!tpu.dma_semaphore, #tpu.memory_space<semaphore_mem>>) src(%dma_wait3A_1018 : memref<16x1024xf32, #tpu.memory_space<vmem>>) dst(%dma_wait3A_1014 : memref<16x1024xf32, #tpu.memory_space<hbm>>)
    %dma_start3A_1019 = arith.constant 6 : i32
    %dma_start3A_1020 = arith.constant 6 : i32
    %dma_start3A_1021 = arith.constant 0 : i32
    %dma_start3A_1022 = arith.constant 0 : i32
    %dma_start3A_1023 = tpu.memref_slice %arg5[%dma_start3A_1019, %dma_start3A_1021, %dma_start3A_1022] : memref<7x16x1024xf32, #tpu.memory_space<vmem>> -> memref<1x16x1024xf32, #tpu.memory_space<vmem>>
    %dma_start3A_1024 = tpu.memref_squeeze %dma_start3A_1023 : memref<1x16x1024xf32, #tpu.memory_space<vmem>> -> memref<16x1024xf32, #tpu.memory_space<vmem>>
    %dma_start3A_1025 = arith.constant 208 : i32
    %dma_start3A_1026 = tpu.memref_slice %arg4[%dma_start3A_1025] : memref<512xi32, #tpu.memory_space<vmem>> -> memref<16xi32, #tpu.memory_space<vmem>>
    %dma_start3A_1027 = arith.constant 0 : i32
    %dma_start3A_1028 = arith.constant 0 : i32
    %dma_start3A_1029 = tpu.memref_slice %arg2[%dma_start3A_1027, %dma_start3A_1028] : memref<16384x1024xf32, #tpu.memory_space<hbm>> -> memref<16384x1024xf32, #tpu.memory_space<hbm>>
    %dma_start3A_1030 = tpu.memref_slice %arg6[%dma_start3A_1020] : memref<7x!tpu.dma_semaphore, #tpu.memory_space<semaphore_mem>> -> memref<1x!tpu.dma_semaphore, #tpu.memory_space<semaphore_mem>>
    %dma_start3A_1031 = tpu.memref_squeeze %dma_start3A_1030 : memref<1x!tpu.dma_semaphore, #tpu.memory_space<semaphore_mem>> -> memref<!tpu.dma_semaphore, #tpu.memory_space<semaphore_mem>>
    tpu.enqueue_indirect_dma source(%dma_start3A_1029 : memref<16384x1024xf32, #tpu.memory_space<hbm>>) target(%dma_start3A_1024 : memref<16x1024xf32, #tpu.memory_space<vmem>>) offsets(%dma_start3A_1026 : memref<16xi32, #tpu.memory_space<vmem>>) semaphore(%dma_start3A_1031 : memref<!tpu.dma_semaphore, #tpu.memory_space<semaphore_mem>>)
    %dma_wait3A_1032 = arith.constant 3 : i32
    %dma_wait3A_1033 = arith.constant 3 : i32
    %dma_wait3A_1034 = arith.constant 0 : i32
    %dma_wait3A_1035 = arith.constant 0 : i32
    %dma_wait3A_1036 = tpu.memref_slice %arg5[%dma_wait3A_1032, %dma_wait3A_1034, %dma_wait3A_1035] : memref<7x16x1024xf32, #tpu.memory_space<vmem>> -> memref<1x16x1024xf32, #tpu.memory_space<vmem>>
    %dma_wait3A_1037 = tpu.memref_squeeze %dma_wait3A_1036 : memref<1x16x1024xf32, #tpu.memory_space<vmem>> -> memref<16x1024xf32, #tpu.memory_space<vmem>>
    %dma_wait3A_1038 = arith.constant 160 : i32
    %dma_wait3A_1039 = tpu.memref_slice %arg4[%dma_wait3A_1038] : memref<512xi32, #tpu.memory_space<vmem>> -> memref<16xi32, #tpu.memory_space<vmem>>
    %dma_wait3A_1040 = arith.constant 0 : i32
    %dma_wait3A_1041 = arith.constant 0 : i32
    %dma_wait3A_1042 = tpu.memref_slice %arg2[%dma_wait3A_1040, %dma_wait3A_1041] : memref<16384x1024xf32, #tpu.memory_space<hbm>> -> memref<16384x1024xf32, #tpu.memory_space<hbm>>
    %dma_wait3A_1043 = tpu.memref_slice %arg6[%dma_wait3A_1033] : memref<7x!tpu.dma_semaphore, #tpu.memory_space<semaphore_mem>> -> memref<1x!tpu.dma_semaphore, #tpu.memory_space<semaphore_mem>>
    %dma_wait3A_1044 = tpu.memref_squeeze %dma_wait3A_1043 : memref<1x!tpu.dma_semaphore, #tpu.memory_space<semaphore_mem>> -> memref<!tpu.dma_semaphore, #tpu.memory_space<semaphore_mem>>
    tpu.wait_indirect_dma semaphore(%dma_wait3A_1044 : memref<!tpu.dma_semaphore, #tpu.memory_space<semaphore_mem>>) src(%dma_wait3A_1042 : memref<16384x1024xf32, #tpu.memory_space<hbm>>) dst(%dma_wait3A_1037 : memref<16x1024xf32, #tpu.memory_space<vmem>>)
    %add3A_1045 = arith.constant 160 : i32
    %add3A_1046 = arith.addi %mul3A_2, %add3A_1045 : i32
    %dma_start3A_1047 = arith.constant 3 : i32
    %dma_start3A_1048 = arith.constant 3 : i32
    %dma_start3A_1049 = arith.constant 0 : i32
    %dma_start3A_1050 = arith.constant 0 : i32
    %dma_start3A_1051 = tpu.memref_slice %arg5[%dma_start3A_1047, %dma_start3A_1049, %dma_start3A_1050] : memref<7x16x1024xf32, #tpu.memory_space<vmem>> -> memref<1x16x1024xf32, #tpu.memory_space<vmem>>
    %dma_start3A_1052 = tpu.memref_squeeze %dma_start3A_1051 : memref<1x16x1024xf32, #tpu.memory_space<vmem>> -> memref<16x1024xf32, #tpu.memory_space<vmem>>
    %dma_start3A_1053 = arith.constant 0 : i32
    %dma_start3A_1054 = tpu.memref_slice %arg3[%add3A_1046, %dma_start3A_1053] : memref<16384x1024xf32, #tpu.memory_space<hbm>> -> memref<16x1024xf32, #tpu.memory_space<hbm>>
    %dma_start3A_1055 = tpu.memref_slice %arg7[%dma_start3A_1048] : memref<7x!tpu.dma_semaphore, #tpu.memory_space<semaphore_mem>> -> memref<1x!tpu.dma_semaphore, #tpu.memory_space<semaphore_mem>>
    %dma_start3A_1056 = tpu.memref_squeeze %dma_start3A_1055 : memref<1x!tpu.dma_semaphore, #tpu.memory_space<semaphore_mem>> -> memref<!tpu.dma_semaphore, #tpu.memory_space<semaphore_mem>>
    %dma_start3A_1057 = arith.constant 0 : i32
    %dma_start3A_1058 = tpu.memref_slice %arg3[%add3A_1046, %dma_start3A_1057] : memref<16384x1024xf32, #tpu.memory_space<hbm>> -> memref<16x1024xf32, #tpu.memory_space<hbm>>
    %dma_start3A_1059 = arith.constant 0 : i32
    %dma_start3A_1060 = arith.constant 0 : i32
    %dma_start3A_1061 = tpu.memref_slice %arg5[%dma_start3A_1047, %dma_start3A_1059, %dma_start3A_1060] : memref<7x16x1024xf32, #tpu.memory_space<vmem>> -> memref<1x16x1024xf32, #tpu.memory_space<vmem>>
    %dma_start3A_1062 = tpu.memref_squeeze %dma_start3A_1061 : memref<1x16x1024xf32, #tpu.memory_space<vmem>> -> memref<16x1024xf32, #tpu.memory_space<vmem>>
    tpu.enqueue_dma source(%dma_start3A_1062 : memref<16x1024xf32, #tpu.memory_space<vmem>>) target(%dma_start3A_1058 : memref<16x1024xf32, #tpu.memory_space<hbm>>) target_semaphore(%dma_start3A_1056 : memref<!tpu.dma_semaphore, #tpu.memory_space<semaphore_mem>>)
    %dma_wait3A_1063 = arith.constant 0 : i32
    %dma_wait3A_1064 = arith.constant 0 : i32
    %dma_wait3A_1065 = arith.constant 0 : i32
    %dma_wait3A_1066 = arith.constant 0 : i32
    %dma_wait3A_1067 = tpu.memref_slice %arg5[%dma_wait3A_1063, %dma_wait3A_1065, %dma_wait3A_1066] : memref<7x16x1024xf32, #tpu.memory_space<vmem>> -> memref<1x16x1024xf32, #tpu.memory_space<vmem>>
    %dma_wait3A_1068 = tpu.memref_squeeze %dma_wait3A_1067 : memref<1x16x1024xf32, #tpu.memory_space<vmem>> -> memref<16x1024xf32, #tpu.memory_space<vmem>>
    %dma_wait3A_1069 = arith.constant 0 : i32
    %dma_wait3A_1070 = tpu.memref_slice %arg3[%add3A_866, %dma_wait3A_1069] : memref<16384x1024xf32, #tpu.memory_space<hbm>> -> memref<16x1024xf32, #tpu.memory_space<hbm>>
    %dma_wait3A_1071 = tpu.memref_slice %arg7[%dma_wait3A_1064] : memref<7x!tpu.dma_semaphore, #tpu.memory_space<semaphore_mem>> -> memref<1x!tpu.dma_semaphore, #tpu.memory_space<semaphore_mem>>
    %dma_wait3A_1072 = tpu.memref_squeeze %dma_wait3A_1071 : memref<1x!tpu.dma_semaphore, #tpu.memory_space<semaphore_mem>> -> memref<!tpu.dma_semaphore, #tpu.memory_space<semaphore_mem>>
    %dma_wait3A_1073 = arith.constant 0 : i32
    %dma_wait3A_1074 = tpu.memref_slice %arg3[%add3A_866, %dma_wait3A_1073] : memref<16384x1024xf32, #tpu.memory_space<hbm>> -> memref<16x1024xf32, #tpu.memory_space<hbm>>
    %dma_wait3A_1075 = arith.constant 0 : i32
    %dma_wait3A_1076 = arith.constant 0 : i32
    %dma_wait3A_1077 = tpu.memref_slice %arg5[%dma_wait3A_1063, %dma_wait3A_1075, %dma_wait3A_1076] : memref<7x16x1024xf32, #tpu.memory_space<vmem>> -> memref<1x16x1024xf32, #tpu.memory_space<vmem>>
    %dma_wait3A_1078 = tpu.memref_squeeze %dma_wait3A_1077 : memref<1x16x1024xf32, #tpu.memory_space<vmem>> -> memref<16x1024xf32, #tpu.memory_space<vmem>>
    tpu.wait_dma2 semaphore(%dma_wait3A_1072 : memref<!tpu.dma_semaphore, #tpu.memory_space<semaphore_mem>>) src(%dma_wait3A_1078 : memref<16x1024xf32, #tpu.memory_space<vmem>>) dst(%dma_wait3A_1074 : memref<16x1024xf32, #tpu.memory_space<hbm>>)
    %dma_start3A_1079 = arith.constant 0 : i32
    %dma_start3A_1080 = arith.constant 0 : i32
    %dma_start3A_1081 = arith.constant 0 : i32
    %dma_start3A_1082 = arith.constant 0 : i32
    %dma_start3A_1083 = tpu.memref_slice %arg5[%dma_start3A_1079, %dma_start3A_1081, %dma_start3A_1082] : memref<7x16x1024xf32, #tpu.memory_space<vmem>> -> memref<1x16x1024xf32, #tpu.memory_space<vmem>>
    %dma_start3A_1084 = tpu.memref_squeeze %dma_start3A_1083 : memref<1x16x1024xf32, #tpu.memory_space<vmem>> -> memref<16x1024xf32, #tpu.memory_space<vmem>>
    %dma_start3A_1085 = arith.constant 224 : i32
    %dma_start3A_1086 = tpu.memref_slice %arg4[%dma_start3A_1085] : memref<512xi32, #tpu.memory_space<vmem>> -> memref<16xi32, #tpu.memory_space<vmem>>
    %dma_start3A_1087 = arith.constant 0 : i32
    %dma_start3A_1088 = arith.constant 0 : i32
    %dma_start3A_1089 = tpu.memref_slice %arg2[%dma_start3A_1087, %dma_start3A_1088] : memref<16384x1024xf32, #tpu.memory_space<hbm>> -> memref<16384x1024xf32, #tpu.memory_space<hbm>>
    %dma_start3A_1090 = tpu.memref_slice %arg6[%dma_start3A_1080] : memref<7x!tpu.dma_semaphore, #tpu.memory_space<semaphore_mem>> -> memref<1x!tpu.dma_semaphore, #tpu.memory_space<semaphore_mem>>
    %dma_start3A_1091 = tpu.memref_squeeze %dma_start3A_1090 : memref<1x!tpu.dma_semaphore, #tpu.memory_space<semaphore_mem>> -> memref<!tpu.dma_semaphore, #tpu.memory_space<semaphore_mem>>
    tpu.enqueue_indirect_dma source(%dma_start3A_1089 : memref<16384x1024xf32, #tpu.memory_space<hbm>>) target(%dma_start3A_1084 : memref<16x1024xf32, #tpu.memory_space<vmem>>) offsets(%dma_start3A_1086 : memref<16xi32, #tpu.memory_space<vmem>>) semaphore(%dma_start3A_1091 : memref<!tpu.dma_semaphore, #tpu.memory_space<semaphore_mem>>)
    %dma_wait3A_1092 = arith.constant 4 : i32
    %dma_wait3A_1093 = arith.constant 4 : i32
    %dma_wait3A_1094 = arith.constant 0 : i32
    %dma_wait3A_1095 = arith.constant 0 : i32
    %dma_wait3A_1096 = tpu.memref_slice %arg5[%dma_wait3A_1092, %dma_wait3A_1094, %dma_wait3A_1095] : memref<7x16x1024xf32, #tpu.memory_space<vmem>> -> memref<1x16x1024xf32, #tpu.memory_space<vmem>>
    %dma_wait3A_1097 = tpu.memref_squeeze %dma_wait3A_1096 : memref<1x16x1024xf32, #tpu.memory_space<vmem>> -> memref<16x1024xf32, #tpu.memory_space<vmem>>
    %dma_wait3A_1098 = arith.constant 176 : i32
    %dma_wait3A_1099 = tpu.memref_slice %arg4[%dma_wait3A_1098] : memref<512xi32, #tpu.memory_space<vmem>> -> memref<16xi32, #tpu.memory_space<vmem>>
    %dma_wait3A_1100 = arith.constant 0 : i32
    %dma_wait3A_1101 = arith.constant 0 : i32
    %dma_wait3A_1102 = tpu.memref_slice %arg2[%dma_wait3A_1100, %dma_wait3A_1101] : memref<16384x1024xf32, #tpu.memory_space<hbm>> -> memref<16384x1024xf32, #tpu.memory_space<hbm>>
    %dma_wait3A_1103 = tpu.memref_slice %arg6[%dma_wait3A_1093] : memref<7x!tpu.dma_semaphore, #tpu.memory_space<semaphore_mem>> -> memref<1x!tpu.dma_semaphore, #tpu.memory_space<semaphore_mem>>
    %dma_wait3A_1104 = tpu.memref_squeeze %dma_wait3A_1103 : memref<1x!tpu.dma_semaphore, #tpu.memory_space<semaphore_mem>> -> memref<!tpu.dma_semaphore, #tpu.memory_space<semaphore_mem>>
    tpu.wait_indirect_dma semaphore(%dma_wait3A_1104 : memref<!tpu.dma_semaphore, #tpu.memory_space<semaphore_mem>>) src(%dma_wait3A_1102 : memref<16384x1024xf32, #tpu.memory_space<hbm>>) dst(%dma_wait3A_1097 : memref<16x1024xf32, #tpu.memory_space<vmem>>)
    %add3A_1105 = arith.constant 176 : i32
    %add3A_1106 = arith.addi %mul3A_2, %add3A_1105 : i32
    %dma_start3A_1107 = arith.constant 4 : i32
    %dma_start3A_1108 = arith.constant 4 : i32
    %dma_start3A_1109 = arith.constant 0 : i32
    %dma_start3A_1110 = arith.constant 0 : i32
    %dma_start3A_1111 = tpu.memref_slice %arg5[%dma_start3A_1107, %dma_start3A_1109, %dma_start3A_1110] : memref<7x16x1024xf32, #tpu.memory_space<vmem>> -> memref<1x16x1024xf32, #tpu.memory_space<vmem>>
    %dma_start3A_1112 = tpu.memref_squeeze %dma_start3A_1111 : memref<1x16x1024xf32, #tpu.memory_space<vmem>> -> memref<16x1024xf32, #tpu.memory_space<vmem>>
    %dma_start3A_1113 = arith.constant 0 : i32
    %dma_start3A_1114 = tpu.memref_slice %arg3[%add3A_1106, %dma_start3A_1113] : memref<16384x1024xf32, #tpu.memory_space<hbm>> -> memref<16x1024xf32, #tpu.memory_space<hbm>>
    %dma_start3A_1115 = tpu.memref_slice %arg7[%dma_start3A_1108] : memref<7x!tpu.dma_semaphore, #tpu.memory_space<semaphore_mem>> -> memref<1x!tpu.dma_semaphore, #tpu.memory_space<semaphore_mem>>
    %dma_start3A_1116 = tpu.memref_squeeze %dma_start3A_1115 : memref<1x!tpu.dma_semaphore, #tpu.memory_space<semaphore_mem>> -> memref<!tpu.dma_semaphore, #tpu.memory_space<semaphore_mem>>
    %dma_start3A_1117 = arith.constant 0 : i32
    %dma_start3A_1118 = tpu.memref_slice %arg3[%add3A_1106, %dma_start3A_1117] : memref<16384x1024xf32, #tpu.memory_space<hbm>> -> memref<16x1024xf32, #tpu.memory_space<hbm>>
    %dma_start3A_1119 = arith.constant 0 : i32
    %dma_start3A_1120 = arith.constant 0 : i32
    %dma_start3A_1121 = tpu.memref_slice %arg5[%dma_start3A_1107, %dma_start3A_1119, %dma_start3A_1120] : memref<7x16x1024xf32, #tpu.memory_space<vmem>> -> memref<1x16x1024xf32, #tpu.memory_space<vmem>>
    %dma_start3A_1122 = tpu.memref_squeeze %dma_start3A_1121 : memref<1x16x1024xf32, #tpu.memory_space<vmem>> -> memref<16x1024xf32, #tpu.memory_space<vmem>>
    tpu.enqueue_dma source(%dma_start3A_1122 : memref<16x1024xf32, #tpu.memory_space<vmem>>) target(%dma_start3A_1118 : memref<16x1024xf32, #tpu.memory_space<hbm>>) target_semaphore(%dma_start3A_1116 : memref<!tpu.dma_semaphore, #tpu.memory_space<semaphore_mem>>)
    %dma_wait3A_1123 = arith.constant 1 : i32
    %dma_wait3A_1124 = arith.constant 1 : i32
    %dma_wait3A_1125 = arith.constant 0 : i32
    %dma_wait3A_1126 = arith.constant 0 : i32
    %dma_wait3A_1127 = tpu.memref_slice %arg5[%dma_wait3A_1123, %dma_wait3A_1125, %dma_wait3A_1126] : memref<7x16x1024xf32, #tpu.memory_space<vmem>> -> memref<1x16x1024xf32, #tpu.memory_space<vmem>>
    %dma_wait3A_1128 = tpu.memref_squeeze %dma_wait3A_1127 : memref<1x16x1024xf32, #tpu.memory_space<vmem>> -> memref<16x1024xf32, #tpu.memory_space<vmem>>
    %dma_wait3A_1129 = arith.constant 0 : i32
    %dma_wait3A_1130 = tpu.memref_slice %arg3[%add3A_926, %dma_wait3A_1129] : memref<16384x1024xf32, #tpu.memory_space<hbm>> -> memref<16x1024xf32, #tpu.memory_space<hbm>>
    %dma_wait3A_1131 = tpu.memref_slice %arg7[%dma_wait3A_1124] : memref<7x!tpu.dma_semaphore, #tpu.memory_space<semaphore_mem>> -> memref<1x!tpu.dma_semaphore, #tpu.memory_space<semaphore_mem>>
    %dma_wait3A_1132 = tpu.memref_squeeze %dma_wait3A_1131 : memref<1x!tpu.dma_semaphore, #tpu.memory_space<semaphore_mem>> -> memref<!tpu.dma_semaphore, #tpu.memory_space<semaphore_mem>>
    %dma_wait3A_1133 = arith.constant 0 : i32
    %dma_wait3A_1134 = tpu.memref_slice %arg3[%add3A_926, %dma_wait3A_1133] : memref<16384x1024xf32, #tpu.memory_space<hbm>> -> memref<16x1024xf32, #tpu.memory_space<hbm>>
    %dma_wait3A_1135 = arith.constant 0 : i32
    %dma_wait3A_1136 = arith.constant 0 : i32
    %dma_wait3A_1137 = tpu.memref_slice %arg5[%dma_wait3A_1123, %dma_wait3A_1135, %dma_wait3A_1136] : memref<7x16x1024xf32, #tpu.memory_space<vmem>> -> memref<1x16x1024xf32, #tpu.memory_space<vmem>>
    %dma_wait3A_1138 = tpu.memref_squeeze %dma_wait3A_1137 : memref<1x16x1024xf32, #tpu.memory_space<vmem>> -> memref<16x1024xf32, #tpu.memory_space<vmem>>
    tpu.wait_dma2 semaphore(%dma_wait3A_1132 : memref<!tpu.dma_semaphore, #tpu.memory_space<semaphore_mem>>) src(%dma_wait3A_1138 : memref<16x1024xf32, #tpu.memory_space<vmem>>) dst(%dma_wait3A_1134 : memref<16x1024xf32, #tpu.memory_space<hbm>>)
    %dma_start3A_1139 = arith.constant 1 : i32
    %dma_start3A_1140 = arith.constant 1 : i32
    %dma_start3A_1141 = arith.constant 0 : i32
    %dma_start3A_1142 = arith.constant 0 : i32
    %dma_start3A_1143 = tpu.memref_slice %arg5[%dma_start3A_1139, %dma_start3A_1141, %dma_start3A_1142] : memref<7x16x1024xf32, #tpu.memory_space<vmem>> -> memref<1x16x1024xf32, #tpu.memory_space<vmem>>
    %dma_start3A_1144 = tpu.memref_squeeze %dma_start3A_1143 : memref<1x16x1024xf32, #tpu.memory_space<vmem>> -> memref<16x1024xf32, #tpu.memory_space<vmem>>
    %dma_start3A_1145 = arith.constant 240 : i32
    %dma_start3A_1146 = tpu.memref_slice %arg4[%dma_start3A_1145] : memref<512xi32, #tpu.memory_space<vmem>> -> memref<16xi32, #tpu.memory_space<vmem>>
    %dma_start3A_1147 = arith.constant 0 : i32
    %dma_start3A_1148 = arith.constant 0 : i32
    %dma_start3A_1149 = tpu.memref_slice %arg2[%dma_start3A_1147, %dma_start3A_1148] : memref<16384x1024xf32, #tpu.memory_space<hbm>> -> memref<16384x1024xf32, #tpu.memory_space<hbm>>
    %dma_start3A_1150 = tpu.memref_slice %arg6[%dma_start3A_1140] : memref<7x!tpu.dma_semaphore, #tpu.memory_space<semaphore_mem>> -> memref<1x!tpu.dma_semaphore, #tpu.memory_space<semaphore_mem>>
    %dma_start3A_1151 = tpu.memref_squeeze %dma_start3A_1150 : memref<1x!tpu.dma_semaphore, #tpu.memory_space<semaphore_mem>> -> memref<!tpu.dma_semaphore, #tpu.memory_space<semaphore_mem>>
    tpu.enqueue_indirect_dma source(%dma_start3A_1149 : memref<16384x1024xf32, #tpu.memory_space<hbm>>) target(%dma_start3A_1144 : memref<16x1024xf32, #tpu.memory_space<vmem>>) offsets(%dma_start3A_1146 : memref<16xi32, #tpu.memory_space<vmem>>) semaphore(%dma_start3A_1151 : memref<!tpu.dma_semaphore, #tpu.memory_space<semaphore_mem>>)
    %dma_wait3A_1152 = arith.constant 5 : i32
    %dma_wait3A_1153 = arith.constant 5 : i32
    %dma_wait3A_1154 = arith.constant 0 : i32
    %dma_wait3A_1155 = arith.constant 0 : i32
    %dma_wait3A_1156 = tpu.memref_slice %arg5[%dma_wait3A_1152, %dma_wait3A_1154, %dma_wait3A_1155] : memref<7x16x1024xf32, #tpu.memory_space<vmem>> -> memref<1x16x1024xf32, #tpu.memory_space<vmem>>
    %dma_wait3A_1157 = tpu.memref_squeeze %dma_wait3A_1156 : memref<1x16x1024xf32, #tpu.memory_space<vmem>> -> memref<16x1024xf32, #tpu.memory_space<vmem>>
    %dma_wait3A_1158 = arith.constant 192 : i32
    %dma_wait3A_1159 = tpu.memref_slice %arg4[%dma_wait3A_1158] : memref<512xi32, #tpu.memory_space<vmem>> -> memref<16xi32, #tpu.memory_space<vmem>>
    %dma_wait3A_1160 = arith.constant 0 : i32
    %dma_wait3A_1161 = arith.constant 0 : i32
    %dma_wait3A_1162 = tpu.memref_slice %arg2[%dma_wait3A_1160, %dma_wait3A_1161] : memref<16384x1024xf32, #tpu.memory_space<hbm>> -> memref<16384x1024xf32, #tpu.memory_space<hbm>>
    %dma_wait3A_1163 = tpu.memref_slice %arg6[%dma_wait3A_1153] : memref<7x!tpu.dma_semaphore, #tpu.memory_space<semaphore_mem>> -> memref<1x!tpu.dma_semaphore, #tpu.memory_space<semaphore_mem>>
    %dma_wait3A_1164 = tpu.memref_squeeze %dma_wait3A_1163 : memref<1x!tpu.dma_semaphore, #tpu.memory_space<semaphore_mem>> -> memref<!tpu.dma_semaphore, #tpu.memory_space<semaphore_mem>>
    tpu.wait_indirect_dma semaphore(%dma_wait3A_1164 : memref<!tpu.dma_semaphore, #tpu.memory_space<semaphore_mem>>) src(%dma_wait3A_1162 : memref<16384x1024xf32, #tpu.memory_space<hbm>>) dst(%dma_wait3A_1157 : memref<16x1024xf32, #tpu.memory_space<vmem>>)
    %add3A_1165 = arith.constant 192 : i32
    %add3A_1166 = arith.addi %mul3A_2, %add3A_1165 : i32
    %dma_start3A_1167 = arith.constant 5 : i32
    %dma_start3A_1168 = arith.constant 5 : i32
    %dma_start3A_1169 = arith.constant 0 : i32
    %dma_start3A_1170 = arith.constant 0 : i32
    %dma_start3A_1171 = tpu.memref_slice %arg5[%dma_start3A_1167, %dma_start3A_1169, %dma_start3A_1170] : memref<7x16x1024xf32, #tpu.memory_space<vmem>> -> memref<1x16x1024xf32, #tpu.memory_space<vmem>>
    %dma_start3A_1172 = tpu.memref_squeeze %dma_start3A_1171 : memref<1x16x1024xf32, #tpu.memory_space<vmem>> -> memref<16x1024xf32, #tpu.memory_space<vmem>>
    %dma_start3A_1173 = arith.constant 0 : i32
    %dma_start3A_1174 = tpu.memref_slice %arg3[%add3A_1166, %dma_start3A_1173] : memref<16384x1024xf32, #tpu.memory_space<hbm>> -> memref<16x1024xf32, #tpu.memory_space<hbm>>
    %dma_start3A_1175 = tpu.memref_slice %arg7[%dma_start3A_1168] : memref<7x!tpu.dma_semaphore, #tpu.memory_space<semaphore_mem>> -> memref<1x!tpu.dma_semaphore, #tpu.memory_space<semaphore_mem>>
    %dma_start3A_1176 = tpu.memref_squeeze %dma_start3A_1175 : memref<1x!tpu.dma_semaphore, #tpu.memory_space<semaphore_mem>> -> memref<!tpu.dma_semaphore, #tpu.memory_space<semaphore_mem>>
    %dma_start3A_1177 = arith.constant 0 : i32
    %dma_start3A_1178 = tpu.memref_slice %arg3[%add3A_1166, %dma_start3A_1177] : memref<16384x1024xf32, #tpu.memory_space<hbm>> -> memref<16x1024xf32, #tpu.memory_space<hbm>>
    %dma_start3A_1179 = arith.constant 0 : i32
    %dma_start3A_1180 = arith.constant 0 : i32
    %dma_start3A_1181 = tpu.memref_slice %arg5[%dma_start3A_1167, %dma_start3A_1179, %dma_start3A_1180] : memref<7x16x1024xf32, #tpu.memory_space<vmem>> -> memref<1x16x1024xf32, #tpu.memory_space<vmem>>
    %dma_start3A_1182 = tpu.memref_squeeze %dma_start3A_1181 : memref<1x16x1024xf32, #tpu.memory_space<vmem>> -> memref<16x1024xf32, #tpu.memory_space<vmem>>
    tpu.enqueue_dma source(%dma_start3A_1182 : memref<16x1024xf32, #tpu.memory_space<vmem>>) target(%dma_start3A_1178 : memref<16x1024xf32, #tpu.memory_space<hbm>>) target_semaphore(%dma_start3A_1176 : memref<!tpu.dma_semaphore, #tpu.memory_space<semaphore_mem>>)
    %dma_wait3A_1183 = arith.constant 2 : i32
    %dma_wait3A_1184 = arith.constant 2 : i32
    %dma_wait3A_1185 = arith.constant 0 : i32
    %dma_wait3A_1186 = arith.constant 0 : i32
    %dma_wait3A_1187 = tpu.memref_slice %arg5[%dma_wait3A_1183, %dma_wait3A_1185, %dma_wait3A_1186] : memref<7x16x1024xf32, #tpu.memory_space<vmem>> -> memref<1x16x1024xf32, #tpu.memory_space<vmem>>
    %dma_wait3A_1188 = tpu.memref_squeeze %dma_wait3A_1187 : memref<1x16x1024xf32, #tpu.memory_space<vmem>> -> memref<16x1024xf32, #tpu.memory_space<vmem>>
    %dma_wait3A_1189 = arith.constant 0 : i32
    %dma_wait3A_1190 = tpu.memref_slice %arg3[%add3A_986, %dma_wait3A_1189] : memref<16384x1024xf32, #tpu.memory_space<hbm>> -> memref<16x1024xf32, #tpu.memory_space<hbm>>
    %dma_wait3A_1191 = tpu.memref_slice %arg7[%dma_wait3A_1184] : memref<7x!tpu.dma_semaphore, #tpu.memory_space<semaphore_mem>> -> memref<1x!tpu.dma_semaphore, #tpu.memory_space<semaphore_mem>>
    %dma_wait3A_1192 = tpu.memref_squeeze %dma_wait3A_1191 : memref<1x!tpu.dma_semaphore, #tpu.memory_space<semaphore_mem>> -> memref<!tpu.dma_semaphore, #tpu.memory_space<semaphore_mem>>
    %dma_wait3A_1193 = arith.constant 0 : i32
    %dma_wait3A_1194 = tpu.memref_slice %arg3[%add3A_986, %dma_wait3A_1193] : memref<16384x1024xf32, #tpu.memory_space<hbm>> -> memref<16x1024xf32, #tpu.memory_space<hbm>>
    %dma_wait3A_1195 = arith.constant 0 : i32
    %dma_wait3A_1196 = arith.constant 0 : i32
    %dma_wait3A_1197 = tpu.memref_slice %arg5[%dma_wait3A_1183, %dma_wait3A_1195, %dma_wait3A_1196] : memref<7x16x1024xf32, #tpu.memory_space<vmem>> -> memref<1x16x1024xf32, #tpu.memory_space<vmem>>
    %dma_wait3A_1198 = tpu.memref_squeeze %dma_wait3A_1197 : memref<1x16x1024xf32, #tpu.memory_space<vmem>> -> memref<16x1024xf32, #tpu.memory_space<vmem>>
    tpu.wait_dma2 semaphore(%dma_wait3A_1192 : memref<!tpu.dma_semaphore, #tpu.memory_space<semaphore_mem>>) src(%dma_wait3A_1198 : memref<16x1024xf32, #tpu.memory_space<vmem>>) dst(%dma_wait3A_1194 : memref<16x1024xf32, #tpu.memory_space<hbm>>)
    %dma_start3A_1199 = arith.constant 2 : i32
    %dma_start3A_1200 = arith.constant 2 : i32
    %dma_start3A_1201 = arith.constant 0 : i32
    %dma_start3A_1202 = arith.constant 0 : i32
    %dma_start3A_1203 = tpu.memref_slice %arg5[%dma_start3A_1199, %dma_start3A_1201, %dma_start3A_1202] : memref<7x16x1024xf32, #tpu.memory_space<vmem>> -> memref<1x16x1024xf32, #tpu.memory_space<vmem>>
    %dma_start3A_1204 = tpu.memref_squeeze %dma_start3A_1203 : memref<1x16x1024xf32, #tpu.memory_space<vmem>> -> memref<16x1024xf32, #tpu.memory_space<vmem>>
    %dma_start3A_1205 = arith.constant 256 : i32
    %dma_start3A_1206 = tpu.memref_slice %arg4[%dma_start3A_1205] : memref<512xi32, #tpu.memory_space<vmem>> -> memref<16xi32, #tpu.memory_space<vmem>>
    %dma_start3A_1207 = arith.constant 0 : i32
    %dma_start3A_1208 = arith.constant 0 : i32
    %dma_start3A_1209 = tpu.memref_slice %arg2[%dma_start3A_1207, %dma_start3A_1208] : memref<16384x1024xf32, #tpu.memory_space<hbm>> -> memref<16384x1024xf32, #tpu.memory_space<hbm>>
    %dma_start3A_1210 = tpu.memref_slice %arg6[%dma_start3A_1200] : memref<7x!tpu.dma_semaphore, #tpu.memory_space<semaphore_mem>> -> memref<1x!tpu.dma_semaphore, #tpu.memory_space<semaphore_mem>>
    %dma_start3A_1211 = tpu.memref_squeeze %dma_start3A_1210 : memref<1x!tpu.dma_semaphore, #tpu.memory_space<semaphore_mem>> -> memref<!tpu.dma_semaphore, #tpu.memory_space<semaphore_mem>>
    tpu.enqueue_indirect_dma source(%dma_start3A_1209 : memref<16384x1024xf32, #tpu.memory_space<hbm>>) target(%dma_start3A_1204 : memref<16x1024xf32, #tpu.memory_space<vmem>>) offsets(%dma_start3A_1206 : memref<16xi32, #tpu.memory_space<vmem>>) semaphore(%dma_start3A_1211 : memref<!tpu.dma_semaphore, #tpu.memory_space<semaphore_mem>>)
    %dma_wait3A_1212 = arith.constant 6 : i32
    %dma_wait3A_1213 = arith.constant 6 : i32
    %dma_wait3A_1214 = arith.constant 0 : i32
    %dma_wait3A_1215 = arith.constant 0 : i32
    %dma_wait3A_1216 = tpu.memref_slice %arg5[%dma_wait3A_1212, %dma_wait3A_1214, %dma_wait3A_1215] : memref<7x16x1024xf32, #tpu.memory_space<vmem>> -> memref<1x16x1024xf32, #tpu.memory_space<vmem>>
    %dma_wait3A_1217 = tpu.memref_squeeze %dma_wait3A_1216 : memref<1x16x1024xf32, #tpu.memory_space<vmem>> -> memref<16x1024xf32, #tpu.memory_space<vmem>>
    %dma_wait3A_1218 = arith.constant 208 : i32
    %dma_wait3A_1219 = tpu.memref_slice %arg4[%dma_wait3A_1218] : memref<512xi32, #tpu.memory_space<vmem>> -> memref<16xi32, #tpu.memory_space<vmem>>
    %dma_wait3A_1220 = arith.constant 0 : i32
    %dma_wait3A_1221 = arith.constant 0 : i32
    %dma_wait3A_1222 = tpu.memref_slice %arg2[%dma_wait3A_1220, %dma_wait3A_1221] : memref<16384x1024xf32, #tpu.memory_space<hbm>> -> memref<16384x1024xf32, #tpu.memory_space<hbm>>
    %dma_wait3A_1223 = tpu.memref_slice %arg6[%dma_wait3A_1213] : memref<7x!tpu.dma_semaphore, #tpu.memory_space<semaphore_mem>> -> memref<1x!tpu.dma_semaphore, #tpu.memory_space<semaphore_mem>>
    %dma_wait3A_1224 = tpu.memref_squeeze %dma_wait3A_1223 : memref<1x!tpu.dma_semaphore, #tpu.memory_space<semaphore_mem>> -> memref<!tpu.dma_semaphore, #tpu.memory_space<semaphore_mem>>
    tpu.wait_indirect_dma semaphore(%dma_wait3A_1224 : memref<!tpu.dma_semaphore, #tpu.memory_space<semaphore_mem>>) src(%dma_wait3A_1222 : memref<16384x1024xf32, #tpu.memory_space<hbm>>) dst(%dma_wait3A_1217 : memref<16x1024xf32, #tpu.memory_space<vmem>>)
    %add3A_1225 = arith.constant 208 : i32
    %add3A_1226 = arith.addi %mul3A_2, %add3A_1225 : i32
    %dma_start3A_1227 = arith.constant 6 : i32
    %dma_start3A_1228 = arith.constant 6 : i32
    %dma_start3A_1229 = arith.constant 0 : i32
    %dma_start3A_1230 = arith.constant 0 : i32
    %dma_start3A_1231 = tpu.memref_slice %arg5[%dma_start3A_1227, %dma_start3A_1229, %dma_start3A_1230] : memref<7x16x1024xf32, #tpu.memory_space<vmem>> -> memref<1x16x1024xf32, #tpu.memory_space<vmem>>
    %dma_start3A_1232 = tpu.memref_squeeze %dma_start3A_1231 : memref<1x16x1024xf32, #tpu.memory_space<vmem>> -> memref<16x1024xf32, #tpu.memory_space<vmem>>
    %dma_start3A_1233 = arith.constant 0 : i32
    %dma_start3A_1234 = tpu.memref_slice %arg3[%add3A_1226, %dma_start3A_1233] : memref<16384x1024xf32, #tpu.memory_space<hbm>> -> memref<16x1024xf32, #tpu.memory_space<hbm>>
    %dma_start3A_1235 = tpu.memref_slice %arg7[%dma_start3A_1228] : memref<7x!tpu.dma_semaphore, #tpu.memory_space<semaphore_mem>> -> memref<1x!tpu.dma_semaphore, #tpu.memory_space<semaphore_mem>>
    %dma_start3A_1236 = tpu.memref_squeeze %dma_start3A_1235 : memref<1x!tpu.dma_semaphore, #tpu.memory_space<semaphore_mem>> -> memref<!tpu.dma_semaphore, #tpu.memory_space<semaphore_mem>>
    %dma_start3A_1237 = arith.constant 0 : i32
    %dma_start3A_1238 = tpu.memref_slice %arg3[%add3A_1226, %dma_start3A_1237] : memref<16384x1024xf32, #tpu.memory_space<hbm>> -> memref<16x1024xf32, #tpu.memory_space<hbm>>
    %dma_start3A_1239 = arith.constant 0 : i32
    %dma_start3A_1240 = arith.constant 0 : i32
    %dma_start3A_1241 = tpu.memref_slice %arg5[%dma_start3A_1227, %dma_start3A_1239, %dma_start3A_1240] : memref<7x16x1024xf32, #tpu.memory_space<vmem>> -> memref<1x16x1024xf32, #tpu.memory_space<vmem>>
    %dma_start3A_1242 = tpu.memref_squeeze %dma_start3A_1241 : memref<1x16x1024xf32, #tpu.memory_space<vmem>> -> memref<16x1024xf32, #tpu.memory_space<vmem>>
    tpu.enqueue_dma source(%dma_start3A_1242 : memref<16x1024xf32, #tpu.memory_space<vmem>>) target(%dma_start3A_1238 : memref<16x1024xf32, #tpu.memory_space<hbm>>) target_semaphore(%dma_start3A_1236 : memref<!tpu.dma_semaphore, #tpu.memory_space<semaphore_mem>>)
    %dma_wait3A_1243 = arith.constant 3 : i32
    %dma_wait3A_1244 = arith.constant 3 : i32
    %dma_wait3A_1245 = arith.constant 0 : i32
    %dma_wait3A_1246 = arith.constant 0 : i32
    %dma_wait3A_1247 = tpu.memref_slice %arg5[%dma_wait3A_1243, %dma_wait3A_1245, %dma_wait3A_1246] : memref<7x16x1024xf32, #tpu.memory_space<vmem>> -> memref<1x16x1024xf32, #tpu.memory_space<vmem>>
    %dma_wait3A_1248 = tpu.memref_squeeze %dma_wait3A_1247 : memref<1x16x1024xf32, #tpu.memory_space<vmem>> -> memref<16x1024xf32, #tpu.memory_space<vmem>>
    %dma_wait3A_1249 = arith.constant 0 : i32
    %dma_wait3A_1250 = tpu.memref_slice %arg3[%add3A_1046, %dma_wait3A_1249] : memref<16384x1024xf32, #tpu.memory_space<hbm>> -> memref<16x1024xf32, #tpu.memory_space<hbm>>
    %dma_wait3A_1251 = tpu.memref_slice %arg7[%dma_wait3A_1244] : memref<7x!tpu.dma_semaphore, #tpu.memory_space<semaphore_mem>> -> memref<1x!tpu.dma_semaphore, #tpu.memory_space<semaphore_mem>>
    %dma_wait3A_1252 = tpu.memref_squeeze %dma_wait3A_1251 : memref<1x!tpu.dma_semaphore, #tpu.memory_space<semaphore_mem>> -> memref<!tpu.dma_semaphore, #tpu.memory_space<semaphore_mem>>
    %dma_wait3A_1253 = arith.constant 0 : i32
    %dma_wait3A_1254 = tpu.memref_slice %arg3[%add3A_1046, %dma_wait3A_1253] : memref<16384x1024xf32, #tpu.memory_space<hbm>> -> memref<16x1024xf32, #tpu.memory_space<hbm>>
    %dma_wait3A_1255 = arith.constant 0 : i32
    %dma_wait3A_1256 = arith.constant 0 : i32
    %dma_wait3A_1257 = tpu.memref_slice %arg5[%dma_wait3A_1243, %dma_wait3A_1255, %dma_wait3A_1256] : memref<7x16x1024xf32, #tpu.memory_space<vmem>> -> memref<1x16x1024xf32, #tpu.memory_space<vmem>>
    %dma_wait3A_1258 = tpu.memref_squeeze %dma_wait3A_1257 : memref<1x16x1024xf32, #tpu.memory_space<vmem>> -> memref<16x1024xf32, #tpu.memory_space<vmem>>
    tpu.wait_dma2 semaphore(%dma_wait3A_1252 : memref<!tpu.dma_semaphore, #tpu.memory_space<semaphore_mem>>) src(%dma_wait3A_1258 : memref<16x1024xf32, #tpu.memory_space<vmem>>) dst(%dma_wait3A_1254 : memref<16x1024xf32, #tpu.memory_space<hbm>>)
    %dma_start3A_1259 = arith.constant 3 : i32
    %dma_start3A_1260 = arith.constant 3 : i32
    %dma_start3A_1261 = arith.constant 0 : i32
    %dma_start3A_1262 = arith.constant 0 : i32
    %dma_start3A_1263 = tpu.memref_slice %arg5[%dma_start3A_1259, %dma_start3A_1261, %dma_start3A_1262] : memref<7x16x1024xf32, #tpu.memory_space<vmem>> -> memref<1x16x1024xf32, #tpu.memory_space<vmem>>
    %dma_start3A_1264 = tpu.memref_squeeze %dma_start3A_1263 : memref<1x16x1024xf32, #tpu.memory_space<vmem>> -> memref<16x1024xf32, #tpu.memory_space<vmem>>
    %dma_start3A_1265 = arith.constant 272 : i32
    %dma_start3A_1266 = tpu.memref_slice %arg4[%dma_start3A_1265] : memref<512xi32, #tpu.memory_space<vmem>> -> memref<16xi32, #tpu.memory_space<vmem>>
    %dma_start3A_1267 = arith.constant 0 : i32
    %dma_start3A_1268 = arith.constant 0 : i32
    %dma_start3A_1269 = tpu.memref_slice %arg2[%dma_start3A_1267, %dma_start3A_1268] : memref<16384x1024xf32, #tpu.memory_space<hbm>> -> memref<16384x1024xf32, #tpu.memory_space<hbm>>
    %dma_start3A_1270 = tpu.memref_slice %arg6[%dma_start3A_1260] : memref<7x!tpu.dma_semaphore, #tpu.memory_space<semaphore_mem>> -> memref<1x!tpu.dma_semaphore, #tpu.memory_space<semaphore_mem>>
    %dma_start3A_1271 = tpu.memref_squeeze %dma_start3A_1270 : memref<1x!tpu.dma_semaphore, #tpu.memory_space<semaphore_mem>> -> memref<!tpu.dma_semaphore, #tpu.memory_space<semaphore_mem>>
    tpu.enqueue_indirect_dma source(%dma_start3A_1269 : memref<16384x1024xf32, #tpu.memory_space<hbm>>) target(%dma_start3A_1264 : memref<16x1024xf32, #tpu.memory_space<vmem>>) offsets(%dma_start3A_1266 : memref<16xi32, #tpu.memory_space<vmem>>) semaphore(%dma_start3A_1271 : memref<!tpu.dma_semaphore, #tpu.memory_space<semaphore_mem>>)
    %dma_wait3A_1272 = arith.constant 0 : i32
    %dma_wait3A_1273 = arith.constant 0 : i32
    %dma_wait3A_1274 = arith.constant 0 : i32
    %dma_wait3A_1275 = arith.constant 0 : i32
    %dma_wait3A_1276 = tpu.memref_slice %arg5[%dma_wait3A_1272, %dma_wait3A_1274, %dma_wait3A_1275] : memref<7x16x1024xf32, #tpu.memory_space<vmem>> -> memref<1x16x1024xf32, #tpu.memory_space<vmem>>
    %dma_wait3A_1277 = tpu.memref_squeeze %dma_wait3A_1276 : memref<1x16x1024xf32, #tpu.memory_space<vmem>> -> memref<16x1024xf32, #tpu.memory_space<vmem>>
    %dma_wait3A_1278 = arith.constant 224 : i32
    %dma_wait3A_1279 = tpu.memref_slice %arg4[%dma_wait3A_1278] : memref<512xi32, #tpu.memory_space<vmem>> -> memref<16xi32, #tpu.memory_space<vmem>>
    %dma_wait3A_1280 = arith.constant 0 : i32
    %dma_wait3A_1281 = arith.constant 0 : i32
    %dma_wait3A_1282 = tpu.memref_slice %arg2[%dma_wait3A_1280, %dma_wait3A_1281] : memref<16384x1024xf32, #tpu.memory_space<hbm>> -> memref<16384x1024xf32, #tpu.memory_space<hbm>>
    %dma_wait3A_1283 = tpu.memref_slice %arg6[%dma_wait3A_1273] : memref<7x!tpu.dma_semaphore, #tpu.memory_space<semaphore_mem>> -> memref<1x!tpu.dma_semaphore, #tpu.memory_space<semaphore_mem>>
    %dma_wait3A_1284 = tpu.memref_squeeze %dma_wait3A_1283 : memref<1x!tpu.dma_semaphore, #tpu.memory_space<semaphore_mem>> -> memref<!tpu.dma_semaphore, #tpu.memory_space<semaphore_mem>>
    tpu.wait_indirect_dma semaphore(%dma_wait3A_1284 : memref<!tpu.dma_semaphore, #tpu.memory_space<semaphore_mem>>) src(%dma_wait3A_1282 : memref<16384x1024xf32, #tpu.memory_space<hbm>>) dst(%dma_wait3A_1277 : memref<16x1024xf32, #tpu.memory_space<vmem>>)
    %add3A_1285 = arith.constant 224 : i32
    %add3A_1286 = arith.addi %mul3A_2, %add3A_1285 : i32
    %dma_start3A_1287 = arith.constant 0 : i32
    %dma_start3A_1288 = arith.constant 0 : i32
    %dma_start3A_1289 = arith.constant 0 : i32
    %dma_start3A_1290 = arith.constant 0 : i32
    %dma_start3A_1291 = tpu.memref_slice %arg5[%dma_start3A_1287, %dma_start3A_1289, %dma_start3A_1290] : memref<7x16x1024xf32, #tpu.memory_space<vmem>> -> memref<1x16x1024xf32, #tpu.memory_space<vmem>>
    %dma_start3A_1292 = tpu.memref_squeeze %dma_start3A_1291 : memref<1x16x1024xf32, #tpu.memory_space<vmem>> -> memref<16x1024xf32, #tpu.memory_space<vmem>>
    %dma_start3A_1293 = arith.constant 0 : i32
    %dma_start3A_1294 = tpu.memref_slice %arg3[%add3A_1286, %dma_start3A_1293] : memref<16384x1024xf32, #tpu.memory_space<hbm>> -> memref<16x1024xf32, #tpu.memory_space<hbm>>
    %dma_start3A_1295 = tpu.memref_slice %arg7[%dma_start3A_1288] : memref<7x!tpu.dma_semaphore, #tpu.memory_space<semaphore_mem>> -> memref<1x!tpu.dma_semaphore, #tpu.memory_space<semaphore_mem>>
    %dma_start3A_1296 = tpu.memref_squeeze %dma_start3A_1295 : memref<1x!tpu.dma_semaphore, #tpu.memory_space<semaphore_mem>> -> memref<!tpu.dma_semaphore, #tpu.memory_space<semaphore_mem>>
    %dma_start3A_1297 = arith.constant 0 : i32
    %dma_start3A_1298 = tpu.memref_slice %arg3[%add3A_1286, %dma_start3A_1297] : memref<16384x1024xf32, #tpu.memory_space<hbm>> -> memref<16x1024xf32, #tpu.memory_space<hbm>>
    %dma_start3A_1299 = arith.constant 0 : i32
    %dma_start3A_1300 = arith.constant 0 : i32
    %dma_start3A_1301 = tpu.memref_slice %arg5[%dma_start3A_1287, %dma_start3A_1299, %dma_start3A_1300] : memref<7x16x1024xf32, #tpu.memory_space<vmem>> -> memref<1x16x1024xf32, #tpu.memory_space<vmem>>
    %dma_start3A_1302 = tpu.memref_squeeze %dma_start3A_1301 : memref<1x16x1024xf32, #tpu.memory_space<vmem>> -> memref<16x1024xf32, #tpu.memory_space<vmem>>
    tpu.enqueue_dma source(%dma_start3A_1302 : memref<16x1024xf32, #tpu.memory_space<vmem>>) target(%dma_start3A_1298 : memref<16x1024xf32, #tpu.memory_space<hbm>>) target_semaphore(%dma_start3A_1296 : memref<!tpu.dma_semaphore, #tpu.memory_space<semaphore_mem>>)
    %dma_wait3A_1303 = arith.constant 4 : i32
    %dma_wait3A_1304 = arith.constant 4 : i32
    %dma_wait3A_1305 = arith.constant 0 : i32
    %dma_wait3A_1306 = arith.constant 0 : i32
    %dma_wait3A_1307 = tpu.memref_slice %arg5[%dma_wait3A_1303, %dma_wait3A_1305, %dma_wait3A_1306] : memref<7x16x1024xf32, #tpu.memory_space<vmem>> -> memref<1x16x1024xf32, #tpu.memory_space<vmem>>
    %dma_wait3A_1308 = tpu.memref_squeeze %dma_wait3A_1307 : memref<1x16x1024xf32, #tpu.memory_space<vmem>> -> memref<16x1024xf32, #tpu.memory_space<vmem>>
    %dma_wait3A_1309 = arith.constant 0 : i32
    %dma_wait3A_1310 = tpu.memref_slice %arg3[%add3A_1106, %dma_wait3A_1309] : memref<16384x1024xf32, #tpu.memory_space<hbm>> -> memref<16x1024xf32, #tpu.memory_space<hbm>>
    %dma_wait3A_1311 = tpu.memref_slice %arg7[%dma_wait3A_1304] : memref<7x!tpu.dma_semaphore, #tpu.memory_space<semaphore_mem>> -> memref<1x!tpu.dma_semaphore, #tpu.memory_space<semaphore_mem>>
    %dma_wait3A_1312 = tpu.memref_squeeze %dma_wait3A_1311 : memref<1x!tpu.dma_semaphore, #tpu.memory_space<semaphore_mem>> -> memref<!tpu.dma_semaphore, #tpu.memory_space<semaphore_mem>>
    %dma_wait3A_1313 = arith.constant 0 : i32
    %dma_wait3A_1314 = tpu.memref_slice %arg3[%add3A_1106, %dma_wait3A_1313] : memref<16384x1024xf32, #tpu.memory_space<hbm>> -> memref<16x1024xf32, #tpu.memory_space<hbm>>
    %dma_wait3A_1315 = arith.constant 0 : i32
    %dma_wait3A_1316 = arith.constant 0 : i32
    %dma_wait3A_1317 = tpu.memref_slice %arg5[%dma_wait3A_1303, %dma_wait3A_1315, %dma_wait3A_1316] : memref<7x16x1024xf32, #tpu.memory_space<vmem>> -> memref<1x16x1024xf32, #tpu.memory_space<vmem>>
    %dma_wait3A_1318 = tpu.memref_squeeze %dma_wait3A_1317 : memref<1x16x1024xf32, #tpu.memory_space<vmem>> -> memref<16x1024xf32, #tpu.memory_space<vmem>>
    tpu.wait_dma2 semaphore(%dma_wait3A_1312 : memref<!tpu.dma_semaphore, #tpu.memory_space<semaphore_mem>>) src(%dma_wait3A_1318 : memref<16x1024xf32, #tpu.memory_space<vmem>>) dst(%dma_wait3A_1314 : memref<16x1024xf32, #tpu.memory_space<hbm>>)
    %dma_start3A_1319 = arith.constant 4 : i32
    %dma_start3A_1320 = arith.constant 4 : i32
    %dma_start3A_1321 = arith.constant 0 : i32
    %dma_start3A_1322 = arith.constant 0 : i32
    %dma_start3A_1323 = tpu.memref_slice %arg5[%dma_start3A_1319, %dma_start3A_1321, %dma_start3A_1322] : memref<7x16x1024xf32, #tpu.memory_space<vmem>> -> memref<1x16x1024xf32, #tpu.memory_space<vmem>>
    %dma_start3A_1324 = tpu.memref_squeeze %dma_start3A_1323 : memref<1x16x1024xf32, #tpu.memory_space<vmem>> -> memref<16x1024xf32, #tpu.memory_space<vmem>>
    %dma_start3A_1325 = arith.constant 288 : i32
    %dma_start3A_1326 = tpu.memref_slice %arg4[%dma_start3A_1325] : memref<512xi32, #tpu.memory_space<vmem>> -> memref<16xi32, #tpu.memory_space<vmem>>
    %dma_start3A_1327 = arith.constant 0 : i32
    %dma_start3A_1328 = arith.constant 0 : i32
    %dma_start3A_1329 = tpu.memref_slice %arg2[%dma_start3A_1327, %dma_start3A_1328] : memref<16384x1024xf32, #tpu.memory_space<hbm>> -> memref<16384x1024xf32, #tpu.memory_space<hbm>>
    %dma_start3A_1330 = tpu.memref_slice %arg6[%dma_start3A_1320] : memref<7x!tpu.dma_semaphore, #tpu.memory_space<semaphore_mem>> -> memref<1x!tpu.dma_semaphore, #tpu.memory_space<semaphore_mem>>
    %dma_start3A_1331 = tpu.memref_squeeze %dma_start3A_1330 : memref<1x!tpu.dma_semaphore, #tpu.memory_space<semaphore_mem>> -> memref<!tpu.dma_semaphore, #tpu.memory_space<semaphore_mem>>
    tpu.enqueue_indirect_dma source(%dma_start3A_1329 : memref<16384x1024xf32, #tpu.memory_space<hbm>>) target(%dma_start3A_1324 : memref<16x1024xf32, #tpu.memory_space<vmem>>) offsets(%dma_start3A_1326 : memref<16xi32, #tpu.memory_space<vmem>>) semaphore(%dma_start3A_1331 : memref<!tpu.dma_semaphore, #tpu.memory_space<semaphore_mem>>)
    %dma_wait3A_1332 = arith.constant 1 : i32
    %dma_wait3A_1333 = arith.constant 1 : i32
    %dma_wait3A_1334 = arith.constant 0 : i32
    %dma_wait3A_1335 = arith.constant 0 : i32
    %dma_wait3A_1336 = tpu.memref_slice %arg5[%dma_wait3A_1332, %dma_wait3A_1334, %dma_wait3A_1335] : memref<7x16x1024xf32, #tpu.memory_space<vmem>> -> memref<1x16x1024xf32, #tpu.memory_space<vmem>>
    %dma_wait3A_1337 = tpu.memref_squeeze %dma_wait3A_1336 : memref<1x16x1024xf32, #tpu.memory_space<vmem>> -> memref<16x1024xf32, #tpu.memory_space<vmem>>
    %dma_wait3A_1338 = arith.constant 240 : i32
    %dma_wait3A_1339 = tpu.memref_slice %arg4[%dma_wait3A_1338] : memref<512xi32, #tpu.memory_space<vmem>> -> memref<16xi32, #tpu.memory_space<vmem>>
    %dma_wait3A_1340 = arith.constant 0 : i32
    %dma_wait3A_1341 = arith.constant 0 : i32
    %dma_wait3A_1342 = tpu.memref_slice %arg2[%dma_wait3A_1340, %dma_wait3A_1341] : memref<16384x1024xf32, #tpu.memory_space<hbm>> -> memref<16384x1024xf32, #tpu.memory_space<hbm>>
    %dma_wait3A_1343 = tpu.memref_slice %arg6[%dma_wait3A_1333] : memref<7x!tpu.dma_semaphore, #tpu.memory_space<semaphore_mem>> -> memref<1x!tpu.dma_semaphore, #tpu.memory_space<semaphore_mem>>
    %dma_wait3A_1344 = tpu.memref_squeeze %dma_wait3A_1343 : memref<1x!tpu.dma_semaphore, #tpu.memory_space<semaphore_mem>> -> memref<!tpu.dma_semaphore, #tpu.memory_space<semaphore_mem>>
    tpu.wait_indirect_dma semaphore(%dma_wait3A_1344 : memref<!tpu.dma_semaphore, #tpu.memory_space<semaphore_mem>>) src(%dma_wait3A_1342 : memref<16384x1024xf32, #tpu.memory_space<hbm>>) dst(%dma_wait3A_1337 : memref<16x1024xf32, #tpu.memory_space<vmem>>)
    %add3A_1345 = arith.constant 240 : i32
    %add3A_1346 = arith.addi %mul3A_2, %add3A_1345 : i32
    %dma_start3A_1347 = arith.constant 1 : i32
    %dma_start3A_1348 = arith.constant 1 : i32
    %dma_start3A_1349 = arith.constant 0 : i32
    %dma_start3A_1350 = arith.constant 0 : i32
    %dma_start3A_1351 = tpu.memref_slice %arg5[%dma_start3A_1347, %dma_start3A_1349, %dma_start3A_1350] : memref<7x16x1024xf32, #tpu.memory_space<vmem>> -> memref<1x16x1024xf32, #tpu.memory_space<vmem>>
    %dma_start3A_1352 = tpu.memref_squeeze %dma_start3A_1351 : memref<1x16x1024xf32, #tpu.memory_space<vmem>> -> memref<16x1024xf32, #tpu.memory_space<vmem>>
    %dma_start3A_1353 = arith.constant 0 : i32
    %dma_start3A_1354 = tpu.memref_slice %arg3[%add3A_1346, %dma_start3A_1353] : memref<16384x1024xf32, #tpu.memory_space<hbm>> -> memref<16x1024xf32, #tpu.memory_space<hbm>>
    %dma_start3A_1355 = tpu.memref_slice %arg7[%dma_start3A_1348] : memref<7x!tpu.dma_semaphore, #tpu.memory_space<semaphore_mem>> -> memref<1x!tpu.dma_semaphore, #tpu.memory_space<semaphore_mem>>
    %dma_start3A_1356 = tpu.memref_squeeze %dma_start3A_1355 : memref<1x!tpu.dma_semaphore, #tpu.memory_space<semaphore_mem>> -> memref<!tpu.dma_semaphore, #tpu.memory_space<semaphore_mem>>
    %dma_start3A_1357 = arith.constant 0 : i32
    %dma_start3A_1358 = tpu.memref_slice %arg3[%add3A_1346, %dma_start3A_1357] : memref<16384x1024xf32, #tpu.memory_space<hbm>> -> memref<16x1024xf32, #tpu.memory_space<hbm>>
    %dma_start3A_1359 = arith.constant 0 : i32
    %dma_start3A_1360 = arith.constant 0 : i32
    %dma_start3A_1361 = tpu.memref_slice %arg5[%dma_start3A_1347, %dma_start3A_1359, %dma_start3A_1360] : memref<7x16x1024xf32, #tpu.memory_space<vmem>> -> memref<1x16x1024xf32, #tpu.memory_space<vmem>>
    %dma_start3A_1362 = tpu.memref_squeeze %dma_start3A_1361 : memref<1x16x1024xf32, #tpu.memory_space<vmem>> -> memref<16x1024xf32, #tpu.memory_space<vmem>>
    tpu.enqueue_dma source(%dma_start3A_1362 : memref<16x1024xf32, #tpu.memory_space<vmem>>) target(%dma_start3A_1358 : memref<16x1024xf32, #tpu.memory_space<hbm>>) target_semaphore(%dma_start3A_1356 : memref<!tpu.dma_semaphore, #tpu.memory_space<semaphore_mem>>)
    %dma_wait3A_1363 = arith.constant 5 : i32
    %dma_wait3A_1364 = arith.constant 5 : i32
    %dma_wait3A_1365 = arith.constant 0 : i32
    %dma_wait3A_1366 = arith.constant 0 : i32
    %dma_wait3A_1367 = tpu.memref_slice %arg5[%dma_wait3A_1363, %dma_wait3A_1365, %dma_wait3A_1366] : memref<7x16x1024xf32, #tpu.memory_space<vmem>> -> memref<1x16x1024xf32, #tpu.memory_space<vmem>>
    %dma_wait3A_1368 = tpu.memref_squeeze %dma_wait3A_1367 : memref<1x16x1024xf32, #tpu.memory_space<vmem>> -> memref<16x1024xf32, #tpu.memory_space<vmem>>
    %dma_wait3A_1369 = arith.constant 0 : i32
    %dma_wait3A_1370 = tpu.memref_slice %arg3[%add3A_1166, %dma_wait3A_1369] : memref<16384x1024xf32, #tpu.memory_space<hbm>> -> memref<16x1024xf32, #tpu.memory_space<hbm>>
    %dma_wait3A_1371 = tpu.memref_slice %arg7[%dma_wait3A_1364] : memref<7x!tpu.dma_semaphore, #tpu.memory_space<semaphore_mem>> -> memref<1x!tpu.dma_semaphore, #tpu.memory_space<semaphore_mem>>
    %dma_wait3A_1372 = tpu.memref_squeeze %dma_wait3A_1371 : memref<1x!tpu.dma_semaphore, #tpu.memory_space<semaphore_mem>> -> memref<!tpu.dma_semaphore, #tpu.memory_space<semaphore_mem>>
    %dma_wait3A_1373 = arith.constant 0 : i32
    %dma_wait3A_1374 = tpu.memref_slice %arg3[%add3A_1166, %dma_wait3A_1373] : memref<16384x1024xf32, #tpu.memory_space<hbm>> -> memref<16x1024xf32, #tpu.memory_space<hbm>>
    %dma_wait3A_1375 = arith.constant 0 : i32
    %dma_wait3A_1376 = arith.constant 0 : i32
    %dma_wait3A_1377 = tpu.memref_slice %arg5[%dma_wait3A_1363, %dma_wait3A_1375, %dma_wait3A_1376] : memref<7x16x1024xf32, #tpu.memory_space<vmem>> -> memref<1x16x1024xf32, #tpu.memory_space<vmem>>
    %dma_wait3A_1378 = tpu.memref_squeeze %dma_wait3A_1377 : memref<1x16x1024xf32, #tpu.memory_space<vmem>> -> memref<16x1024xf32, #tpu.memory_space<vmem>>
    tpu.wait_dma2 semaphore(%dma_wait3A_1372 : memref<!tpu.dma_semaphore, #tpu.memory_space<semaphore_mem>>) src(%dma_wait3A_1378 : memref<16x1024xf32, #tpu.memory_space<vmem>>) dst(%dma_wait3A_1374 : memref<16x1024xf32, #tpu.memory_space<hbm>>)
    %dma_start3A_1379 = arith.constant 5 : i32
    %dma_start3A_1380 = arith.constant 5 : i32
    %dma_start3A_1381 = arith.constant 0 : i32
    %dma_start3A_1382 = arith.constant 0 : i32
    %dma_start3A_1383 = tpu.memref_slice %arg5[%dma_start3A_1379, %dma_start3A_1381, %dma_start3A_1382] : memref<7x16x1024xf32, #tpu.memory_space<vmem>> -> memref<1x16x1024xf32, #tpu.memory_space<vmem>>
    %dma_start3A_1384 = tpu.memref_squeeze %dma_start3A_1383 : memref<1x16x1024xf32, #tpu.memory_space<vmem>> -> memref<16x1024xf32, #tpu.memory_space<vmem>>
    %dma_start3A_1385 = arith.constant 304 : i32
    %dma_start3A_1386 = tpu.memref_slice %arg4[%dma_start3A_1385] : memref<512xi32, #tpu.memory_space<vmem>> -> memref<16xi32, #tpu.memory_space<vmem>>
    %dma_start3A_1387 = arith.constant 0 : i32
    %dma_start3A_1388 = arith.constant 0 : i32
    %dma_start3A_1389 = tpu.memref_slice %arg2[%dma_start3A_1387, %dma_start3A_1388] : memref<16384x1024xf32, #tpu.memory_space<hbm>> -> memref<16384x1024xf32, #tpu.memory_space<hbm>>
    %dma_start3A_1390 = tpu.memref_slice %arg6[%dma_start3A_1380] : memref<7x!tpu.dma_semaphore, #tpu.memory_space<semaphore_mem>> -> memref<1x!tpu.dma_semaphore, #tpu.memory_space<semaphore_mem>>
    %dma_start3A_1391 = tpu.memref_squeeze %dma_start3A_1390 : memref<1x!tpu.dma_semaphore, #tpu.memory_space<semaphore_mem>> -> memref<!tpu.dma_semaphore, #tpu.memory_space<semaphore_mem>>
    tpu.enqueue_indirect_dma source(%dma_start3A_1389 : memref<16384x1024xf32, #tpu.memory_space<hbm>>) target(%dma_start3A_1384 : memref<16x1024xf32, #tpu.memory_space<vmem>>) offsets(%dma_start3A_1386 : memref<16xi32, #tpu.memory_space<vmem>>) semaphore(%dma_start3A_1391 : memref<!tpu.dma_semaphore, #tpu.memory_space<semaphore_mem>>)
    %dma_wait3A_1392 = arith.constant 2 : i32
    %dma_wait3A_1393 = arith.constant 2 : i32
    %dma_wait3A_1394 = arith.constant 0 : i32
    %dma_wait3A_1395 = arith.constant 0 : i32
    %dma_wait3A_1396 = tpu.memref_slice %arg5[%dma_wait3A_1392, %dma_wait3A_1394, %dma_wait3A_1395] : memref<7x16x1024xf32, #tpu.memory_space<vmem>> -> memref<1x16x1024xf32, #tpu.memory_space<vmem>>
    %dma_wait3A_1397 = tpu.memref_squeeze %dma_wait3A_1396 : memref<1x16x1024xf32, #tpu.memory_space<vmem>> -> memref<16x1024xf32, #tpu.memory_space<vmem>>
    %dma_wait3A_1398 = arith.constant 256 : i32
    %dma_wait3A_1399 = tpu.memref_slice %arg4[%dma_wait3A_1398] : memref<512xi32, #tpu.memory_space<vmem>> -> memref<16xi32, #tpu.memory_space<vmem>>
    %dma_wait3A_1400 = arith.constant 0 : i32
    %dma_wait3A_1401 = arith.constant 0 : i32
    %dma_wait3A_1402 = tpu.memref_slice %arg2[%dma_wait3A_1400, %dma_wait3A_1401] : memref<16384x1024xf32, #tpu.memory_space<hbm>> -> memref<16384x1024xf32, #tpu.memory_space<hbm>>
    %dma_wait3A_1403 = tpu.memref_slice %arg6[%dma_wait3A_1393] : memref<7x!tpu.dma_semaphore, #tpu.memory_space<semaphore_mem>> -> memref<1x!tpu.dma_semaphore, #tpu.memory_space<semaphore_mem>>
    %dma_wait3A_1404 = tpu.memref_squeeze %dma_wait3A_1403 : memref<1x!tpu.dma_semaphore, #tpu.memory_space<semaphore_mem>> -> memref<!tpu.dma_semaphore, #tpu.memory_space<semaphore_mem>>
    tpu.wait_indirect_dma semaphore(%dma_wait3A_1404 : memref<!tpu.dma_semaphore, #tpu.memory_space<semaphore_mem>>) src(%dma_wait3A_1402 : memref<16384x1024xf32, #tpu.memory_space<hbm>>) dst(%dma_wait3A_1397 : memref<16x1024xf32, #tpu.memory_space<vmem>>)
    %add3A_1405 = arith.constant 256 : i32
    %add3A_1406 = arith.addi %mul3A_2, %add3A_1405 : i32
    %dma_start3A_1407 = arith.constant 2 : i32
    %dma_start3A_1408 = arith.constant 2 : i32
    %dma_start3A_1409 = arith.constant 0 : i32
    %dma_start3A_1410 = arith.constant 0 : i32
    %dma_start3A_1411 = tpu.memref_slice %arg5[%dma_start3A_1407, %dma_start3A_1409, %dma_start3A_1410] : memref<7x16x1024xf32, #tpu.memory_space<vmem>> -> memref<1x16x1024xf32, #tpu.memory_space<vmem>>
    %dma_start3A_1412 = tpu.memref_squeeze %dma_start3A_1411 : memref<1x16x1024xf32, #tpu.memory_space<vmem>> -> memref<16x1024xf32, #tpu.memory_space<vmem>>
    %dma_start3A_1413 = arith.constant 0 : i32
    %dma_start3A_1414 = tpu.memref_slice %arg3[%add3A_1406, %dma_start3A_1413] : memref<16384x1024xf32, #tpu.memory_space<hbm>> -> memref<16x1024xf32, #tpu.memory_space<hbm>>
    %dma_start3A_1415 = tpu.memref_slice %arg7[%dma_start3A_1408] : memref<7x!tpu.dma_semaphore, #tpu.memory_space<semaphore_mem>> -> memref<1x!tpu.dma_semaphore, #tpu.memory_space<semaphore_mem>>
    %dma_start3A_1416 = tpu.memref_squeeze %dma_start3A_1415 : memref<1x!tpu.dma_semaphore, #tpu.memory_space<semaphore_mem>> -> memref<!tpu.dma_semaphore, #tpu.memory_space<semaphore_mem>>
    %dma_start3A_1417 = arith.constant 0 : i32
    %dma_start3A_1418 = tpu.memref_slice %arg3[%add3A_1406, %dma_start3A_1417] : memref<16384x1024xf32, #tpu.memory_space<hbm>> -> memref<16x1024xf32, #tpu.memory_space<hbm>>
    %dma_start3A_1419 = arith.constant 0 : i32
    %dma_start3A_1420 = arith.constant 0 : i32
    %dma_start3A_1421 = tpu.memref_slice %arg5[%dma_start3A_1407, %dma_start3A_1419, %dma_start3A_1420] : memref<7x16x1024xf32, #tpu.memory_space<vmem>> -> memref<1x16x1024xf32, #tpu.memory_space<vmem>>
    %dma_start3A_1422 = tpu.memref_squeeze %dma_start3A_1421 : memref<1x16x1024xf32, #tpu.memory_space<vmem>> -> memref<16x1024xf32, #tpu.memory_space<vmem>>
    tpu.enqueue_dma source(%dma_start3A_1422 : memref<16x1024xf32, #tpu.memory_space<vmem>>) target(%dma_start3A_1418 : memref<16x1024xf32, #tpu.memory_space<hbm>>) target_semaphore(%dma_start3A_1416 : memref<!tpu.dma_semaphore, #tpu.memory_space<semaphore_mem>>)
    %dma_wait3A_1423 = arith.constant 6 : i32
    %dma_wait3A_1424 = arith.constant 6 : i32
    %dma_wait3A_1425 = arith.constant 0 : i32
    %dma_wait3A_1426 = arith.constant 0 : i32
    %dma_wait3A_1427 = tpu.memref_slice %arg5[%dma_wait3A_1423, %dma_wait3A_1425, %dma_wait3A_1426] : memref<7x16x1024xf32, #tpu.memory_space<vmem>> -> memref<1x16x1024xf32, #tpu.memory_space<vmem>>
    %dma_wait3A_1428 = tpu.memref_squeeze %dma_wait3A_1427 : memref<1x16x1024xf32, #tpu.memory_space<vmem>> -> memref<16x1024xf32, #tpu.memory_space<vmem>>
    %dma_wait3A_1429 = arith.constant 0 : i32
    %dma_wait3A_1430 = tpu.memref_slice %arg3[%add3A_1226, %dma_wait3A_1429] : memref<16384x1024xf32, #tpu.memory_space<hbm>> -> memref<16x1024xf32, #tpu.memory_space<hbm>>
    %dma_wait3A_1431 = tpu.memref_slice %arg7[%dma_wait3A_1424] : memref<7x!tpu.dma_semaphore, #tpu.memory_space<semaphore_mem>> -> memref<1x!tpu.dma_semaphore, #tpu.memory_space<semaphore_mem>>
    %dma_wait3A_1432 = tpu.memref_squeeze %dma_wait3A_1431 : memref<1x!tpu.dma_semaphore, #tpu.memory_space<semaphore_mem>> -> memref<!tpu.dma_semaphore, #tpu.memory_space<semaphore_mem>>
    %dma_wait3A_1433 = arith.constant 0 : i32
    %dma_wait3A_1434 = tpu.memref_slice %arg3[%add3A_1226, %dma_wait3A_1433] : memref<16384x1024xf32, #tpu.memory_space<hbm>> -> memref<16x1024xf32, #tpu.memory_space<hbm>>
    %dma_wait3A_1435 = arith.constant 0 : i32
    %dma_wait3A_1436 = arith.constant 0 : i32
    %dma_wait3A_1437 = tpu.memref_slice %arg5[%dma_wait3A_1423, %dma_wait3A_1435, %dma_wait3A_1436] : memref<7x16x1024xf32, #tpu.memory_space<vmem>> -> memref<1x16x1024xf32, #tpu.memory_space<vmem>>
    %dma_wait3A_1438 = tpu.memref_squeeze %dma_wait3A_1437 : memref<1x16x1024xf32, #tpu.memory_space<vmem>> -> memref<16x1024xf32, #tpu.memory_space<vmem>>
    tpu.wait_dma2 semaphore(%dma_wait3A_1432 : memref<!tpu.dma_semaphore, #tpu.memory_space<semaphore_mem>>) src(%dma_wait3A_1438 : memref<16x1024xf32, #tpu.memory_space<vmem>>) dst(%dma_wait3A_1434 : memref<16x1024xf32, #tpu.memory_space<hbm>>)
    %dma_start3A_1439 = arith.constant 6 : i32
    %dma_start3A_1440 = arith.constant 6 : i32
    %dma_start3A_1441 = arith.constant 0 : i32
    %dma_start3A_1442 = arith.constant 0 : i32
    %dma_start3A_1443 = tpu.memref_slice %arg5[%dma_start3A_1439, %dma_start3A_1441, %dma_start3A_1442] : memref<7x16x1024xf32, #tpu.memory_space<vmem>> -> memref<1x16x1024xf32, #tpu.memory_space<vmem>>
    %dma_start3A_1444 = tpu.memref_squeeze %dma_start3A_1443 : memref<1x16x1024xf32, #tpu.memory_space<vmem>> -> memref<16x1024xf32, #tpu.memory_space<vmem>>
    %dma_start3A_1445 = arith.constant 320 : i32
    %dma_start3A_1446 = tpu.memref_slice %arg4[%dma_start3A_1445] : memref<512xi32, #tpu.memory_space<vmem>> -> memref<16xi32, #tpu.memory_space<vmem>>
    %dma_start3A_1447 = arith.constant 0 : i32
    %dma_start3A_1448 = arith.constant 0 : i32
    %dma_start3A_1449 = tpu.memref_slice %arg2[%dma_start3A_1447, %dma_start3A_1448] : memref<16384x1024xf32, #tpu.memory_space<hbm>> -> memref<16384x1024xf32, #tpu.memory_space<hbm>>
    %dma_start3A_1450 = tpu.memref_slice %arg6[%dma_start3A_1440] : memref<7x!tpu.dma_semaphore, #tpu.memory_space<semaphore_mem>> -> memref<1x!tpu.dma_semaphore, #tpu.memory_space<semaphore_mem>>
    %dma_start3A_1451 = tpu.memref_squeeze %dma_start3A_1450 : memref<1x!tpu.dma_semaphore, #tpu.memory_space<semaphore_mem>> -> memref<!tpu.dma_semaphore, #tpu.memory_space<semaphore_mem>>
    tpu.enqueue_indirect_dma source(%dma_start3A_1449 : memref<16384x1024xf32, #tpu.memory_space<hbm>>) target(%dma_start3A_1444 : memref<16x1024xf32, #tpu.memory_space<vmem>>) offsets(%dma_start3A_1446 : memref<16xi32, #tpu.memory_space<vmem>>) semaphore(%dma_start3A_1451 : memref<!tpu.dma_semaphore, #tpu.memory_space<semaphore_mem>>)
    %dma_wait3A_1452 = arith.constant 3 : i32
    %dma_wait3A_1453 = arith.constant 3 : i32
    %dma_wait3A_1454 = arith.constant 0 : i32
    %dma_wait3A_1455 = arith.constant 0 : i32
    %dma_wait3A_1456 = tpu.memref_slice %arg5[%dma_wait3A_1452, %dma_wait3A_1454, %dma_wait3A_1455] : memref<7x16x1024xf32, #tpu.memory_space<vmem>> -> memref<1x16x1024xf32, #tpu.memory_space<vmem>>
    %dma_wait3A_1457 = tpu.memref_squeeze %dma_wait3A_1456 : memref<1x16x1024xf32, #tpu.memory_space<vmem>> -> memref<16x1024xf32, #tpu.memory_space<vmem>>
    %dma_wait3A_1458 = arith.constant 272 : i32
    %dma_wait3A_1459 = tpu.memref_slice %arg4[%dma_wait3A_1458] : memref<512xi32, #tpu.memory_space<vmem>> -> memref<16xi32, #tpu.memory_space<vmem>>
    %dma_wait3A_1460 = arith.constant 0 : i32
    %dma_wait3A_1461 = arith.constant 0 : i32
    %dma_wait3A_1462 = tpu.memref_slice %arg2[%dma_wait3A_1460, %dma_wait3A_1461] : memref<16384x1024xf32, #tpu.memory_space<hbm>> -> memref<16384x1024xf32, #tpu.memory_space<hbm>>
    %dma_wait3A_1463 = tpu.memref_slice %arg6[%dma_wait3A_1453] : memref<7x!tpu.dma_semaphore, #tpu.memory_space<semaphore_mem>> -> memref<1x!tpu.dma_semaphore, #tpu.memory_space<semaphore_mem>>
    %dma_wait3A_1464 = tpu.memref_squeeze %dma_wait3A_1463 : memref<1x!tpu.dma_semaphore, #tpu.memory_space<semaphore_mem>> -> memref<!tpu.dma_semaphore, #tpu.memory_space<semaphore_mem>>
    tpu.wait_indirect_dma semaphore(%dma_wait3A_1464 : memref<!tpu.dma_semaphore, #tpu.memory_space<semaphore_mem>>) src(%dma_wait3A_1462 : memref<16384x1024xf32, #tpu.memory_space<hbm>>) dst(%dma_wait3A_1457 : memref<16x1024xf32, #tpu.memory_space<vmem>>)
    %add3A_1465 = arith.constant 272 : i32
    %add3A_1466 = arith.addi %mul3A_2, %add3A_1465 : i32
    %dma_start3A_1467 = arith.constant 3 : i32
    %dma_start3A_1468 = arith.constant 3 : i32
    %dma_start3A_1469 = arith.constant 0 : i32
    %dma_start3A_1470 = arith.constant 0 : i32
    %dma_start3A_1471 = tpu.memref_slice %arg5[%dma_start3A_1467, %dma_start3A_1469, %dma_start3A_1470] : memref<7x16x1024xf32, #tpu.memory_space<vmem>> -> memref<1x16x1024xf32, #tpu.memory_space<vmem>>
    %dma_start3A_1472 = tpu.memref_squeeze %dma_start3A_1471 : memref<1x16x1024xf32, #tpu.memory_space<vmem>> -> memref<16x1024xf32, #tpu.memory_space<vmem>>
    %dma_start3A_1473 = arith.constant 0 : i32
    %dma_start3A_1474 = tpu.memref_slice %arg3[%add3A_1466, %dma_start3A_1473] : memref<16384x1024xf32, #tpu.memory_space<hbm>> -> memref<16x1024xf32, #tpu.memory_space<hbm>>
    %dma_start3A_1475 = tpu.memref_slice %arg7[%dma_start3A_1468] : memref<7x!tpu.dma_semaphore, #tpu.memory_space<semaphore_mem>> -> memref<1x!tpu.dma_semaphore, #tpu.memory_space<semaphore_mem>>
    %dma_start3A_1476 = tpu.memref_squeeze %dma_start3A_1475 : memref<1x!tpu.dma_semaphore, #tpu.memory_space<semaphore_mem>> -> memref<!tpu.dma_semaphore, #tpu.memory_space<semaphore_mem>>
    %dma_start3A_1477 = arith.constant 0 : i32
    %dma_start3A_1478 = tpu.memref_slice %arg3[%add3A_1466, %dma_start3A_1477] : memref<16384x1024xf32, #tpu.memory_space<hbm>> -> memref<16x1024xf32, #tpu.memory_space<hbm>>
    %dma_start3A_1479 = arith.constant 0 : i32
    %dma_start3A_1480 = arith.constant 0 : i32
    %dma_start3A_1481 = tpu.memref_slice %arg5[%dma_start3A_1467, %dma_start3A_1479, %dma_start3A_1480] : memref<7x16x1024xf32, #tpu.memory_space<vmem>> -> memref<1x16x1024xf32, #tpu.memory_space<vmem>>
    %dma_start3A_1482 = tpu.memref_squeeze %dma_start3A_1481 : memref<1x16x1024xf32, #tpu.memory_space<vmem>> -> memref<16x1024xf32, #tpu.memory_space<vmem>>
    tpu.enqueue_dma source(%dma_start3A_1482 : memref<16x1024xf32, #tpu.memory_space<vmem>>) target(%dma_start3A_1478 : memref<16x1024xf32, #tpu.memory_space<hbm>>) target_semaphore(%dma_start3A_1476 : memref<!tpu.dma_semaphore, #tpu.memory_space<semaphore_mem>>)
    %dma_wait3A_1483 = arith.constant 0 : i32
    %dma_wait3A_1484 = arith.constant 0 : i32
    %dma_wait3A_1485 = arith.constant 0 : i32
    %dma_wait3A_1486 = arith.constant 0 : i32
    %dma_wait3A_1487 = tpu.memref_slice %arg5[%dma_wait3A_1483, %dma_wait3A_1485, %dma_wait3A_1486] : memref<7x16x1024xf32, #tpu.memory_space<vmem>> -> memref<1x16x1024xf32, #tpu.memory_space<vmem>>
    %dma_wait3A_1488 = tpu.memref_squeeze %dma_wait3A_1487 : memref<1x16x1024xf32, #tpu.memory_space<vmem>> -> memref<16x1024xf32, #tpu.memory_space<vmem>>
    %dma_wait3A_1489 = arith.constant 0 : i32
    %dma_wait3A_1490 = tpu.memref_slice %arg3[%add3A_1286, %dma_wait3A_1489] : memref<16384x1024xf32, #tpu.memory_space<hbm>> -> memref<16x1024xf32, #tpu.memory_space<hbm>>
    %dma_wait3A_1491 = tpu.memref_slice %arg7[%dma_wait3A_1484] : memref<7x!tpu.dma_semaphore, #tpu.memory_space<semaphore_mem>> -> memref<1x!tpu.dma_semaphore, #tpu.memory_space<semaphore_mem>>
    %dma_wait3A_1492 = tpu.memref_squeeze %dma_wait3A_1491 : memref<1x!tpu.dma_semaphore, #tpu.memory_space<semaphore_mem>> -> memref<!tpu.dma_semaphore, #tpu.memory_space<semaphore_mem>>
    %dma_wait3A_1493 = arith.constant 0 : i32
    %dma_wait3A_1494 = tpu.memref_slice %arg3[%add3A_1286, %dma_wait3A_1493] : memref<16384x1024xf32, #tpu.memory_space<hbm>> -> memref<16x1024xf32, #tpu.memory_space<hbm>>
    %dma_wait3A_1495 = arith.constant 0 : i32
    %dma_wait3A_1496 = arith.constant 0 : i32
    %dma_wait3A_1497 = tpu.memref_slice %arg5[%dma_wait3A_1483, %dma_wait3A_1495, %dma_wait3A_1496] : memref<7x16x1024xf32, #tpu.memory_space<vmem>> -> memref<1x16x1024xf32, #tpu.memory_space<vmem>>
    %dma_wait3A_1498 = tpu.memref_squeeze %dma_wait3A_1497 : memref<1x16x1024xf32, #tpu.memory_space<vmem>> -> memref<16x1024xf32, #tpu.memory_space<vmem>>
    tpu.wait_dma2 semaphore(%dma_wait3A_1492 : memref<!tpu.dma_semaphore, #tpu.memory_space<semaphore_mem>>) src(%dma_wait3A_1498 : memref<16x1024xf32, #tpu.memory_space<vmem>>) dst(%dma_wait3A_1494 : memref<16x1024xf32, #tpu.memory_space<hbm>>)
    %dma_start3A_1499 = arith.constant 0 : i32
    %dma_start3A_1500 = arith.constant 0 : i32
    %dma_start3A_1501 = arith.constant 0 : i32
    %dma_start3A_1502 = arith.constant 0 : i32
    %dma_start3A_1503 = tpu.memref_slice %arg5[%dma_start3A_1499, %dma_start3A_1501, %dma_start3A_1502] : memref<7x16x1024xf32, #tpu.memory_space<vmem>> -> memref<1x16x1024xf32, #tpu.memory_space<vmem>>
    %dma_start3A_1504 = tpu.memref_squeeze %dma_start3A_1503 : memref<1x16x1024xf32, #tpu.memory_space<vmem>> -> memref<16x1024xf32, #tpu.memory_space<vmem>>
    %dma_start3A_1505 = arith.constant 336 : i32
    %dma_start3A_1506 = tpu.memref_slice %arg4[%dma_start3A_1505] : memref<512xi32, #tpu.memory_space<vmem>> -> memref<16xi32, #tpu.memory_space<vmem>>
    %dma_start3A_1507 = arith.constant 0 : i32
    %dma_start3A_1508 = arith.constant 0 : i32
    %dma_start3A_1509 = tpu.memref_slice %arg2[%dma_start3A_1507, %dma_start3A_1508] : memref<16384x1024xf32, #tpu.memory_space<hbm>> -> memref<16384x1024xf32, #tpu.memory_space<hbm>>
    %dma_start3A_1510 = tpu.memref_slice %arg6[%dma_start3A_1500] : memref<7x!tpu.dma_semaphore, #tpu.memory_space<semaphore_mem>> -> memref<1x!tpu.dma_semaphore, #tpu.memory_space<semaphore_mem>>
    %dma_start3A_1511 = tpu.memref_squeeze %dma_start3A_1510 : memref<1x!tpu.dma_semaphore, #tpu.memory_space<semaphore_mem>> -> memref<!tpu.dma_semaphore, #tpu.memory_space<semaphore_mem>>
    tpu.enqueue_indirect_dma source(%dma_start3A_1509 : memref<16384x1024xf32, #tpu.memory_space<hbm>>) target(%dma_start3A_1504 : memref<16x1024xf32, #tpu.memory_space<vmem>>) offsets(%dma_start3A_1506 : memref<16xi32, #tpu.memory_space<vmem>>) semaphore(%dma_start3A_1511 : memref<!tpu.dma_semaphore, #tpu.memory_space<semaphore_mem>>)
    %dma_wait3A_1512 = arith.constant 4 : i32
    %dma_wait3A_1513 = arith.constant 4 : i32
    %dma_wait3A_1514 = arith.constant 0 : i32
    %dma_wait3A_1515 = arith.constant 0 : i32
    %dma_wait3A_1516 = tpu.memref_slice %arg5[%dma_wait3A_1512, %dma_wait3A_1514, %dma_wait3A_1515] : memref<7x16x1024xf32, #tpu.memory_space<vmem>> -> memref<1x16x1024xf32, #tpu.memory_space<vmem>>
    %dma_wait3A_1517 = tpu.memref_squeeze %dma_wait3A_1516 : memref<1x16x1024xf32, #tpu.memory_space<vmem>> -> memref<16x1024xf32, #tpu.memory_space<vmem>>
    %dma_wait3A_1518 = arith.constant 288 : i32
    %dma_wait3A_1519 = tpu.memref_slice %arg4[%dma_wait3A_1518] : memref<512xi32, #tpu.memory_space<vmem>> -> memref<16xi32, #tpu.memory_space<vmem>>
    %dma_wait3A_1520 = arith.constant 0 : i32
    %dma_wait3A_1521 = arith.constant 0 : i32
    %dma_wait3A_1522 = tpu.memref_slice %arg2[%dma_wait3A_1520, %dma_wait3A_1521] : memref<16384x1024xf32, #tpu.memory_space<hbm>> -> memref<16384x1024xf32, #tpu.memory_space<hbm>>
    %dma_wait3A_1523 = tpu.memref_slice %arg6[%dma_wait3A_1513] : memref<7x!tpu.dma_semaphore, #tpu.memory_space<semaphore_mem>> -> memref<1x!tpu.dma_semaphore, #tpu.memory_space<semaphore_mem>>
    %dma_wait3A_1524 = tpu.memref_squeeze %dma_wait3A_1523 : memref<1x!tpu.dma_semaphore, #tpu.memory_space<semaphore_mem>> -> memref<!tpu.dma_semaphore, #tpu.memory_space<semaphore_mem>>
    tpu.wait_indirect_dma semaphore(%dma_wait3A_1524 : memref<!tpu.dma_semaphore, #tpu.memory_space<semaphore_mem>>) src(%dma_wait3A_1522 : memref<16384x1024xf32, #tpu.memory_space<hbm>>) dst(%dma_wait3A_1517 : memref<16x1024xf32, #tpu.memory_space<vmem>>)
    %add3A_1525 = arith.constant 288 : i32
    %add3A_1526 = arith.addi %mul3A_2, %add3A_1525 : i32
    %dma_start3A_1527 = arith.constant 4 : i32
    %dma_start3A_1528 = arith.constant 4 : i32
    %dma_start3A_1529 = arith.constant 0 : i32
    %dma_start3A_1530 = arith.constant 0 : i32
    %dma_start3A_1531 = tpu.memref_slice %arg5[%dma_start3A_1527, %dma_start3A_1529, %dma_start3A_1530] : memref<7x16x1024xf32, #tpu.memory_space<vmem>> -> memref<1x16x1024xf32, #tpu.memory_space<vmem>>
    %dma_start3A_1532 = tpu.memref_squeeze %dma_start3A_1531 : memref<1x16x1024xf32, #tpu.memory_space<vmem>> -> memref<16x1024xf32, #tpu.memory_space<vmem>>
    %dma_start3A_1533 = arith.constant 0 : i32
    %dma_start3A_1534 = tpu.memref_slice %arg3[%add3A_1526, %dma_start3A_1533] : memref<16384x1024xf32, #tpu.memory_space<hbm>> -> memref<16x1024xf32, #tpu.memory_space<hbm>>
    %dma_start3A_1535 = tpu.memref_slice %arg7[%dma_start3A_1528] : memref<7x!tpu.dma_semaphore, #tpu.memory_space<semaphore_mem>> -> memref<1x!tpu.dma_semaphore, #tpu.memory_space<semaphore_mem>>
    %dma_start3A_1536 = tpu.memref_squeeze %dma_start3A_1535 : memref<1x!tpu.dma_semaphore, #tpu.memory_space<semaphore_mem>> -> memref<!tpu.dma_semaphore, #tpu.memory_space<semaphore_mem>>
    %dma_start3A_1537 = arith.constant 0 : i32
    %dma_start3A_1538 = tpu.memref_slice %arg3[%add3A_1526, %dma_start3A_1537] : memref<16384x1024xf32, #tpu.memory_space<hbm>> -> memref<16x1024xf32, #tpu.memory_space<hbm>>
    %dma_start3A_1539 = arith.constant 0 : i32
    %dma_start3A_1540 = arith.constant 0 : i32
    %dma_start3A_1541 = tpu.memref_slice %arg5[%dma_start3A_1527, %dma_start3A_1539, %dma_start3A_1540] : memref<7x16x1024xf32, #tpu.memory_space<vmem>> -> memref<1x16x1024xf32, #tpu.memory_space<vmem>>
    %dma_start3A_1542 = tpu.memref_squeeze %dma_start3A_1541 : memref<1x16x1024xf32, #tpu.memory_space<vmem>> -> memref<16x1024xf32, #tpu.memory_space<vmem>>
    tpu.enqueue_dma source(%dma_start3A_1542 : memref<16x1024xf32, #tpu.memory_space<vmem>>) target(%dma_start3A_1538 : memref<16x1024xf32, #tpu.memory_space<hbm>>) target_semaphore(%dma_start3A_1536 : memref<!tpu.dma_semaphore, #tpu.memory_space<semaphore_mem>>)
    %dma_wait3A_1543 = arith.constant 1 : i32
    %dma_wait3A_1544 = arith.constant 1 : i32
    %dma_wait3A_1545 = arith.constant 0 : i32
    %dma_wait3A_1546 = arith.constant 0 : i32
    %dma_wait3A_1547 = tpu.memref_slice %arg5[%dma_wait3A_1543, %dma_wait3A_1545, %dma_wait3A_1546] : memref<7x16x1024xf32, #tpu.memory_space<vmem>> -> memref<1x16x1024xf32, #tpu.memory_space<vmem>>
    %dma_wait3A_1548 = tpu.memref_squeeze %dma_wait3A_1547 : memref<1x16x1024xf32, #tpu.memory_space<vmem>> -> memref<16x1024xf32, #tpu.memory_space<vmem>>
    %dma_wait3A_1549 = arith.constant 0 : i32
    %dma_wait3A_1550 = tpu.memref_slice %arg3[%add3A_1346, %dma_wait3A_1549] : memref<16384x1024xf32, #tpu.memory_space<hbm>> -> memref<16x1024xf32, #tpu.memory_space<hbm>>
    %dma_wait3A_1551 = tpu.memref_slice %arg7[%dma_wait3A_1544] : memref<7x!tpu.dma_semaphore, #tpu.memory_space<semaphore_mem>> -> memref<1x!tpu.dma_semaphore, #tpu.memory_space<semaphore_mem>>
    %dma_wait3A_1552 = tpu.memref_squeeze %dma_wait3A_1551 : memref<1x!tpu.dma_semaphore, #tpu.memory_space<semaphore_mem>> -> memref<!tpu.dma_semaphore, #tpu.memory_space<semaphore_mem>>
    %dma_wait3A_1553 = arith.constant 0 : i32
    %dma_wait3A_1554 = tpu.memref_slice %arg3[%add3A_1346, %dma_wait3A_1553] : memref<16384x1024xf32, #tpu.memory_space<hbm>> -> memref<16x1024xf32, #tpu.memory_space<hbm>>
    %dma_wait3A_1555 = arith.constant 0 : i32
    %dma_wait3A_1556 = arith.constant 0 : i32
    %dma_wait3A_1557 = tpu.memref_slice %arg5[%dma_wait3A_1543, %dma_wait3A_1555, %dma_wait3A_1556] : memref<7x16x1024xf32, #tpu.memory_space<vmem>> -> memref<1x16x1024xf32, #tpu.memory_space<vmem>>
    %dma_wait3A_1558 = tpu.memref_squeeze %dma_wait3A_1557 : memref<1x16x1024xf32, #tpu.memory_space<vmem>> -> memref<16x1024xf32, #tpu.memory_space<vmem>>
    tpu.wait_dma2 semaphore(%dma_wait3A_1552 : memref<!tpu.dma_semaphore, #tpu.memory_space<semaphore_mem>>) src(%dma_wait3A_1558 : memref<16x1024xf32, #tpu.memory_space<vmem>>) dst(%dma_wait3A_1554 : memref<16x1024xf32, #tpu.memory_space<hbm>>)
    %dma_start3A_1559 = arith.constant 1 : i32
    %dma_start3A_1560 = arith.constant 1 : i32
    %dma_start3A_1561 = arith.constant 0 : i32
    %dma_start3A_1562 = arith.constant 0 : i32
    %dma_start3A_1563 = tpu.memref_slice %arg5[%dma_start3A_1559, %dma_start3A_1561, %dma_start3A_1562] : memref<7x16x1024xf32, #tpu.memory_space<vmem>> -> memref<1x16x1024xf32, #tpu.memory_space<vmem>>
    %dma_start3A_1564 = tpu.memref_squeeze %dma_start3A_1563 : memref<1x16x1024xf32, #tpu.memory_space<vmem>> -> memref<16x1024xf32, #tpu.memory_space<vmem>>
    %dma_start3A_1565 = arith.constant 352 : i32
    %dma_start3A_1566 = tpu.memref_slice %arg4[%dma_start3A_1565] : memref<512xi32, #tpu.memory_space<vmem>> -> memref<16xi32, #tpu.memory_space<vmem>>
    %dma_start3A_1567 = arith.constant 0 : i32
    %dma_start3A_1568 = arith.constant 0 : i32
    %dma_start3A_1569 = tpu.memref_slice %arg2[%dma_start3A_1567, %dma_start3A_1568] : memref<16384x1024xf32, #tpu.memory_space<hbm>> -> memref<16384x1024xf32, #tpu.memory_space<hbm>>
    %dma_start3A_1570 = tpu.memref_slice %arg6[%dma_start3A_1560] : memref<7x!tpu.dma_semaphore, #tpu.memory_space<semaphore_mem>> -> memref<1x!tpu.dma_semaphore, #tpu.memory_space<semaphore_mem>>
    %dma_start3A_1571 = tpu.memref_squeeze %dma_start3A_1570 : memref<1x!tpu.dma_semaphore, #tpu.memory_space<semaphore_mem>> -> memref<!tpu.dma_semaphore, #tpu.memory_space<semaphore_mem>>
    tpu.enqueue_indirect_dma source(%dma_start3A_1569 : memref<16384x1024xf32, #tpu.memory_space<hbm>>) target(%dma_start3A_1564 : memref<16x1024xf32, #tpu.memory_space<vmem>>) offsets(%dma_start3A_1566 : memref<16xi32, #tpu.memory_space<vmem>>) semaphore(%dma_start3A_1571 : memref<!tpu.dma_semaphore, #tpu.memory_space<semaphore_mem>>)
    %dma_wait3A_1572 = arith.constant 5 : i32
    %dma_wait3A_1573 = arith.constant 5 : i32
    %dma_wait3A_1574 = arith.constant 0 : i32
    %dma_wait3A_1575 = arith.constant 0 : i32
    %dma_wait3A_1576 = tpu.memref_slice %arg5[%dma_wait3A_1572, %dma_wait3A_1574, %dma_wait3A_1575] : memref<7x16x1024xf32, #tpu.memory_space<vmem>> -> memref<1x16x1024xf32, #tpu.memory_space<vmem>>
    %dma_wait3A_1577 = tpu.memref_squeeze %dma_wait3A_1576 : memref<1x16x1024xf32, #tpu.memory_space<vmem>> -> memref<16x1024xf32, #tpu.memory_space<vmem>>
    %dma_wait3A_1578 = arith.constant 304 : i32
    %dma_wait3A_1579 = tpu.memref_slice %arg4[%dma_wait3A_1578] : memref<512xi32, #tpu.memory_space<vmem>> -> memref<16xi32, #tpu.memory_space<vmem>>
    %dma_wait3A_1580 = arith.constant 0 : i32
    %dma_wait3A_1581 = arith.constant 0 : i32
    %dma_wait3A_1582 = tpu.memref_slice %arg2[%dma_wait3A_1580, %dma_wait3A_1581] : memref<16384x1024xf32, #tpu.memory_space<hbm>> -> memref<16384x1024xf32, #tpu.memory_space<hbm>>
    %dma_wait3A_1583 = tpu.memref_slice %arg6[%dma_wait3A_1573] : memref<7x!tpu.dma_semaphore, #tpu.memory_space<semaphore_mem>> -> memref<1x!tpu.dma_semaphore, #tpu.memory_space<semaphore_mem>>
    %dma_wait3A_1584 = tpu.memref_squeeze %dma_wait3A_1583 : memref<1x!tpu.dma_semaphore, #tpu.memory_space<semaphore_mem>> -> memref<!tpu.dma_semaphore, #tpu.memory_space<semaphore_mem>>
    tpu.wait_indirect_dma semaphore(%dma_wait3A_1584 : memref<!tpu.dma_semaphore, #tpu.memory_space<semaphore_mem>>) src(%dma_wait3A_1582 : memref<16384x1024xf32, #tpu.memory_space<hbm>>) dst(%dma_wait3A_1577 : memref<16x1024xf32, #tpu.memory_space<vmem>>)
    %add3A_1585 = arith.constant 304 : i32
    %add3A_1586 = arith.addi %mul3A_2, %add3A_1585 : i32
    %dma_start3A_1587 = arith.constant 5 : i32
    %dma_start3A_1588 = arith.constant 5 : i32
    %dma_start3A_1589 = arith.constant 0 : i32
    %dma_start3A_1590 = arith.constant 0 : i32
    %dma_start3A_1591 = tpu.memref_slice %arg5[%dma_start3A_1587, %dma_start3A_1589, %dma_start3A_1590] : memref<7x16x1024xf32, #tpu.memory_space<vmem>> -> memref<1x16x1024xf32, #tpu.memory_space<vmem>>
    %dma_start3A_1592 = tpu.memref_squeeze %dma_start3A_1591 : memref<1x16x1024xf32, #tpu.memory_space<vmem>> -> memref<16x1024xf32, #tpu.memory_space<vmem>>
    %dma_start3A_1593 = arith.constant 0 : i32
    %dma_start3A_1594 = tpu.memref_slice %arg3[%add3A_1586, %dma_start3A_1593] : memref<16384x1024xf32, #tpu.memory_space<hbm>> -> memref<16x1024xf32, #tpu.memory_space<hbm>>
    %dma_start3A_1595 = tpu.memref_slice %arg7[%dma_start3A_1588] : memref<7x!tpu.dma_semaphore, #tpu.memory_space<semaphore_mem>> -> memref<1x!tpu.dma_semaphore, #tpu.memory_space<semaphore_mem>>
    %dma_start3A_1596 = tpu.memref_squeeze %dma_start3A_1595 : memref<1x!tpu.dma_semaphore, #tpu.memory_space<semaphore_mem>> -> memref<!tpu.dma_semaphore, #tpu.memory_space<semaphore_mem>>
    %dma_start3A_1597 = arith.constant 0 : i32
    %dma_start3A_1598 = tpu.memref_slice %arg3[%add3A_1586, %dma_start3A_1597] : memref<16384x1024xf32, #tpu.memory_space<hbm>> -> memref<16x1024xf32, #tpu.memory_space<hbm>>
    %dma_start3A_1599 = arith.constant 0 : i32
    %dma_start3A_1600 = arith.constant 0 : i32
    %dma_start3A_1601 = tpu.memref_slice %arg5[%dma_start3A_1587, %dma_start3A_1599, %dma_start3A_1600] : memref<7x16x1024xf32, #tpu.memory_space<vmem>> -> memref<1x16x1024xf32, #tpu.memory_space<vmem>>
    %dma_start3A_1602 = tpu.memref_squeeze %dma_start3A_1601 : memref<1x16x1024xf32, #tpu.memory_space<vmem>> -> memref<16x1024xf32, #tpu.memory_space<vmem>>
    tpu.enqueue_dma source(%dma_start3A_1602 : memref<16x1024xf32, #tpu.memory_space<vmem>>) target(%dma_start3A_1598 : memref<16x1024xf32, #tpu.memory_space<hbm>>) target_semaphore(%dma_start3A_1596 : memref<!tpu.dma_semaphore, #tpu.memory_space<semaphore_mem>>)
    %dma_wait3A_1603 = arith.constant 2 : i32
    %dma_wait3A_1604 = arith.constant 2 : i32
    %dma_wait3A_1605 = arith.constant 0 : i32
    %dma_wait3A_1606 = arith.constant 0 : i32
    %dma_wait3A_1607 = tpu.memref_slice %arg5[%dma_wait3A_1603, %dma_wait3A_1605, %dma_wait3A_1606] : memref<7x16x1024xf32, #tpu.memory_space<vmem>> -> memref<1x16x1024xf32, #tpu.memory_space<vmem>>
    %dma_wait3A_1608 = tpu.memref_squeeze %dma_wait3A_1607 : memref<1x16x1024xf32, #tpu.memory_space<vmem>> -> memref<16x1024xf32, #tpu.memory_space<vmem>>
    %dma_wait3A_1609 = arith.constant 0 : i32
    %dma_wait3A_1610 = tpu.memref_slice %arg3[%add3A_1406, %dma_wait3A_1609] : memref<16384x1024xf32, #tpu.memory_space<hbm>> -> memref<16x1024xf32, #tpu.memory_space<hbm>>
    %dma_wait3A_1611 = tpu.memref_slice %arg7[%dma_wait3A_1604] : memref<7x!tpu.dma_semaphore, #tpu.memory_space<semaphore_mem>> -> memref<1x!tpu.dma_semaphore, #tpu.memory_space<semaphore_mem>>
    %dma_wait3A_1612 = tpu.memref_squeeze %dma_wait3A_1611 : memref<1x!tpu.dma_semaphore, #tpu.memory_space<semaphore_mem>> -> memref<!tpu.dma_semaphore, #tpu.memory_space<semaphore_mem>>
    %dma_wait3A_1613 = arith.constant 0 : i32
    %dma_wait3A_1614 = tpu.memref_slice %arg3[%add3A_1406, %dma_wait3A_1613] : memref<16384x1024xf32, #tpu.memory_space<hbm>> -> memref<16x1024xf32, #tpu.memory_space<hbm>>
    %dma_wait3A_1615 = arith.constant 0 : i32
    %dma_wait3A_1616 = arith.constant 0 : i32
    %dma_wait3A_1617 = tpu.memref_slice %arg5[%dma_wait3A_1603, %dma_wait3A_1615, %dma_wait3A_1616] : memref<7x16x1024xf32, #tpu.memory_space<vmem>> -> memref<1x16x1024xf32, #tpu.memory_space<vmem>>
    %dma_wait3A_1618 = tpu.memref_squeeze %dma_wait3A_1617 : memref<1x16x1024xf32, #tpu.memory_space<vmem>> -> memref<16x1024xf32, #tpu.memory_space<vmem>>
    tpu.wait_dma2 semaphore(%dma_wait3A_1612 : memref<!tpu.dma_semaphore, #tpu.memory_space<semaphore_mem>>) src(%dma_wait3A_1618 : memref<16x1024xf32, #tpu.memory_space<vmem>>) dst(%dma_wait3A_1614 : memref<16x1024xf32, #tpu.memory_space<hbm>>)
    %dma_start3A_1619 = arith.constant 2 : i32
    %dma_start3A_1620 = arith.constant 2 : i32
    %dma_start3A_1621 = arith.constant 0 : i32
    %dma_start3A_1622 = arith.constant 0 : i32
    %dma_start3A_1623 = tpu.memref_slice %arg5[%dma_start3A_1619, %dma_start3A_1621, %dma_start3A_1622] : memref<7x16x1024xf32, #tpu.memory_space<vmem>> -> memref<1x16x1024xf32, #tpu.memory_space<vmem>>
    %dma_start3A_1624 = tpu.memref_squeeze %dma_start3A_1623 : memref<1x16x1024xf32, #tpu.memory_space<vmem>> -> memref<16x1024xf32, #tpu.memory_space<vmem>>
    %dma_start3A_1625 = arith.constant 368 : i32
    %dma_start3A_1626 = tpu.memref_slice %arg4[%dma_start3A_1625] : memref<512xi32, #tpu.memory_space<vmem>> -> memref<16xi32, #tpu.memory_space<vmem>>
    %dma_start3A_1627 = arith.constant 0 : i32
    %dma_start3A_1628 = arith.constant 0 : i32
    %dma_start3A_1629 = tpu.memref_slice %arg2[%dma_start3A_1627, %dma_start3A_1628] : memref<16384x1024xf32, #tpu.memory_space<hbm>> -> memref<16384x1024xf32, #tpu.memory_space<hbm>>
    %dma_start3A_1630 = tpu.memref_slice %arg6[%dma_start3A_1620] : memref<7x!tpu.dma_semaphore, #tpu.memory_space<semaphore_mem>> -> memref<1x!tpu.dma_semaphore, #tpu.memory_space<semaphore_mem>>
    %dma_start3A_1631 = tpu.memref_squeeze %dma_start3A_1630 : memref<1x!tpu.dma_semaphore, #tpu.memory_space<semaphore_mem>> -> memref<!tpu.dma_semaphore, #tpu.memory_space<semaphore_mem>>
    tpu.enqueue_indirect_dma source(%dma_start3A_1629 : memref<16384x1024xf32, #tpu.memory_space<hbm>>) target(%dma_start3A_1624 : memref<16x1024xf32, #tpu.memory_space<vmem>>) offsets(%dma_start3A_1626 : memref<16xi32, #tpu.memory_space<vmem>>) semaphore(%dma_start3A_1631 : memref<!tpu.dma_semaphore, #tpu.memory_space<semaphore_mem>>)
    %dma_wait3A_1632 = arith.constant 6 : i32
    %dma_wait3A_1633 = arith.constant 6 : i32
    %dma_wait3A_1634 = arith.constant 0 : i32
    %dma_wait3A_1635 = arith.constant 0 : i32
    %dma_wait3A_1636 = tpu.memref_slice %arg5[%dma_wait3A_1632, %dma_wait3A_1634, %dma_wait3A_1635] : memref<7x16x1024xf32, #tpu.memory_space<vmem>> -> memref<1x16x1024xf32, #tpu.memory_space<vmem>>
    %dma_wait3A_1637 = tpu.memref_squeeze %dma_wait3A_1636 : memref<1x16x1024xf32, #tpu.memory_space<vmem>> -> memref<16x1024xf32, #tpu.memory_space<vmem>>
    %dma_wait3A_1638 = arith.constant 320 : i32
    %dma_wait3A_1639 = tpu.memref_slice %arg4[%dma_wait3A_1638] : memref<512xi32, #tpu.memory_space<vmem>> -> memref<16xi32, #tpu.memory_space<vmem>>
    %dma_wait3A_1640 = arith.constant 0 : i32
    %dma_wait3A_1641 = arith.constant 0 : i32
    %dma_wait3A_1642 = tpu.memref_slice %arg2[%dma_wait3A_1640, %dma_wait3A_1641] : memref<16384x1024xf32, #tpu.memory_space<hbm>> -> memref<16384x1024xf32, #tpu.memory_space<hbm>>
    %dma_wait3A_1643 = tpu.memref_slice %arg6[%dma_wait3A_1633] : memref<7x!tpu.dma_semaphore, #tpu.memory_space<semaphore_mem>> -> memref<1x!tpu.dma_semaphore, #tpu.memory_space<semaphore_mem>>
    %dma_wait3A_1644 = tpu.memref_squeeze %dma_wait3A_1643 : memref<1x!tpu.dma_semaphore, #tpu.memory_space<semaphore_mem>> -> memref<!tpu.dma_semaphore, #tpu.memory_space<semaphore_mem>>
    tpu.wait_indirect_dma semaphore(%dma_wait3A_1644 : memref<!tpu.dma_semaphore, #tpu.memory_space<semaphore_mem>>) src(%dma_wait3A_1642 : memref<16384x1024xf32, #tpu.memory_space<hbm>>) dst(%dma_wait3A_1637 : memref<16x1024xf32, #tpu.memory_space<vmem>>)
    %add3A_1645 = arith.constant 320 : i32
    %add3A_1646 = arith.addi %mul3A_2, %add3A_1645 : i32
    %dma_start3A_1647 = arith.constant 6 : i32
    %dma_start3A_1648 = arith.constant 6 : i32
    %dma_start3A_1649 = arith.constant 0 : i32
    %dma_start3A_1650 = arith.constant 0 : i32
    %dma_start3A_1651 = tpu.memref_slice %arg5[%dma_start3A_1647, %dma_start3A_1649, %dma_start3A_1650] : memref<7x16x1024xf32, #tpu.memory_space<vmem>> -> memref<1x16x1024xf32, #tpu.memory_space<vmem>>
    %dma_start3A_1652 = tpu.memref_squeeze %dma_start3A_1651 : memref<1x16x1024xf32, #tpu.memory_space<vmem>> -> memref<16x1024xf32, #tpu.memory_space<vmem>>
    %dma_start3A_1653 = arith.constant 0 : i32
    %dma_start3A_1654 = tpu.memref_slice %arg3[%add3A_1646, %dma_start3A_1653] : memref<16384x1024xf32, #tpu.memory_space<hbm>> -> memref<16x1024xf32, #tpu.memory_space<hbm>>
    %dma_start3A_1655 = tpu.memref_slice %arg7[%dma_start3A_1648] : memref<7x!tpu.dma_semaphore, #tpu.memory_space<semaphore_mem>> -> memref<1x!tpu.dma_semaphore, #tpu.memory_space<semaphore_mem>>
    %dma_start3A_1656 = tpu.memref_squeeze %dma_start3A_1655 : memref<1x!tpu.dma_semaphore, #tpu.memory_space<semaphore_mem>> -> memref<!tpu.dma_semaphore, #tpu.memory_space<semaphore_mem>>
    %dma_start3A_1657 = arith.constant 0 : i32
    %dma_start3A_1658 = tpu.memref_slice %arg3[%add3A_1646, %dma_start3A_1657] : memref<16384x1024xf32, #tpu.memory_space<hbm>> -> memref<16x1024xf32, #tpu.memory_space<hbm>>
    %dma_start3A_1659 = arith.constant 0 : i32
    %dma_start3A_1660 = arith.constant 0 : i32
    %dma_start3A_1661 = tpu.memref_slice %arg5[%dma_start3A_1647, %dma_start3A_1659, %dma_start3A_1660] : memref<7x16x1024xf32, #tpu.memory_space<vmem>> -> memref<1x16x1024xf32, #tpu.memory_space<vmem>>
    %dma_start3A_1662 = tpu.memref_squeeze %dma_start3A_1661 : memref<1x16x1024xf32, #tpu.memory_space<vmem>> -> memref<16x1024xf32, #tpu.memory_space<vmem>>
    tpu.enqueue_dma source(%dma_start3A_1662 : memref<16x1024xf32, #tpu.memory_space<vmem>>) target(%dma_start3A_1658 : memref<16x1024xf32, #tpu.memory_space<hbm>>) target_semaphore(%dma_start3A_1656 : memref<!tpu.dma_semaphore, #tpu.memory_space<semaphore_mem>>)
    %dma_wait3A_1663 = arith.constant 3 : i32
    %dma_wait3A_1664 = arith.constant 3 : i32
    %dma_wait3A_1665 = arith.constant 0 : i32
    %dma_wait3A_1666 = arith.constant 0 : i32
    %dma_wait3A_1667 = tpu.memref_slice %arg5[%dma_wait3A_1663, %dma_wait3A_1665, %dma_wait3A_1666] : memref<7x16x1024xf32, #tpu.memory_space<vmem>> -> memref<1x16x1024xf32, #tpu.memory_space<vmem>>
    %dma_wait3A_1668 = tpu.memref_squeeze %dma_wait3A_1667 : memref<1x16x1024xf32, #tpu.memory_space<vmem>> -> memref<16x1024xf32, #tpu.memory_space<vmem>>
    %dma_wait3A_1669 = arith.constant 0 : i32
    %dma_wait3A_1670 = tpu.memref_slice %arg3[%add3A_1466, %dma_wait3A_1669] : memref<16384x1024xf32, #tpu.memory_space<hbm>> -> memref<16x1024xf32, #tpu.memory_space<hbm>>
    %dma_wait3A_1671 = tpu.memref_slice %arg7[%dma_wait3A_1664] : memref<7x!tpu.dma_semaphore, #tpu.memory_space<semaphore_mem>> -> memref<1x!tpu.dma_semaphore, #tpu.memory_space<semaphore_mem>>
    %dma_wait3A_1672 = tpu.memref_squeeze %dma_wait3A_1671 : memref<1x!tpu.dma_semaphore, #tpu.memory_space<semaphore_mem>> -> memref<!tpu.dma_semaphore, #tpu.memory_space<semaphore_mem>>
    %dma_wait3A_1673 = arith.constant 0 : i32
    %dma_wait3A_1674 = tpu.memref_slice %arg3[%add3A_1466, %dma_wait3A_1673] : memref<16384x1024xf32, #tpu.memory_space<hbm>> -> memref<16x1024xf32, #tpu.memory_space<hbm>>
    %dma_wait3A_1675 = arith.constant 0 : i32
    %dma_wait3A_1676 = arith.constant 0 : i32
    %dma_wait3A_1677 = tpu.memref_slice %arg5[%dma_wait3A_1663, %dma_wait3A_1675, %dma_wait3A_1676] : memref<7x16x1024xf32, #tpu.memory_space<vmem>> -> memref<1x16x1024xf32, #tpu.memory_space<vmem>>
    %dma_wait3A_1678 = tpu.memref_squeeze %dma_wait3A_1677 : memref<1x16x1024xf32, #tpu.memory_space<vmem>> -> memref<16x1024xf32, #tpu.memory_space<vmem>>
    tpu.wait_dma2 semaphore(%dma_wait3A_1672 : memref<!tpu.dma_semaphore, #tpu.memory_space<semaphore_mem>>) src(%dma_wait3A_1678 : memref<16x1024xf32, #tpu.memory_space<vmem>>) dst(%dma_wait3A_1674 : memref<16x1024xf32, #tpu.memory_space<hbm>>)
    %dma_start3A_1679 = arith.constant 3 : i32
    %dma_start3A_1680 = arith.constant 3 : i32
    %dma_start3A_1681 = arith.constant 0 : i32
    %dma_start3A_1682 = arith.constant 0 : i32
    %dma_start3A_1683 = tpu.memref_slice %arg5[%dma_start3A_1679, %dma_start3A_1681, %dma_start3A_1682] : memref<7x16x1024xf32, #tpu.memory_space<vmem>> -> memref<1x16x1024xf32, #tpu.memory_space<vmem>>
    %dma_start3A_1684 = tpu.memref_squeeze %dma_start3A_1683 : memref<1x16x1024xf32, #tpu.memory_space<vmem>> -> memref<16x1024xf32, #tpu.memory_space<vmem>>
    %dma_start3A_1685 = arith.constant 384 : i32
    %dma_start3A_1686 = tpu.memref_slice %arg4[%dma_start3A_1685] : memref<512xi32, #tpu.memory_space<vmem>> -> memref<16xi32, #tpu.memory_space<vmem>>
    %dma_start3A_1687 = arith.constant 0 : i32
    %dma_start3A_1688 = arith.constant 0 : i32
    %dma_start3A_1689 = tpu.memref_slice %arg2[%dma_start3A_1687, %dma_start3A_1688] : memref<16384x1024xf32, #tpu.memory_space<hbm>> -> memref<16384x1024xf32, #tpu.memory_space<hbm>>
    %dma_start3A_1690 = tpu.memref_slice %arg6[%dma_start3A_1680] : memref<7x!tpu.dma_semaphore, #tpu.memory_space<semaphore_mem>> -> memref<1x!tpu.dma_semaphore, #tpu.memory_space<semaphore_mem>>
    %dma_start3A_1691 = tpu.memref_squeeze %dma_start3A_1690 : memref<1x!tpu.dma_semaphore, #tpu.memory_space<semaphore_mem>> -> memref<!tpu.dma_semaphore, #tpu.memory_space<semaphore_mem>>
    tpu.enqueue_indirect_dma source(%dma_start3A_1689 : memref<16384x1024xf32, #tpu.memory_space<hbm>>) target(%dma_start3A_1684 : memref<16x1024xf32, #tpu.memory_space<vmem>>) offsets(%dma_start3A_1686 : memref<16xi32, #tpu.memory_space<vmem>>) semaphore(%dma_start3A_1691 : memref<!tpu.dma_semaphore, #tpu.memory_space<semaphore_mem>>)
    %dma_wait3A_1692 = arith.constant 0 : i32
    %dma_wait3A_1693 = arith.constant 0 : i32
    %dma_wait3A_1694 = arith.constant 0 : i32
    %dma_wait3A_1695 = arith.constant 0 : i32
    %dma_wait3A_1696 = tpu.memref_slice %arg5[%dma_wait3A_1692, %dma_wait3A_1694, %dma_wait3A_1695] : memref<7x16x1024xf32, #tpu.memory_space<vmem>> -> memref<1x16x1024xf32, #tpu.memory_space<vmem>>
    %dma_wait3A_1697 = tpu.memref_squeeze %dma_wait3A_1696 : memref<1x16x1024xf32, #tpu.memory_space<vmem>> -> memref<16x1024xf32, #tpu.memory_space<vmem>>
    %dma_wait3A_1698 = arith.constant 336 : i32
    %dma_wait3A_1699 = tpu.memref_slice %arg4[%dma_wait3A_1698] : memref<512xi32, #tpu.memory_space<vmem>> -> memref<16xi32, #tpu.memory_space<vmem>>
    %dma_wait3A_1700 = arith.constant 0 : i32
    %dma_wait3A_1701 = arith.constant 0 : i32
    %dma_wait3A_1702 = tpu.memref_slice %arg2[%dma_wait3A_1700, %dma_wait3A_1701] : memref<16384x1024xf32, #tpu.memory_space<hbm>> -> memref<16384x1024xf32, #tpu.memory_space<hbm>>
    %dma_wait3A_1703 = tpu.memref_slice %arg6[%dma_wait3A_1693] : memref<7x!tpu.dma_semaphore, #tpu.memory_space<semaphore_mem>> -> memref<1x!tpu.dma_semaphore, #tpu.memory_space<semaphore_mem>>
    %dma_wait3A_1704 = tpu.memref_squeeze %dma_wait3A_1703 : memref<1x!tpu.dma_semaphore, #tpu.memory_space<semaphore_mem>> -> memref<!tpu.dma_semaphore, #tpu.memory_space<semaphore_mem>>
    tpu.wait_indirect_dma semaphore(%dma_wait3A_1704 : memref<!tpu.dma_semaphore, #tpu.memory_space<semaphore_mem>>) src(%dma_wait3A_1702 : memref<16384x1024xf32, #tpu.memory_space<hbm>>) dst(%dma_wait3A_1697 : memref<16x1024xf32, #tpu.memory_space<vmem>>)
    %add3A_1705 = arith.constant 336 : i32
    %add3A_1706 = arith.addi %mul3A_2, %add3A_1705 : i32
    %dma_start3A_1707 = arith.constant 0 : i32
    %dma_start3A_1708 = arith.constant 0 : i32
    %dma_start3A_1709 = arith.constant 0 : i32
    %dma_start3A_1710 = arith.constant 0 : i32
    %dma_start3A_1711 = tpu.memref_slice %arg5[%dma_start3A_1707, %dma_start3A_1709, %dma_start3A_1710] : memref<7x16x1024xf32, #tpu.memory_space<vmem>> -> memref<1x16x1024xf32, #tpu.memory_space<vmem>>
    %dma_start3A_1712 = tpu.memref_squeeze %dma_start3A_1711 : memref<1x16x1024xf32, #tpu.memory_space<vmem>> -> memref<16x1024xf32, #tpu.memory_space<vmem>>
    %dma_start3A_1713 = arith.constant 0 : i32
    %dma_start3A_1714 = tpu.memref_slice %arg3[%add3A_1706, %dma_start3A_1713] : memref<16384x1024xf32, #tpu.memory_space<hbm>> -> memref<16x1024xf32, #tpu.memory_space<hbm>>
    %dma_start3A_1715 = tpu.memref_slice %arg7[%dma_start3A_1708] : memref<7x!tpu.dma_semaphore, #tpu.memory_space<semaphore_mem>> -> memref<1x!tpu.dma_semaphore, #tpu.memory_space<semaphore_mem>>
    %dma_start3A_1716 = tpu.memref_squeeze %dma_start3A_1715 : memref<1x!tpu.dma_semaphore, #tpu.memory_space<semaphore_mem>> -> memref<!tpu.dma_semaphore, #tpu.memory_space<semaphore_mem>>
    %dma_start3A_1717 = arith.constant 0 : i32
    %dma_start3A_1718 = tpu.memref_slice %arg3[%add3A_1706, %dma_start3A_1717] : memref<16384x1024xf32, #tpu.memory_space<hbm>> -> memref<16x1024xf32, #tpu.memory_space<hbm>>
    %dma_start3A_1719 = arith.constant 0 : i32
    %dma_start3A_1720 = arith.constant 0 : i32
    %dma_start3A_1721 = tpu.memref_slice %arg5[%dma_start3A_1707, %dma_start3A_1719, %dma_start3A_1720] : memref<7x16x1024xf32, #tpu.memory_space<vmem>> -> memref<1x16x1024xf32, #tpu.memory_space<vmem>>
    %dma_start3A_1722 = tpu.memref_squeeze %dma_start3A_1721 : memref<1x16x1024xf32, #tpu.memory_space<vmem>> -> memref<16x1024xf32, #tpu.memory_space<vmem>>
    tpu.enqueue_dma source(%dma_start3A_1722 : memref<16x1024xf32, #tpu.memory_space<vmem>>) target(%dma_start3A_1718 : memref<16x1024xf32, #tpu.memory_space<hbm>>) target_semaphore(%dma_start3A_1716 : memref<!tpu.dma_semaphore, #tpu.memory_space<semaphore_mem>>)
    %dma_wait3A_1723 = arith.constant 4 : i32
    %dma_wait3A_1724 = arith.constant 4 : i32
    %dma_wait3A_1725 = arith.constant 0 : i32
    %dma_wait3A_1726 = arith.constant 0 : i32
    %dma_wait3A_1727 = tpu.memref_slice %arg5[%dma_wait3A_1723, %dma_wait3A_1725, %dma_wait3A_1726] : memref<7x16x1024xf32, #tpu.memory_space<vmem>> -> memref<1x16x1024xf32, #tpu.memory_space<vmem>>
    %dma_wait3A_1728 = tpu.memref_squeeze %dma_wait3A_1727 : memref<1x16x1024xf32, #tpu.memory_space<vmem>> -> memref<16x1024xf32, #tpu.memory_space<vmem>>
    %dma_wait3A_1729 = arith.constant 0 : i32
    %dma_wait3A_1730 = tpu.memref_slice %arg3[%add3A_1526, %dma_wait3A_1729] : memref<16384x1024xf32, #tpu.memory_space<hbm>> -> memref<16x1024xf32, #tpu.memory_space<hbm>>
    %dma_wait3A_1731 = tpu.memref_slice %arg7[%dma_wait3A_1724] : memref<7x!tpu.dma_semaphore, #tpu.memory_space<semaphore_mem>> -> memref<1x!tpu.dma_semaphore, #tpu.memory_space<semaphore_mem>>
    %dma_wait3A_1732 = tpu.memref_squeeze %dma_wait3A_1731 : memref<1x!tpu.dma_semaphore, #tpu.memory_space<semaphore_mem>> -> memref<!tpu.dma_semaphore, #tpu.memory_space<semaphore_mem>>
    %dma_wait3A_1733 = arith.constant 0 : i32
    %dma_wait3A_1734 = tpu.memref_slice %arg3[%add3A_1526, %dma_wait3A_1733] : memref<16384x1024xf32, #tpu.memory_space<hbm>> -> memref<16x1024xf32, #tpu.memory_space<hbm>>
    %dma_wait3A_1735 = arith.constant 0 : i32
    %dma_wait3A_1736 = arith.constant 0 : i32
    %dma_wait3A_1737 = tpu.memref_slice %arg5[%dma_wait3A_1723, %dma_wait3A_1735, %dma_wait3A_1736] : memref<7x16x1024xf32, #tpu.memory_space<vmem>> -> memref<1x16x1024xf32, #tpu.memory_space<vmem>>
    %dma_wait3A_1738 = tpu.memref_squeeze %dma_wait3A_1737 : memref<1x16x1024xf32, #tpu.memory_space<vmem>> -> memref<16x1024xf32, #tpu.memory_space<vmem>>
    tpu.wait_dma2 semaphore(%dma_wait3A_1732 : memref<!tpu.dma_semaphore, #tpu.memory_space<semaphore_mem>>) src(%dma_wait3A_1738 : memref<16x1024xf32, #tpu.memory_space<vmem>>) dst(%dma_wait3A_1734 : memref<16x1024xf32, #tpu.memory_space<hbm>>)
    %dma_start3A_1739 = arith.constant 4 : i32
    %dma_start3A_1740 = arith.constant 4 : i32
    %dma_start3A_1741 = arith.constant 0 : i32
    %dma_start3A_1742 = arith.constant 0 : i32
    %dma_start3A_1743 = tpu.memref_slice %arg5[%dma_start3A_1739, %dma_start3A_1741, %dma_start3A_1742] : memref<7x16x1024xf32, #tpu.memory_space<vmem>> -> memref<1x16x1024xf32, #tpu.memory_space<vmem>>
    %dma_start3A_1744 = tpu.memref_squeeze %dma_start3A_1743 : memref<1x16x1024xf32, #tpu.memory_space<vmem>> -> memref<16x1024xf32, #tpu.memory_space<vmem>>
    %dma_start3A_1745 = arith.constant 400 : i32
    %dma_start3A_1746 = tpu.memref_slice %arg4[%dma_start3A_1745] : memref<512xi32, #tpu.memory_space<vmem>> -> memref<16xi32, #tpu.memory_space<vmem>>
    %dma_start3A_1747 = arith.constant 0 : i32
    %dma_start3A_1748 = arith.constant 0 : i32
    %dma_start3A_1749 = tpu.memref_slice %arg2[%dma_start3A_1747, %dma_start3A_1748] : memref<16384x1024xf32, #tpu.memory_space<hbm>> -> memref<16384x1024xf32, #tpu.memory_space<hbm>>
    %dma_start3A_1750 = tpu.memref_slice %arg6[%dma_start3A_1740] : memref<7x!tpu.dma_semaphore, #tpu.memory_space<semaphore_mem>> -> memref<1x!tpu.dma_semaphore, #tpu.memory_space<semaphore_mem>>
    %dma_start3A_1751 = tpu.memref_squeeze %dma_start3A_1750 : memref<1x!tpu.dma_semaphore, #tpu.memory_space<semaphore_mem>> -> memref<!tpu.dma_semaphore, #tpu.memory_space<semaphore_mem>>
    tpu.enqueue_indirect_dma source(%dma_start3A_1749 : memref<16384x1024xf32, #tpu.memory_space<hbm>>) target(%dma_start3A_1744 : memref<16x1024xf32, #tpu.memory_space<vmem>>) offsets(%dma_start3A_1746 : memref<16xi32, #tpu.memory_space<vmem>>) semaphore(%dma_start3A_1751 : memref<!tpu.dma_semaphore, #tpu.memory_space<semaphore_mem>>)
    %dma_wait3A_1752 = arith.constant 1 : i32
    %dma_wait3A_1753 = arith.constant 1 : i32
    %dma_wait3A_1754 = arith.constant 0 : i32
    %dma_wait3A_1755 = arith.constant 0 : i32
    %dma_wait3A_1756 = tpu.memref_slice %arg5[%dma_wait3A_1752, %dma_wait3A_1754, %dma_wait3A_1755] : memref<7x16x1024xf32, #tpu.memory_space<vmem>> -> memref<1x16x1024xf32, #tpu.memory_space<vmem>>
    %dma_wait3A_1757 = tpu.memref_squeeze %dma_wait3A_1756 : memref<1x16x1024xf32, #tpu.memory_space<vmem>> -> memref<16x1024xf32, #tpu.memory_space<vmem>>
    %dma_wait3A_1758 = arith.constant 352 : i32
    %dma_wait3A_1759 = tpu.memref_slice %arg4[%dma_wait3A_1758] : memref<512xi32, #tpu.memory_space<vmem>> -> memref<16xi32, #tpu.memory_space<vmem>>
    %dma_wait3A_1760 = arith.constant 0 : i32
    %dma_wait3A_1761 = arith.constant 0 : i32
    %dma_wait3A_1762 = tpu.memref_slice %arg2[%dma_wait3A_1760, %dma_wait3A_1761] : memref<16384x1024xf32, #tpu.memory_space<hbm>> -> memref<16384x1024xf32, #tpu.memory_space<hbm>>
    %dma_wait3A_1763 = tpu.memref_slice %arg6[%dma_wait3A_1753] : memref<7x!tpu.dma_semaphore, #tpu.memory_space<semaphore_mem>> -> memref<1x!tpu.dma_semaphore, #tpu.memory_space<semaphore_mem>>
    %dma_wait3A_1764 = tpu.memref_squeeze %dma_wait3A_1763 : memref<1x!tpu.dma_semaphore, #tpu.memory_space<semaphore_mem>> -> memref<!tpu.dma_semaphore, #tpu.memory_space<semaphore_mem>>
    tpu.wait_indirect_dma semaphore(%dma_wait3A_1764 : memref<!tpu.dma_semaphore, #tpu.memory_space<semaphore_mem>>) src(%dma_wait3A_1762 : memref<16384x1024xf32, #tpu.memory_space<hbm>>) dst(%dma_wait3A_1757 : memref<16x1024xf32, #tpu.memory_space<vmem>>)
    %add3A_1765 = arith.constant 352 : i32
    %add3A_1766 = arith.addi %mul3A_2, %add3A_1765 : i32
    %dma_start3A_1767 = arith.constant 1 : i32
    %dma_start3A_1768 = arith.constant 1 : i32
    %dma_start3A_1769 = arith.constant 0 : i32
    %dma_start3A_1770 = arith.constant 0 : i32
    %dma_start3A_1771 = tpu.memref_slice %arg5[%dma_start3A_1767, %dma_start3A_1769, %dma_start3A_1770] : memref<7x16x1024xf32, #tpu.memory_space<vmem>> -> memref<1x16x1024xf32, #tpu.memory_space<vmem>>
    %dma_start3A_1772 = tpu.memref_squeeze %dma_start3A_1771 : memref<1x16x1024xf32, #tpu.memory_space<vmem>> -> memref<16x1024xf32, #tpu.memory_space<vmem>>
    %dma_start3A_1773 = arith.constant 0 : i32
    %dma_start3A_1774 = tpu.memref_slice %arg3[%add3A_1766, %dma_start3A_1773] : memref<16384x1024xf32, #tpu.memory_space<hbm>> -> memref<16x1024xf32, #tpu.memory_space<hbm>>
    %dma_start3A_1775 = tpu.memref_slice %arg7[%dma_start3A_1768] : memref<7x!tpu.dma_semaphore, #tpu.memory_space<semaphore_mem>> -> memref<1x!tpu.dma_semaphore, #tpu.memory_space<semaphore_mem>>
    %dma_start3A_1776 = tpu.memref_squeeze %dma_start3A_1775 : memref<1x!tpu.dma_semaphore, #tpu.memory_space<semaphore_mem>> -> memref<!tpu.dma_semaphore, #tpu.memory_space<semaphore_mem>>
    %dma_start3A_1777 = arith.constant 0 : i32
    %dma_start3A_1778 = tpu.memref_slice %arg3[%add3A_1766, %dma_start3A_1777] : memref<16384x1024xf32, #tpu.memory_space<hbm>> -> memref<16x1024xf32, #tpu.memory_space<hbm>>
    %dma_start3A_1779 = arith.constant 0 : i32
    %dma_start3A_1780 = arith.constant 0 : i32
    %dma_start3A_1781 = tpu.memref_slice %arg5[%dma_start3A_1767, %dma_start3A_1779, %dma_start3A_1780] : memref<7x16x1024xf32, #tpu.memory_space<vmem>> -> memref<1x16x1024xf32, #tpu.memory_space<vmem>>
    %dma_start3A_1782 = tpu.memref_squeeze %dma_start3A_1781 : memref<1x16x1024xf32, #tpu.memory_space<vmem>> -> memref<16x1024xf32, #tpu.memory_space<vmem>>
    tpu.enqueue_dma source(%dma_start3A_1782 : memref<16x1024xf32, #tpu.memory_space<vmem>>) target(%dma_start3A_1778 : memref<16x1024xf32, #tpu.memory_space<hbm>>) target_semaphore(%dma_start3A_1776 : memref<!tpu.dma_semaphore, #tpu.memory_space<semaphore_mem>>)
    %dma_wait3A_1783 = arith.constant 5 : i32
    %dma_wait3A_1784 = arith.constant 5 : i32
    %dma_wait3A_1785 = arith.constant 0 : i32
    %dma_wait3A_1786 = arith.constant 0 : i32
    %dma_wait3A_1787 = tpu.memref_slice %arg5[%dma_wait3A_1783, %dma_wait3A_1785, %dma_wait3A_1786] : memref<7x16x1024xf32, #tpu.memory_space<vmem>> -> memref<1x16x1024xf32, #tpu.memory_space<vmem>>
    %dma_wait3A_1788 = tpu.memref_squeeze %dma_wait3A_1787 : memref<1x16x1024xf32, #tpu.memory_space<vmem>> -> memref<16x1024xf32, #tpu.memory_space<vmem>>
    %dma_wait3A_1789 = arith.constant 0 : i32
    %dma_wait3A_1790 = tpu.memref_slice %arg3[%add3A_1586, %dma_wait3A_1789] : memref<16384x1024xf32, #tpu.memory_space<hbm>> -> memref<16x1024xf32, #tpu.memory_space<hbm>>
    %dma_wait3A_1791 = tpu.memref_slice %arg7[%dma_wait3A_1784] : memref<7x!tpu.dma_semaphore, #tpu.memory_space<semaphore_mem>> -> memref<1x!tpu.dma_semaphore, #tpu.memory_space<semaphore_mem>>
    %dma_wait3A_1792 = tpu.memref_squeeze %dma_wait3A_1791 : memref<1x!tpu.dma_semaphore, #tpu.memory_space<semaphore_mem>> -> memref<!tpu.dma_semaphore, #tpu.memory_space<semaphore_mem>>
    %dma_wait3A_1793 = arith.constant 0 : i32
    %dma_wait3A_1794 = tpu.memref_slice %arg3[%add3A_1586, %dma_wait3A_1793] : memref<16384x1024xf32, #tpu.memory_space<hbm>> -> memref<16x1024xf32, #tpu.memory_space<hbm>>
    %dma_wait3A_1795 = arith.constant 0 : i32
    %dma_wait3A_1796 = arith.constant 0 : i32
    %dma_wait3A_1797 = tpu.memref_slice %arg5[%dma_wait3A_1783, %dma_wait3A_1795, %dma_wait3A_1796] : memref<7x16x1024xf32, #tpu.memory_space<vmem>> -> memref<1x16x1024xf32, #tpu.memory_space<vmem>>
    %dma_wait3A_1798 = tpu.memref_squeeze %dma_wait3A_1797 : memref<1x16x1024xf32, #tpu.memory_space<vmem>> -> memref<16x1024xf32, #tpu.memory_space<vmem>>
    tpu.wait_dma2 semaphore(%dma_wait3A_1792 : memref<!tpu.dma_semaphore, #tpu.memory_space<semaphore_mem>>) src(%dma_wait3A_1798 : memref<16x1024xf32, #tpu.memory_space<vmem>>) dst(%dma_wait3A_1794 : memref<16x1024xf32, #tpu.memory_space<hbm>>)
    %dma_start3A_1799 = arith.constant 5 : i32
    %dma_start3A_1800 = arith.constant 5 : i32
    %dma_start3A_1801 = arith.constant 0 : i32
    %dma_start3A_1802 = arith.constant 0 : i32
    %dma_start3A_1803 = tpu.memref_slice %arg5[%dma_start3A_1799, %dma_start3A_1801, %dma_start3A_1802] : memref<7x16x1024xf32, #tpu.memory_space<vmem>> -> memref<1x16x1024xf32, #tpu.memory_space<vmem>>
    %dma_start3A_1804 = tpu.memref_squeeze %dma_start3A_1803 : memref<1x16x1024xf32, #tpu.memory_space<vmem>> -> memref<16x1024xf32, #tpu.memory_space<vmem>>
    %dma_start3A_1805 = arith.constant 416 : i32
    %dma_start3A_1806 = tpu.memref_slice %arg4[%dma_start3A_1805] : memref<512xi32, #tpu.memory_space<vmem>> -> memref<16xi32, #tpu.memory_space<vmem>>
    %dma_start3A_1807 = arith.constant 0 : i32
    %dma_start3A_1808 = arith.constant 0 : i32
    %dma_start3A_1809 = tpu.memref_slice %arg2[%dma_start3A_1807, %dma_start3A_1808] : memref<16384x1024xf32, #tpu.memory_space<hbm>> -> memref<16384x1024xf32, #tpu.memory_space<hbm>>
    %dma_start3A_1810 = tpu.memref_slice %arg6[%dma_start3A_1800] : memref<7x!tpu.dma_semaphore, #tpu.memory_space<semaphore_mem>> -> memref<1x!tpu.dma_semaphore, #tpu.memory_space<semaphore_mem>>
    %dma_start3A_1811 = tpu.memref_squeeze %dma_start3A_1810 : memref<1x!tpu.dma_semaphore, #tpu.memory_space<semaphore_mem>> -> memref<!tpu.dma_semaphore, #tpu.memory_space<semaphore_mem>>
    tpu.enqueue_indirect_dma source(%dma_start3A_1809 : memref<16384x1024xf32, #tpu.memory_space<hbm>>) target(%dma_start3A_1804 : memref<16x1024xf32, #tpu.memory_space<vmem>>) offsets(%dma_start3A_1806 : memref<16xi32, #tpu.memory_space<vmem>>) semaphore(%dma_start3A_1811 : memref<!tpu.dma_semaphore, #tpu.memory_space<semaphore_mem>>)
    %dma_wait3A_1812 = arith.constant 2 : i32
    %dma_wait3A_1813 = arith.constant 2 : i32
    %dma_wait3A_1814 = arith.constant 0 : i32
    %dma_wait3A_1815 = arith.constant 0 : i32
    %dma_wait3A_1816 = tpu.memref_slice %arg5[%dma_wait3A_1812, %dma_wait3A_1814, %dma_wait3A_1815] : memref<7x16x1024xf32, #tpu.memory_space<vmem>> -> memref<1x16x1024xf32, #tpu.memory_space<vmem>>
    %dma_wait3A_1817 = tpu.memref_squeeze %dma_wait3A_1816 : memref<1x16x1024xf32, #tpu.memory_space<vmem>> -> memref<16x1024xf32, #tpu.memory_space<vmem>>
    %dma_wait3A_1818 = arith.constant 368 : i32
    %dma_wait3A_1819 = tpu.memref_slice %arg4[%dma_wait3A_1818] : memref<512xi32, #tpu.memory_space<vmem>> -> memref<16xi32, #tpu.memory_space<vmem>>
    %dma_wait3A_1820 = arith.constant 0 : i32
    %dma_wait3A_1821 = arith.constant 0 : i32
    %dma_wait3A_1822 = tpu.memref_slice %arg2[%dma_wait3A_1820, %dma_wait3A_1821] : memref<16384x1024xf32, #tpu.memory_space<hbm>> -> memref<16384x1024xf32, #tpu.memory_space<hbm>>
    %dma_wait3A_1823 = tpu.memref_slice %arg6[%dma_wait3A_1813] : memref<7x!tpu.dma_semaphore, #tpu.memory_space<semaphore_mem>> -> memref<1x!tpu.dma_semaphore, #tpu.memory_space<semaphore_mem>>
    %dma_wait3A_1824 = tpu.memref_squeeze %dma_wait3A_1823 : memref<1x!tpu.dma_semaphore, #tpu.memory_space<semaphore_mem>> -> memref<!tpu.dma_semaphore, #tpu.memory_space<semaphore_mem>>
    tpu.wait_indirect_dma semaphore(%dma_wait3A_1824 : memref<!tpu.dma_semaphore, #tpu.memory_space<semaphore_mem>>) src(%dma_wait3A_1822 : memref<16384x1024xf32, #tpu.memory_space<hbm>>) dst(%dma_wait3A_1817 : memref<16x1024xf32, #tpu.memory_space<vmem>>)
    %add3A_1825 = arith.constant 368 : i32
    %add3A_1826 = arith.addi %mul3A_2, %add3A_1825 : i32
    %dma_start3A_1827 = arith.constant 2 : i32
    %dma_start3A_1828 = arith.constant 2 : i32
    %dma_start3A_1829 = arith.constant 0 : i32
    %dma_start3A_1830 = arith.constant 0 : i32
    %dma_start3A_1831 = tpu.memref_slice %arg5[%dma_start3A_1827, %dma_start3A_1829, %dma_start3A_1830] : memref<7x16x1024xf32, #tpu.memory_space<vmem>> -> memref<1x16x1024xf32, #tpu.memory_space<vmem>>
    %dma_start3A_1832 = tpu.memref_squeeze %dma_start3A_1831 : memref<1x16x1024xf32, #tpu.memory_space<vmem>> -> memref<16x1024xf32, #tpu.memory_space<vmem>>
    %dma_start3A_1833 = arith.constant 0 : i32
    %dma_start3A_1834 = tpu.memref_slice %arg3[%add3A_1826, %dma_start3A_1833] : memref<16384x1024xf32, #tpu.memory_space<hbm>> -> memref<16x1024xf32, #tpu.memory_space<hbm>>
    %dma_start3A_1835 = tpu.memref_slice %arg7[%dma_start3A_1828] : memref<7x!tpu.dma_semaphore, #tpu.memory_space<semaphore_mem>> -> memref<1x!tpu.dma_semaphore, #tpu.memory_space<semaphore_mem>>
    %dma_start3A_1836 = tpu.memref_squeeze %dma_start3A_1835 : memref<1x!tpu.dma_semaphore, #tpu.memory_space<semaphore_mem>> -> memref<!tpu.dma_semaphore, #tpu.memory_space<semaphore_mem>>
    %dma_start3A_1837 = arith.constant 0 : i32
    %dma_start3A_1838 = tpu.memref_slice %arg3[%add3A_1826, %dma_start3A_1837] : memref<16384x1024xf32, #tpu.memory_space<hbm>> -> memref<16x1024xf32, #tpu.memory_space<hbm>>
    %dma_start3A_1839 = arith.constant 0 : i32
    %dma_start3A_1840 = arith.constant 0 : i32
    %dma_start3A_1841 = tpu.memref_slice %arg5[%dma_start3A_1827, %dma_start3A_1839, %dma_start3A_1840] : memref<7x16x1024xf32, #tpu.memory_space<vmem>> -> memref<1x16x1024xf32, #tpu.memory_space<vmem>>
    %dma_start3A_1842 = tpu.memref_squeeze %dma_start3A_1841 : memref<1x16x1024xf32, #tpu.memory_space<vmem>> -> memref<16x1024xf32, #tpu.memory_space<vmem>>
    tpu.enqueue_dma source(%dma_start3A_1842 : memref<16x1024xf32, #tpu.memory_space<vmem>>) target(%dma_start3A_1838 : memref<16x1024xf32, #tpu.memory_space<hbm>>) target_semaphore(%dma_start3A_1836 : memref<!tpu.dma_semaphore, #tpu.memory_space<semaphore_mem>>)
    %dma_wait3A_1843 = arith.constant 6 : i32
    %dma_wait3A_1844 = arith.constant 6 : i32
    %dma_wait3A_1845 = arith.constant 0 : i32
    %dma_wait3A_1846 = arith.constant 0 : i32
    %dma_wait3A_1847 = tpu.memref_slice %arg5[%dma_wait3A_1843, %dma_wait3A_1845, %dma_wait3A_1846] : memref<7x16x1024xf32, #tpu.memory_space<vmem>> -> memref<1x16x1024xf32, #tpu.memory_space<vmem>>
    %dma_wait3A_1848 = tpu.memref_squeeze %dma_wait3A_1847 : memref<1x16x1024xf32, #tpu.memory_space<vmem>> -> memref<16x1024xf32, #tpu.memory_space<vmem>>
    %dma_wait3A_1849 = arith.constant 0 : i32
    %dma_wait3A_1850 = tpu.memref_slice %arg3[%add3A_1646, %dma_wait3A_1849] : memref<16384x1024xf32, #tpu.memory_space<hbm>> -> memref<16x1024xf32, #tpu.memory_space<hbm>>
    %dma_wait3A_1851 = tpu.memref_slice %arg7[%dma_wait3A_1844] : memref<7x!tpu.dma_semaphore, #tpu.memory_space<semaphore_mem>> -> memref<1x!tpu.dma_semaphore, #tpu.memory_space<semaphore_mem>>
    %dma_wait3A_1852 = tpu.memref_squeeze %dma_wait3A_1851 : memref<1x!tpu.dma_semaphore, #tpu.memory_space<semaphore_mem>> -> memref<!tpu.dma_semaphore, #tpu.memory_space<semaphore_mem>>
    %dma_wait3A_1853 = arith.constant 0 : i32
    %dma_wait3A_1854 = tpu.memref_slice %arg3[%add3A_1646, %dma_wait3A_1853] : memref<16384x1024xf32, #tpu.memory_space<hbm>> -> memref<16x1024xf32, #tpu.memory_space<hbm>>
    %dma_wait3A_1855 = arith.constant 0 : i32
    %dma_wait3A_1856 = arith.constant 0 : i32
    %dma_wait3A_1857 = tpu.memref_slice %arg5[%dma_wait3A_1843, %dma_wait3A_1855, %dma_wait3A_1856] : memref<7x16x1024xf32, #tpu.memory_space<vmem>> -> memref<1x16x1024xf32, #tpu.memory_space<vmem>>
    %dma_wait3A_1858 = tpu.memref_squeeze %dma_wait3A_1857 : memref<1x16x1024xf32, #tpu.memory_space<vmem>> -> memref<16x1024xf32, #tpu.memory_space<vmem>>
    tpu.wait_dma2 semaphore(%dma_wait3A_1852 : memref<!tpu.dma_semaphore, #tpu.memory_space<semaphore_mem>>) src(%dma_wait3A_1858 : memref<16x1024xf32, #tpu.memory_space<vmem>>) dst(%dma_wait3A_1854 : memref<16x1024xf32, #tpu.memory_space<hbm>>)
    %dma_start3A_1859 = arith.constant 6 : i32
    %dma_start3A_1860 = arith.constant 6 : i32
    %dma_start3A_1861 = arith.constant 0 : i32
    %dma_start3A_1862 = arith.constant 0 : i32
    %dma_start3A_1863 = tpu.memref_slice %arg5[%dma_start3A_1859, %dma_start3A_1861, %dma_start3A_1862] : memref<7x16x1024xf32, #tpu.memory_space<vmem>> -> memref<1x16x1024xf32, #tpu.memory_space<vmem>>
    %dma_start3A_1864 = tpu.memref_squeeze %dma_start3A_1863 : memref<1x16x1024xf32, #tpu.memory_space<vmem>> -> memref<16x1024xf32, #tpu.memory_space<vmem>>
    %dma_start3A_1865 = arith.constant 432 : i32
    %dma_start3A_1866 = tpu.memref_slice %arg4[%dma_start3A_1865] : memref<512xi32, #tpu.memory_space<vmem>> -> memref<16xi32, #tpu.memory_space<vmem>>
    %dma_start3A_1867 = arith.constant 0 : i32
    %dma_start3A_1868 = arith.constant 0 : i32
    %dma_start3A_1869 = tpu.memref_slice %arg2[%dma_start3A_1867, %dma_start3A_1868] : memref<16384x1024xf32, #tpu.memory_space<hbm>> -> memref<16384x1024xf32, #tpu.memory_space<hbm>>
    %dma_start3A_1870 = tpu.memref_slice %arg6[%dma_start3A_1860] : memref<7x!tpu.dma_semaphore, #tpu.memory_space<semaphore_mem>> -> memref<1x!tpu.dma_semaphore, #tpu.memory_space<semaphore_mem>>
    %dma_start3A_1871 = tpu.memref_squeeze %dma_start3A_1870 : memref<1x!tpu.dma_semaphore, #tpu.memory_space<semaphore_mem>> -> memref<!tpu.dma_semaphore, #tpu.memory_space<semaphore_mem>>
    tpu.enqueue_indirect_dma source(%dma_start3A_1869 : memref<16384x1024xf32, #tpu.memory_space<hbm>>) target(%dma_start3A_1864 : memref<16x1024xf32, #tpu.memory_space<vmem>>) offsets(%dma_start3A_1866 : memref<16xi32, #tpu.memory_space<vmem>>) semaphore(%dma_start3A_1871 : memref<!tpu.dma_semaphore, #tpu.memory_space<semaphore_mem>>)
    %dma_wait3A_1872 = arith.constant 3 : i32
    %dma_wait3A_1873 = arith.constant 3 : i32
    %dma_wait3A_1874 = arith.constant 0 : i32
    %dma_wait3A_1875 = arith.constant 0 : i32
    %dma_wait3A_1876 = tpu.memref_slice %arg5[%dma_wait3A_1872, %dma_wait3A_1874, %dma_wait3A_1875] : memref<7x16x1024xf32, #tpu.memory_space<vmem>> -> memref<1x16x1024xf32, #tpu.memory_space<vmem>>
    %dma_wait3A_1877 = tpu.memref_squeeze %dma_wait3A_1876 : memref<1x16x1024xf32, #tpu.memory_space<vmem>> -> memref<16x1024xf32, #tpu.memory_space<vmem>>
    %dma_wait3A_1878 = arith.constant 384 : i32
    %dma_wait3A_1879 = tpu.memref_slice %arg4[%dma_wait3A_1878] : memref<512xi32, #tpu.memory_space<vmem>> -> memref<16xi32, #tpu.memory_space<vmem>>
    %dma_wait3A_1880 = arith.constant 0 : i32
    %dma_wait3A_1881 = arith.constant 0 : i32
    %dma_wait3A_1882 = tpu.memref_slice %arg2[%dma_wait3A_1880, %dma_wait3A_1881] : memref<16384x1024xf32, #tpu.memory_space<hbm>> -> memref<16384x1024xf32, #tpu.memory_space<hbm>>
    %dma_wait3A_1883 = tpu.memref_slice %arg6[%dma_wait3A_1873] : memref<7x!tpu.dma_semaphore, #tpu.memory_space<semaphore_mem>> -> memref<1x!tpu.dma_semaphore, #tpu.memory_space<semaphore_mem>>
    %dma_wait3A_1884 = tpu.memref_squeeze %dma_wait3A_1883 : memref<1x!tpu.dma_semaphore, #tpu.memory_space<semaphore_mem>> -> memref<!tpu.dma_semaphore, #tpu.memory_space<semaphore_mem>>
    tpu.wait_indirect_dma semaphore(%dma_wait3A_1884 : memref<!tpu.dma_semaphore, #tpu.memory_space<semaphore_mem>>) src(%dma_wait3A_1882 : memref<16384x1024xf32, #tpu.memory_space<hbm>>) dst(%dma_wait3A_1877 : memref<16x1024xf32, #tpu.memory_space<vmem>>)
    %add3A_1885 = arith.constant 384 : i32
    %add3A_1886 = arith.addi %mul3A_2, %add3A_1885 : i32
    %dma_start3A_1887 = arith.constant 3 : i32
    %dma_start3A_1888 = arith.constant 3 : i32
    %dma_start3A_1889 = arith.constant 0 : i32
    %dma_start3A_1890 = arith.constant 0 : i32
    %dma_start3A_1891 = tpu.memref_slice %arg5[%dma_start3A_1887, %dma_start3A_1889, %dma_start3A_1890] : memref<7x16x1024xf32, #tpu.memory_space<vmem>> -> memref<1x16x1024xf32, #tpu.memory_space<vmem>>
    %dma_start3A_1892 = tpu.memref_squeeze %dma_start3A_1891 : memref<1x16x1024xf32, #tpu.memory_space<vmem>> -> memref<16x1024xf32, #tpu.memory_space<vmem>>
    %dma_start3A_1893 = arith.constant 0 : i32
    %dma_start3A_1894 = tpu.memref_slice %arg3[%add3A_1886, %dma_start3A_1893] : memref<16384x1024xf32, #tpu.memory_space<hbm>> -> memref<16x1024xf32, #tpu.memory_space<hbm>>
    %dma_start3A_1895 = tpu.memref_slice %arg7[%dma_start3A_1888] : memref<7x!tpu.dma_semaphore, #tpu.memory_space<semaphore_mem>> -> memref<1x!tpu.dma_semaphore, #tpu.memory_space<semaphore_mem>>
    %dma_start3A_1896 = tpu.memref_squeeze %dma_start3A_1895 : memref<1x!tpu.dma_semaphore, #tpu.memory_space<semaphore_mem>> -> memref<!tpu.dma_semaphore, #tpu.memory_space<semaphore_mem>>
    %dma_start3A_1897 = arith.constant 0 : i32
    %dma_start3A_1898 = tpu.memref_slice %arg3[%add3A_1886, %dma_start3A_1897] : memref<16384x1024xf32, #tpu.memory_space<hbm>> -> memref<16x1024xf32, #tpu.memory_space<hbm>>
    %dma_start3A_1899 = arith.constant 0 : i32
    %dma_start3A_1900 = arith.constant 0 : i32
    %dma_start3A_1901 = tpu.memref_slice %arg5[%dma_start3A_1887, %dma_start3A_1899, %dma_start3A_1900] : memref<7x16x1024xf32, #tpu.memory_space<vmem>> -> memref<1x16x1024xf32, #tpu.memory_space<vmem>>
    %dma_start3A_1902 = tpu.memref_squeeze %dma_start3A_1901 : memref<1x16x1024xf32, #tpu.memory_space<vmem>> -> memref<16x1024xf32, #tpu.memory_space<vmem>>
    tpu.enqueue_dma source(%dma_start3A_1902 : memref<16x1024xf32, #tpu.memory_space<vmem>>) target(%dma_start3A_1898 : memref<16x1024xf32, #tpu.memory_space<hbm>>) target_semaphore(%dma_start3A_1896 : memref<!tpu.dma_semaphore, #tpu.memory_space<semaphore_mem>>)
    %dma_wait3A_1903 = arith.constant 0 : i32
    %dma_wait3A_1904 = arith.constant 0 : i32
    %dma_wait3A_1905 = arith.constant 0 : i32
    %dma_wait3A_1906 = arith.constant 0 : i32
    %dma_wait3A_1907 = tpu.memref_slice %arg5[%dma_wait3A_1903, %dma_wait3A_1905, %dma_wait3A_1906] : memref<7x16x1024xf32, #tpu.memory_space<vmem>> -> memref<1x16x1024xf32, #tpu.memory_space<vmem>>
    %dma_wait3A_1908 = tpu.memref_squeeze %dma_wait3A_1907 : memref<1x16x1024xf32, #tpu.memory_space<vmem>> -> memref<16x1024xf32, #tpu.memory_space<vmem>>
    %dma_wait3A_1909 = arith.constant 0 : i32
    %dma_wait3A_1910 = tpu.memref_slice %arg3[%add3A_1706, %dma_wait3A_1909] : memref<16384x1024xf32, #tpu.memory_space<hbm>> -> memref<16x1024xf32, #tpu.memory_space<hbm>>
    %dma_wait3A_1911 = tpu.memref_slice %arg7[%dma_wait3A_1904] : memref<7x!tpu.dma_semaphore, #tpu.memory_space<semaphore_mem>> -> memref<1x!tpu.dma_semaphore, #tpu.memory_space<semaphore_mem>>
    %dma_wait3A_1912 = tpu.memref_squeeze %dma_wait3A_1911 : memref<1x!tpu.dma_semaphore, #tpu.memory_space<semaphore_mem>> -> memref<!tpu.dma_semaphore, #tpu.memory_space<semaphore_mem>>
    %dma_wait3A_1913 = arith.constant 0 : i32
    %dma_wait3A_1914 = tpu.memref_slice %arg3[%add3A_1706, %dma_wait3A_1913] : memref<16384x1024xf32, #tpu.memory_space<hbm>> -> memref<16x1024xf32, #tpu.memory_space<hbm>>
    %dma_wait3A_1915 = arith.constant 0 : i32
    %dma_wait3A_1916 = arith.constant 0 : i32
    %dma_wait3A_1917 = tpu.memref_slice %arg5[%dma_wait3A_1903, %dma_wait3A_1915, %dma_wait3A_1916] : memref<7x16x1024xf32, #tpu.memory_space<vmem>> -> memref<1x16x1024xf32, #tpu.memory_space<vmem>>
    %dma_wait3A_1918 = tpu.memref_squeeze %dma_wait3A_1917 : memref<1x16x1024xf32, #tpu.memory_space<vmem>> -> memref<16x1024xf32, #tpu.memory_space<vmem>>
    tpu.wait_dma2 semaphore(%dma_wait3A_1912 : memref<!tpu.dma_semaphore, #tpu.memory_space<semaphore_mem>>) src(%dma_wait3A_1918 : memref<16x1024xf32, #tpu.memory_space<vmem>>) dst(%dma_wait3A_1914 : memref<16x1024xf32, #tpu.memory_space<hbm>>)
    %dma_start3A_1919 = arith.constant 0 : i32
    %dma_start3A_1920 = arith.constant 0 : i32
    %dma_start3A_1921 = arith.constant 0 : i32
    %dma_start3A_1922 = arith.constant 0 : i32
    %dma_start3A_1923 = tpu.memref_slice %arg5[%dma_start3A_1919, %dma_start3A_1921, %dma_start3A_1922] : memref<7x16x1024xf32, #tpu.memory_space<vmem>> -> memref<1x16x1024xf32, #tpu.memory_space<vmem>>
    %dma_start3A_1924 = tpu.memref_squeeze %dma_start3A_1923 : memref<1x16x1024xf32, #tpu.memory_space<vmem>> -> memref<16x1024xf32, #tpu.memory_space<vmem>>
    %dma_start3A_1925 = arith.constant 448 : i32
    %dma_start3A_1926 = tpu.memref_slice %arg4[%dma_start3A_1925] : memref<512xi32, #tpu.memory_space<vmem>> -> memref<16xi32, #tpu.memory_space<vmem>>
    %dma_start3A_1927 = arith.constant 0 : i32
    %dma_start3A_1928 = arith.constant 0 : i32
    %dma_start3A_1929 = tpu.memref_slice %arg2[%dma_start3A_1927, %dma_start3A_1928] : memref<16384x1024xf32, #tpu.memory_space<hbm>> -> memref<16384x1024xf32, #tpu.memory_space<hbm>>
    %dma_start3A_1930 = tpu.memref_slice %arg6[%dma_start3A_1920] : memref<7x!tpu.dma_semaphore, #tpu.memory_space<semaphore_mem>> -> memref<1x!tpu.dma_semaphore, #tpu.memory_space<semaphore_mem>>
    %dma_start3A_1931 = tpu.memref_squeeze %dma_start3A_1930 : memref<1x!tpu.dma_semaphore, #tpu.memory_space<semaphore_mem>> -> memref<!tpu.dma_semaphore, #tpu.memory_space<semaphore_mem>>
    tpu.enqueue_indirect_dma source(%dma_start3A_1929 : memref<16384x1024xf32, #tpu.memory_space<hbm>>) target(%dma_start3A_1924 : memref<16x1024xf32, #tpu.memory_space<vmem>>) offsets(%dma_start3A_1926 : memref<16xi32, #tpu.memory_space<vmem>>) semaphore(%dma_start3A_1931 : memref<!tpu.dma_semaphore, #tpu.memory_space<semaphore_mem>>)
    %dma_wait3A_1932 = arith.constant 4 : i32
    %dma_wait3A_1933 = arith.constant 4 : i32
    %dma_wait3A_1934 = arith.constant 0 : i32
    %dma_wait3A_1935 = arith.constant 0 : i32
    %dma_wait3A_1936 = tpu.memref_slice %arg5[%dma_wait3A_1932, %dma_wait3A_1934, %dma_wait3A_1935] : memref<7x16x1024xf32, #tpu.memory_space<vmem>> -> memref<1x16x1024xf32, #tpu.memory_space<vmem>>
    %dma_wait3A_1937 = tpu.memref_squeeze %dma_wait3A_1936 : memref<1x16x1024xf32, #tpu.memory_space<vmem>> -> memref<16x1024xf32, #tpu.memory_space<vmem>>
    %dma_wait3A_1938 = arith.constant 400 : i32
    %dma_wait3A_1939 = tpu.memref_slice %arg4[%dma_wait3A_1938] : memref<512xi32, #tpu.memory_space<vmem>> -> memref<16xi32, #tpu.memory_space<vmem>>
    %dma_wait3A_1940 = arith.constant 0 : i32
    %dma_wait3A_1941 = arith.constant 0 : i32
    %dma_wait3A_1942 = tpu.memref_slice %arg2[%dma_wait3A_1940, %dma_wait3A_1941] : memref<16384x1024xf32, #tpu.memory_space<hbm>> -> memref<16384x1024xf32, #tpu.memory_space<hbm>>
    %dma_wait3A_1943 = tpu.memref_slice %arg6[%dma_wait3A_1933] : memref<7x!tpu.dma_semaphore, #tpu.memory_space<semaphore_mem>> -> memref<1x!tpu.dma_semaphore, #tpu.memory_space<semaphore_mem>>
    %dma_wait3A_1944 = tpu.memref_squeeze %dma_wait3A_1943 : memref<1x!tpu.dma_semaphore, #tpu.memory_space<semaphore_mem>> -> memref<!tpu.dma_semaphore, #tpu.memory_space<semaphore_mem>>
    tpu.wait_indirect_dma semaphore(%dma_wait3A_1944 : memref<!tpu.dma_semaphore, #tpu.memory_space<semaphore_mem>>) src(%dma_wait3A_1942 : memref<16384x1024xf32, #tpu.memory_space<hbm>>) dst(%dma_wait3A_1937 : memref<16x1024xf32, #tpu.memory_space<vmem>>)
    %add3A_1945 = arith.constant 400 : i32
    %add3A_1946 = arith.addi %mul3A_2, %add3A_1945 : i32
    %dma_start3A_1947 = arith.constant 4 : i32
    %dma_start3A_1948 = arith.constant 4 : i32
    %dma_start3A_1949 = arith.constant 0 : i32
    %dma_start3A_1950 = arith.constant 0 : i32
    %dma_start3A_1951 = tpu.memref_slice %arg5[%dma_start3A_1947, %dma_start3A_1949, %dma_start3A_1950] : memref<7x16x1024xf32, #tpu.memory_space<vmem>> -> memref<1x16x1024xf32, #tpu.memory_space<vmem>>
    %dma_start3A_1952 = tpu.memref_squeeze %dma_start3A_1951 : memref<1x16x1024xf32, #tpu.memory_space<vmem>> -> memref<16x1024xf32, #tpu.memory_space<vmem>>
    %dma_start3A_1953 = arith.constant 0 : i32
    %dma_start3A_1954 = tpu.memref_slice %arg3[%add3A_1946, %dma_start3A_1953] : memref<16384x1024xf32, #tpu.memory_space<hbm>> -> memref<16x1024xf32, #tpu.memory_space<hbm>>
    %dma_start3A_1955 = tpu.memref_slice %arg7[%dma_start3A_1948] : memref<7x!tpu.dma_semaphore, #tpu.memory_space<semaphore_mem>> -> memref<1x!tpu.dma_semaphore, #tpu.memory_space<semaphore_mem>>
    %dma_start3A_1956 = tpu.memref_squeeze %dma_start3A_1955 : memref<1x!tpu.dma_semaphore, #tpu.memory_space<semaphore_mem>> -> memref<!tpu.dma_semaphore, #tpu.memory_space<semaphore_mem>>
    %dma_start3A_1957 = arith.constant 0 : i32
    %dma_start3A_1958 = tpu.memref_slice %arg3[%add3A_1946, %dma_start3A_1957] : memref<16384x1024xf32, #tpu.memory_space<hbm>> -> memref<16x1024xf32, #tpu.memory_space<hbm>>
    %dma_start3A_1959 = arith.constant 0 : i32
    %dma_start3A_1960 = arith.constant 0 : i32
    %dma_start3A_1961 = tpu.memref_slice %arg5[%dma_start3A_1947, %dma_start3A_1959, %dma_start3A_1960] : memref<7x16x1024xf32, #tpu.memory_space<vmem>> -> memref<1x16x1024xf32, #tpu.memory_space<vmem>>
    %dma_start3A_1962 = tpu.memref_squeeze %dma_start3A_1961 : memref<1x16x1024xf32, #tpu.memory_space<vmem>> -> memref<16x1024xf32, #tpu.memory_space<vmem>>
    tpu.enqueue_dma source(%dma_start3A_1962 : memref<16x1024xf32, #tpu.memory_space<vmem>>) target(%dma_start3A_1958 : memref<16x1024xf32, #tpu.memory_space<hbm>>) target_semaphore(%dma_start3A_1956 : memref<!tpu.dma_semaphore, #tpu.memory_space<semaphore_mem>>)
    %dma_wait3A_1963 = arith.constant 1 : i32
    %dma_wait3A_1964 = arith.constant 1 : i32
    %dma_wait3A_1965 = arith.constant 0 : i32
    %dma_wait3A_1966 = arith.constant 0 : i32
    %dma_wait3A_1967 = tpu.memref_slice %arg5[%dma_wait3A_1963, %dma_wait3A_1965, %dma_wait3A_1966] : memref<7x16x1024xf32, #tpu.memory_space<vmem>> -> memref<1x16x1024xf32, #tpu.memory_space<vmem>>
    %dma_wait3A_1968 = tpu.memref_squeeze %dma_wait3A_1967 : memref<1x16x1024xf32, #tpu.memory_space<vmem>> -> memref<16x1024xf32, #tpu.memory_space<vmem>>
    %dma_wait3A_1969 = arith.constant 0 : i32
    %dma_wait3A_1970 = tpu.memref_slice %arg3[%add3A_1766, %dma_wait3A_1969] : memref<16384x1024xf32, #tpu.memory_space<hbm>> -> memref<16x1024xf32, #tpu.memory_space<hbm>>
    %dma_wait3A_1971 = tpu.memref_slice %arg7[%dma_wait3A_1964] : memref<7x!tpu.dma_semaphore, #tpu.memory_space<semaphore_mem>> -> memref<1x!tpu.dma_semaphore, #tpu.memory_space<semaphore_mem>>
    %dma_wait3A_1972 = tpu.memref_squeeze %dma_wait3A_1971 : memref<1x!tpu.dma_semaphore, #tpu.memory_space<semaphore_mem>> -> memref<!tpu.dma_semaphore, #tpu.memory_space<semaphore_mem>>
    %dma_wait3A_1973 = arith.constant 0 : i32
    %dma_wait3A_1974 = tpu.memref_slice %arg3[%add3A_1766, %dma_wait3A_1973] : memref<16384x1024xf32, #tpu.memory_space<hbm>> -> memref<16x1024xf32, #tpu.memory_space<hbm>>
    %dma_wait3A_1975 = arith.constant 0 : i32
    %dma_wait3A_1976 = arith.constant 0 : i32
    %dma_wait3A_1977 = tpu.memref_slice %arg5[%dma_wait3A_1963, %dma_wait3A_1975, %dma_wait3A_1976] : memref<7x16x1024xf32, #tpu.memory_space<vmem>> -> memref<1x16x1024xf32, #tpu.memory_space<vmem>>
    %dma_wait3A_1978 = tpu.memref_squeeze %dma_wait3A_1977 : memref<1x16x1024xf32, #tpu.memory_space<vmem>> -> memref<16x1024xf32, #tpu.memory_space<vmem>>
    tpu.wait_dma2 semaphore(%dma_wait3A_1972 : memref<!tpu.dma_semaphore, #tpu.memory_space<semaphore_mem>>) src(%dma_wait3A_1978 : memref<16x1024xf32, #tpu.memory_space<vmem>>) dst(%dma_wait3A_1974 : memref<16x1024xf32, #tpu.memory_space<hbm>>)
    %dma_start3A_1979 = arith.constant 1 : i32
    %dma_start3A_1980 = arith.constant 1 : i32
    %dma_start3A_1981 = arith.constant 0 : i32
    %dma_start3A_1982 = arith.constant 0 : i32
    %dma_start3A_1983 = tpu.memref_slice %arg5[%dma_start3A_1979, %dma_start3A_1981, %dma_start3A_1982] : memref<7x16x1024xf32, #tpu.memory_space<vmem>> -> memref<1x16x1024xf32, #tpu.memory_space<vmem>>
    %dma_start3A_1984 = tpu.memref_squeeze %dma_start3A_1983 : memref<1x16x1024xf32, #tpu.memory_space<vmem>> -> memref<16x1024xf32, #tpu.memory_space<vmem>>
    %dma_start3A_1985 = arith.constant 464 : i32
    %dma_start3A_1986 = tpu.memref_slice %arg4[%dma_start3A_1985] : memref<512xi32, #tpu.memory_space<vmem>> -> memref<16xi32, #tpu.memory_space<vmem>>
    %dma_start3A_1987 = arith.constant 0 : i32
    %dma_start3A_1988 = arith.constant 0 : i32
    %dma_start3A_1989 = tpu.memref_slice %arg2[%dma_start3A_1987, %dma_start3A_1988] : memref<16384x1024xf32, #tpu.memory_space<hbm>> -> memref<16384x1024xf32, #tpu.memory_space<hbm>>
    %dma_start3A_1990 = tpu.memref_slice %arg6[%dma_start3A_1980] : memref<7x!tpu.dma_semaphore, #tpu.memory_space<semaphore_mem>> -> memref<1x!tpu.dma_semaphore, #tpu.memory_space<semaphore_mem>>
    %dma_start3A_1991 = tpu.memref_squeeze %dma_start3A_1990 : memref<1x!tpu.dma_semaphore, #tpu.memory_space<semaphore_mem>> -> memref<!tpu.dma_semaphore, #tpu.memory_space<semaphore_mem>>
    tpu.enqueue_indirect_dma source(%dma_start3A_1989 : memref<16384x1024xf32, #tpu.memory_space<hbm>>) target(%dma_start3A_1984 : memref<16x1024xf32, #tpu.memory_space<vmem>>) offsets(%dma_start3A_1986 : memref<16xi32, #tpu.memory_space<vmem>>) semaphore(%dma_start3A_1991 : memref<!tpu.dma_semaphore, #tpu.memory_space<semaphore_mem>>)
    %dma_wait3A_1992 = arith.constant 5 : i32
    %dma_wait3A_1993 = arith.constant 5 : i32
    %dma_wait3A_1994 = arith.constant 0 : i32
    %dma_wait3A_1995 = arith.constant 0 : i32
    %dma_wait3A_1996 = tpu.memref_slice %arg5[%dma_wait3A_1992, %dma_wait3A_1994, %dma_wait3A_1995] : memref<7x16x1024xf32, #tpu.memory_space<vmem>> -> memref<1x16x1024xf32, #tpu.memory_space<vmem>>
    %dma_wait3A_1997 = tpu.memref_squeeze %dma_wait3A_1996 : memref<1x16x1024xf32, #tpu.memory_space<vmem>> -> memref<16x1024xf32, #tpu.memory_space<vmem>>
    %dma_wait3A_1998 = arith.constant 416 : i32
    %dma_wait3A_1999 = tpu.memref_slice %arg4[%dma_wait3A_1998] : memref<512xi32, #tpu.memory_space<vmem>> -> memref<16xi32, #tpu.memory_space<vmem>>
    %dma_wait3A_2000 = arith.constant 0 : i32
    %dma_wait3A_2001 = arith.constant 0 : i32
    %dma_wait3A_2002 = tpu.memref_slice %arg2[%dma_wait3A_2000, %dma_wait3A_2001] : memref<16384x1024xf32, #tpu.memory_space<hbm>> -> memref<16384x1024xf32, #tpu.memory_space<hbm>>
    %dma_wait3A_2003 = tpu.memref_slice %arg6[%dma_wait3A_1993] : memref<7x!tpu.dma_semaphore, #tpu.memory_space<semaphore_mem>> -> memref<1x!tpu.dma_semaphore, #tpu.memory_space<semaphore_mem>>
    %dma_wait3A_2004 = tpu.memref_squeeze %dma_wait3A_2003 : memref<1x!tpu.dma_semaphore, #tpu.memory_space<semaphore_mem>> -> memref<!tpu.dma_semaphore, #tpu.memory_space<semaphore_mem>>
    tpu.wait_indirect_dma semaphore(%dma_wait3A_2004 : memref<!tpu.dma_semaphore, #tpu.memory_space<semaphore_mem>>) src(%dma_wait3A_2002 : memref<16384x1024xf32, #tpu.memory_space<hbm>>) dst(%dma_wait3A_1997 : memref<16x1024xf32, #tpu.memory_space<vmem>>)
    %add3A_2005 = arith.constant 416 : i32
    %add3A_2006 = arith.addi %mul3A_2, %add3A_2005 : i32
    %dma_start3A_2007 = arith.constant 5 : i32
    %dma_start3A_2008 = arith.constant 5 : i32
    %dma_start3A_2009 = arith.constant 0 : i32
    %dma_start3A_2010 = arith.constant 0 : i32
    %dma_start3A_2011 = tpu.memref_slice %arg5[%dma_start3A_2007, %dma_start3A_2009, %dma_start3A_2010] : memref<7x16x1024xf32, #tpu.memory_space<vmem>> -> memref<1x16x1024xf32, #tpu.memory_space<vmem>>
    %dma_start3A_2012 = tpu.memref_squeeze %dma_start3A_2011 : memref<1x16x1024xf32, #tpu.memory_space<vmem>> -> memref<16x1024xf32, #tpu.memory_space<vmem>>
    %dma_start3A_2013 = arith.constant 0 : i32
    %dma_start3A_2014 = tpu.memref_slice %arg3[%add3A_2006, %dma_start3A_2013] : memref<16384x1024xf32, #tpu.memory_space<hbm>> -> memref<16x1024xf32, #tpu.memory_space<hbm>>
    %dma_start3A_2015 = tpu.memref_slice %arg7[%dma_start3A_2008] : memref<7x!tpu.dma_semaphore, #tpu.memory_space<semaphore_mem>> -> memref<1x!tpu.dma_semaphore, #tpu.memory_space<semaphore_mem>>
    %dma_start3A_2016 = tpu.memref_squeeze %dma_start3A_2015 : memref<1x!tpu.dma_semaphore, #tpu.memory_space<semaphore_mem>> -> memref<!tpu.dma_semaphore, #tpu.memory_space<semaphore_mem>>
    %dma_start3A_2017 = arith.constant 0 : i32
    %dma_start3A_2018 = tpu.memref_slice %arg3[%add3A_2006, %dma_start3A_2017] : memref<16384x1024xf32, #tpu.memory_space<hbm>> -> memref<16x1024xf32, #tpu.memory_space<hbm>>
    %dma_start3A_2019 = arith.constant 0 : i32
    %dma_start3A_2020 = arith.constant 0 : i32
    %dma_start3A_2021 = tpu.memref_slice %arg5[%dma_start3A_2007, %dma_start3A_2019, %dma_start3A_2020] : memref<7x16x1024xf32, #tpu.memory_space<vmem>> -> memref<1x16x1024xf32, #tpu.memory_space<vmem>>
    %dma_start3A_2022 = tpu.memref_squeeze %dma_start3A_2021 : memref<1x16x1024xf32, #tpu.memory_space<vmem>> -> memref<16x1024xf32, #tpu.memory_space<vmem>>
    tpu.enqueue_dma source(%dma_start3A_2022 : memref<16x1024xf32, #tpu.memory_space<vmem>>) target(%dma_start3A_2018 : memref<16x1024xf32, #tpu.memory_space<hbm>>) target_semaphore(%dma_start3A_2016 : memref<!tpu.dma_semaphore, #tpu.memory_space<semaphore_mem>>)
    %dma_wait3A_2023 = arith.constant 2 : i32
    %dma_wait3A_2024 = arith.constant 2 : i32
    %dma_wait3A_2025 = arith.constant 0 : i32
    %dma_wait3A_2026 = arith.constant 0 : i32
    %dma_wait3A_2027 = tpu.memref_slice %arg5[%dma_wait3A_2023, %dma_wait3A_2025, %dma_wait3A_2026] : memref<7x16x1024xf32, #tpu.memory_space<vmem>> -> memref<1x16x1024xf32, #tpu.memory_space<vmem>>
    %dma_wait3A_2028 = tpu.memref_squeeze %dma_wait3A_2027 : memref<1x16x1024xf32, #tpu.memory_space<vmem>> -> memref<16x1024xf32, #tpu.memory_space<vmem>>
    %dma_wait3A_2029 = arith.constant 0 : i32
    %dma_wait3A_2030 = tpu.memref_slice %arg3[%add3A_1826, %dma_wait3A_2029] : memref<16384x1024xf32, #tpu.memory_space<hbm>> -> memref<16x1024xf32, #tpu.memory_space<hbm>>
    %dma_wait3A_2031 = tpu.memref_slice %arg7[%dma_wait3A_2024] : memref<7x!tpu.dma_semaphore, #tpu.memory_space<semaphore_mem>> -> memref<1x!tpu.dma_semaphore, #tpu.memory_space<semaphore_mem>>
    %dma_wait3A_2032 = tpu.memref_squeeze %dma_wait3A_2031 : memref<1x!tpu.dma_semaphore, #tpu.memory_space<semaphore_mem>> -> memref<!tpu.dma_semaphore, #tpu.memory_space<semaphore_mem>>
    %dma_wait3A_2033 = arith.constant 0 : i32
    %dma_wait3A_2034 = tpu.memref_slice %arg3[%add3A_1826, %dma_wait3A_2033] : memref<16384x1024xf32, #tpu.memory_space<hbm>> -> memref<16x1024xf32, #tpu.memory_space<hbm>>
    %dma_wait3A_2035 = arith.constant 0 : i32
    %dma_wait3A_2036 = arith.constant 0 : i32
    %dma_wait3A_2037 = tpu.memref_slice %arg5[%dma_wait3A_2023, %dma_wait3A_2035, %dma_wait3A_2036] : memref<7x16x1024xf32, #tpu.memory_space<vmem>> -> memref<1x16x1024xf32, #tpu.memory_space<vmem>>
    %dma_wait3A_2038 = tpu.memref_squeeze %dma_wait3A_2037 : memref<1x16x1024xf32, #tpu.memory_space<vmem>> -> memref<16x1024xf32, #tpu.memory_space<vmem>>
    tpu.wait_dma2 semaphore(%dma_wait3A_2032 : memref<!tpu.dma_semaphore, #tpu.memory_space<semaphore_mem>>) src(%dma_wait3A_2038 : memref<16x1024xf32, #tpu.memory_space<vmem>>) dst(%dma_wait3A_2034 : memref<16x1024xf32, #tpu.memory_space<hbm>>)
    %dma_start3A_2039 = arith.constant 2 : i32
    %dma_start3A_2040 = arith.constant 2 : i32
    %dma_start3A_2041 = arith.constant 0 : i32
    %dma_start3A_2042 = arith.constant 0 : i32
    %dma_start3A_2043 = tpu.memref_slice %arg5[%dma_start3A_2039, %dma_start3A_2041, %dma_start3A_2042] : memref<7x16x1024xf32, #tpu.memory_space<vmem>> -> memref<1x16x1024xf32, #tpu.memory_space<vmem>>
    %dma_start3A_2044 = tpu.memref_squeeze %dma_start3A_2043 : memref<1x16x1024xf32, #tpu.memory_space<vmem>> -> memref<16x1024xf32, #tpu.memory_space<vmem>>
    %dma_start3A_2045 = arith.constant 480 : i32
    %dma_start3A_2046 = tpu.memref_slice %arg4[%dma_start3A_2045] : memref<512xi32, #tpu.memory_space<vmem>> -> memref<16xi32, #tpu.memory_space<vmem>>
    %dma_start3A_2047 = arith.constant 0 : i32
    %dma_start3A_2048 = arith.constant 0 : i32
    %dma_start3A_2049 = tpu.memref_slice %arg2[%dma_start3A_2047, %dma_start3A_2048] : memref<16384x1024xf32, #tpu.memory_space<hbm>> -> memref<16384x1024xf32, #tpu.memory_space<hbm>>
    %dma_start3A_2050 = tpu.memref_slice %arg6[%dma_start3A_2040] : memref<7x!tpu.dma_semaphore, #tpu.memory_space<semaphore_mem>> -> memref<1x!tpu.dma_semaphore, #tpu.memory_space<semaphore_mem>>
    %dma_start3A_2051 = tpu.memref_squeeze %dma_start3A_2050 : memref<1x!tpu.dma_semaphore, #tpu.memory_space<semaphore_mem>> -> memref<!tpu.dma_semaphore, #tpu.memory_space<semaphore_mem>>
    tpu.enqueue_indirect_dma source(%dma_start3A_2049 : memref<16384x1024xf32, #tpu.memory_space<hbm>>) target(%dma_start3A_2044 : memref<16x1024xf32, #tpu.memory_space<vmem>>) offsets(%dma_start3A_2046 : memref<16xi32, #tpu.memory_space<vmem>>) semaphore(%dma_start3A_2051 : memref<!tpu.dma_semaphore, #tpu.memory_space<semaphore_mem>>)
    %dma_wait3A_2052 = arith.constant 6 : i32
    %dma_wait3A_2053 = arith.constant 6 : i32
    %dma_wait3A_2054 = arith.constant 0 : i32
    %dma_wait3A_2055 = arith.constant 0 : i32
    %dma_wait3A_2056 = tpu.memref_slice %arg5[%dma_wait3A_2052, %dma_wait3A_2054, %dma_wait3A_2055] : memref<7x16x1024xf32, #tpu.memory_space<vmem>> -> memref<1x16x1024xf32, #tpu.memory_space<vmem>>
    %dma_wait3A_2057 = tpu.memref_squeeze %dma_wait3A_2056 : memref<1x16x1024xf32, #tpu.memory_space<vmem>> -> memref<16x1024xf32, #tpu.memory_space<vmem>>
    %dma_wait3A_2058 = arith.constant 432 : i32
    %dma_wait3A_2059 = tpu.memref_slice %arg4[%dma_wait3A_2058] : memref<512xi32, #tpu.memory_space<vmem>> -> memref<16xi32, #tpu.memory_space<vmem>>
    %dma_wait3A_2060 = arith.constant 0 : i32
    %dma_wait3A_2061 = arith.constant 0 : i32
    %dma_wait3A_2062 = tpu.memref_slice %arg2[%dma_wait3A_2060, %dma_wait3A_2061] : memref<16384x1024xf32, #tpu.memory_space<hbm>> -> memref<16384x1024xf32, #tpu.memory_space<hbm>>
    %dma_wait3A_2063 = tpu.memref_slice %arg6[%dma_wait3A_2053] : memref<7x!tpu.dma_semaphore, #tpu.memory_space<semaphore_mem>> -> memref<1x!tpu.dma_semaphore, #tpu.memory_space<semaphore_mem>>
    %dma_wait3A_2064 = tpu.memref_squeeze %dma_wait3A_2063 : memref<1x!tpu.dma_semaphore, #tpu.memory_space<semaphore_mem>> -> memref<!tpu.dma_semaphore, #tpu.memory_space<semaphore_mem>>
    tpu.wait_indirect_dma semaphore(%dma_wait3A_2064 : memref<!tpu.dma_semaphore, #tpu.memory_space<semaphore_mem>>) src(%dma_wait3A_2062 : memref<16384x1024xf32, #tpu.memory_space<hbm>>) dst(%dma_wait3A_2057 : memref<16x1024xf32, #tpu.memory_space<vmem>>)
    %add3A_2065 = arith.constant 432 : i32
    %add3A_2066 = arith.addi %mul3A_2, %add3A_2065 : i32
    %dma_start3A_2067 = arith.constant 6 : i32
    %dma_start3A_2068 = arith.constant 6 : i32
    %dma_start3A_2069 = arith.constant 0 : i32
    %dma_start3A_2070 = arith.constant 0 : i32
    %dma_start3A_2071 = tpu.memref_slice %arg5[%dma_start3A_2067, %dma_start3A_2069, %dma_start3A_2070] : memref<7x16x1024xf32, #tpu.memory_space<vmem>> -> memref<1x16x1024xf32, #tpu.memory_space<vmem>>
    %dma_start3A_2072 = tpu.memref_squeeze %dma_start3A_2071 : memref<1x16x1024xf32, #tpu.memory_space<vmem>> -> memref<16x1024xf32, #tpu.memory_space<vmem>>
    %dma_start3A_2073 = arith.constant 0 : i32
    %dma_start3A_2074 = tpu.memref_slice %arg3[%add3A_2066, %dma_start3A_2073] : memref<16384x1024xf32, #tpu.memory_space<hbm>> -> memref<16x1024xf32, #tpu.memory_space<hbm>>
    %dma_start3A_2075 = tpu.memref_slice %arg7[%dma_start3A_2068] : memref<7x!tpu.dma_semaphore, #tpu.memory_space<semaphore_mem>> -> memref<1x!tpu.dma_semaphore, #tpu.memory_space<semaphore_mem>>
    %dma_start3A_2076 = tpu.memref_squeeze %dma_start3A_2075 : memref<1x!tpu.dma_semaphore, #tpu.memory_space<semaphore_mem>> -> memref<!tpu.dma_semaphore, #tpu.memory_space<semaphore_mem>>
    %dma_start3A_2077 = arith.constant 0 : i32
    %dma_start3A_2078 = tpu.memref_slice %arg3[%add3A_2066, %dma_start3A_2077] : memref<16384x1024xf32, #tpu.memory_space<hbm>> -> memref<16x1024xf32, #tpu.memory_space<hbm>>
    %dma_start3A_2079 = arith.constant 0 : i32
    %dma_start3A_2080 = arith.constant 0 : i32
    %dma_start3A_2081 = tpu.memref_slice %arg5[%dma_start3A_2067, %dma_start3A_2079, %dma_start3A_2080] : memref<7x16x1024xf32, #tpu.memory_space<vmem>> -> memref<1x16x1024xf32, #tpu.memory_space<vmem>>
    %dma_start3A_2082 = tpu.memref_squeeze %dma_start3A_2081 : memref<1x16x1024xf32, #tpu.memory_space<vmem>> -> memref<16x1024xf32, #tpu.memory_space<vmem>>
    tpu.enqueue_dma source(%dma_start3A_2082 : memref<16x1024xf32, #tpu.memory_space<vmem>>) target(%dma_start3A_2078 : memref<16x1024xf32, #tpu.memory_space<hbm>>) target_semaphore(%dma_start3A_2076 : memref<!tpu.dma_semaphore, #tpu.memory_space<semaphore_mem>>)
    %dma_wait3A_2083 = arith.constant 3 : i32
    %dma_wait3A_2084 = arith.constant 3 : i32
    %dma_wait3A_2085 = arith.constant 0 : i32
    %dma_wait3A_2086 = arith.constant 0 : i32
    %dma_wait3A_2087 = tpu.memref_slice %arg5[%dma_wait3A_2083, %dma_wait3A_2085, %dma_wait3A_2086] : memref<7x16x1024xf32, #tpu.memory_space<vmem>> -> memref<1x16x1024xf32, #tpu.memory_space<vmem>>
    %dma_wait3A_2088 = tpu.memref_squeeze %dma_wait3A_2087 : memref<1x16x1024xf32, #tpu.memory_space<vmem>> -> memref<16x1024xf32, #tpu.memory_space<vmem>>
    %dma_wait3A_2089 = arith.constant 0 : i32
    %dma_wait3A_2090 = tpu.memref_slice %arg3[%add3A_1886, %dma_wait3A_2089] : memref<16384x1024xf32, #tpu.memory_space<hbm>> -> memref<16x1024xf32, #tpu.memory_space<hbm>>
    %dma_wait3A_2091 = tpu.memref_slice %arg7[%dma_wait3A_2084] : memref<7x!tpu.dma_semaphore, #tpu.memory_space<semaphore_mem>> -> memref<1x!tpu.dma_semaphore, #tpu.memory_space<semaphore_mem>>
    %dma_wait3A_2092 = tpu.memref_squeeze %dma_wait3A_2091 : memref<1x!tpu.dma_semaphore, #tpu.memory_space<semaphore_mem>> -> memref<!tpu.dma_semaphore, #tpu.memory_space<semaphore_mem>>
    %dma_wait3A_2093 = arith.constant 0 : i32
    %dma_wait3A_2094 = tpu.memref_slice %arg3[%add3A_1886, %dma_wait3A_2093] : memref<16384x1024xf32, #tpu.memory_space<hbm>> -> memref<16x1024xf32, #tpu.memory_space<hbm>>
    %dma_wait3A_2095 = arith.constant 0 : i32
    %dma_wait3A_2096 = arith.constant 0 : i32
    %dma_wait3A_2097 = tpu.memref_slice %arg5[%dma_wait3A_2083, %dma_wait3A_2095, %dma_wait3A_2096] : memref<7x16x1024xf32, #tpu.memory_space<vmem>> -> memref<1x16x1024xf32, #tpu.memory_space<vmem>>
    %dma_wait3A_2098 = tpu.memref_squeeze %dma_wait3A_2097 : memref<1x16x1024xf32, #tpu.memory_space<vmem>> -> memref<16x1024xf32, #tpu.memory_space<vmem>>
    tpu.wait_dma2 semaphore(%dma_wait3A_2092 : memref<!tpu.dma_semaphore, #tpu.memory_space<semaphore_mem>>) src(%dma_wait3A_2098 : memref<16x1024xf32, #tpu.memory_space<vmem>>) dst(%dma_wait3A_2094 : memref<16x1024xf32, #tpu.memory_space<hbm>>)
    %dma_start3A_2099 = arith.constant 3 : i32
    %dma_start3A_2100 = arith.constant 3 : i32
    %dma_start3A_2101 = arith.constant 0 : i32
    %dma_start3A_2102 = arith.constant 0 : i32
    %dma_start3A_2103 = tpu.memref_slice %arg5[%dma_start3A_2099, %dma_start3A_2101, %dma_start3A_2102] : memref<7x16x1024xf32, #tpu.memory_space<vmem>> -> memref<1x16x1024xf32, #tpu.memory_space<vmem>>
    %dma_start3A_2104 = tpu.memref_squeeze %dma_start3A_2103 : memref<1x16x1024xf32, #tpu.memory_space<vmem>> -> memref<16x1024xf32, #tpu.memory_space<vmem>>
    %dma_start3A_2105 = arith.constant 496 : i32
    %dma_start3A_2106 = tpu.memref_slice %arg4[%dma_start3A_2105] : memref<512xi32, #tpu.memory_space<vmem>> -> memref<16xi32, #tpu.memory_space<vmem>>
    %dma_start3A_2107 = arith.constant 0 : i32
    %dma_start3A_2108 = arith.constant 0 : i32
    %dma_start3A_2109 = tpu.memref_slice %arg2[%dma_start3A_2107, %dma_start3A_2108] : memref<16384x1024xf32, #tpu.memory_space<hbm>> -> memref<16384x1024xf32, #tpu.memory_space<hbm>>
    %dma_start3A_2110 = tpu.memref_slice %arg6[%dma_start3A_2100] : memref<7x!tpu.dma_semaphore, #tpu.memory_space<semaphore_mem>> -> memref<1x!tpu.dma_semaphore, #tpu.memory_space<semaphore_mem>>
    %dma_start3A_2111 = tpu.memref_squeeze %dma_start3A_2110 : memref<1x!tpu.dma_semaphore, #tpu.memory_space<semaphore_mem>> -> memref<!tpu.dma_semaphore, #tpu.memory_space<semaphore_mem>>
    tpu.enqueue_indirect_dma source(%dma_start3A_2109 : memref<16384x1024xf32, #tpu.memory_space<hbm>>) target(%dma_start3A_2104 : memref<16x1024xf32, #tpu.memory_space<vmem>>) offsets(%dma_start3A_2106 : memref<16xi32, #tpu.memory_space<vmem>>) semaphore(%dma_start3A_2111 : memref<!tpu.dma_semaphore, #tpu.memory_space<semaphore_mem>>)
    %dma_wait3A_2112 = arith.constant 0 : i32
    %dma_wait3A_2113 = arith.constant 0 : i32
    %dma_wait3A_2114 = arith.constant 0 : i32
    %dma_wait3A_2115 = arith.constant 0 : i32
    %dma_wait3A_2116 = tpu.memref_slice %arg5[%dma_wait3A_2112, %dma_wait3A_2114, %dma_wait3A_2115] : memref<7x16x1024xf32, #tpu.memory_space<vmem>> -> memref<1x16x1024xf32, #tpu.memory_space<vmem>>
    %dma_wait3A_2117 = tpu.memref_squeeze %dma_wait3A_2116 : memref<1x16x1024xf32, #tpu.memory_space<vmem>> -> memref<16x1024xf32, #tpu.memory_space<vmem>>
    %dma_wait3A_2118 = arith.constant 448 : i32
    %dma_wait3A_2119 = tpu.memref_slice %arg4[%dma_wait3A_2118] : memref<512xi32, #tpu.memory_space<vmem>> -> memref<16xi32, #tpu.memory_space<vmem>>
    %dma_wait3A_2120 = arith.constant 0 : i32
    %dma_wait3A_2121 = arith.constant 0 : i32
    %dma_wait3A_2122 = tpu.memref_slice %arg2[%dma_wait3A_2120, %dma_wait3A_2121] : memref<16384x1024xf32, #tpu.memory_space<hbm>> -> memref<16384x1024xf32, #tpu.memory_space<hbm>>
    %dma_wait3A_2123 = tpu.memref_slice %arg6[%dma_wait3A_2113] : memref<7x!tpu.dma_semaphore, #tpu.memory_space<semaphore_mem>> -> memref<1x!tpu.dma_semaphore, #tpu.memory_space<semaphore_mem>>
    %dma_wait3A_2124 = tpu.memref_squeeze %dma_wait3A_2123 : memref<1x!tpu.dma_semaphore, #tpu.memory_space<semaphore_mem>> -> memref<!tpu.dma_semaphore, #tpu.memory_space<semaphore_mem>>
    tpu.wait_indirect_dma semaphore(%dma_wait3A_2124 : memref<!tpu.dma_semaphore, #tpu.memory_space<semaphore_mem>>) src(%dma_wait3A_2122 : memref<16384x1024xf32, #tpu.memory_space<hbm>>) dst(%dma_wait3A_2117 : memref<16x1024xf32, #tpu.memory_space<vmem>>)
    %add3A_2125 = arith.constant 448 : i32
    %add3A_2126 = arith.addi %mul3A_2, %add3A_2125 : i32
    %dma_start3A_2127 = arith.constant 0 : i32
    %dma_start3A_2128 = arith.constant 0 : i32
    %dma_start3A_2129 = arith.constant 0 : i32
    %dma_start3A_2130 = arith.constant 0 : i32
    %dma_start3A_2131 = tpu.memref_slice %arg5[%dma_start3A_2127, %dma_start3A_2129, %dma_start3A_2130] : memref<7x16x1024xf32, #tpu.memory_space<vmem>> -> memref<1x16x1024xf32, #tpu.memory_space<vmem>>
    %dma_start3A_2132 = tpu.memref_squeeze %dma_start3A_2131 : memref<1x16x1024xf32, #tpu.memory_space<vmem>> -> memref<16x1024xf32, #tpu.memory_space<vmem>>
    %dma_start3A_2133 = arith.constant 0 : i32
    %dma_start3A_2134 = tpu.memref_slice %arg3[%add3A_2126, %dma_start3A_2133] : memref<16384x1024xf32, #tpu.memory_space<hbm>> -> memref<16x1024xf32, #tpu.memory_space<hbm>>
    %dma_start3A_2135 = tpu.memref_slice %arg7[%dma_start3A_2128] : memref<7x!tpu.dma_semaphore, #tpu.memory_space<semaphore_mem>> -> memref<1x!tpu.dma_semaphore, #tpu.memory_space<semaphore_mem>>
    %dma_start3A_2136 = tpu.memref_squeeze %dma_start3A_2135 : memref<1x!tpu.dma_semaphore, #tpu.memory_space<semaphore_mem>> -> memref<!tpu.dma_semaphore, #tpu.memory_space<semaphore_mem>>
    %dma_start3A_2137 = arith.constant 0 : i32
    %dma_start3A_2138 = tpu.memref_slice %arg3[%add3A_2126, %dma_start3A_2137] : memref<16384x1024xf32, #tpu.memory_space<hbm>> -> memref<16x1024xf32, #tpu.memory_space<hbm>>
    %dma_start3A_2139 = arith.constant 0 : i32
    %dma_start3A_2140 = arith.constant 0 : i32
    %dma_start3A_2141 = tpu.memref_slice %arg5[%dma_start3A_2127, %dma_start3A_2139, %dma_start3A_2140] : memref<7x16x1024xf32, #tpu.memory_space<vmem>> -> memref<1x16x1024xf32, #tpu.memory_space<vmem>>
    %dma_start3A_2142 = tpu.memref_squeeze %dma_start3A_2141 : memref<1x16x1024xf32, #tpu.memory_space<vmem>> -> memref<16x1024xf32, #tpu.memory_space<vmem>>
    tpu.enqueue_dma source(%dma_start3A_2142 : memref<16x1024xf32, #tpu.memory_space<vmem>>) target(%dma_start3A_2138 : memref<16x1024xf32, #tpu.memory_space<hbm>>) target_semaphore(%dma_start3A_2136 : memref<!tpu.dma_semaphore, #tpu.memory_space<semaphore_mem>>)
    %dma_wait3A_2143 = arith.constant 1 : i32
    %dma_wait3A_2144 = arith.constant 1 : i32
    %dma_wait3A_2145 = arith.constant 0 : i32
    %dma_wait3A_2146 = arith.constant 0 : i32
    %dma_wait3A_2147 = tpu.memref_slice %arg5[%dma_wait3A_2143, %dma_wait3A_2145, %dma_wait3A_2146] : memref<7x16x1024xf32, #tpu.memory_space<vmem>> -> memref<1x16x1024xf32, #tpu.memory_space<vmem>>
    %dma_wait3A_2148 = tpu.memref_squeeze %dma_wait3A_2147 : memref<1x16x1024xf32, #tpu.memory_space<vmem>> -> memref<16x1024xf32, #tpu.memory_space<vmem>>
    %dma_wait3A_2149 = arith.constant 464 : i32
    %dma_wait3A_2150 = tpu.memref_slice %arg4[%dma_wait3A_2149] : memref<512xi32, #tpu.memory_space<vmem>> -> memref<16xi32, #tpu.memory_space<vmem>>
    %dma_wait3A_2151 = arith.constant 0 : i32
    %dma_wait3A_2152 = arith.constant 0 : i32
    %dma_wait3A_2153 = tpu.memref_slice %arg2[%dma_wait3A_2151, %dma_wait3A_2152] : memref<16384x1024xf32, #tpu.memory_space<hbm>> -> memref<16384x1024xf32, #tpu.memory_space<hbm>>
    %dma_wait3A_2154 = tpu.memref_slice %arg6[%dma_wait3A_2144] : memref<7x!tpu.dma_semaphore, #tpu.memory_space<semaphore_mem>> -> memref<1x!tpu.dma_semaphore, #tpu.memory_space<semaphore_mem>>
    %dma_wait3A_2155 = tpu.memref_squeeze %dma_wait3A_2154 : memref<1x!tpu.dma_semaphore, #tpu.memory_space<semaphore_mem>> -> memref<!tpu.dma_semaphore, #tpu.memory_space<semaphore_mem>>
    tpu.wait_indirect_dma semaphore(%dma_wait3A_2155 : memref<!tpu.dma_semaphore, #tpu.memory_space<semaphore_mem>>) src(%dma_wait3A_2153 : memref<16384x1024xf32, #tpu.memory_space<hbm>>) dst(%dma_wait3A_2148 : memref<16x1024xf32, #tpu.memory_space<vmem>>)
    %add3A_2156 = arith.constant 464 : i32
    %add3A_2157 = arith.addi %mul3A_2, %add3A_2156 : i32
    %dma_start3A_2158 = arith.constant 1 : i32
    %dma_start3A_2159 = arith.constant 1 : i32
    %dma_start3A_2160 = arith.constant 0 : i32
    %dma_start3A_2161 = arith.constant 0 : i32
    %dma_start3A_2162 = tpu.memref_slice %arg5[%dma_start3A_2158, %dma_start3A_2160, %dma_start3A_2161] : memref<7x16x1024xf32, #tpu.memory_space<vmem>> -> memref<1x16x1024xf32, #tpu.memory_space<vmem>>
    %dma_start3A_2163 = tpu.memref_squeeze %dma_start3A_2162 : memref<1x16x1024xf32, #tpu.memory_space<vmem>> -> memref<16x1024xf32, #tpu.memory_space<vmem>>
    %dma_start3A_2164 = arith.constant 0 : i32
    %dma_start3A_2165 = tpu.memref_slice %arg3[%add3A_2157, %dma_start3A_2164] : memref<16384x1024xf32, #tpu.memory_space<hbm>> -> memref<16x1024xf32, #tpu.memory_space<hbm>>
    %dma_start3A_2166 = tpu.memref_slice %arg7[%dma_start3A_2159] : memref<7x!tpu.dma_semaphore, #tpu.memory_space<semaphore_mem>> -> memref<1x!tpu.dma_semaphore, #tpu.memory_space<semaphore_mem>>
    %dma_start3A_2167 = tpu.memref_squeeze %dma_start3A_2166 : memref<1x!tpu.dma_semaphore, #tpu.memory_space<semaphore_mem>> -> memref<!tpu.dma_semaphore, #tpu.memory_space<semaphore_mem>>
    %dma_start3A_2168 = arith.constant 0 : i32
    %dma_start3A_2169 = tpu.memref_slice %arg3[%add3A_2157, %dma_start3A_2168] : memref<16384x1024xf32, #tpu.memory_space<hbm>> -> memref<16x1024xf32, #tpu.memory_space<hbm>>
    %dma_start3A_2170 = arith.constant 0 : i32
    %dma_start3A_2171 = arith.constant 0 : i32
    %dma_start3A_2172 = tpu.memref_slice %arg5[%dma_start3A_2158, %dma_start3A_2170, %dma_start3A_2171] : memref<7x16x1024xf32, #tpu.memory_space<vmem>> -> memref<1x16x1024xf32, #tpu.memory_space<vmem>>
    %dma_start3A_2173 = tpu.memref_squeeze %dma_start3A_2172 : memref<1x16x1024xf32, #tpu.memory_space<vmem>> -> memref<16x1024xf32, #tpu.memory_space<vmem>>
    tpu.enqueue_dma source(%dma_start3A_2173 : memref<16x1024xf32, #tpu.memory_space<vmem>>) target(%dma_start3A_2169 : memref<16x1024xf32, #tpu.memory_space<hbm>>) target_semaphore(%dma_start3A_2167 : memref<!tpu.dma_semaphore, #tpu.memory_space<semaphore_mem>>)
    %dma_wait3A_2174 = arith.constant 2 : i32
    %dma_wait3A_2175 = arith.constant 2 : i32
    %dma_wait3A_2176 = arith.constant 0 : i32
    %dma_wait3A_2177 = arith.constant 0 : i32
    %dma_wait3A_2178 = tpu.memref_slice %arg5[%dma_wait3A_2174, %dma_wait3A_2176, %dma_wait3A_2177] : memref<7x16x1024xf32, #tpu.memory_space<vmem>> -> memref<1x16x1024xf32, #tpu.memory_space<vmem>>
    %dma_wait3A_2179 = tpu.memref_squeeze %dma_wait3A_2178 : memref<1x16x1024xf32, #tpu.memory_space<vmem>> -> memref<16x1024xf32, #tpu.memory_space<vmem>>
    %dma_wait3A_2180 = arith.constant 480 : i32
    %dma_wait3A_2181 = tpu.memref_slice %arg4[%dma_wait3A_2180] : memref<512xi32, #tpu.memory_space<vmem>> -> memref<16xi32, #tpu.memory_space<vmem>>
    %dma_wait3A_2182 = arith.constant 0 : i32
    %dma_wait3A_2183 = arith.constant 0 : i32
    %dma_wait3A_2184 = tpu.memref_slice %arg2[%dma_wait3A_2182, %dma_wait3A_2183] : memref<16384x1024xf32, #tpu.memory_space<hbm>> -> memref<16384x1024xf32, #tpu.memory_space<hbm>>
    %dma_wait3A_2185 = tpu.memref_slice %arg6[%dma_wait3A_2175] : memref<7x!tpu.dma_semaphore, #tpu.memory_space<semaphore_mem>> -> memref<1x!tpu.dma_semaphore, #tpu.memory_space<semaphore_mem>>
    %dma_wait3A_2186 = tpu.memref_squeeze %dma_wait3A_2185 : memref<1x!tpu.dma_semaphore, #tpu.memory_space<semaphore_mem>> -> memref<!tpu.dma_semaphore, #tpu.memory_space<semaphore_mem>>
    tpu.wait_indirect_dma semaphore(%dma_wait3A_2186 : memref<!tpu.dma_semaphore, #tpu.memory_space<semaphore_mem>>) src(%dma_wait3A_2184 : memref<16384x1024xf32, #tpu.memory_space<hbm>>) dst(%dma_wait3A_2179 : memref<16x1024xf32, #tpu.memory_space<vmem>>)
    %add3A_2187 = arith.constant 480 : i32
    %add3A_2188 = arith.addi %mul3A_2, %add3A_2187 : i32
    %dma_start3A_2189 = arith.constant 2 : i32
    %dma_start3A_2190 = arith.constant 2 : i32
    %dma_start3A_2191 = arith.constant 0 : i32
    %dma_start3A_2192 = arith.constant 0 : i32
    %dma_start3A_2193 = tpu.memref_slice %arg5[%dma_start3A_2189, %dma_start3A_2191, %dma_start3A_2192] : memref<7x16x1024xf32, #tpu.memory_space<vmem>> -> memref<1x16x1024xf32, #tpu.memory_space<vmem>>
    %dma_start3A_2194 = tpu.memref_squeeze %dma_start3A_2193 : memref<1x16x1024xf32, #tpu.memory_space<vmem>> -> memref<16x1024xf32, #tpu.memory_space<vmem>>
    %dma_start3A_2195 = arith.constant 0 : i32
    %dma_start3A_2196 = tpu.memref_slice %arg3[%add3A_2188, %dma_start3A_2195] : memref<16384x1024xf32, #tpu.memory_space<hbm>> -> memref<16x1024xf32, #tpu.memory_space<hbm>>
    %dma_start3A_2197 = tpu.memref_slice %arg7[%dma_start3A_2190] : memref<7x!tpu.dma_semaphore, #tpu.memory_space<semaphore_mem>> -> memref<1x!tpu.dma_semaphore, #tpu.memory_space<semaphore_mem>>
    %dma_start3A_2198 = tpu.memref_squeeze %dma_start3A_2197 : memref<1x!tpu.dma_semaphore, #tpu.memory_space<semaphore_mem>> -> memref<!tpu.dma_semaphore, #tpu.memory_space<semaphore_mem>>
    %dma_start3A_2199 = arith.constant 0 : i32
    %dma_start3A_2200 = tpu.memref_slice %arg3[%add3A_2188, %dma_start3A_2199] : memref<16384x1024xf32, #tpu.memory_space<hbm>> -> memref<16x1024xf32, #tpu.memory_space<hbm>>
    %dma_start3A_2201 = arith.constant 0 : i32
    %dma_start3A_2202 = arith.constant 0 : i32
    %dma_start3A_2203 = tpu.memref_slice %arg5[%dma_start3A_2189, %dma_start3A_2201, %dma_start3A_2202] : memref<7x16x1024xf32, #tpu.memory_space<vmem>> -> memref<1x16x1024xf32, #tpu.memory_space<vmem>>
    %dma_start3A_2204 = tpu.memref_squeeze %dma_start3A_2203 : memref<1x16x1024xf32, #tpu.memory_space<vmem>> -> memref<16x1024xf32, #tpu.memory_space<vmem>>
    tpu.enqueue_dma source(%dma_start3A_2204 : memref<16x1024xf32, #tpu.memory_space<vmem>>) target(%dma_start3A_2200 : memref<16x1024xf32, #tpu.memory_space<hbm>>) target_semaphore(%dma_start3A_2198 : memref<!tpu.dma_semaphore, #tpu.memory_space<semaphore_mem>>)
    %dma_wait3A_2205 = arith.constant 3 : i32
    %dma_wait3A_2206 = arith.constant 3 : i32
    %dma_wait3A_2207 = arith.constant 0 : i32
    %dma_wait3A_2208 = arith.constant 0 : i32
    %dma_wait3A_2209 = tpu.memref_slice %arg5[%dma_wait3A_2205, %dma_wait3A_2207, %dma_wait3A_2208] : memref<7x16x1024xf32, #tpu.memory_space<vmem>> -> memref<1x16x1024xf32, #tpu.memory_space<vmem>>
    %dma_wait3A_2210 = tpu.memref_squeeze %dma_wait3A_2209 : memref<1x16x1024xf32, #tpu.memory_space<vmem>> -> memref<16x1024xf32, #tpu.memory_space<vmem>>
    %dma_wait3A_2211 = arith.constant 496 : i32
    %dma_wait3A_2212 = tpu.memref_slice %arg4[%dma_wait3A_2211] : memref<512xi32, #tpu.memory_space<vmem>> -> memref<16xi32, #tpu.memory_space<vmem>>
    %dma_wait3A_2213 = arith.constant 0 : i32
    %dma_wait3A_2214 = arith.constant 0 : i32
    %dma_wait3A_2215 = tpu.memref_slice %arg2[%dma_wait3A_2213, %dma_wait3A_2214] : memref<16384x1024xf32, #tpu.memory_space<hbm>> -> memref<16384x1024xf32, #tpu.memory_space<hbm>>
    %dma_wait3A_2216 = tpu.memref_slice %arg6[%dma_wait3A_2206] : memref<7x!tpu.dma_semaphore, #tpu.memory_space<semaphore_mem>> -> memref<1x!tpu.dma_semaphore, #tpu.memory_space<semaphore_mem>>
    %dma_wait3A_2217 = tpu.memref_squeeze %dma_wait3A_2216 : memref<1x!tpu.dma_semaphore, #tpu.memory_space<semaphore_mem>> -> memref<!tpu.dma_semaphore, #tpu.memory_space<semaphore_mem>>
    tpu.wait_indirect_dma semaphore(%dma_wait3A_2217 : memref<!tpu.dma_semaphore, #tpu.memory_space<semaphore_mem>>) src(%dma_wait3A_2215 : memref<16384x1024xf32, #tpu.memory_space<hbm>>) dst(%dma_wait3A_2210 : memref<16x1024xf32, #tpu.memory_space<vmem>>)
    %add3A_2218 = arith.constant 496 : i32
    %add3A_2219 = arith.addi %mul3A_2, %add3A_2218 : i32
    %dma_start3A_2220 = arith.constant 3 : i32
    %dma_start3A_2221 = arith.constant 3 : i32
    %dma_start3A_2222 = arith.constant 0 : i32
    %dma_start3A_2223 = arith.constant 0 : i32
    %dma_start3A_2224 = tpu.memref_slice %arg5[%dma_start3A_2220, %dma_start3A_2222, %dma_start3A_2223] : memref<7x16x1024xf32, #tpu.memory_space<vmem>> -> memref<1x16x1024xf32, #tpu.memory_space<vmem>>
    %dma_start3A_2225 = tpu.memref_squeeze %dma_start3A_2224 : memref<1x16x1024xf32, #tpu.memory_space<vmem>> -> memref<16x1024xf32, #tpu.memory_space<vmem>>
    %dma_start3A_2226 = arith.constant 0 : i32
    %dma_start3A_2227 = tpu.memref_slice %arg3[%add3A_2219, %dma_start3A_2226] : memref<16384x1024xf32, #tpu.memory_space<hbm>> -> memref<16x1024xf32, #tpu.memory_space<hbm>>
    %dma_start3A_2228 = tpu.memref_slice %arg7[%dma_start3A_2221] : memref<7x!tpu.dma_semaphore, #tpu.memory_space<semaphore_mem>> -> memref<1x!tpu.dma_semaphore, #tpu.memory_space<semaphore_mem>>
    %dma_start3A_2229 = tpu.memref_squeeze %dma_start3A_2228 : memref<1x!tpu.dma_semaphore, #tpu.memory_space<semaphore_mem>> -> memref<!tpu.dma_semaphore, #tpu.memory_space<semaphore_mem>>
    %dma_start3A_2230 = arith.constant 0 : i32
    %dma_start3A_2231 = tpu.memref_slice %arg3[%add3A_2219, %dma_start3A_2230] : memref<16384x1024xf32, #tpu.memory_space<hbm>> -> memref<16x1024xf32, #tpu.memory_space<hbm>>
    %dma_start3A_2232 = arith.constant 0 : i32
    %dma_start3A_2233 = arith.constant 0 : i32
    %dma_start3A_2234 = tpu.memref_slice %arg5[%dma_start3A_2220, %dma_start3A_2232, %dma_start3A_2233] : memref<7x16x1024xf32, #tpu.memory_space<vmem>> -> memref<1x16x1024xf32, #tpu.memory_space<vmem>>
    %dma_start3A_2235 = tpu.memref_squeeze %dma_start3A_2234 : memref<1x16x1024xf32, #tpu.memory_space<vmem>> -> memref<16x1024xf32, #tpu.memory_space<vmem>>
    tpu.enqueue_dma source(%dma_start3A_2235 : memref<16x1024xf32, #tpu.memory_space<vmem>>) target(%dma_start3A_2231 : memref<16x1024xf32, #tpu.memory_space<hbm>>) target_semaphore(%dma_start3A_2229 : memref<!tpu.dma_semaphore, #tpu.memory_space<semaphore_mem>>)
    %dma_wait3A_2236 = arith.constant 0 : i32
    %dma_wait3A_2237 = arith.constant 0 : i32
    %dma_wait3A_2238 = arith.constant 0 : i32
    %dma_wait3A_2239 = arith.constant 0 : i32
    %dma_wait3A_2240 = tpu.memref_slice %arg5[%dma_wait3A_2236, %dma_wait3A_2238, %dma_wait3A_2239] : memref<7x16x1024xf32, #tpu.memory_space<vmem>> -> memref<1x16x1024xf32, #tpu.memory_space<vmem>>
    %dma_wait3A_2241 = tpu.memref_squeeze %dma_wait3A_2240 : memref<1x16x1024xf32, #tpu.memory_space<vmem>> -> memref<16x1024xf32, #tpu.memory_space<vmem>>
    %dma_wait3A_2242 = arith.constant 0 : i32
    %dma_wait3A_2243 = tpu.memref_slice %arg3[%add3A_2126, %dma_wait3A_2242] : memref<16384x1024xf32, #tpu.memory_space<hbm>> -> memref<16x1024xf32, #tpu.memory_space<hbm>>
    %dma_wait3A_2244 = tpu.memref_slice %arg7[%dma_wait3A_2237] : memref<7x!tpu.dma_semaphore, #tpu.memory_space<semaphore_mem>> -> memref<1x!tpu.dma_semaphore, #tpu.memory_space<semaphore_mem>>
    %dma_wait3A_2245 = tpu.memref_squeeze %dma_wait3A_2244 : memref<1x!tpu.dma_semaphore, #tpu.memory_space<semaphore_mem>> -> memref<!tpu.dma_semaphore, #tpu.memory_space<semaphore_mem>>
    %dma_wait3A_2246 = arith.constant 0 : i32
    %dma_wait3A_2247 = tpu.memref_slice %arg3[%add3A_2126, %dma_wait3A_2246] : memref<16384x1024xf32, #tpu.memory_space<hbm>> -> memref<16x1024xf32, #tpu.memory_space<hbm>>
    %dma_wait3A_2248 = arith.constant 0 : i32
    %dma_wait3A_2249 = arith.constant 0 : i32
    %dma_wait3A_2250 = tpu.memref_slice %arg5[%dma_wait3A_2236, %dma_wait3A_2248, %dma_wait3A_2249] : memref<7x16x1024xf32, #tpu.memory_space<vmem>> -> memref<1x16x1024xf32, #tpu.memory_space<vmem>>
    %dma_wait3A_2251 = tpu.memref_squeeze %dma_wait3A_2250 : memref<1x16x1024xf32, #tpu.memory_space<vmem>> -> memref<16x1024xf32, #tpu.memory_space<vmem>>
    tpu.wait_dma2 semaphore(%dma_wait3A_2245 : memref<!tpu.dma_semaphore, #tpu.memory_space<semaphore_mem>>) src(%dma_wait3A_2251 : memref<16x1024xf32, #tpu.memory_space<vmem>>) dst(%dma_wait3A_2247 : memref<16x1024xf32, #tpu.memory_space<hbm>>)
    %dma_wait3A_2252 = arith.constant 1 : i32
    %dma_wait3A_2253 = arith.constant 1 : i32
    %dma_wait3A_2254 = arith.constant 0 : i32
    %dma_wait3A_2255 = arith.constant 0 : i32
    %dma_wait3A_2256 = tpu.memref_slice %arg5[%dma_wait3A_2252, %dma_wait3A_2254, %dma_wait3A_2255] : memref<7x16x1024xf32, #tpu.memory_space<vmem>> -> memref<1x16x1024xf32, #tpu.memory_space<vmem>>
    %dma_wait3A_2257 = tpu.memref_squeeze %dma_wait3A_2256 : memref<1x16x1024xf32, #tpu.memory_space<vmem>> -> memref<16x1024xf32, #tpu.memory_space<vmem>>
    %dma_wait3A_2258 = arith.constant 0 : i32
    %dma_wait3A_2259 = tpu.memref_slice %arg3[%add3A_2157, %dma_wait3A_2258] : memref<16384x1024xf32, #tpu.memory_space<hbm>> -> memref<16x1024xf32, #tpu.memory_space<hbm>>
    %dma_wait3A_2260 = tpu.memref_slice %arg7[%dma_wait3A_2253] : memref<7x!tpu.dma_semaphore, #tpu.memory_space<semaphore_mem>> -> memref<1x!tpu.dma_semaphore, #tpu.memory_space<semaphore_mem>>
    %dma_wait3A_2261 = tpu.memref_squeeze %dma_wait3A_2260 : memref<1x!tpu.dma_semaphore, #tpu.memory_space<semaphore_mem>> -> memref<!tpu.dma_semaphore, #tpu.memory_space<semaphore_mem>>
    %dma_wait3A_2262 = arith.constant 0 : i32
    %dma_wait3A_2263 = tpu.memref_slice %arg3[%add3A_2157, %dma_wait3A_2262] : memref<16384x1024xf32, #tpu.memory_space<hbm>> -> memref<16x1024xf32, #tpu.memory_space<hbm>>
    %dma_wait3A_2264 = arith.constant 0 : i32
    %dma_wait3A_2265 = arith.constant 0 : i32
    %dma_wait3A_2266 = tpu.memref_slice %arg5[%dma_wait3A_2252, %dma_wait3A_2264, %dma_wait3A_2265] : memref<7x16x1024xf32, #tpu.memory_space<vmem>> -> memref<1x16x1024xf32, #tpu.memory_space<vmem>>
    %dma_wait3A_2267 = tpu.memref_squeeze %dma_wait3A_2266 : memref<1x16x1024xf32, #tpu.memory_space<vmem>> -> memref<16x1024xf32, #tpu.memory_space<vmem>>
    tpu.wait_dma2 semaphore(%dma_wait3A_2261 : memref<!tpu.dma_semaphore, #tpu.memory_space<semaphore_mem>>) src(%dma_wait3A_2267 : memref<16x1024xf32, #tpu.memory_space<vmem>>) dst(%dma_wait3A_2263 : memref<16x1024xf32, #tpu.memory_space<hbm>>)
    %dma_wait3A_2268 = arith.constant 2 : i32
    %dma_wait3A_2269 = arith.constant 2 : i32
    %dma_wait3A_2270 = arith.constant 0 : i32
    %dma_wait3A_2271 = arith.constant 0 : i32
    %dma_wait3A_2272 = tpu.memref_slice %arg5[%dma_wait3A_2268, %dma_wait3A_2270, %dma_wait3A_2271] : memref<7x16x1024xf32, #tpu.memory_space<vmem>> -> memref<1x16x1024xf32, #tpu.memory_space<vmem>>
    %dma_wait3A_2273 = tpu.memref_squeeze %dma_wait3A_2272 : memref<1x16x1024xf32, #tpu.memory_space<vmem>> -> memref<16x1024xf32, #tpu.memory_space<vmem>>
    %dma_wait3A_2274 = arith.constant 0 : i32
    %dma_wait3A_2275 = tpu.memref_slice %arg3[%add3A_2188, %dma_wait3A_2274] : memref<16384x1024xf32, #tpu.memory_space<hbm>> -> memref<16x1024xf32, #tpu.memory_space<hbm>>
    %dma_wait3A_2276 = tpu.memref_slice %arg7[%dma_wait3A_2269] : memref<7x!tpu.dma_semaphore, #tpu.memory_space<semaphore_mem>> -> memref<1x!tpu.dma_semaphore, #tpu.memory_space<semaphore_mem>>
    %dma_wait3A_2277 = tpu.memref_squeeze %dma_wait3A_2276 : memref<1x!tpu.dma_semaphore, #tpu.memory_space<semaphore_mem>> -> memref<!tpu.dma_semaphore, #tpu.memory_space<semaphore_mem>>
    %dma_wait3A_2278 = arith.constant 0 : i32
    %dma_wait3A_2279 = tpu.memref_slice %arg3[%add3A_2188, %dma_wait3A_2278] : memref<16384x1024xf32, #tpu.memory_space<hbm>> -> memref<16x1024xf32, #tpu.memory_space<hbm>>
    %dma_wait3A_2280 = arith.constant 0 : i32
    %dma_wait3A_2281 = arith.constant 0 : i32
    %dma_wait3A_2282 = tpu.memref_slice %arg5[%dma_wait3A_2268, %dma_wait3A_2280, %dma_wait3A_2281] : memref<7x16x1024xf32, #tpu.memory_space<vmem>> -> memref<1x16x1024xf32, #tpu.memory_space<vmem>>
    %dma_wait3A_2283 = tpu.memref_squeeze %dma_wait3A_2282 : memref<1x16x1024xf32, #tpu.memory_space<vmem>> -> memref<16x1024xf32, #tpu.memory_space<vmem>>
    tpu.wait_dma2 semaphore(%dma_wait3A_2277 : memref<!tpu.dma_semaphore, #tpu.memory_space<semaphore_mem>>) src(%dma_wait3A_2283 : memref<16x1024xf32, #tpu.memory_space<vmem>>) dst(%dma_wait3A_2279 : memref<16x1024xf32, #tpu.memory_space<hbm>>)
    %dma_wait3A_2284 = arith.constant 3 : i32
    %dma_wait3A_2285 = arith.constant 3 : i32
    %dma_wait3A_2286 = arith.constant 0 : i32
    %dma_wait3A_2287 = arith.constant 0 : i32
    %dma_wait3A_2288 = tpu.memref_slice %arg5[%dma_wait3A_2284, %dma_wait3A_2286, %dma_wait3A_2287] : memref<7x16x1024xf32, #tpu.memory_space<vmem>> -> memref<1x16x1024xf32, #tpu.memory_space<vmem>>
    %dma_wait3A_2289 = tpu.memref_squeeze %dma_wait3A_2288 : memref<1x16x1024xf32, #tpu.memory_space<vmem>> -> memref<16x1024xf32, #tpu.memory_space<vmem>>
    %dma_wait3A_2290 = arith.constant 0 : i32
    %dma_wait3A_2291 = tpu.memref_slice %arg3[%add3A_2219, %dma_wait3A_2290] : memref<16384x1024xf32, #tpu.memory_space<hbm>> -> memref<16x1024xf32, #tpu.memory_space<hbm>>
    %dma_wait3A_2292 = tpu.memref_slice %arg7[%dma_wait3A_2285] : memref<7x!tpu.dma_semaphore, #tpu.memory_space<semaphore_mem>> -> memref<1x!tpu.dma_semaphore, #tpu.memory_space<semaphore_mem>>
    %dma_wait3A_2293 = tpu.memref_squeeze %dma_wait3A_2292 : memref<1x!tpu.dma_semaphore, #tpu.memory_space<semaphore_mem>> -> memref<!tpu.dma_semaphore, #tpu.memory_space<semaphore_mem>>
    %dma_wait3A_2294 = arith.constant 0 : i32
    %dma_wait3A_2295 = tpu.memref_slice %arg3[%add3A_2219, %dma_wait3A_2294] : memref<16384x1024xf32, #tpu.memory_space<hbm>> -> memref<16x1024xf32, #tpu.memory_space<hbm>>
    %dma_wait3A_2296 = arith.constant 0 : i32
    %dma_wait3A_2297 = arith.constant 0 : i32
    %dma_wait3A_2298 = tpu.memref_slice %arg5[%dma_wait3A_2284, %dma_wait3A_2296, %dma_wait3A_2297] : memref<7x16x1024xf32, #tpu.memory_space<vmem>> -> memref<1x16x1024xf32, #tpu.memory_space<vmem>>
    %dma_wait3A_2299 = tpu.memref_squeeze %dma_wait3A_2298 : memref<1x16x1024xf32, #tpu.memory_space<vmem>> -> memref<16x1024xf32, #tpu.memory_space<vmem>>
    tpu.wait_dma2 semaphore(%dma_wait3A_2293 : memref<!tpu.dma_semaphore, #tpu.memory_space<semaphore_mem>>) src(%dma_wait3A_2299 : memref<16x1024xf32, #tpu.memory_space<vmem>>) dst(%dma_wait3A_2295 : memref<16x1024xf32, #tpu.memory_space<hbm>>)
    %dma_wait3A_2300 = arith.constant 4 : i32
    %dma_wait3A_2301 = arith.constant 4 : i32
    %dma_wait3A_2302 = arith.constant 0 : i32
    %dma_wait3A_2303 = arith.constant 0 : i32
    %dma_wait3A_2304 = tpu.memref_slice %arg5[%dma_wait3A_2300, %dma_wait3A_2302, %dma_wait3A_2303] : memref<7x16x1024xf32, #tpu.memory_space<vmem>> -> memref<1x16x1024xf32, #tpu.memory_space<vmem>>
    %dma_wait3A_2305 = tpu.memref_squeeze %dma_wait3A_2304 : memref<1x16x1024xf32, #tpu.memory_space<vmem>> -> memref<16x1024xf32, #tpu.memory_space<vmem>>
    %dma_wait3A_2306 = arith.constant 0 : i32
    %dma_wait3A_2307 = tpu.memref_slice %arg3[%add3A_1946, %dma_wait3A_2306] : memref<16384x1024xf32, #tpu.memory_space<hbm>> -> memref<16x1024xf32, #tpu.memory_space<hbm>>
    %dma_wait3A_2308 = tpu.memref_slice %arg7[%dma_wait3A_2301] : memref<7x!tpu.dma_semaphore, #tpu.memory_space<semaphore_mem>> -> memref<1x!tpu.dma_semaphore, #tpu.memory_space<semaphore_mem>>
    %dma_wait3A_2309 = tpu.memref_squeeze %dma_wait3A_2308 : memref<1x!tpu.dma_semaphore, #tpu.memory_space<semaphore_mem>> -> memref<!tpu.dma_semaphore, #tpu.memory_space<semaphore_mem>>
    %dma_wait3A_2310 = arith.constant 0 : i32
    %dma_wait3A_2311 = tpu.memref_slice %arg3[%add3A_1946, %dma_wait3A_2310] : memref<16384x1024xf32, #tpu.memory_space<hbm>> -> memref<16x1024xf32, #tpu.memory_space<hbm>>
    %dma_wait3A_2312 = arith.constant 0 : i32
    %dma_wait3A_2313 = arith.constant 0 : i32
    %dma_wait3A_2314 = tpu.memref_slice %arg5[%dma_wait3A_2300, %dma_wait3A_2312, %dma_wait3A_2313] : memref<7x16x1024xf32, #tpu.memory_space<vmem>> -> memref<1x16x1024xf32, #tpu.memory_space<vmem>>
    %dma_wait3A_2315 = tpu.memref_squeeze %dma_wait3A_2314 : memref<1x16x1024xf32, #tpu.memory_space<vmem>> -> memref<16x1024xf32, #tpu.memory_space<vmem>>
    tpu.wait_dma2 semaphore(%dma_wait3A_2309 : memref<!tpu.dma_semaphore, #tpu.memory_space<semaphore_mem>>) src(%dma_wait3A_2315 : memref<16x1024xf32, #tpu.memory_space<vmem>>) dst(%dma_wait3A_2311 : memref<16x1024xf32, #tpu.memory_space<hbm>>)
    %dma_wait3A_2316 = arith.constant 5 : i32
    %dma_wait3A_2317 = arith.constant 5 : i32
    %dma_wait3A_2318 = arith.constant 0 : i32
    %dma_wait3A_2319 = arith.constant 0 : i32
    %dma_wait3A_2320 = tpu.memref_slice %arg5[%dma_wait3A_2316, %dma_wait3A_2318, %dma_wait3A_2319] : memref<7x16x1024xf32, #tpu.memory_space<vmem>> -> memref<1x16x1024xf32, #tpu.memory_space<vmem>>
    %dma_wait3A_2321 = tpu.memref_squeeze %dma_wait3A_2320 : memref<1x16x1024xf32, #tpu.memory_space<vmem>> -> memref<16x1024xf32, #tpu.memory_space<vmem>>
    %dma_wait3A_2322 = arith.constant 0 : i32
    %dma_wait3A_2323 = tpu.memref_slice %arg3[%add3A_2006, %dma_wait3A_2322] : memref<16384x1024xf32, #tpu.memory_space<hbm>> -> memref<16x1024xf32, #tpu.memory_space<hbm>>
    %dma_wait3A_2324 = tpu.memref_slice %arg7[%dma_wait3A_2317] : memref<7x!tpu.dma_semaphore, #tpu.memory_space<semaphore_mem>> -> memref<1x!tpu.dma_semaphore, #tpu.memory_space<semaphore_mem>>
    %dma_wait3A_2325 = tpu.memref_squeeze %dma_wait3A_2324 : memref<1x!tpu.dma_semaphore, #tpu.memory_space<semaphore_mem>> -> memref<!tpu.dma_semaphore, #tpu.memory_space<semaphore_mem>>
    %dma_wait3A_2326 = arith.constant 0 : i32
    %dma_wait3A_2327 = tpu.memref_slice %arg3[%add3A_2006, %dma_wait3A_2326] : memref<16384x1024xf32, #tpu.memory_space<hbm>> -> memref<16x1024xf32, #tpu.memory_space<hbm>>
    %dma_wait3A_2328 = arith.constant 0 : i32
    %dma_wait3A_2329 = arith.constant 0 : i32
    %dma_wait3A_2330 = tpu.memref_slice %arg5[%dma_wait3A_2316, %dma_wait3A_2328, %dma_wait3A_2329] : memref<7x16x1024xf32, #tpu.memory_space<vmem>> -> memref<1x16x1024xf32, #tpu.memory_space<vmem>>
    %dma_wait3A_2331 = tpu.memref_squeeze %dma_wait3A_2330 : memref<1x16x1024xf32, #tpu.memory_space<vmem>> -> memref<16x1024xf32, #tpu.memory_space<vmem>>
    tpu.wait_dma2 semaphore(%dma_wait3A_2325 : memref<!tpu.dma_semaphore, #tpu.memory_space<semaphore_mem>>) src(%dma_wait3A_2331 : memref<16x1024xf32, #tpu.memory_space<vmem>>) dst(%dma_wait3A_2327 : memref<16x1024xf32, #tpu.memory_space<hbm>>)
    %dma_wait3A_2332 = arith.constant 6 : i32
    %dma_wait3A_2333 = arith.constant 6 : i32
    %dma_wait3A_2334 = arith.constant 0 : i32
    %dma_wait3A_2335 = arith.constant 0 : i32
    %dma_wait3A_2336 = tpu.memref_slice %arg5[%dma_wait3A_2332, %dma_wait3A_2334, %dma_wait3A_2335] : memref<7x16x1024xf32, #tpu.memory_space<vmem>> -> memref<1x16x1024xf32, #tpu.memory_space<vmem>>
    %dma_wait3A_2337 = tpu.memref_squeeze %dma_wait3A_2336 : memref<1x16x1024xf32, #tpu.memory_space<vmem>> -> memref<16x1024xf32, #tpu.memory_space<vmem>>
    %dma_wait3A_2338 = arith.constant 0 : i32
    %dma_wait3A_2339 = tpu.memref_slice %arg3[%add3A_2066, %dma_wait3A_2338] : memref<16384x1024xf32, #tpu.memory_space<hbm>> -> memref<16x1024xf32, #tpu.memory_space<hbm>>
    %dma_wait3A_2340 = tpu.memref_slice %arg7[%dma_wait3A_2333] : memref<7x!tpu.dma_semaphore, #tpu.memory_space<semaphore_mem>> -> memref<1x!tpu.dma_semaphore, #tpu.memory_space<semaphore_mem>>
    %dma_wait3A_2341 = tpu.memref_squeeze %dma_wait3A_2340 : memref<1x!tpu.dma_semaphore, #tpu.memory_space<semaphore_mem>> -> memref<!tpu.dma_semaphore, #tpu.memory_space<semaphore_mem>>
    %dma_wait3A_2342 = arith.constant 0 : i32
    %dma_wait3A_2343 = tpu.memref_slice %arg3[%add3A_2066, %dma_wait3A_2342] : memref<16384x1024xf32, #tpu.memory_space<hbm>> -> memref<16x1024xf32, #tpu.memory_space<hbm>>
    %dma_wait3A_2344 = arith.constant 0 : i32
    %dma_wait3A_2345 = arith.constant 0 : i32
    %dma_wait3A_2346 = tpu.memref_slice %arg5[%dma_wait3A_2332, %dma_wait3A_2344, %dma_wait3A_2345] : memref<7x16x1024xf32, #tpu.memory_space<vmem>> -> memref<1x16x1024xf32, #tpu.memory_space<vmem>>
    %dma_wait3A_2347 = tpu.memref_squeeze %dma_wait3A_2346 : memref<1x16x1024xf32, #tpu.memory_space<vmem>> -> memref<16x1024xf32, #tpu.memory_space<vmem>>
    tpu.wait_dma2 semaphore(%dma_wait3A_2341 : memref<!tpu.dma_semaphore, #tpu.memory_space<semaphore_mem>>) src(%dma_wait3A_2347 : memref<16x1024xf32, #tpu.memory_space<vmem>>) dst(%dma_wait3A_2343 : memref<16x1024xf32, #tpu.memory_space<hbm>>)
    return
  }
}

</mosaic_0001>

<sc_bundles>
// kernel: kernel.3.cloned.1.call-start
scs
__scs_entry_jumppad:
0x0: {  	(pc) =	sbr.rel $0x88, $3  }
0x1: {  	(tag) =	ssettag $0x0;
	lr =	simm.s32 $0x1  }
0x2: {  	[smem:$0x3FA0] =	sst lr;
	_ =	strace $0xD0000000  }
0x3: {  	_ = 	snop  }
0x4: {  	_ = 	snop  }
0x5: {  	_ = 	snop  }
0x6: {  	_ = 	snop  }
0x7: {  	_ = 	snop  }
__scs_overlays_trampoline_lowered:
0x8: {  	[smem:$0x3FAF] =	sst s0  }
0x9: {  	[smem:$0x3FB0] =	sst s1  }
0xa: {  	[smem:$0x3FB1] =	sst s2  }
0xb: {  	[smem:$0x3FB2] =	sst s3  }
0xc: {  	[smem:$0x3FB3] =	sst s4  }
0xd: {  	[smem:$0x3FB4] =	sst s5  }
0xe: {  	[smem:$0x3FB5] =	sst s6  }
0xf: {  	[smem:$0x3FB6] =	sst s7  }
0x10: {  	[smem:$0x3FB7] =	sst s8  }
0x11: {  	[smem:$0x3FB8] =	sst s9;
	s0 =	simm.s32 @!p0 $0x0  }
0x12: {  	s1 =	sld [smem:$0x3F9E];
	s0 =	simm.s32 @p0 $0x1  }
0x13: {  	[smem:$0x3FB9] =	sst s0;
	s0 =	simm.s32 @!p1 $0x0  }
0x14: {  	s2 =	sld [smem:$0x3F9D];
	s0 =	simm.s32 @p1 $0x1  }
0x15: {  	[smem:$0x3FBA] =	sst s0;
	s0 =	simm.s32 @!p2 $0x0  }
0x16: {  	s3 =	sld [smem:$0x3FDB];
	s0 =	simm.s32 @p2 $0x1  }
0x17: {  	s4 =	simm.s32 $0x1BF5;
	[smem:$0x3FBC] =	sst s0  }
0x18: {  	s0 =	sld [smem:$0x3F9F];
	_ =	swait.ge [sflag:s4], $0x0  }
0x19: {  	s7 =	sld [smem:$0x3FA0]  }
0x1a: {  	s8 =	sadd.s32 $0xFFFFE003, lr  }
0x1b: {  	s9 =	sadd.s32 $0xFFFFFEF7, lr;
	s5 =	simm.s32 $0xFFFFFFFF;
	p2 =	slt.u32 s8, $0xFFFFF086  }
0x1c: {  	p1 =	slt.u32 s9, $0xF7A;
	s5 =	simm.s32 @!p2 $0x0  }
0x1d: {  	s5 =	simm.s32 @p1 $0x1;
	p0 =	seq.s32 s7, s2  }
0x1e: {  	s7 =	smul.u32 @!p0 $0xF7A, s2;
	p2 =	seq.s32 @!p0 s5, $0x0  }
0x1f: {  	s9 =	smul.u32 $0xF7A, s1;
	s8 =	simm.s32 @!p0 $0x1BF5;
	p2 =	por !p2, p0  }
0x20: {  	[sflag:s8] =	ssyncset.s32 @!p0 $0xFFFFF086;
	s6 =	sadd.s32 @!p0 s3, s7;
	s7 =	simm.s32 @!p0 $0x108  }
0x21: {  	s3 =	sadd.s32 s3, s9;
	s6 =	sadd.s32 @!p0 $0x88, s6;
	s7 =	simm.s32 @p2 $0x1082  }
0x22: {  	[simem:s7], [sflag:s8] =	dma.local @!p0 [hbm:s6], $0xF7A  }
0x23: {  	s9 =	sor.u32 $0xD0000000, s2;
	s6 =	simm.s32 $0x108;
	_ =	swait.ge @!p0 [sflag:s8], $0x0  }
0x24: {  	s3 =	sadd.s32 $0x88, s3;
	s6 =	simm.s32 @!p1 $0x1082;
	[sflag:s4] =	ssyncset.s32 $0xFFFFF086  }
0x25: {  	[simem:s6], [sflag:s4] =	dma.local [hbm:s3], $0xF7A  }
0x26: {  	[smem:$0x3FA0] =	sst s1;
	(tag) =	ssettag s2;
	_ =	strace s9  }
0x27: {  	s1 =	sld [smem:$0x3FB0]  }
0x28: {  	s2 =	sld [smem:$0x3FB1]  }
0x29: {  	s4 =	sld [smem:$0x3FB3]  }
0x2a: {  	p0 =	seq.s32 s5, $0x0;
	s5 =	sld [smem:$0x3FB4]  }
0x2b: {  	s6 =	sld [smem:$0x3FB5]  }
0x2c: {  	s7 =	sld [smem:$0x3FB6]  }
0x2d: {  	s3 =	simm.s32 $0x108;
	s8 =	sld [smem:$0x3FB7]  }
0x2e: {  	s3 =	simm.s32 @!p0 $0x1082;
	s9 =	sld [smem:$0x3FB8]  }
0x2f: {  	lr =	sadd.s32 s0, s3;
	s0 =	sld [smem:$0x3FAF]  }
0x30: {  	s3 =	sld [smem:$0x3FB2]  }
0x31: {  	[smem:$0x3FBB] =	sst s10  }
0x32: {  	s10 =	sld [smem:$0x3FB9];
	_ =	sdelay $0x3  }
0x33: {  	p0 =	seq.s32 s10, $0x1;
	s10 =	sld [smem:$0x3FBB];
	_ =	sdelay $0x3  }
0x34: {  	[smem:$0x3FBB] =	sst s10  }
0x35: {  	s10 =	sld [smem:$0x3FBA];
	_ =	sdelay $0x3  }
0x36: {  	p1 =	seq.s32 s10, $0x1;
	s10 =	sld [smem:$0x3FBB];
	_ =	sdelay $0x3  }
0x37: {  	[smem:$0x3FBB] =	sst s10  }
0x38: {  	s10 =	sld [smem:$0x3FBC]  }
0x39: {  	_ = 	snop;
	(pc) =	sbr.ind lr, $3  }
0x3a: {  	_ = 	snop  }
0x3b: {  	_ = 	snop  }
0x3c: {  	p2 =	seq.s32 s10, $0x1;
	s10 =	sld [smem:$0x3FBB]  }
0x3d: {  	_ =	shalt  }
0x3e: {  	_ =	shalt  }
0x3f: {  	_ =	shalt  }
0x40: {  	_ =	shalt  }
0x41: {  	_ =	shalt  }
0x42: {  	_ =	shalt  }
0x43: {  	_ =	shalt  }
0x44: {  	_ =	shalt  }
0x45: {  	_ =	shalt  }
0x46: {  	_ =	shalt  }
0x47: {  	_ =	shalt  }
0x48: {  	_ =	shalt  }
0x49: {  	_ =	shalt  }
0x4a: {  	_ =	shalt  }
0x4b: {  	_ =	shalt  }
0x4c: {  	_ =	shalt  }
0x4d: {  	_ =	shalt  }
0x4e: {  	_ =	shalt  }
0x4f: {  	_ =	shalt  }
0x50: {  	_ =	shalt  }
0x51: {  	_ =	shalt  }
0x52: {  	_ =	shalt  }
0x53: {  	_ =	shalt  }
0x54: {  	_ =	shalt  }
0x55: {  	_ =	shalt  }
0x56: {  	_ =	shalt  }
0x57: {  	_ =	shalt  }
0x58: {  	_ =	shalt  }
0x59: {  	_ =	shalt  }
0x5a: {  	_ =	shalt  }
0x5b: {  	_ =	shalt  }
0x5c: {  	_ =	shalt  }
0x5d: {  	_ =	shalt  }
0x5e: {  	_ =	shalt  }
0x5f: {  	_ =	shalt  }
0x60: {  	_ =	shalt  }
0x61: {  	_ =	shalt  }
0x62: {  	_ =	shalt  }
0x63: {  	_ =	shalt  }
0x64: {  	_ =	shalt  }
0x65: {  	_ =	shalt  }
0x66: {  	_ =	shalt  }
0x67: {  	_ =	shalt  }
0x68: {  	_ =	shalt  }
0x69: {  	_ =	shalt  }
0x6a: {  	_ =	shalt  }
0x6b: {  	_ =	shalt  }
0x6c: {  	_ =	shalt  }
0x6d: {  	_ =	shalt  }
0x6e: {  	_ =	shalt  }
0x6f: {  	_ =	shalt  }
0x70: {  	_ =	shalt  }
0x71: {  	_ =	shalt  }
0x72: {  	_ =	shalt  }
0x73: {  	_ =	shalt  }
0x74: {  	_ =	shalt  }
0x75: {  	_ =	shalt  }
0x76: {  	_ =	shalt  }
0x77: {  	_ =	shalt  }
0x78: {  	_ =	shalt  }
0x79: {  	_ =	shalt  }
0x7a: {  	_ =	shalt  }
0x7b: {  	_ =	shalt  }
0x7c: {  	_ =	shalt  }
0x7d: {  	_ =	shalt  }
0x7e: {  	_ =	shalt  }
0x7f: {  	_ =	shalt  }
0x80: {  	_ =	shalt  }
0x81: {  	_ =	shalt  }
0x82: {  	_ =	shalt  }
0x83: {  	_ =	shalt  }
0x84: {  	_ =	shalt  }
0x85: {  	_ =	shalt  }
0x86: {  	_ =	shalt  }
0x87: {  	_ =	shalt  }
.Lfunc_end0:
.L_simem_size_0:
called_computation_lowered:
.L_overlay_start_0:
0x88: {  	s2 =	sld [smem:$0x3FD9]  }
0x89: {  	s3 =	sld [smem:$0x3FFE];
	_ =	sdelay $0x1  }
0x8a: {  	s1 =	srdreg.scid  }
0x8b: {  	s0 =	sand.u32 $0x1, s1  }
0x8c: {  	s18 =	sshll.u32 s0, $0xA;
	s2 =	sadd.s32 s3, s2  }
0x8d: {  	s2 =	sadd.s32 s2, s18  }
0x8e: {  	[smem:$0x3FC7] =	sst s2  }
0x8f: {  	_ = 	snop  }
0x90: {  	s2 =	sld [smem:$0x3FC9]  }
0x91: {  	s19 =	sld [smem:$0x3FD0];
	(tm) =	ssettm $0x1  }
0x92: {  	s4 =	sld [smem:$0x3FFB];
	_ =	sdelay $0x3  }
0x93: {  	_ =	strace s4  }
0x94: {  	s4 =	sld [smem:$0x3FFC];
	_ =	sdelay $0x3  }
0x95: {  	_ =	strace s4  }
0x96: {  	s4 =	sld [smem:$0x3FFD];
	_ =	sdelay $0x3  }
0x97: {  	_ =	strace s4  }
0x98: {  	_ =	strace $0x8FFFFFFF  }
0x99: {  	s20 =	sld [smem:$0x3FDB];
	_ =	sdelay $0x1  }
0x9a: {  	s5 =	simm.s32 $_scs_section_size  }
0x9b: {  	s6 =	simm.s32 $_size__tile_overlayer_lowered;
	s7 =	simm.s32 $_tile_overlayer_lowered  }
0x9c: {  	s23 =	simm.s32 $0x1BFF;
	s22 =	sshll.u32 s7, $0x1;
	s4 =	sadd.s32 s5, s20  }
0x9d: {  	s8 =	simm.s32 $0x0;
	s21 =	sshll.u32 s6, $0x1;
	s6 =	sadd.s32 s22, s4  }
0x9e: {  	[timem:s8], [sflag:s23] =	dma.local [hbm:s6], s21  }
0x9f: {  	_ =	swait.ge [sflag:s23], s21  }
0xa0: {  	s5 =	ssub.s32 $0x0, s21;
	[sflag:s23] =	ssyncset.done $0x0  }
0xa1: {  	[sflag:s23] =	ssyncadd.s32 s5;
	_ =	sdelay $0x1  }
0xa2: {  	s24 =	simm.s32 $0x1B8B  }
0xa3: {  	_ =	swait.ge [sflag:s24], $0x1  }
0xa4: {  	[sflag:s24] =	ssyncset.done $0x0  }
0xa5: {  	s25 =	simm.s32 $0x1B8E;
	[sflag:s24] =	ssyncadd.s32 $0xFFFFFFFF  }
0xa6: {  	s26 =	simm.s32 $execute0_lowered;
	[smem:$0x3FD2] =	sst s25  }
0xa7: {  	s5 =	sshll.u32 s26, $0x1;
	_ =	strace $0x80000046;
	[dreg:$0x1] =	wrdreg $0xFFFFFFFF  }
0xa8: {  	s28 =	simm.s32 $_size_execute0_lowered;
	s4 =	sadd.s32 s4, s5;
	[dreg:$0x0] =	wrdreg $0x0  }
0xa9: {  	s5 =	sshll.u32 s28, $0x1;
	[dreg:$0x2] =	wrdreg s4  }
0xaa: {  	[dreg:$0x3] =	wrdreg s5  }
0xab: {  	[dreg:$0x4] =	wrdreg $0xC0  }
0xac: {  	_ =	task [dreg:s8], $0x5FFFF  }
0xad: {  	[dreg:$0x1] =	wrdreg $0xFFFFFFFF  }
0xae: {  	[dreg:$0x0] =	wrdreg $0x60  }
0xaf: {  	[dreg:$0x2] =	wrdreg s2  }
0xb0: {  	[dreg:$0x3] =	wrdreg s19  }
0xb1: {  	[dreg:$0x4] =	wrdreg $0x9  }
0xb2: {  	_ =	task.clear_ibuf [dreg:s8], $0x5FFFF;
	_ =	strace $0x90000046  }
0xb3: {  	s29 =	simm.s32 $0x9;
	_ =	strace $0x80000048  }
0xb4: {  	_ =	swait.ge [sflag:s29], $0x1  }
0xb5: {  	[sflag:s29] =	ssyncadd.s32 $0xFFFFFFFF  }
0xb6: {  	_ =	strace $0x90000048  }
0xb7: {  	_ =	sfence  }
0xb8: {  	s30 =	sld [smem:$0x0];
	_ =	sdelay $0x2  }
0xb9: {  	s31 =	sshll.u32 s1, $0xD;
	s1 =	sshrl.u32 s1, $0x2  }
0xba: {  	s3 =	sand.u32 $0x4000, s31;
	s1 =	sadd.s32 s1, s30  }
0xbb: {  	s0 =	sor.u32 s3, s0;
	s1 =	sshll.u32 s1, $0x11  }
0xbc: {  	s0 =	sor.u32 s1, s0  }
0xbd: {  	s0 =	sadd.s32 $0x8F2B, s0  }
0xbe: {  	[sflag:s0] =	ssyncadd.remote.s32 $0x1  }
0xbf: {  	_ =	sfence.sel $0xFFFF  }
0xc0: {  	[dreg:$0x0] =	wrdreg $0xFFFFFFFF;
	(pc) =	sbr.abs _section_cstart, $3  }
0xc1: {  	[dreg:$0x1] =	wrdreg $0xFFFFFFFF  }
0xc2: {  	_ =	task.clear_ibuf [dreg:s8], $0x2FFFF;
	_ =	strace $0x9FFFFFFF  }
0xc3: {  	(tm) =	ssettm $0x7FFFFFFF  }
tec
execute0_lowered:
.L_overlay_start_1:
0x0: {  	(tag) =	ssettag $0x1  }
0x1: {  	s0 =	srdreg.scid  }
0x2: {  	s7 =	stileid.u32;
	s0 =	sand.u32 $0x1, s0  }
0x3: {  	s2 =	rddreg [dreg:$0x0];
	s5 =	sshll.u32 s7, $0x11;
	s4 =	sshll.u32 s0, $0x10  }
0x4: {  	s1 =	rddreg [dreg:$0x1];
	s3 =	simm.s32 $0x0;
	s4 =	sor.u32 s5, s4  }
0x5: {  	[smem:$0x7FF] =	sst s3;
	s8 =	sadd.s32 s1, s4  }
0x6: {  	_ =	strace $0x80000047;
	s1 =	sadd.s32 $0x800, s8;
	[smem:$0x7F5] =	sst s8  }
0x7: {  	s30 =	sadd.s32 $0x1000, s8;
	[dreg:$0x3] =	wrdreg s1  }
0x8: {  	s4 =	sadd.s32 $0x1800, s8;
	[dreg:$0x4] =	wrdreg s30  }
0x9: {  	s5 =	sadd.s32 $0x2000, s8;
	[dreg:$0x5] =	wrdreg s4  }
0xa: {  	s6 =	sadd.s32 $0x2800, s8;
	[dreg:$0x6] =	wrdreg s5  }
0xb: {  	s9 =	sadd.s32 $0x3000, s8;
	[dreg:$0x7] =	wrdreg s6  }
0xc: {  	s10 =	sadd.s32 $0x3800, s8;
	[dreg:$0x8] =	wrdreg s9  }
0xd: {  	s12 =	sadd.s32 $0x4000, s8;
	[dreg:$0x9] =	wrdreg s10  }
0xe: {  	s14 =	sadd.s32 $0x5000, s8;
	[dreg:$0xa] =	wrdreg s12  }
0xf: {  	s16 =	sadd.s32 $0x5800, s8;
	[dreg:$0xc] =	wrdreg s14  }
0x10: {  	s17 =	sadd.s32 $0x6000, s8;
	[dreg:$0xd] =	wrdreg s16  }
0x11: {  	s18 =	sadd.s32 $0x6800, s8;
	[dreg:$0xe] =	wrdreg s17  }
0x12: {  	s19 =	sadd.s32 $0x7000, s8;
	[dreg:$0xf] =	wrdreg s18  }
0x13: {  	s20 =	sadd.s32 $0x7800, s8;
	[dreg:$0x10] =	wrdreg s19  }
0x14: {  	s21 =	sadd.s32 $0x8000, s8;
	[dreg:$0x11] =	wrdreg s20  }
0x15: {  	s22 =	sadd.s32 $0x8800, s8;
	[dreg:$0x12] =	wrdreg s21  }
0x16: {  	s23 =	sadd.s32 $0x9000, s8;
	[dreg:$0x13] =	wrdreg s22  }
0x17: {  	s24 =	sadd.s32 $0x9800, s8;
	[dreg:$0x14] =	wrdreg s23  }
0x18: {  	s25 =	sadd.s32 $0xA000, s8;
	[dreg:$0x15] =	wrdreg s24  }
0x19: {  	s6 =	sadd.s32 $0x4800, s8;
	[dreg:$0x16] =	wrdreg s25  }
0x1a: {  	s30 =	sadd.s32 $0xA800, s8;
	[dreg:$0xb] =	wrdreg s6  }
0x1b: {  	s15 =	sshll.u32 s7, $0xA;
	s4 =	sadd.s32 $0xB000, s8;
	[dreg:$0x17] =	wrdreg s30  }
0x1c: {  	s5 =	sor.u32 s15, s7;
	s7 =	sadd.s32 $0xC000, s8;
	[dreg:$0x18] =	wrdreg s4  }
0x1d: {  	s12 =	sadd.s32 $0xC800, s8;
	[dreg:$0x1a] =	wrdreg s7  }
0x1e: {  	s17 =	sadd.s32 $0xD000, s8;
	[dreg:$0x1b] =	wrdreg s12  }
0x1f: {  	s11 =	ssub.s32 $0x2, s0;
	s20 =	sadd.s32 $0xD800, s8;
	[dreg:$0x1c] =	wrdreg s17  }
0x20: {  	s0 =	sshll.u32 s0, $0xB;
	s21 =	sadd.s32 $0xE000, s8;
	[dreg:$0x1d] =	wrdreg s20  }
0x21: {  	s13 =	sshrl.u32 s11, $0x1;
	s22 =	sadd.s32 $0xE800, s8;
	[dreg:$0x1e] =	wrdreg s21  }
0x22: {  	s1 =	ssub.s32 s11, s13;
	s23 =	sadd.s32 $0xF000, s8;
	[dreg:$0x1f] =	wrdreg s22  }
0x23: {  	s24 =	sadd.s32 $0xF800, s8;
	s5 =	sand.u32 $0x3003, s5;
	[smem:$0x7F4] =	sst s23  }
0x24: {  	[smem:$0x7F6] =	sst s24;
	s4 =	smax.u32 s1, $0x1;
	s11 =	sor.u32 s0, s5  }
0x25: {  	s5 =	sadd.s32 $0xB800, s8;
	s28 =	sor.u32 $0x40, s11;
	s9 =	sor.u32 $0x80, s11  }
0x26: {  	s13 =	sor.u32 $0xC0, s11;
	s14 =	sor.u32 $0x100, s11;
	s18 =	sor.u32 $0x140, s11  }
0x27: {  	s26 =	sor.u32 $0x180, s11;
	s16 =	sor.u32 $0x1C0, s11;
	[dreg:$0x19] =	wrdreg s5  }
0x28: {  	v30 =	vlaneseq.u32;
	s15 =	sor.u32 $0x200, s11;
	s6 =	sor.u32 $0x240, s11;
	[smem:$0x7F7] =	sst s26  }
0x29: {  	v34 =	vmul.u32 $0x4, v30;
	s10 =	sor.u32 $0x280, s11;
	s31 =	sor.u32 $0x2C0, s11;
	[smem:$0x7F8] =	sst s6  }
0x2a: {  	s19 =	sor.u32 $0x300, s11;
	s17 =	sor.u32 $0x340, s11;
	[smem:$0x7F9] =	sst s10  }
0x2b: {  	vm0 =	vmmov $0xffff;
	s20 =	sor.u32 $0x380, s11;
	s25 =	sor.u32 $0x680, s11;
	v0 =	vor.u32 s11, v34;
	[smem:$0x7FA] =	sst s19;
	v1 =	vor.u32 s28, v34  }
0x2c: {  	s5 =	sor.u32 $0x3C0, s11;
	s7 =	sor.u32 $0x6C0, s11;
	[smem:$0x7FB] =	sst s25;
	v2 =	vor.u32 s9, v34;
	v3 =	vor.u32 s13, v34;
	v4 =	vor.u32 s14, v34  }
0x2d: {  	s0 =	sor.u32 $0x440, s11;
	s8 =	sor.u32 $0x700, s11;
	[smem:$0x7FC] =	sst s7;
	v5 =	vor.u32 s18, v34;
	v7 =	vor.u32 s16, v34;
	v8 =	vor.u32 s15, v34  }
0x2e: {  	s22 =	sor.u32 $0x480, s11;
	s12 =	sor.u32 $0x4C0, s11;
	[smem:$0x7FD] =	sst s8;
	v11 =	vor.u32 s31, v34;
	v13 =	vor.u32 s17, v34;
	v14 =	vor.u32 s20, v34  }
0x2f: {  	s1 =	sor.u32 $0x500, s11;
	s24 =	sor.u32 $0x5C0, s11;
	v15 =	vor.u32 s5, v34;
	v17 =	vor.u32 s0, v34;
	v18 =	vor.u32 s22, v34;
	s14 =	sld [smem:$0x7F7]  }
0x30: {  	s29 =	sor.u32 $0x600, s11;
	s30 =	sor.u32 $0x640, s11;
	v19 =	vor.u32 s12, v34;
	v20 =	vor.u32 s1, v34;
	v23 =	vor.u32 s24, v34;
	s15 =	sld [smem:$0x7F8]  }
0x31: {  	s23 =	sor.u32 $0x780, s11;
	s10 =	sor.u32 $0x400, s11;
	v24 =	vor.u32 s29, v34;
	v25 =	vor.u32 s30, v34;
	v27 =	vshll.u32 v0, $0x3;
	s16 =	sld [smem:$0x7F9]  }
0x32: {  	s26 =	sor.u32 $0x540, s11;
	s19 =	sor.u32 $0x580, s11;
	v29 =	vand.u32 $0x7, v0;
	v33 =	vor.u32 s23, v34;
	s18 =	sld [smem:$0x7FA];
	v16 =	vor.u32 s10, v34  }
0x33: {  	v21 =	vor.u32 s26, v34;
	v22 =	vor.u32 s19, v34;
	s26 =	sld [smem:$0x7FB];
	v31 =	vand.u32 $0x7FFFFFC0, v27  }
0x34: {  	s28 =	sld [smem:$0x7FC];
	v32 =	vor.u32 v29, v31;
	v29 =	vand.u32 $0x7, v30;
	v31 =	vshrl.u32 v30, $0x3  }
0x35: {  	s21 =	sor.u32 $0x740, s11;
	s30 =	sld [smem:$0x7FD];
	v30 =	vor.u32 $0x8, v30;
	v35 =	vperm.xlane v32, v29;
	v31 =	vmul.u32 $0x8, v31  }
0x36: {  	s25 =	sor.u32 $0x7C0, s11;
	v36 =	vperm.xlane v32, v30;
	v32 =	vor.u32 s21, v34;
	v6 =	vor.u32 s14, v34  }
0x37: {  	s6 =	sadd.s32 $0x100, s2;
	s7 =	sadd.s32 $0x200, s2;
	s8 =	sadd.s32 $0x300, s2;
	v9 =	vor.u32 s15, v34;
	v10 =	vor.u32 s16, v34;
	v12 =	vor.u32 s18, v34  }
0x38: {  	s20 =	simm.s32 $0x1;
	s22 =	simm.s32 $0x2;
	s24 =	simm.s32 $0x3;
	v26 =	vor.u32 s26, v34;
	v27 =	vor.u32 s28, v34;
	v28 =	vor.u32 s30, v34  }
0x39: {  	s29 =	simm.s32 $0x8;
	s31 =	simm.s32 $0x9;
	v34 =	vor.u32 s25, v34;
	s26 =	simm.s32 $0x4;
	v35 =	vadd.s32 v31, v35;
	v36 =	vadd.s32 v31, v36  }
.LBB2_1:
0x3a: {  	[tilespmem:$0x0] =	vst v0  }
0x3b: {  	[tilespmem:$0x10] =	vst v1  }
0x3c: {  	[tilespmem:$0x20] =	vst v2  }
0x3d: {  	[tilespmem:$0x30] =	vst v3  }
0x3e: {  	[tilespmem:$0x40] =	vst v4  }
0x3f: {  	[tilespmem:$0x50] =	vst v5  }
0x40: {  	[tilespmem:$0x60] =	vst v6  }
0x41: {  	[tilespmem:$0x70] =	vst v7  }
0x42: {  	[tilespmem:$0x80] =	vst v8  }
0x43: {  	[tilespmem:$0x90] =	vst v9  }
0x44: {  	[tilespmem:$0xA0] =	vst v10  }
0x45: {  	[tilespmem:$0xB0] =	vst v11  }
0x46: {  	[smem:$0x7F3] =	sst s4;
	[tilespmem:$0xC0] =	vst v12  }
0x47: {  	[tilespmem:$0xD0] =	vst v13  }
0x48: {  	[tilespmem:$0xE0] =	vst v14  }
0x49: {  	[tilespmem:$0xF0] =	vst v15  }
0x4a: {  	[tilespmem:$0x100] =	vst v16  }
0x4b: {  	[tilespmem:$0x110] =	vst v17  }
0x4c: {  	[tilespmem:$0x120] =	vst v18  }
0x4d: {  	[tilespmem:$0x130] =	vst v19  }
0x4e: {  	[tilespmem:$0x140] =	vst v20  }
0x4f: {  	[tilespmem:$0x150] =	vst v21  }
0x50: {  	[tilespmem:$0x160] =	vst v22  }
0x51: {  	[tilespmem:$0x170] =	vst v23  }
0x52: {  	[tilespmem:$0x180] =	vst v24  }
0x53: {  	[tilespmem:$0x190] =	vst v25  }
0x54: {  	[tilespmem:$0x1A0] =	vst v26  }
0x55: {  	[tilespmem:$0x1B0] =	vst v27  }
0x56: {  	[tilespmem:$0x1C0] =	vst v28  }
0x57: {  	[tilespmem:$0x1D0] =	vst v32  }
0x58: {  	[tilespmem:$0x1E0] =	vst v33  }
0x59: {  	[tilespmem:$0x1F0] =	vst v34;
	s1 =	simm.s32 $0x200  }
0x5a: {  	[tilespmem:s1], [sflag:$0x1] =	stream.indirect_vreg.gather [hbm4b:s2+s3], $0x80, v35, vm0, $0xb8;
	[tilespmem:$0x1C200] =	vst v63  }
0x5b: {  	s12 =	simm.s32 $0xA00  }
0x5c: {  	[tilespmem:s12], [sflag:$0x1] =	stream.indirect_vreg.gather [hbm4b:s6+s3], $0x80, v35, vm0, $0xb8;
	[tilespmem:$0x1C200] =	vst v63  }
0x5d: {  	s13 =	simm.s32 $0x1200  }
0x5e: {  	[tilespmem:s13], [sflag:$0x1] =	stream.indirect_vreg.gather [hbm4b:s7+s3], $0x80, v35, vm0, $0xb8;
	[tilespmem:$0x1C200] =	vst v63  }
0x5f: {  	s14 =	simm.s32 $0x1A00  }
0x60: {  	[tilespmem:s14], [sflag:$0x1] =	stream.indirect_vreg.gather [hbm4b:s8+s3], $0x80, v35, vm0, $0xb8;
	[tilespmem:$0x1C200] =	vst v63  }
0x61: {  	s15 =	simm.s32 $0x2200  }
0x62: {  	[tilespmem:s15], [sflag:$0x1] =	stream.indirect_vreg.gather [hbm4b:s2+s3], $0x80, v36, vm0, $0xb8;
	[tilespmem:$0x1C200] =	vst v63  }
0x63: {  	s16 =	simm.s32 $0x2A00  }
0x64: {  	[tilespmem:s16], [sflag:$0x1] =	stream.indirect_vreg.gather [hbm4b:s6+s3], $0x80, v36, vm0, $0xb8;
	[tilespmem:$0x1C200] =	vst v63  }
0x65: {  	s17 =	simm.s32 $0x3200  }
0x66: {  	[tilespmem:s17], [sflag:$0x1] =	stream.indirect_vreg.gather [hbm4b:s7+s3], $0x80, v36, vm0, $0xb8;
	[tilespmem:$0x1C200] =	vst v63  }
0x67: {  	s18 =	simm.s32 $0x3A00  }
0x68: {  	[tilespmem:s18], [sflag:$0x1] =	stream.indirect_vreg.gather [hbm4b:s8+s3], $0x80, v36, vm0, $0xb8;
	[tilespmem:$0x1C200] =	vst v63  }
0x69: {  	v37 =	vld [tilespmem:$0x10];
	_ =	sdelay $0x4  }
0x6a: {  	v38 =	vshll.u32 v37, $0x3  }
0x6b: {  	v37 =	vand.u32 $0x7, v37;
	v38 =	vand.u32 $0xFFFFFFC0, v38  }
0x6c: {  	v37 =	vor.u32 v37, v38  }
0x6d: {  	v38 =	vperm.xlane v37, v29;
	_ =	sdelay $0x1  }
0x6e: {  	v38 =	vadd.s32 v31, v38;
	_ =	sdelay $0x3  }
0x6f: {  	s19 =	simm.s32 $0x4200  }
0x70: {  	[tilespmem:s19], [sflag:$0x2] =	stream.indirect_vreg.gather [hbm4b:s2+s3], $0x80, v38, vm0, $0xb8;
	[tilespmem:$0x1C200] =	vst v63  }
0x71: {  	s21 =	simm.s32 $0x4A00;
	v37 =	vperm.xlane v37, v30  }
0x72: {  	[tilespmem:s21], [sflag:$0x2] =	stream.indirect_vreg.gather [hbm4b:s6+s3], $0x80, v38, vm0, $0xb8;
	[tilespmem:$0x1C200] =	vst v63  }
0x73: {  	s25 =	simm.s32 $0x5200;
	v37 =	vadd.s32 v31, v37  }
0x74: {  	[tilespmem:s25], [sflag:$0x2] =	stream.indirect_vreg.gather [hbm4b:s7+s3], $0x80, v38, vm0, $0xb8;
	[tilespmem:$0x1C200] =	vst v63  }
0x75: {  	s28 =	simm.s32 $0x5A00  }
0x76: {  	[tilespmem:s28], [sflag:$0x2] =	stream.indirect_vreg.gather [hbm4b:s8+s3], $0x80, v38, vm0, $0xb8;
	[tilespmem:$0x1C200] =	vst v63  }
0x77: {  	s0 =	simm.s32 $0x6200  }
0x78: {  	[tilespmem:s0], [sflag:$0x2] =	stream.indirect_vreg.gather [hbm4b:s2+s3], $0x80, v37, vm0, $0xb8;
	[tilespmem:$0x1C200] =	vst v63  }
0x79: {  	s5 =	simm.s32 $0x6A00  }
0x7a: {  	[tilespmem:s5], [sflag:$0x2] =	stream.indirect_vreg.gather [hbm4b:s6+s3], $0x80, v37, vm0, $0xb8;
	[tilespmem:$0x1C200] =	vst v63  }
0x7b: {  	s9 =	simm.s32 $0x7200  }
0x7c: {  	[tilespmem:s9], [sflag:$0x2] =	stream.indirect_vreg.gather [hbm4b:s7+s3], $0x80, v37, vm0, $0xb8;
	[tilespmem:$0x1C200] =	vst v63  }
0x7d: {  	s13 =	simm.s32 $0x7A00  }
0x7e: {  	[tilespmem:s13], [sflag:$0x2] =	stream.indirect_vreg.gather [hbm4b:s8+s3], $0x80, v37, vm0, $0xb8;
	[tilespmem:$0x1C200] =	vst v63  }
0x7f: {  	v37 =	vld [tilespmem:$0x20];
	_ =	sdelay $0x4  }
0x80: {  	v54 =	vshll.u32 v37, $0x3  }
0x81: {  	v37 =	vand.u32 $0x7, v37;
	v38 =	vand.u32 $0xFFFFFFC0, v54  }
0x82: {  	v37 =	vor.u32 v37, v38  }
0x83: {  	v38 =	vperm.xlane v37, v29;
	_ =	sdelay $0x1  }
0x84: {  	v38 =	vadd.s32 v31, v38;
	_ =	sdelay $0x3  }
0x85: {  	s14 =	simm.s32 $0x8200  }
0x86: {  	[tilespmem:s14], [sflag:$0x3] =	stream.indirect_vreg.gather [hbm4b:s2+s3], $0x80, v38, vm0, $0xb8;
	[tilespmem:$0x1C200] =	vst v63  }
0x87: {  	s5 =	simm.s32 $0x8A00;
	v37 =	vperm.xlane v37, v30  }
0x88: {  	[tilespmem:s5], [sflag:$0x3] =	stream.indirect_vreg.gather [hbm4b:s6+s3], $0x80, v38, vm0, $0xb8;
	[tilespmem:$0x1C200] =	vst v63  }
0x89: {  	s17 =	simm.s32 $0x9200;
	v37 =	vadd.s32 v31, v37  }
0x8a: {  	[tilespmem:s17], [sflag:$0x3] =	stream.indirect_vreg.gather [hbm4b:s7+s3], $0x80, v38, vm0, $0xb8;
	[tilespmem:$0x1C200] =	vst v63  }
0x8b: {  	s18 =	simm.s32 $0x9A00  }
0x8c: {  	[tilespmem:s18], [sflag:$0x3] =	stream.indirect_vreg.gather [hbm4b:s8+s3], $0x80, v38, vm0, $0xb8;
	[tilespmem:$0x1C200] =	vst v63  }
0x8d: {  	s25 =	simm.s32 $0xA200  }
0x8e: {  	[tilespmem:s25], [sflag:$0x3] =	stream.indirect_vreg.gather [hbm4b:s2+s3], $0x80, v37, vm0, $0xb8;
	[tilespmem:$0x1C200] =	vst v63  }
0x8f: {  	s28 =	simm.s32 $0xAA00  }
0x90: {  	[tilespmem:s28], [sflag:$0x3] =	stream.indirect_vreg.gather [hbm4b:s6+s3], $0x80, v37, vm0, $0xb8;
	[tilespmem:$0x1C200] =	vst v63  }
0x91: {  	s0 =	simm.s32 $0xB200  }
0x92: {  	[tilespmem:s0], [sflag:$0x3] =	stream.indirect_vreg.gather [hbm4b:s7+s3], $0x80, v37, vm0, $0xb8;
	[tilespmem:$0x1C200] =	vst v63  }
0x93: {  	s4 =	simm.s32 $0xBA00  }
0x94: {  	[tilespmem:s4], [sflag:$0x3] =	stream.indirect_vreg.gather [hbm4b:s8+s3], $0x80, v37, vm0, $0xb8;
	[tilespmem:$0x1C200] =	vst v63  }
0x95: {  	v37 =	vld [tilespmem:$0x30];
	_ =	sdelay $0x4  }
0x96: {  	v55 =	vshll.u32 v37, $0x3  }
0x97: {  	v37 =	vand.u32 $0x7, v37;
	v38 =	vand.u32 $0xFFFFFFC0, v55  }
0x98: {  	v37 =	vor.u32 v37, v38  }
0x99: {  	v38 =	vperm.xlane v37, v29;
	_ =	sdelay $0x1  }
0x9a: {  	v38 =	vadd.s32 v31, v38;
	_ =	sdelay $0x3  }
0x9b: {  	s9 =	simm.s32 $0xC200  }
0x9c: {  	[tilespmem:s9], [sflag:$0x4] =	stream.indirect_vreg.gather [hbm4b:s2+s3], $0x80, v38, vm0, $0xb8;
	[tilespmem:$0x1C200] =	vst v63  }
0x9d: {  	v37 =	vperm.xlane v37, v30;
	s9 =	simm.s32 $0xCA00  }
0x9e: {  	[tilespmem:s9], [sflag:$0x4] =	stream.indirect_vreg.gather [hbm4b:s6+s3], $0x80, v38, vm0, $0xb8;
	[tilespmem:$0x1C200] =	vst v63  }
0x9f: {  	s13 =	simm.s32 $0xD200;
	v37 =	vadd.s32 v31, v37  }
0xa0: {  	[tilespmem:s13], [sflag:$0x4] =	stream.indirect_vreg.gather [hbm4b:s7+s3], $0x80, v38, vm0, $0xb8;
	[tilespmem:$0x1C200] =	vst v63  }
0xa1: {  	s18 =	simm.s32 $0xDA00  }
0xa2: {  	[tilespmem:s18], [sflag:$0x4] =	stream.indirect_vreg.gather [hbm4b:s8+s3], $0x80, v38, vm0, $0xb8;
	[tilespmem:$0x1C200] =	vst v63  }
0xa3: {  	s25 =	simm.s32 $0xE200  }
0xa4: {  	[tilespmem:s25], [sflag:$0x4] =	stream.indirect_vreg.gather [hbm4b:s2+s3], $0x80, v37, vm0, $0xb8;
	[tilespmem:$0x1C200] =	vst v63  }
0xa5: {  	s28 =	simm.s32 $0xEA00  }
0xa6: {  	[tilespmem:s28], [sflag:$0x4] =	stream.indirect_vreg.gather [hbm4b:s6+s3], $0x80, v37, vm0, $0xb8;
	[tilespmem:$0x1C200] =	vst v63  }
0xa7: {  	s0 =	simm.s32 $0xF200  }
0xa8: {  	[tilespmem:s0], [sflag:$0x4] =	stream.indirect_vreg.gather [hbm4b:s7+s3], $0x80, v37, vm0, $0xb8;
	[tilespmem:$0x1C200] =	vst v63  }
0xa9: {  	s4 =	simm.s32 $0xFA00  }
0xaa: {  	[tilespmem:s4], [sflag:$0x4] =	stream.indirect_vreg.gather [hbm4b:s8+s3], $0x80, v37, vm0, $0xb8;
	[tilespmem:$0x1C200] =	vst v63  }
0xab: {  	_ =	swait.ge [sflag:s20], $0x4000  }
0xac: {  	s13 =	sld [smem:$0x7F5]  }
0xad: {  	[sflag:s20] =	ssyncset.done $0x0  }
0xae: {  	s1 =	simm.s32 $0x200;
	[sflag:s20] =	ssyncadd.s32 $0xFFFFC000  }
0xaf: {  	[hbm4b:s13+s3] =	stream.linear.scatter [tilespmem:s1], [sflag:$0x8], $0x4000, $0x38;
	[tilespmem:$0x1C200] =	vst v63  }
0xb0: {  	v56 =	vld [tilespmem:$0x40];
	_ =	sdelay $0x4  }
0xb1: {  	v57 =	vshll.u32 v56, $0x3  }
0xb2: {  	v37 =	vand.u32 $0x7, v56;
	v38 =	vand.u32 $0xFFFFFFC0, v57  }
0xb3: {  	v37 =	vor.u32 v37, v38  }
0xb4: {  	v38 =	vperm.xlane v37, v29;
	_ =	sdelay $0x1  }
0xb5: {  	v38 =	vadd.s32 v31, v38;
	_ =	sdelay $0x3  }
0xb6: {  	s9 =	simm.s32 $0x10200  }
0xb7: {  	[tilespmem:s9], [sflag:$0x5] =	stream.indirect_vreg.gather [hbm4b:s2+s3], $0x80, v38, vm0, $0xb8;
	[tilespmem:$0x1C200] =	vst v63  }
0xb8: {  	s13 =	simm.s32 $0x10A00;
	v37 =	vperm.xlane v37, v30  }
0xb9: {  	[tilespmem:s13], [sflag:$0x5] =	stream.indirect_vreg.gather [hbm4b:s6+s3], $0x80, v38, vm0, $0xb8;
	[tilespmem:$0x1C200] =	vst v63  }
0xba: {  	s18 =	simm.s32 $0x11200;
	v37 =	vadd.s32 v31, v37  }
0xbb: {  	[tilespmem:s18], [sflag:$0x5] =	stream.indirect_vreg.gather [hbm4b:s7+s3], $0x80, v38, vm0, $0xb8;
	[tilespmem:$0x1C200] =	vst v63  }
0xbc: {  	s25 =	simm.s32 $0x11A00  }
0xbd: {  	[tilespmem:s25], [sflag:$0x5] =	stream.indirect_vreg.gather [hbm4b:s8+s3], $0x80, v38, vm0, $0xb8;
	[tilespmem:$0x1C200] =	vst v63  }
0xbe: {  	s28 =	simm.s32 $0x12200  }
0xbf: {  	[tilespmem:s28], [sflag:$0x5] =	stream.indirect_vreg.gather [hbm4b:s2+s3], $0x80, v37, vm0, $0xb8;
	[tilespmem:$0x1C200] =	vst v63  }
0xc0: {  	s0 =	simm.s32 $0x12A00  }
0xc1: {  	[tilespmem:s0], [sflag:$0x5] =	stream.indirect_vreg.gather [hbm4b:s6+s3], $0x80, v37, vm0, $0xb8;
	[tilespmem:$0x1C200] =	vst v63  }
0xc2: {  	s9 =	simm.s32 $0x13200  }
0xc3: {  	[tilespmem:s9], [sflag:$0x5] =	stream.indirect_vreg.gather [hbm4b:s7+s3], $0x80, v37, vm0, $0xb8;
	[tilespmem:$0x1C200] =	vst v63  }
0xc4: {  	s13 =	simm.s32 $0x13A00  }
0xc5: {  	[tilespmem:s13], [sflag:$0x5] =	stream.indirect_vreg.gather [hbm4b:s8+s3], $0x80, v37, vm0, $0xb8;
	[tilespmem:$0x1C200] =	vst v63  }
0xc6: {  	_ =	swait.ge [sflag:s22], $0x4000  }
0xc7: {  	[sflag:s22] =	ssyncset.done $0x0  }
0xc8: {  	s4 =	simm.s32 $0x4200;
	s18 =	rddreg [dreg:$0x3];
	[sflag:s22] =	ssyncadd.s32 $0xFFFFC000  }
0xc9: {  	[hbm4b:s18+s3] =	stream.linear.scatter [tilespmem:s4], [sflag:$0x9], $0x4000, $0x38;
	[tilespmem:$0x1C200] =	vst v63  }
0xca: {  	v58 =	vld [tilespmem:$0x50];
	_ =	sdelay $0x4  }
0xcb: {  	v59 =	vshll.u32 v58, $0x3  }
0xcc: {  	v37 =	vand.u32 $0x7, v58;
	v38 =	vand.u32 $0xFFFFFFC0, v59  }
0xcd: {  	v37 =	vor.u32 v37, v38  }
0xce: {  	v38 =	vperm.xlane v37, v29;
	_ =	sdelay $0x1  }
0xcf: {  	v38 =	vadd.s32 v31, v38;
	_ =	sdelay $0x3  }
0xd0: {  	s25 =	simm.s32 $0x14200  }
0xd1: {  	[tilespmem:s25], [sflag:$0x6] =	stream.indirect_vreg.gather [hbm4b:s2+s3], $0x80, v38, vm0, $0xb8;
	[tilespmem:$0x1C200] =	vst v63  }
0xd2: {  	s28 =	simm.s32 $0x14A00;
	v37 =	vperm.xlane v37, v30  }
0xd3: {  	[tilespmem:s28], [sflag:$0x6] =	stream.indirect_vreg.gather [hbm4b:s6+s3], $0x80, v38, vm0, $0xb8;
	[tilespmem:$0x1C200] =	vst v63  }
0xd4: {  	s0 =	simm.s32 $0x15200;
	v37 =	vadd.s32 v31, v37  }
0xd5: {  	[tilespmem:s0], [sflag:$0x6] =	stream.indirect_vreg.gather [hbm4b:s7+s3], $0x80, v38, vm0, $0xb8;
	[tilespmem:$0x1C200] =	vst v63  }
0xd6: {  	s13 =	simm.s32 $0x15A00  }
0xd7: {  	[tilespmem:s13], [sflag:$0x6] =	stream.indirect_vreg.gather [hbm4b:s8+s3], $0x80, v38, vm0, $0xb8;
	[tilespmem:$0x1C200] =	vst v63  }
0xd8: {  	s18 =	simm.s32 $0x16200  }
0xd9: {  	[tilespmem:s18], [sflag:$0x6] =	stream.indirect_vreg.gather [hbm4b:s2+s3], $0x80, v37, vm0, $0xb8;
	[tilespmem:$0x1C200] =	vst v63  }
0xda: {  	s25 =	simm.s32 $0x16A00  }
0xdb: {  	[tilespmem:s25], [sflag:$0x6] =	stream.indirect_vreg.gather [hbm4b:s6+s3], $0x80, v37, vm0, $0xb8;
	[tilespmem:$0x1C200] =	vst v63  }
0xdc: {  	s28 =	simm.s32 $0x17200  }
0xdd: {  	[tilespmem:s28], [sflag:$0x6] =	stream.indirect_vreg.gather [hbm4b:s7+s3], $0x80, v37, vm0, $0xb8;
	[tilespmem:$0x1C200] =	vst v63  }
0xde: {  	s0 =	simm.s32 $0x17A00  }
0xdf: {  	[tilespmem:s0], [sflag:$0x6] =	stream.indirect_vreg.gather [hbm4b:s8+s3], $0x80, v37, vm0, $0xb8;
	[tilespmem:$0x1C200] =	vst v63  }
0xe0: {  	_ =	swait.ge [sflag:s24], $0x4000  }
0xe1: {  	[sflag:s24] =	ssyncset.done $0x0  }
0xe2: {  	s18 =	simm.s32 $0x8200;
	s9 =	rddreg [dreg:$0x4];
	[sflag:s24] =	ssyncadd.s32 $0xFFFFC000  }
0xe3: {  	[hbm4b:s9+s3] =	stream.linear.scatter [tilespmem:s18], [sflag:$0xA], $0x4000, $0x38;
	[tilespmem:$0x1C200] =	vst v63  }
0xe4: {  	v60 =	vld [tilespmem:$0x60];
	_ =	sdelay $0x4  }
0xe5: {  	v61 =	vshll.u32 v60, $0x3  }
0xe6: {  	v37 =	vand.u32 $0x7, v60;
	v38 =	vand.u32 $0xFFFFFFC0, v61  }
0xe7: {  	v37 =	vor.u32 v37, v38  }
0xe8: {  	v38 =	vperm.xlane v37, v29;
	_ =	sdelay $0x1  }
0xe9: {  	v38 =	vadd.s32 v31, v38;
	_ =	sdelay $0x3  }
0xea: {  	s25 =	simm.s32 $0x18200  }
0xeb: {  	[tilespmem:s25], [sflag:$0x7] =	stream.indirect_vreg.gather [hbm4b:s2+s3], $0x80, v38, vm0, $0xb8;
	[tilespmem:$0x1C200] =	vst v63  }
0xec: {  	s28 =	simm.s32 $0x18A00;
	v37 =	vperm.xlane v37, v30  }
0xed: {  	[tilespmem:s28], [sflag:$0x7] =	stream.indirect_vreg.gather [hbm4b:s6+s3], $0x80, v38, vm0, $0xb8;
	[tilespmem:$0x1C200] =	vst v63  }
0xee: {  	s13 =	simm.s32 $0x19200;
	v37 =	vadd.s32 v31, v37  }
0xef: {  	[tilespmem:s13], [sflag:$0x7] =	stream.indirect_vreg.gather [hbm4b:s7+s3], $0x80, v38, vm0, $0xb8;
	[tilespmem:$0x1C200] =	vst v63  }
0xf0: {  	s25 =	simm.s32 $0x19A00  }
0xf1: {  	[tilespmem:s25], [sflag:$0x7] =	stream.indirect_vreg.gather [hbm4b:s8+s3], $0x80, v38, vm0, $0xb8;
	[tilespmem:$0x1C200] =	vst v63  }
0xf2: {  	s28 =	simm.s32 $0x1A200  }
0xf3: {  	[tilespmem:s28], [sflag:$0x7] =	stream.indirect_vreg.gather [hbm4b:s2+s3], $0x80, v37, vm0, $0xb8;
	[tilespmem:$0x1C200] =	vst v63  }
0xf4: {  	s13 =	simm.s32 $0x1AA00  }
0xf5: {  	[tilespmem:s13], [sflag:$0x7] =	stream.indirect_vreg.gather [hbm4b:s6+s3], $0x80, v37, vm0, $0xb8;
	[tilespmem:$0x1C200] =	vst v63  }
0xf6: {  	s25 =	simm.s32 $0x1B200  }
0xf7: {  	[tilespmem:s25], [sflag:$0x7] =	stream.indirect_vreg.gather [hbm4b:s7+s3], $0x80, v37, vm0, $0xb8;
	[tilespmem:$0x1C200] =	vst v63  }
0xf8: {  	s28 =	simm.s32 $0x1BA00  }
0xf9: {  	[tilespmem:s28], [sflag:$0x7] =	stream.indirect_vreg.gather [hbm4b:s8+s3], $0x80, v37, vm0, $0xb8;
	[tilespmem:$0x1C200] =	vst v63  }
0xfa: {  	_ =	swait.ge [sflag:s26], $0x4000  }
0xfb: {  	[sflag:s26] =	ssyncset.done $0x0  }
0xfc: {  	s17 =	simm.s32 $0xC200;
	s9 =	rddreg [dreg:$0x5];
	[sflag:s26] =	ssyncadd.s32 $0xFFFFC000  }
0xfd: {  	[hbm4b:s9+s3] =	stream.linear.scatter [tilespmem:s17], [sflag:$0xB], $0x4000, $0x38;
	[tilespmem:$0x1C200] =	vst v63  }
0xfe: {  	_ =	swait.ge [sflag:s29], $0x4000  }
0xff: {  	[sflag:s29] =	ssyncset.done $0x0  }
0x100: {  	[sflag:s29] =	ssyncadd.s32 $0xFFFFC000  }
0x101: {  	v62 =	vld [tilespmem:$0x70];
	_ =	sdelay $0x4  }
0x102: {  	v63 =	vshll.u32 v62, $0x3  }
0x103: {  	v37 =	vand.u32 $0x7, v62;
	v38 =	vand.u32 $0xFFFFFFC0, v63  }
0x104: {  	v37 =	vor.u32 v37, v38  }
0x105: {  	v38 =	vperm.xlane v37, v29;
	_ =	sdelay $0x1  }
0x106: {  	v38 =	vadd.s32 v31, v38;
	_ =	sdelay $0x3  }
0x107: {  	s1 =	simm.s32 $0x200  }
0x108: {  	[tilespmem:s1], [sflag:$0x1] =	stream.indirect_vreg.gather [hbm4b:s2+s3], $0x80, v38, vm0, $0xb8;
	[tilespmem:$0x1C200] =	vst v63  }
0x109: {  	s10 =	simm.s32 $0xA00;
	v37 =	vperm.xlane v37, v30  }
0x10a: {  	[tilespmem:s10], [sflag:$0x1] =	stream.indirect_vreg.gather [hbm4b:s6+s3], $0x80, v38, vm0, $0xb8;
	[tilespmem:$0x1C200] =	vst v63  }
0x10b: {  	s23 =	simm.s32 $0x1200;
	v37 =	vadd.s32 v31, v37  }
0x10c: {  	[tilespmem:s23], [sflag:$0x1] =	stream.indirect_vreg.gather [hbm4b:s7+s3], $0x80, v38, vm0, $0xb8;
	[tilespmem:$0x1C200] =	vst v63  }
0x10d: {  	s30 =	simm.s32 $0x1A00  }
0x10e: {  	[tilespmem:s30], [sflag:$0x1] =	stream.indirect_vreg.gather [hbm4b:s8+s3], $0x80, v38, vm0, $0xb8;
	[tilespmem:$0x1C200] =	vst v63  }
0x10f: {  	s15 =	simm.s32 $0x2200  }
0x110: {  	[tilespmem:s15], [sflag:$0x1] =	stream.indirect_vreg.gather [hbm4b:s2+s3], $0x80, v37, vm0, $0xb8;
	[tilespmem:$0x1C200] =	vst v63  }
0x111: {  	s16 =	simm.s32 $0x2A00  }
0x112: {  	[tilespmem:s16], [sflag:$0x1] =	stream.indirect_vreg.gather [hbm4b:s6+s3], $0x80, v37, vm0, $0xb8;
	[tilespmem:$0x1C200] =	vst v63  }
0x113: {  	s12 =	simm.s32 $0x3200  }
0x114: {  	[tilespmem:s12], [sflag:$0x1] =	stream.indirect_vreg.gather [hbm4b:s7+s3], $0x80, v37, vm0, $0xb8;
	[tilespmem:$0x1C200] =	vst v63  }
0x115: {  	s11 =	simm.s32 $0x3A00;
	s30 =	simm.s32 $0x5  }
0x116: {  	[tilespmem:s11], [sflag:$0x1] =	stream.indirect_vreg.gather [hbm4b:s8+s3], $0x80, v37, vm0, $0xb8;
	[tilespmem:$0x1C200] =	vst v63  }
0x117: {  	_ =	swait.ge [sflag:s30], $0x4000  }
0x118: {  	[sflag:s30] =	ssyncset.done $0x0  }
0x119: {  	s12 =	simm.s32 $0x10200;
	s11 =	rddreg [dreg:$0x6];
	[sflag:s30] =	ssyncadd.s32 $0xFFFFC000  }
0x11a: {  	[hbm4b:s11+s3] =	stream.linear.scatter [tilespmem:s12], [sflag:$0xC], $0x4000, $0x38;
	[tilespmem:$0x1C200] =	vst v63  }
0x11b: {  	_ =	swait.ge [sflag:s31], $0x4000  }
0x11c: {  	[sflag:s31] =	ssyncset.done $0x0  }
0x11d: {  	[sflag:s31] =	ssyncadd.s32 $0xFFFFC000  }
0x11e: {  	v40 =	vld [tilespmem:$0x80];
	_ =	sdelay $0x4  }
0x11f: {  	v41 =	vshll.u32 v40, $0x3  }
0x120: {  	v37 =	vand.u32 $0x7, v40;
	v38 =	vand.u32 $0xFFFFFFC0, v41  }
0x121: {  	v37 =	vor.u32 v37, v38  }
0x122: {  	v38 =	vperm.xlane v37, v29;
	_ =	sdelay $0x1  }
0x123: {  	v38 =	vadd.s32 v31, v38;
	_ =	sdelay $0x4  }
0x124: {  	[tilespmem:s4], [sflag:$0x2] =	stream.indirect_vreg.gather [hbm4b:s2+s3], $0x80, v38, vm0, $0xb8;
	[tilespmem:$0x1C200] =	vst v63  }
0x125: {  	s19 =	simm.s32 $0x4A00;
	v37 =	vperm.xlane v37, v30  }
0x126: {  	[tilespmem:s19], [sflag:$0x2] =	stream.indirect_vreg.gather [hbm4b:s6+s3], $0x80, v38, vm0, $0xb8;
	[tilespmem:$0x1C200] =	vst v63  }
0x127: {  	s13 =	simm.s32 $0x5200;
	v37 =	vadd.s32 v31, v37  }
0x128: {  	[tilespmem:s13], [sflag:$0x2] =	stream.indirect_vreg.gather [hbm4b:s7+s3], $0x80, v38, vm0, $0xb8;
	[tilespmem:$0x1C200] =	vst v63  }
0x129: {  	s15 =	simm.s32 $0x5A00  }
0x12a: {  	[tilespmem:s15], [sflag:$0x2] =	stream.indirect_vreg.gather [hbm4b:s8+s3], $0x80, v38, vm0, $0xb8;
	[tilespmem:$0x1C200] =	vst v63  }
0x12b: {  	s4 =	simm.s32 $0x6200  }
0x12c: {  	[tilespmem:s4], [sflag:$0x2] =	stream.indirect_vreg.gather [hbm4b:s2+s3], $0x80, v37, vm0, $0xb8;
	[tilespmem:$0x1C200] =	vst v63  }
0x12d: {  	s16 =	simm.s32 $0x6A00  }
0x12e: {  	[tilespmem:s16], [sflag:$0x2] =	stream.indirect_vreg.gather [hbm4b:s6+s3], $0x80, v37, vm0, $0xb8;
	[tilespmem:$0x1C200] =	vst v63  }
0x12f: {  	s23 =	simm.s32 $0x7200  }
0x130: {  	[tilespmem:s23], [sflag:$0x2] =	stream.indirect_vreg.gather [hbm4b:s7+s3], $0x80, v37, vm0, $0xb8;
	[tilespmem:$0x1C200] =	vst v63  }
0x131: {  	s21 =	simm.s32 $0x7A00;
	s1 =	simm.s32 $0x6  }
0x132: {  	[tilespmem:s21], [sflag:$0x2] =	stream.indirect_vreg.gather [hbm4b:s8+s3], $0x80, v37, vm0, $0xb8;
	[tilespmem:$0x1C200] =	vst v63  }
0x133: {  	_ =	swait.ge [sflag:s1], $0x4000  }
0x134: {  	s11 =	simm.s32 $0xA;
	[sflag:s1] =	ssyncset.done $0x0  }
0x135: {  	s15 =	simm.s32 $0x14200;
	s17 =	rddreg [dreg:$0x7];
	[sflag:s1] =	ssyncadd.s32 $0xFFFFC000  }
0x136: {  	[hbm4b:s17+s3] =	stream.linear.scatter [tilespmem:s15], [sflag:$0xD], $0x4000, $0x38;
	[tilespmem:$0x1C200] =	vst v63  }
0x137: {  	_ =	swait.ge [sflag:s11], $0x4000  }
0x138: {  	[sflag:s11] =	ssyncset.done $0x0  }
0x139: {  	[sflag:s11] =	ssyncadd.s32 $0xFFFFC000  }
0x13a: {  	v42 =	vld [tilespmem:$0x90];
	_ =	sdelay $0x4  }
0x13b: {  	v43 =	vshll.u32 v42, $0x3  }
0x13c: {  	v37 =	vand.u32 $0x7, v42;
	v38 =	vand.u32 $0xFFFFFFC0, v43  }
0x13d: {  	v37 =	vor.u32 v37, v38  }
0x13e: {  	v38 =	vperm.xlane v37, v29;
	_ =	sdelay $0x1  }
0x13f: {  	v38 =	vadd.s32 v31, v38;
	_ =	sdelay $0x4  }
0x140: {  	[tilespmem:s18], [sflag:$0x3] =	stream.indirect_vreg.gather [hbm4b:s2+s3], $0x80, v38, vm0, $0xb8;
	[tilespmem:$0x1C200] =	vst v63  }
0x141: {  	s19 =	simm.s32 $0x8A00;
	v37 =	vperm.xlane v37, v30  }
0x142: {  	[tilespmem:s19], [sflag:$0x3] =	stream.indirect_vreg.gather [hbm4b:s6+s3], $0x80, v38, vm0, $0xb8;
	[tilespmem:$0x1C200] =	vst v63  }
0x143: {  	s14 =	simm.s32 $0x9200;
	v37 =	vadd.s32 v31, v37  }
0x144: {  	[tilespmem:s14], [sflag:$0x3] =	stream.indirect_vreg.gather [hbm4b:s7+s3], $0x80, v38, vm0, $0xb8;
	[tilespmem:$0x1C200] =	vst v63  }
0x145: {  	s21 =	simm.s32 $0x9A00  }
0x146: {  	[tilespmem:s21], [sflag:$0x3] =	stream.indirect_vreg.gather [hbm4b:s8+s3], $0x80, v38, vm0, $0xb8;
	[tilespmem:$0x1C200] =	vst v63  }
0x147: {  	s13 =	simm.s32 $0xA200  }
0x148: {  	[tilespmem:s13], [sflag:$0x3] =	stream.indirect_vreg.gather [hbm4b:s2+s3], $0x80, v37, vm0, $0xb8;
	[tilespmem:$0x1C200] =	vst v63  }
0x149: {  	s14 =	simm.s32 $0xAA00  }
0x14a: {  	[tilespmem:s14], [sflag:$0x3] =	stream.indirect_vreg.gather [hbm4b:s6+s3], $0x80, v37, vm0, $0xb8;
	[tilespmem:$0x1C200] =	vst v63  }
0x14b: {  	s16 =	simm.s32 $0xB200  }
0x14c: {  	[tilespmem:s16], [sflag:$0x3] =	stream.indirect_vreg.gather [hbm4b:s7+s3], $0x80, v37, vm0, $0xb8;
	[tilespmem:$0x1C200] =	vst v63  }
0x14d: {  	s5 =	simm.s32 $0xBA00;
	s14 =	simm.s32 $0x7  }
0x14e: {  	[tilespmem:s5], [sflag:$0x3] =	stream.indirect_vreg.gather [hbm4b:s8+s3], $0x80, v37, vm0, $0xb8;
	[tilespmem:$0x1C200] =	vst v63  }
0x14f: {  	_ =	swait.ge [sflag:s14], $0x4000  }
0x150: {  	s0 =	simm.s32 $0x18200;
	[sflag:s14] =	ssyncset.done $0x0  }
0x151: {  	s10 =	simm.s32 $0xB;
	s17 =	rddreg [dreg:$0x8];
	[sflag:s14] =	ssyncadd.s32 $0xFFFFC000  }
0x152: {  	[hbm4b:s17+s3] =	stream.linear.scatter [tilespmem:s0], [sflag:$0xE], $0x4000, $0x38;
	[tilespmem:$0x1C200] =	vst v63  }
0x153: {  	_ =	swait.ge [sflag:s10], $0x4000  }
0x154: {  	[sflag:s10] =	ssyncset.done $0x0  }
0x155: {  	[sflag:s10] =	ssyncadd.s32 $0xFFFFC000  }
0x156: {  	v44 =	vld [tilespmem:$0xA0];
	_ =	sdelay $0x4  }
0x157: {  	v45 =	vshll.u32 v44, $0x3  }
0x158: {  	v37 =	vand.u32 $0x7, v44;
	v38 =	vand.u32 $0xFFFFFFC0, v45  }
0x159: {  	v37 =	vor.u32 v37, v38  }
0x15a: {  	v38 =	vperm.xlane v37, v29;
	_ =	sdelay $0x1  }
0x15b: {  	v38 =	vadd.s32 v31, v38;
	_ =	sdelay $0x3  }
0x15c: {  	s9 =	simm.s32 $0xC200  }
0x15d: {  	[tilespmem:s9], [sflag:$0x4] =	stream.indirect_vreg.gather [hbm4b:s2+s3], $0x80, v38, vm0, $0xb8;
	[tilespmem:$0x1C200] =	vst v63  }
0x15e: {  	s19 =	simm.s32 $0xCA00;
	v37 =	vperm.xlane v37, v30  }
0x15f: {  	[tilespmem:s19], [sflag:$0x4] =	stream.indirect_vreg.gather [hbm4b:s6+s3], $0x80, v38, vm0, $0xb8;
	[tilespmem:$0x1C200] =	vst v63  }
0x160: {  	s21 =	simm.s32 $0xD200;
	v37 =	vadd.s32 v31, v37  }
0x161: {  	[tilespmem:s21], [sflag:$0x4] =	stream.indirect_vreg.gather [hbm4b:s7+s3], $0x80, v38, vm0, $0xb8;
	[tilespmem:$0x1C200] =	vst v63  }
0x162: {  	s5 =	simm.s32 $0xDA00  }
0x163: {  	[tilespmem:s5], [sflag:$0x4] =	stream.indirect_vreg.gather [hbm4b:s8+s3], $0x80, v38, vm0, $0xb8;
	[tilespmem:$0x1C200] =	vst v63  }
0x164: {  	s13 =	simm.s32 $0xE200  }
0x165: {  	[tilespmem:s13], [sflag:$0x4] =	stream.indirect_vreg.gather [hbm4b:s2+s3], $0x80, v37, vm0, $0xb8;
	[tilespmem:$0x1C200] =	vst v63  }
0x166: {  	s16 =	simm.s32 $0xEA00  }
0x167: {  	[tilespmem:s16], [sflag:$0x4] =	stream.indirect_vreg.gather [hbm4b:s6+s3], $0x80, v37, vm0, $0xb8;
	[tilespmem:$0x1C200] =	vst v63  }
0x168: {  	s17 =	simm.s32 $0xF200  }
0x169: {  	[tilespmem:s17], [sflag:$0x4] =	stream.indirect_vreg.gather [hbm4b:s7+s3], $0x80, v37, vm0, $0xb8;
	[tilespmem:$0x1C200] =	vst v63  }
0x16a: {  	s19 =	simm.s32 $0xFA00  }
0x16b: {  	[tilespmem:s19], [sflag:$0x4] =	stream.indirect_vreg.gather [hbm4b:s8+s3], $0x80, v37, vm0, $0xb8;
	[tilespmem:$0x1C200] =	vst v63  }
0x16c: {  	_ =	swait.ge [sflag:s20], $0x4000  }
0x16d: {  	s28 =	simm.s32 $0x200;
	[sflag:s20] =	ssyncset.done $0x0  }
0x16e: {  	s16 =	simm.s32 $0xC;
	s21 =	rddreg [dreg:$0x9];
	[sflag:s20] =	ssyncadd.s32 $0xFFFFC000  }
0x16f: {  	[hbm4b:s21+s3] =	stream.linear.scatter [tilespmem:s28], [sflag:$0x8], $0x4000, $0x38;
	[tilespmem:$0x1C200] =	vst v63  }
0x170: {  	_ =	swait.ge [sflag:s16], $0x4000  }
0x171: {  	[sflag:s16] =	ssyncset.done $0x0  }
0x172: {  	[sflag:s16] =	ssyncadd.s32 $0xFFFFC000  }
0x173: {  	v46 =	vld [tilespmem:$0xB0];
	_ =	sdelay $0x4  }
0x174: {  	v47 =	vshll.u32 v46, $0x3  }
0x175: {  	v37 =	vand.u32 $0x7, v46;
	v38 =	vand.u32 $0xFFFFFFC0, v47  }
0x176: {  	v37 =	vor.u32 v37, v38  }
0x177: {  	v38 =	vperm.xlane v37, v29;
	_ =	sdelay $0x1  }
0x178: {  	v38 =	vadd.s32 v31, v38;
	_ =	sdelay $0x4  }
0x179: {  	[tilespmem:s12], [sflag:$0x5] =	stream.indirect_vreg.gather [hbm4b:s2+s3], $0x80, v38, vm0, $0xb8;
	[tilespmem:$0x1C200] =	vst v63  }
0x17a: {  	s28 =	simm.s32 $0x10A00;
	v37 =	vperm.xlane v37, v30  }
0x17b: {  	[tilespmem:s28], [sflag:$0x5] =	stream.indirect_vreg.gather [hbm4b:s6+s3], $0x80, v38, vm0, $0xb8;
	[tilespmem:$0x1C200] =	vst v63  }
0x17c: {  	s0 =	simm.s32 $0x11200;
	v37 =	vadd.s32 v31, v37  }
0x17d: {  	[tilespmem:s0], [sflag:$0x5] =	stream.indirect_vreg.gather [hbm4b:s7+s3], $0x80, v38, vm0, $0xb8;
	[tilespmem:$0x1C200] =	vst v63  }
0x17e: {  	s12 =	simm.s32 $0x11A00  }
0x17f: {  	[tilespmem:s12], [sflag:$0x5] =	stream.indirect_vreg.gather [hbm4b:s8+s3], $0x80, v38, vm0, $0xb8;
	[tilespmem:$0x1C200] =	vst v63  }
0x180: {  	s13 =	simm.s32 $0x12200  }
0x181: {  	[tilespmem:s13], [sflag:$0x5] =	stream.indirect_vreg.gather [hbm4b:s2+s3], $0x80, v37, vm0, $0xb8;
	[tilespmem:$0x1C200] =	vst v63  }
0x182: {  	s21 =	simm.s32 $0x12A00  }
0x183: {  	[tilespmem:s21], [sflag:$0x5] =	stream.indirect_vreg.gather [hbm4b:s6+s3], $0x80, v37, vm0, $0xb8;
	[tilespmem:$0x1C200] =	vst v63  }
0x184: {  	s28 =	simm.s32 $0x13200  }
0x185: {  	[tilespmem:s28], [sflag:$0x5] =	stream.indirect_vreg.gather [hbm4b:s7+s3], $0x80, v37, vm0, $0xb8;
	[tilespmem:$0x1C200] =	vst v63  }
0x186: {  	s0 =	simm.s32 $0x13A00  }
0x187: {  	[tilespmem:s0], [sflag:$0x5] =	stream.indirect_vreg.gather [hbm4b:s8+s3], $0x80, v37, vm0, $0xb8;
	[tilespmem:$0x1C200] =	vst v63  }
0x188: {  	_ =	swait.ge [sflag:s22], $0x4000  }
0x189: {  	[sflag:s22] =	ssyncset.done $0x0  }
0x18a: {  	s25 =	simm.s32 $0x4200;
	s12 =	rddreg [dreg:$0xa];
	[sflag:s22] =	ssyncadd.s32 $0xFFFFC000  }
0x18b: {  	[hbm4b:s12+s3] =	stream.linear.scatter [tilespmem:s25], [sflag:$0x9], $0x4000, $0x38;
	[tilespmem:$0x1C200] =	vst v63  }
0x18c: {  	s12 =	simm.s32 $0xD  }
0x18d: {  	_ =	swait.ge [sflag:s12], $0x4000  }
0x18e: {  	[sflag:s12] =	ssyncset.done $0x0  }
0x18f: {  	[sflag:s12] =	ssyncadd.s32 $0xFFFFC000  }
0x190: {  	v48 =	vld [tilespmem:$0xC0];
	_ =	sdelay $0x4  }
0x191: {  	v49 =	vshll.u32 v48, $0x3  }
0x192: {  	v37 =	vand.u32 $0x7, v48;
	v38 =	vand.u32 $0xFFFFFFC0, v49  }
0x193: {  	v37 =	vor.u32 v37, v38  }
0x194: {  	v38 =	vperm.xlane v37, v29;
	_ =	sdelay $0x1  }
0x195: {  	v38 =	vadd.s32 v31, v38;
	_ =	sdelay $0x4  }
0x196: {  	[tilespmem:s15], [sflag:$0x6] =	stream.indirect_vreg.gather [hbm4b:s2+s3], $0x80, v38, vm0, $0xb8;
	[tilespmem:$0x1C200] =	vst v63  }
0x197: {  	s21 =	simm.s32 $0x14A00;
	v37 =	vperm.xlane v37, v30  }
0x198: {  	[tilespmem:s21], [sflag:$0x6] =	stream.indirect_vreg.gather [hbm4b:s6+s3], $0x80, v38, vm0, $0xb8;
	[tilespmem:$0x1C200] =	vst v63  }
0x199: {  	s28 =	simm.s32 $0x15200;
	v37 =	vadd.s32 v31, v37  }
0x19a: {  	[tilespmem:s28], [sflag:$0x6] =	stream.indirect_vreg.gather [hbm4b:s7+s3], $0x80, v38, vm0, $0xb8;
	[tilespmem:$0x1C200] =	vst v63  }
0x19b: {  	s0 =	simm.s32 $0x15A00  }
0x19c: {  	[tilespmem:s0], [sflag:$0x6] =	stream.indirect_vreg.gather [hbm4b:s8+s3], $0x80, v38, vm0, $0xb8;
	[tilespmem:$0x1C200] =	vst v63  }
0x19d: {  	s13 =	simm.s32 $0x16200  }
0x19e: {  	[tilespmem:s13], [sflag:$0x6] =	stream.indirect_vreg.gather [hbm4b:s2+s3], $0x80, v37, vm0, $0xb8;
	[tilespmem:$0x1C200] =	vst v63  }
0x19f: {  	s21 =	simm.s32 $0x16A00  }
0x1a0: {  	[tilespmem:s21], [sflag:$0x6] =	stream.indirect_vreg.gather [hbm4b:s6+s3], $0x80, v37, vm0, $0xb8;
	[tilespmem:$0x1C200] =	vst v63  }
0x1a1: {  	s28 =	simm.s32 $0x17200  }
0x1a2: {  	[tilespmem:s28], [sflag:$0x6] =	stream.indirect_vreg.gather [hbm4b:s7+s3], $0x80, v37, vm0, $0xb8;
	[tilespmem:$0x1C200] =	vst v63  }
0x1a3: {  	s0 =	simm.s32 $0x17A00  }
0x1a4: {  	[tilespmem:s0], [sflag:$0x6] =	stream.indirect_vreg.gather [hbm4b:s8+s3], $0x80, v37, vm0, $0xb8;
	[tilespmem:$0x1C200] =	vst v63  }
0x1a5: {  	_ =	swait.ge [sflag:s24], $0x4000  }
0x1a6: {  	[sflag:s24] =	ssyncset.done $0x0  }
0x1a7: {  	s18 =	simm.s32 $0x8200;
	s5 =	rddreg [dreg:$0xb];
	[sflag:s24] =	ssyncadd.s32 $0xFFFFC000  }
0x1a8: {  	[hbm4b:s5+s3] =	stream.linear.scatter [tilespmem:s18], [sflag:$0xA], $0x4000, $0x38;
	[tilespmem:$0x1C200] =	vst v63  }
0x1a9: {  	s5 =	simm.s32 $0xE  }
0x1aa: {  	_ =	swait.ge [sflag:s5], $0x4000  }
0x1ab: {  	[sflag:s5] =	ssyncset.done $0x0  }
0x1ac: {  	[sflag:s5] =	ssyncadd.s32 $0xFFFFC000  }
0x1ad: {  	v50 =	vld [tilespmem:$0xD0];
	_ =	sdelay $0x4  }
0x1ae: {  	v51 =	vshll.u32 v50, $0x3  }
0x1af: {  	v37 =	vand.u32 $0x7, v50;
	v38 =	vand.u32 $0xFFFFFFC0, v51  }
0x1b0: {  	v37 =	vor.u32 v37, v38  }
0x1b1: {  	v38 =	vperm.xlane v37, v29;
	_ =	sdelay $0x1  }
0x1b2: {  	v38 =	vadd.s32 v31, v38;
	_ =	sdelay $0x3  }
0x1b3: {  	s0 =	simm.s32 $0x18200  }
0x1b4: {  	[tilespmem:s0], [sflag:$0x7] =	stream.indirect_vreg.gather [hbm4b:s2+s3], $0x80, v38, vm0, $0xb8;
	[tilespmem:$0x1C200] =	vst v63  }
0x1b5: {  	s18 =	simm.s32 $0x18A00;
	v37 =	vperm.xlane v37, v30  }
0x1b6: {  	[tilespmem:s18], [sflag:$0x7] =	stream.indirect_vreg.gather [hbm4b:s6+s3], $0x80, v38, vm0, $0xb8;
	[tilespmem:$0x1C200] =	vst v63  }
0x1b7: {  	s28 =	simm.s32 $0x19200;
	v37 =	vadd.s32 v31, v37  }
0x1b8: {  	[tilespmem:s28], [sflag:$0x7] =	stream.indirect_vreg.gather [hbm4b:s7+s3], $0x80, v38, vm0, $0xb8;
	[tilespmem:$0x1C200] =	vst v63  }
0x1b9: {  	s28 =	simm.s32 $0x19A00  }
0x1ba: {  	[tilespmem:s28], [sflag:$0x7] =	stream.indirect_vreg.gather [hbm4b:s8+s3], $0x80, v38, vm0, $0xb8;
	[tilespmem:$0x1C200] =	vst v63  }
0x1bb: {  	s18 =	simm.s32 $0x1A200  }
0x1bc: {  	[tilespmem:s18], [sflag:$0x7] =	stream.indirect_vreg.gather [hbm4b:s2+s3], $0x80, v37, vm0, $0xb8;
	[tilespmem:$0x1C200] =	vst v63  }
0x1bd: {  	s18 =	simm.s32 $0x1AA00  }
0x1be: {  	[tilespmem:s18], [sflag:$0x7] =	stream.indirect_vreg.gather [hbm4b:s6+s3], $0x80, v37, vm0, $0xb8;
	[tilespmem:$0x1C200] =	vst v63  }
0x1bf: {  	s18 =	simm.s32 $0x1B200  }
0x1c0: {  	[tilespmem:s18], [sflag:$0x7] =	stream.indirect_vreg.gather [hbm4b:s7+s3], $0x80, v37, vm0, $0xb8;
	[tilespmem:$0x1C200] =	vst v63  }
0x1c1: {  	s18 =	simm.s32 $0x1BA00  }
0x1c2: {  	[tilespmem:s18], [sflag:$0x7] =	stream.indirect_vreg.gather [hbm4b:s8+s3], $0x80, v37, vm0, $0xb8;
	[tilespmem:$0x1C200] =	vst v63  }
0x1c3: {  	_ =	swait.ge [sflag:s26], $0x4000  }
0x1c4: {  	[sflag:s26] =	ssyncset.done $0x0  }
0x1c5: {  	s18 =	rddreg [dreg:$0xc];
	[sflag:s26] =	ssyncadd.s32 $0xFFFFC000  }
0x1c6: {  	[hbm4b:s18+s3] =	stream.linear.scatter [tilespmem:s9], [sflag:$0xB], $0x4000, $0x38;
	[tilespmem:$0x1C200] =	vst v63  }
0x1c7: {  	_ =	swait.ge [sflag:s29], $0x4000  }
0x1c8: {  	[sflag:s29] =	ssyncset.done $0x0  }
0x1c9: {  	[sflag:s29] =	ssyncadd.s32 $0xFFFFC000  }
0x1ca: {  	v52 =	vld [tilespmem:$0xE0];
	_ =	sdelay $0x4  }
0x1cb: {  	v53 =	vshll.u32 v52, $0x3  }
0x1cc: {  	v37 =	vand.u32 $0x7, v52;
	v38 =	vand.u32 $0xFFFFFFC0, v53  }
0x1cd: {  	v37 =	vor.u32 v37, v38  }
0x1ce: {  	v38 =	vperm.xlane v37, v29;
	_ =	sdelay $0x1  }
0x1cf: {  	v38 =	vadd.s32 v31, v38;
	_ =	sdelay $0x3  }
0x1d0: {  	s19 =	simm.s32 $0x200  }
0x1d1: {  	[tilespmem:s19], [sflag:$0x1] =	stream.indirect_vreg.gather [hbm4b:s2+s3], $0x80, v38, vm0, $0xb8;
	[tilespmem:$0x1C200] =	vst v63  }
0x1d2: {  	v37 =	vperm.xlane v37, v30;
	s19 =	simm.s32 $0xA00  }
0x1d3: {  	[tilespmem:s19], [sflag:$0x1] =	stream.indirect_vreg.gather [hbm4b:s6+s3], $0x80, v38, vm0, $0xb8;
	[tilespmem:$0x1C200] =	vst v63  }
0x1d4: {  	s9 =	simm.s32 $0x1200;
	v37 =	vadd.s32 v31, v37  }
0x1d5: {  	[tilespmem:s9], [sflag:$0x1] =	stream.indirect_vreg.gather [hbm4b:s7+s3], $0x80, v38, vm0, $0xb8;
	[tilespmem:$0x1C200] =	vst v63  }
0x1d6: {  	s19 =	simm.s32 $0x1A00  }
0x1d7: {  	[tilespmem:s19], [sflag:$0x1] =	stream.indirect_vreg.gather [hbm4b:s8+s3], $0x80, v38, vm0, $0xb8;
	[tilespmem:$0x1C200] =	vst v63  }
0x1d8: {  	s9 =	simm.s32 $0x2200  }
0x1d9: {  	[tilespmem:s9], [sflag:$0x1] =	stream.indirect_vreg.gather [hbm4b:s2+s3], $0x80, v37, vm0, $0xb8;
	[tilespmem:$0x1C200] =	vst v63  }
0x1da: {  	s19 =	simm.s32 $0x2A00  }
0x1db: {  	[tilespmem:s19], [sflag:$0x1] =	stream.indirect_vreg.gather [hbm4b:s6+s3], $0x80, v37, vm0, $0xb8;
	[tilespmem:$0x1C200] =	vst v63  }
0x1dc: {  	s9 =	simm.s32 $0x3200  }
0x1dd: {  	[tilespmem:s9], [sflag:$0x1] =	stream.indirect_vreg.gather [hbm4b:s7+s3], $0x80, v37, vm0, $0xb8;
	[tilespmem:$0x1C200] =	vst v63  }
0x1de: {  	s19 =	simm.s32 $0x3A00  }
0x1df: {  	[tilespmem:s19], [sflag:$0x1] =	stream.indirect_vreg.gather [hbm4b:s8+s3], $0x80, v37, vm0, $0xb8;
	[tilespmem:$0x1C200] =	vst v63  }
0x1e0: {  	_ =	swait.ge [sflag:s30], $0x4000  }
0x1e1: {  	[sflag:s30] =	ssyncset.done $0x0  }
0x1e2: {  	s17 =	simm.s32 $0x10200;
	s9 =	rddreg [dreg:$0xd];
	[sflag:s30] =	ssyncadd.s32 $0xFFFFC000  }
0x1e3: {  	[hbm4b:s9+s3] =	stream.linear.scatter [tilespmem:s17], [sflag:$0xC], $0x4000, $0x38;
	[tilespmem:$0x1C200] =	vst v63  }
0x1e4: {  	_ =	swait.ge [sflag:s31], $0x4000  }
0x1e5: {  	[sflag:s31] =	ssyncset.done $0x0  }
0x1e6: {  	[sflag:s31] =	ssyncadd.s32 $0xFFFFC000  }
0x1e7: {  	v54 =	vld [tilespmem:$0xF0];
	_ =	sdelay $0x4  }
0x1e8: {  	v55 =	vshll.u32 v54, $0x3  }
0x1e9: {  	v37 =	vand.u32 $0x7, v54;
	v38 =	vand.u32 $0xFFFFFFC0, v55  }
0x1ea: {  	v37 =	vor.u32 v37, v38  }
0x1eb: {  	v38 =	vperm.xlane v37, v29;
	_ =	sdelay $0x1  }
0x1ec: {  	v38 =	vadd.s32 v31, v38;
	_ =	sdelay $0x3  }
0x1ed: {  	s25 =	simm.s32 $0x4200  }
0x1ee: {  	[tilespmem:s25], [sflag:$0x2] =	stream.indirect_vreg.gather [hbm4b:s2+s3], $0x80, v38, vm0, $0xb8;
	[tilespmem:$0x1C200] =	vst v63  }
0x1ef: {  	s13 =	simm.s32 $0x4A00;
	v37 =	vperm.xlane v37, v30  }
0x1f0: {  	[tilespmem:s13], [sflag:$0x2] =	stream.indirect_vreg.gather [hbm4b:s6+s3], $0x80, v38, vm0, $0xb8;
	[tilespmem:$0x1C200] =	vst v63  }
0x1f1: {  	s19 =	simm.s32 $0x5200;
	v37 =	vadd.s32 v31, v37  }
0x1f2: {  	[tilespmem:s19], [sflag:$0x2] =	stream.indirect_vreg.gather [hbm4b:s7+s3], $0x80, v38, vm0, $0xb8;
	[tilespmem:$0x1C200] =	vst v63  }
0x1f3: {  	s13 =	simm.s32 $0x5A00  }
0x1f4: {  	[tilespmem:s13], [sflag:$0x2] =	stream.indirect_vreg.gather [hbm4b:s8+s3], $0x80, v38, vm0, $0xb8;
	[tilespmem:$0x1C200] =	vst v63  }
0x1f5: {  	_ = 	snop  }
0x1f6: {  	[tilespmem:s4], [sflag:$0x2] =	stream.indirect_vreg.gather [hbm4b:s2+s3], $0x80, v37, vm0, $0xb8;
	[tilespmem:$0x1C200] =	vst v63  }
0x1f7: {  	s19 =	simm.s32 $0x6A00  }
0x1f8: {  	[tilespmem:s19], [sflag:$0x2] =	stream.indirect_vreg.gather [hbm4b:s6+s3], $0x80, v37, vm0, $0xb8;
	[tilespmem:$0x1C200] =	vst v63  }
0x1f9: {  	_ = 	snop  }
0x1fa: {  	[tilespmem:s23], [sflag:$0x2] =	stream.indirect_vreg.gather [hbm4b:s7+s3], $0x80, v37, vm0, $0xb8;
	[tilespmem:$0x1C200] =	vst v63  }
0x1fb: {  	s23 =	simm.s32 $0x7A00  }
0x1fc: {  	[tilespmem:s23], [sflag:$0x2] =	stream.indirect_vreg.gather [hbm4b:s8+s3], $0x80, v37, vm0, $0xb8;
	[tilespmem:$0x1C200] =	vst v63  }
0x1fd: {  	_ =	swait.ge [sflag:s1], $0x4000  }
0x1fe: {  	[sflag:s1] =	ssyncset.done $0x0  }
0x1ff: {  	s15 =	simm.s32 $0x14200;
	s9 =	rddreg [dreg:$0xe];
	[sflag:s1] =	ssyncadd.s32 $0xFFFFC000  }
0x200: {  	[hbm4b:s9+s3] =	stream.linear.scatter [tilespmem:s15], [sflag:$0xD], $0x4000, $0x38;
	[tilespmem:$0x1C200] =	vst v63  }
0x201: {  	_ =	swait.ge [sflag:s11], $0x4000  }
0x202: {  	[sflag:s11] =	ssyncset.done $0x0  }
0x203: {  	[sflag:s11] =	ssyncadd.s32 $0xFFFFC000  }
0x204: {  	v56 =	vld [tilespmem:$0x100];
	_ =	sdelay $0x4  }
0x205: {  	v57 =	vshll.u32 v56, $0x3  }
0x206: {  	v37 =	vand.u32 $0x7, v56;
	v38 =	vand.u32 $0xFFFFFFC0, v57  }
0x207: {  	v37 =	vor.u32 v37, v38  }
0x208: {  	v38 =	vperm.xlane v37, v29;
	_ =	sdelay $0x1  }
0x209: {  	v38 =	vadd.s32 v31, v38;
	_ =	sdelay $0x3  }
0x20a: {  	s21 =	simm.s32 $0x8200  }
0x20b: {  	[tilespmem:s21], [sflag:$0x3] =	stream.indirect_vreg.gather [hbm4b:s2+s3], $0x80, v38, vm0, $0xb8;
	[tilespmem:$0x1C200] =	vst v63  }
0x20c: {  	s19 =	simm.s32 $0x8A00;
	v37 =	vperm.xlane v37, v30  }
0x20d: {  	[tilespmem:s19], [sflag:$0x3] =	stream.indirect_vreg.gather [hbm4b:s6+s3], $0x80, v38, vm0, $0xb8;
	[tilespmem:$0x1C200] =	vst v63  }
0x20e: {  	s9 =	simm.s32 $0x9200;
	v37 =	vadd.s32 v31, v37  }
0x20f: {  	[tilespmem:s9], [sflag:$0x3] =	stream.indirect_vreg.gather [hbm4b:s7+s3], $0x80, v38, vm0, $0xb8;
	[tilespmem:$0x1C200] =	vst v63  }
0x210: {  	s13 =	simm.s32 $0x9A00  }
0x211: {  	[tilespmem:s13], [sflag:$0x3] =	stream.indirect_vreg.gather [hbm4b:s8+s3], $0x80, v38, vm0, $0xb8;
	[tilespmem:$0x1C200] =	vst v63  }
0x212: {  	s19 =	simm.s32 $0xA200  }
0x213: {  	[tilespmem:s19], [sflag:$0x3] =	stream.indirect_vreg.gather [hbm4b:s2+s3], $0x80, v37, vm0, $0xb8;
	[tilespmem:$0x1C200] =	vst v63  }
0x214: {  	s9 =	simm.s32 $0xAA00  }
0x215: {  	[tilespmem:s9], [sflag:$0x3] =	stream.indirect_vreg.gather [hbm4b:s6+s3], $0x80, v37, vm0, $0xb8;
	[tilespmem:$0x1C200] =	vst v63  }
0x216: {  	s13 =	simm.s32 $0xB200  }
0x217: {  	[tilespmem:s13], [sflag:$0x3] =	stream.indirect_vreg.gather [hbm4b:s7+s3], $0x80, v37, vm0, $0xb8;
	[tilespmem:$0x1C200] =	vst v63  }
0x218: {  	s19 =	simm.s32 $0xBA00  }
0x219: {  	[tilespmem:s19], [sflag:$0x3] =	stream.indirect_vreg.gather [hbm4b:s8+s3], $0x80, v37, vm0, $0xb8;
	[tilespmem:$0x1C200] =	vst v63  }
0x21a: {  	_ =	swait.ge [sflag:s14], $0x4000  }
0x21b: {  	[sflag:s14] =	ssyncset.done $0x0  }
0x21c: {  	s9 =	rddreg [dreg:$0xf];
	[sflag:s14] =	ssyncadd.s32 $0xFFFFC000  }
0x21d: {  	[hbm4b:s9+s3] =	stream.linear.scatter [tilespmem:s0], [sflag:$0xE], $0x4000, $0x38;
	[tilespmem:$0x1C200] =	vst v63  }
0x21e: {  	_ =	swait.ge [sflag:s10], $0x4000  }
0x21f: {  	[sflag:s10] =	ssyncset.done $0x0  }
0x220: {  	[sflag:s10] =	ssyncadd.s32 $0xFFFFC000  }
0x221: {  	v58 =	vld [tilespmem:$0x110];
	_ =	sdelay $0x4  }
0x222: {  	v59 =	vshll.u32 v58, $0x3  }
0x223: {  	v37 =	vand.u32 $0x7, v58;
	v38 =	vand.u32 $0xFFFFFFC0, v59  }
0x224: {  	v37 =	vor.u32 v37, v38  }
0x225: {  	v38 =	vperm.xlane v37, v29;
	_ =	sdelay $0x1  }
0x226: {  	v38 =	vadd.s32 v31, v38;
	_ =	sdelay $0x3  }
0x227: {  	s4 =	simm.s32 $0xC200  }
0x228: {  	[tilespmem:s4], [sflag:$0x4] =	stream.indirect_vreg.gather [hbm4b:s2+s3], $0x80, v38, vm0, $0xb8;
	[tilespmem:$0x1C200] =	vst v63  }
0x229: {  	s13 =	simm.s32 $0xCA00;
	v37 =	vperm.xlane v37, v30  }
0x22a: {  	[tilespmem:s13], [sflag:$0x4] =	stream.indirect_vreg.gather [hbm4b:s6+s3], $0x80, v38, vm0, $0xb8;
	[tilespmem:$0x1C200] =	vst v63  }
0x22b: {  	s19 =	simm.s32 $0xD200;
	v37 =	vadd.s32 v31, v37  }
0x22c: {  	[tilespmem:s19], [sflag:$0x4] =	stream.indirect_vreg.gather [hbm4b:s7+s3], $0x80, v38, vm0, $0xb8;
	[tilespmem:$0x1C200] =	vst v63  }
0x22d: {  	s13 =	simm.s32 $0xDA00  }
0x22e: {  	[tilespmem:s13], [sflag:$0x4] =	stream.indirect_vreg.gather [hbm4b:s8+s3], $0x80, v38, vm0, $0xb8;
	[tilespmem:$0x1C200] =	vst v63  }
0x22f: {  	s19 =	simm.s32 $0xE200  }
0x230: {  	[tilespmem:s19], [sflag:$0x4] =	stream.indirect_vreg.gather [hbm4b:s2+s3], $0x80, v37, vm0, $0xb8;
	[tilespmem:$0x1C200] =	vst v63  }
0x231: {  	s13 =	simm.s32 $0xEA00  }
0x232: {  	[tilespmem:s13], [sflag:$0x4] =	stream.indirect_vreg.gather [hbm4b:s6+s3], $0x80, v37, vm0, $0xb8;
	[tilespmem:$0x1C200] =	vst v63  }
0x233: {  	s19 =	simm.s32 $0xF200  }
0x234: {  	[tilespmem:s19], [sflag:$0x4] =	stream.indirect_vreg.gather [hbm4b:s7+s3], $0x80, v37, vm0, $0xb8;
	[tilespmem:$0x1C200] =	vst v63  }
0x235: {  	s19 =	simm.s32 $0xFA00  }
0x236: {  	[tilespmem:s19], [sflag:$0x4] =	stream.indirect_vreg.gather [hbm4b:s8+s3], $0x80, v37, vm0, $0xb8;
	[tilespmem:$0x1C200] =	vst v63  }
0x237: {  	_ =	swait.ge [sflag:s20], $0x4000  }
0x238: {  	[sflag:s20] =	ssyncset.done $0x0  }
0x239: {  	s18 =	simm.s32 $0x200;
	s9 =	rddreg [dreg:$0x10];
	[sflag:s20] =	ssyncadd.s32 $0xFFFFC000  }
0x23a: {  	[hbm4b:s9+s3] =	stream.linear.scatter [tilespmem:s18], [sflag:$0x8], $0x4000, $0x38;
	[tilespmem:$0x1C200] =	vst v63  }
0x23b: {  	_ =	swait.ge [sflag:s16], $0x4000  }
0x23c: {  	[sflag:s16] =	ssyncset.done $0x0  }
0x23d: {  	[sflag:s16] =	ssyncadd.s32 $0xFFFFC000  }
0x23e: {  	v60 =	vld [tilespmem:$0x120];
	_ =	sdelay $0x4  }
0x23f: {  	v61 =	vshll.u32 v60, $0x3  }
0x240: {  	v37 =	vand.u32 $0x7, v60;
	v38 =	vand.u32 $0xFFFFFFC0, v61  }
0x241: {  	v37 =	vor.u32 v37, v38  }
0x242: {  	v38 =	vperm.xlane v37, v29;
	_ =	sdelay $0x1  }
0x243: {  	v38 =	vadd.s32 v31, v38;
	_ =	sdelay $0x4  }
0x244: {  	[tilespmem:s17], [sflag:$0x5] =	stream.indirect_vreg.gather [hbm4b:s2+s3], $0x80, v38, vm0, $0xb8;
	[tilespmem:$0x1C200] =	vst v63  }
0x245: {  	v37 =	vperm.xlane v37, v30;
	s17 =	simm.s32 $0x10A00  }
0x246: {  	[tilespmem:s17], [sflag:$0x5] =	stream.indirect_vreg.gather [hbm4b:s6+s3], $0x80, v38, vm0, $0xb8;
	[tilespmem:$0x1C200] =	vst v63  }
0x247: {  	s13 =	simm.s32 $0x11200;
	v37 =	vadd.s32 v31, v37  }
0x248: {  	[tilespmem:s13], [sflag:$0x5] =	stream.indirect_vreg.gather [hbm4b:s7+s3], $0x80, v38, vm0, $0xb8;
	[tilespmem:$0x1C200] =	vst v63  }
0x249: {  	s17 =	simm.s32 $0x11A00  }
0x24a: {  	[tilespmem:s17], [sflag:$0x5] =	stream.indirect_vreg.gather [hbm4b:s8+s3], $0x80, v38, vm0, $0xb8;
	[tilespmem:$0x1C200] =	vst v63  }
0x24b: {  	s13 =	simm.s32 $0x12200  }
0x24c: {  	[tilespmem:s13], [sflag:$0x5] =	stream.indirect_vreg.gather [hbm4b:s2+s3], $0x80, v37, vm0, $0xb8;
	[tilespmem:$0x1C200] =	vst v63  }
0x24d: {  	s17 =	simm.s32 $0x12A00  }
0x24e: {  	[tilespmem:s17], [sflag:$0x5] =	stream.indirect_vreg.gather [hbm4b:s6+s3], $0x80, v37, vm0, $0xb8;
	[tilespmem:$0x1C200] =	vst v63  }
0x24f: {  	s13 =	simm.s32 $0x13200  }
0x250: {  	[tilespmem:s13], [sflag:$0x5] =	stream.indirect_vreg.gather [hbm4b:s7+s3], $0x80, v37, vm0, $0xb8;
	[tilespmem:$0x1C200] =	vst v63  }
0x251: {  	s17 =	simm.s32 $0x13A00  }
0x252: {  	[tilespmem:s17], [sflag:$0x5] =	stream.indirect_vreg.gather [hbm4b:s8+s3], $0x80, v37, vm0, $0xb8;
	[tilespmem:$0x1C200] =	vst v63  }
0x253: {  	_ =	swait.ge [sflag:s22], $0x4000  }
0x254: {  	[sflag:s22] =	ssyncset.done $0x0  }
0x255: {  	s9 =	rddreg [dreg:$0x11];
	[sflag:s22] =	ssyncadd.s32 $0xFFFFC000  }
0x256: {  	[hbm4b:s9+s3] =	stream.linear.scatter [tilespmem:s25], [sflag:$0x9], $0x4000, $0x38;
	[tilespmem:$0x1C200] =	vst v63  }
0x257: {  	_ =	swait.ge [sflag:s12], $0x4000  }
0x258: {  	[sflag:s12] =	ssyncset.done $0x0  }
0x259: {  	[sflag:s12] =	ssyncadd.s32 $0xFFFFC000  }
0x25a: {  	v62 =	vld [tilespmem:$0x130];
	_ =	sdelay $0x4  }
0x25b: {  	v63 =	vshll.u32 v62, $0x3  }
0x25c: {  	v37 =	vand.u32 $0x7, v62;
	v38 =	vand.u32 $0xFFFFFFC0, v63  }
0x25d: {  	v37 =	vor.u32 v37, v38  }
0x25e: {  	v38 =	vperm.xlane v37, v29;
	_ =	sdelay $0x1  }
0x25f: {  	v38 =	vadd.s32 v31, v38;
	_ =	sdelay $0x4  }
0x260: {  	[tilespmem:s15], [sflag:$0x6] =	stream.indirect_vreg.gather [hbm4b:s2+s3], $0x80, v38, vm0, $0xb8;
	[tilespmem:$0x1C200] =	vst v63  }
0x261: {  	s17 =	simm.s32 $0x14A00;
	v37 =	vperm.xlane v37, v30  }
0x262: {  	[tilespmem:s17], [sflag:$0x6] =	stream.indirect_vreg.gather [hbm4b:s6+s3], $0x80, v38, vm0, $0xb8;
	[tilespmem:$0x1C200] =	vst v63  }
0x263: {  	s25 =	simm.s32 $0x15200;
	v37 =	vadd.s32 v31, v37  }
0x264: {  	[tilespmem:s25], [sflag:$0x6] =	stream.indirect_vreg.gather [hbm4b:s7+s3], $0x80, v38, vm0, $0xb8;
	[tilespmem:$0x1C200] =	vst v63  }
0x265: {  	s13 =	simm.s32 $0x15A00  }
0x266: {  	[tilespmem:s13], [sflag:$0x6] =	stream.indirect_vreg.gather [hbm4b:s8+s3], $0x80, v38, vm0, $0xb8;
	[tilespmem:$0x1C200] =	vst v63  }
0x267: {  	s15 =	simm.s32 $0x16200  }
0x268: {  	[tilespmem:s15], [sflag:$0x6] =	stream.indirect_vreg.gather [hbm4b:s2+s3], $0x80, v37, vm0, $0xb8;
	[tilespmem:$0x1C200] =	vst v63  }
0x269: {  	s17 =	simm.s32 $0x16A00  }
0x26a: {  	[tilespmem:s17], [sflag:$0x6] =	stream.indirect_vreg.gather [hbm4b:s6+s3], $0x80, v37, vm0, $0xb8;
	[tilespmem:$0x1C200] =	vst v63  }
0x26b: {  	s25 =	simm.s32 $0x17200  }
0x26c: {  	[tilespmem:s25], [sflag:$0x6] =	stream.indirect_vreg.gather [hbm4b:s7+s3], $0x80, v37, vm0, $0xb8;
	[tilespmem:$0x1C200] =	vst v63  }
0x26d: {  	s13 =	simm.s32 $0x17A00  }
0x26e: {  	[tilespmem:s13], [sflag:$0x6] =	stream.indirect_vreg.gather [hbm4b:s8+s3], $0x80, v37, vm0, $0xb8;
	[tilespmem:$0x1C200] =	vst v63  }
0x26f: {  	_ =	swait.ge [sflag:s24], $0x4000  }
0x270: {  	[sflag:s24] =	ssyncset.done $0x0  }
0x271: {  	s15 =	rddreg [dreg:$0x12];
	[sflag:s24] =	ssyncadd.s32 $0xFFFFC000  }
0x272: {  	[hbm4b:s15+s3] =	stream.linear.scatter [tilespmem:s21], [sflag:$0xA], $0x4000, $0x38;
	[tilespmem:$0x1C200] =	vst v63  }
0x273: {  	_ =	swait.ge [sflag:s5], $0x4000  }
0x274: {  	[sflag:s5] =	ssyncset.done $0x0  }
0x275: {  	[sflag:s5] =	ssyncadd.s32 $0xFFFFC000  }
0x276: {  	v40 =	vld [tilespmem:$0x140];
	_ =	sdelay $0x4  }
0x277: {  	v41 =	vshll.u32 v40, $0x3  }
0x278: {  	v37 =	vand.u32 $0x7, v40;
	v38 =	vand.u32 $0xFFFFFFC0, v41  }
0x279: {  	v37 =	vor.u32 v37, v38  }
0x27a: {  	v38 =	vperm.xlane v37, v29;
	_ =	sdelay $0x1  }
0x27b: {  	v38 =	vadd.s32 v31, v38;
	_ =	sdelay $0x3  }
0x27c: {  	s0 =	simm.s32 $0x18200  }
0x27d: {  	[tilespmem:s0], [sflag:$0x7] =	stream.indirect_vreg.gather [hbm4b:s2+s3], $0x80, v38, vm0, $0xb8;
	[tilespmem:$0x1C200] =	vst v63  }
0x27e: {  	s17 =	simm.s32 $0x18A00;
	v37 =	vperm.xlane v37, v30  }
0x27f: {  	[tilespmem:s17], [sflag:$0x7] =	stream.indirect_vreg.gather [hbm4b:s6+s3], $0x80, v38, vm0, $0xb8;
	[tilespmem:$0x1C200] =	vst v63  }
0x280: {  	s21 =	simm.s32 $0x19200;
	v37 =	vadd.s32 v31, v37  }
0x281: {  	[tilespmem:s21], [sflag:$0x7] =	stream.indirect_vreg.gather [hbm4b:s7+s3], $0x80, v38, vm0, $0xb8;
	[tilespmem:$0x1C200] =	vst v63  }
0x282: {  	_ = 	snop  }
0x283: {  	[tilespmem:s28], [sflag:$0x7] =	stream.indirect_vreg.gather [hbm4b:s8+s3], $0x80, v38, vm0, $0xb8;
	[tilespmem:$0x1C200] =	vst v63  }
0x284: {  	s25 =	simm.s32 $0x1A200  }
0x285: {  	[tilespmem:s25], [sflag:$0x7] =	stream.indirect_vreg.gather [hbm4b:s2+s3], $0x80, v37, vm0, $0xb8;
	[tilespmem:$0x1C200] =	vst v63  }
0x286: {  	s0 =	simm.s32 $0x1AA00  }
0x287: {  	[tilespmem:s0], [sflag:$0x7] =	stream.indirect_vreg.gather [hbm4b:s6+s3], $0x80, v37, vm0, $0xb8;
	[tilespmem:$0x1C200] =	vst v63  }
0x288: {  	s13 =	simm.s32 $0x1B200  }
0x289: {  	[tilespmem:s13], [sflag:$0x7] =	stream.indirect_vreg.gather [hbm4b:s7+s3], $0x80, v37, vm0, $0xb8;
	[tilespmem:$0x1C200] =	vst v63  }
0x28a: {  	s15 =	simm.s32 $0x1BA00  }
0x28b: {  	[tilespmem:s15], [sflag:$0x7] =	stream.indirect_vreg.gather [hbm4b:s8+s3], $0x80, v37, vm0, $0xb8;
	[tilespmem:$0x1C200] =	vst v63  }
0x28c: {  	_ =	swait.ge [sflag:s26], $0x4000  }
0x28d: {  	[sflag:s26] =	ssyncset.done $0x0  }
0x28e: {  	s17 =	rddreg [dreg:$0x13];
	[sflag:s26] =	ssyncadd.s32 $0xFFFFC000  }
0x28f: {  	[hbm4b:s17+s3] =	stream.linear.scatter [tilespmem:s4], [sflag:$0xB], $0x4000, $0x38;
	[tilespmem:$0x1C200] =	vst v63  }
0x290: {  	_ =	swait.ge [sflag:s29], $0x4000  }
0x291: {  	[sflag:s29] =	ssyncset.done $0x0  }
0x292: {  	[sflag:s29] =	ssyncadd.s32 $0xFFFFC000  }
0x293: {  	v42 =	vld [tilespmem:$0x150];
	_ =	sdelay $0x4  }
0x294: {  	v43 =	vshll.u32 v42, $0x3  }
0x295: {  	v37 =	vand.u32 $0x7, v42;
	v38 =	vand.u32 $0xFFFFFFC0, v43  }
0x296: {  	v37 =	vor.u32 v37, v38  }
0x297: {  	v38 =	vperm.xlane v37, v29;
	_ =	sdelay $0x1  }
0x298: {  	v38 =	vadd.s32 v31, v38;
	_ =	sdelay $0x4  }
0x299: {  	[tilespmem:s18], [sflag:$0x1] =	stream.indirect_vreg.gather [hbm4b:s2+s3], $0x80, v38, vm0, $0xb8;
	[tilespmem:$0x1C200] =	vst v63  }
0x29a: {  	s21 =	simm.s32 $0xA00;
	v37 =	vperm.xlane v37, v30  }
0x29b: {  	[tilespmem:s21], [sflag:$0x1] =	stream.indirect_vreg.gather [hbm4b:s6+s3], $0x80, v38, vm0, $0xb8;
	[tilespmem:$0x1C200] =	vst v63  }
0x29c: {  	s25 =	simm.s32 $0x1200;
	v37 =	vadd.s32 v31, v37  }
0x29d: {  	[tilespmem:s25], [sflag:$0x1] =	stream.indirect_vreg.gather [hbm4b:s7+s3], $0x80, v38, vm0, $0xb8;
	[tilespmem:$0x1C200] =	vst v63  }
0x29e: {  	s0 =	simm.s32 $0x1A00  }
0x29f: {  	[tilespmem:s0], [sflag:$0x1] =	stream.indirect_vreg.gather [hbm4b:s8+s3], $0x80, v38, vm0, $0xb8;
	[tilespmem:$0x1C200] =	vst v63  }
0x2a0: {  	s13 =	simm.s32 $0x2200  }
0x2a1: {  	[tilespmem:s13], [sflag:$0x1] =	stream.indirect_vreg.gather [hbm4b:s2+s3], $0x80, v37, vm0, $0xb8;
	[tilespmem:$0x1C200] =	vst v63  }
0x2a2: {  	s15 =	simm.s32 $0x2A00  }
0x2a3: {  	[tilespmem:s15], [sflag:$0x1] =	stream.indirect_vreg.gather [hbm4b:s6+s3], $0x80, v37, vm0, $0xb8;
	[tilespmem:$0x1C200] =	vst v63  }
0x2a4: {  	s17 =	simm.s32 $0x3200  }
0x2a5: {  	[tilespmem:s17], [sflag:$0x1] =	stream.indirect_vreg.gather [hbm4b:s7+s3], $0x80, v37, vm0, $0xb8;
	[tilespmem:$0x1C200] =	vst v63  }
0x2a6: {  	s18 =	simm.s32 $0x3A00  }
0x2a7: {  	[tilespmem:s18], [sflag:$0x1] =	stream.indirect_vreg.gather [hbm4b:s8+s3], $0x80, v37, vm0, $0xb8;
	[tilespmem:$0x1C200] =	vst v63  }
0x2a8: {  	_ =	swait.ge [sflag:s30], $0x4000  }
0x2a9: {  	[sflag:s30] =	ssyncset.done $0x0  }
0x2aa: {  	s17 =	simm.s32 $0x10200;
	s21 =	rddreg [dreg:$0x14];
	[sflag:s30] =	ssyncadd.s32 $0xFFFFC000  }
0x2ab: {  	[hbm4b:s21+s3] =	stream.linear.scatter [tilespmem:s17], [sflag:$0xC], $0x4000, $0x38;
	[tilespmem:$0x1C200] =	vst v63  }
0x2ac: {  	_ =	swait.ge [sflag:s31], $0x4000  }
0x2ad: {  	[sflag:s31] =	ssyncset.done $0x0  }
0x2ae: {  	[sflag:s31] =	ssyncadd.s32 $0xFFFFC000  }
0x2af: {  	v44 =	vld [tilespmem:$0x160];
	_ =	sdelay $0x4  }
0x2b0: {  	v45 =	vshll.u32 v44, $0x3  }
0x2b1: {  	v37 =	vand.u32 $0x7, v44;
	v38 =	vand.u32 $0xFFFFFFC0, v45  }
0x2b2: {  	v37 =	vor.u32 v37, v38  }
0x2b3: {  	v38 =	vperm.xlane v37, v29;
	_ =	sdelay $0x1  }
0x2b4: {  	v38 =	vadd.s32 v31, v38;
	_ =	sdelay $0x3  }
0x2b5: {  	s15 =	simm.s32 $0x4200  }
0x2b6: {  	[tilespmem:s15], [sflag:$0x2] =	stream.indirect_vreg.gather [hbm4b:s2+s3], $0x80, v38, vm0, $0xb8;
	[tilespmem:$0x1C200] =	vst v63  }
0x2b7: {  	s25 =	simm.s32 $0x4A00;
	v37 =	vperm.xlane v37, v30  }
0x2b8: {  	[tilespmem:s25], [sflag:$0x2] =	stream.indirect_vreg.gather [hbm4b:s6+s3], $0x80, v38, vm0, $0xb8;
	[tilespmem:$0x1C200] =	vst v63  }
0x2b9: {  	s9 =	simm.s32 $0x5200;
	v37 =	vadd.s32 v31, v37  }
0x2ba: {  	[tilespmem:s9], [sflag:$0x2] =	stream.indirect_vreg.gather [hbm4b:s7+s3], $0x80, v38, vm0, $0xb8;
	[tilespmem:$0x1C200] =	vst v63  }
0x2bb: {  	s13 =	simm.s32 $0x5A00  }
0x2bc: {  	[tilespmem:s13], [sflag:$0x2] =	stream.indirect_vreg.gather [hbm4b:s8+s3], $0x80, v38, vm0, $0xb8;
	[tilespmem:$0x1C200] =	vst v63  }
0x2bd: {  	s18 =	simm.s32 $0x6200  }
0x2be: {  	[tilespmem:s18], [sflag:$0x2] =	stream.indirect_vreg.gather [hbm4b:s2+s3], $0x80, v37, vm0, $0xb8;
	[tilespmem:$0x1C200] =	vst v63  }
0x2bf: {  	s21 =	simm.s32 $0x6A00  }
0x2c0: {  	[tilespmem:s21], [sflag:$0x2] =	stream.indirect_vreg.gather [hbm4b:s6+s3], $0x80, v37, vm0, $0xb8;
	[tilespmem:$0x1C200] =	vst v63  }
0x2c1: {  	s25 =	simm.s32 $0x7200  }
0x2c2: {  	[tilespmem:s25], [sflag:$0x2] =	stream.indirect_vreg.gather [hbm4b:s7+s3], $0x80, v37, vm0, $0xb8;
	[tilespmem:$0x1C200] =	vst v63  }
0x2c3: {  	_ = 	snop  }
0x2c4: {  	[tilespmem:s23], [sflag:$0x2] =	stream.indirect_vreg.gather [hbm4b:s8+s3], $0x80, v37, vm0, $0xb8;
	[tilespmem:$0x1C200] =	vst v63  }
0x2c5: {  	_ =	swait.ge [sflag:s1], $0x4000  }
0x2c6: {  	[sflag:s1] =	ssyncset.done $0x0  }
0x2c7: {  	s23 =	simm.s32 $0x14200;
	s9 =	rddreg [dreg:$0x15];
	[sflag:s1] =	ssyncadd.s32 $0xFFFFC000  }
0x2c8: {  	[hbm4b:s9+s3] =	stream.linear.scatter [tilespmem:s23], [sflag:$0xD], $0x4000, $0x38;
	[tilespmem:$0x1C200] =	vst v63  }
0x2c9: {  	_ =	swait.ge [sflag:s11], $0x4000  }
0x2ca: {  	[sflag:s11] =	ssyncset.done $0x0  }
0x2cb: {  	[sflag:s11] =	ssyncadd.s32 $0xFFFFC000  }
0x2cc: {  	v46 =	vld [tilespmem:$0x170];
	_ =	sdelay $0x4  }
0x2cd: {  	v47 =	vshll.u32 v46, $0x3  }
0x2ce: {  	v37 =	vand.u32 $0x7, v46;
	v38 =	vand.u32 $0xFFFFFFC0, v47  }
0x2cf: {  	v37 =	vor.u32 v37, v38  }
0x2d0: {  	v38 =	vperm.xlane v37, v29;
	_ =	sdelay $0x1  }
0x2d1: {  	v38 =	vadd.s32 v31, v38;
	_ =	sdelay $0x3  }
0x2d2: {  	s25 =	simm.s32 $0x8200  }
0x2d3: {  	[tilespmem:s25], [sflag:$0x3] =	stream.indirect_vreg.gather [hbm4b:s2+s3], $0x80, v38, vm0, $0xb8;
	[tilespmem:$0x1C200] =	vst v63  }
0x2d4: {  	s21 =	simm.s32 $0x8A00;
	v37 =	vperm.xlane v37, v30  }
0x2d5: {  	[tilespmem:s21], [sflag:$0x3] =	stream.indirect_vreg.gather [hbm4b:s6+s3], $0x80, v38, vm0, $0xb8;
	[tilespmem:$0x1C200] =	vst v63  }
0x2d6: {  	s0 =	simm.s32 $0x9200;
	v37 =	vadd.s32 v31, v37  }
0x2d7: {  	[tilespmem:s0], [sflag:$0x3] =	stream.indirect_vreg.gather [hbm4b:s7+s3], $0x80, v38, vm0, $0xb8;
	[tilespmem:$0x1C200] =	vst v63  }
0x2d8: {  	s9 =	simm.s32 $0x9A00  }
0x2d9: {  	[tilespmem:s9], [sflag:$0x3] =	stream.indirect_vreg.gather [hbm4b:s8+s3], $0x80, v38, vm0, $0xb8;
	[tilespmem:$0x1C200] =	vst v63  }
0x2da: {  	s21 =	simm.s32 $0xA200  }
0x2db: {  	[tilespmem:s21], [sflag:$0x3] =	stream.indirect_vreg.gather [hbm4b:s2+s3], $0x80, v37, vm0, $0xb8;
	[tilespmem:$0x1C200] =	vst v63  }
0x2dc: {  	s0 =	simm.s32 $0xAA00  }
0x2dd: {  	[tilespmem:s0], [sflag:$0x3] =	stream.indirect_vreg.gather [hbm4b:s6+s3], $0x80, v37, vm0, $0xb8;
	[tilespmem:$0x1C200] =	vst v63  }
0x2de: {  	s9 =	simm.s32 $0xB200  }
0x2df: {  	[tilespmem:s9], [sflag:$0x3] =	stream.indirect_vreg.gather [hbm4b:s7+s3], $0x80, v37, vm0, $0xb8;
	[tilespmem:$0x1C200] =	vst v63  }
0x2e0: {  	s21 =	simm.s32 $0xBA00  }
0x2e1: {  	[tilespmem:s21], [sflag:$0x3] =	stream.indirect_vreg.gather [hbm4b:s8+s3], $0x80, v37, vm0, $0xb8;
	[tilespmem:$0x1C200] =	vst v63  }
0x2e2: {  	_ =	swait.ge [sflag:s14], $0x4000  }
0x2e3: {  	[sflag:s14] =	ssyncset.done $0x0  }
0x2e4: {  	s21 =	simm.s32 $0x18200;
	s0 =	rddreg [dreg:$0x16];
	[sflag:s14] =	ssyncadd.s32 $0xFFFFC000  }
0x2e5: {  	[hbm4b:s0+s3] =	stream.linear.scatter [tilespmem:s21], [sflag:$0xE], $0x4000, $0x38;
	[tilespmem:$0x1C200] =	vst v63  }
0x2e6: {  	_ =	swait.ge [sflag:s10], $0x4000  }
0x2e7: {  	[sflag:s10] =	ssyncset.done $0x0  }
0x2e8: {  	[sflag:s10] =	ssyncadd.s32 $0xFFFFC000  }
0x2e9: {  	v48 =	vld [tilespmem:$0x180];
	_ =	sdelay $0x4  }
0x2ea: {  	v49 =	vshll.u32 v48, $0x3  }
0x2eb: {  	v37 =	vand.u32 $0x7, v48;
	v38 =	vand.u32 $0xFFFFFFC0, v49  }
0x2ec: {  	v37 =	vor.u32 v37, v38  }
0x2ed: {  	v38 =	vperm.xlane v37, v29;
	_ =	sdelay $0x1  }
0x2ee: {  	v38 =	vadd.s32 v31, v38;
	_ =	sdelay $0x3  }
0x2ef: {  	s4 =	simm.s32 $0xC200  }
0x2f0: {  	[tilespmem:s4], [sflag:$0x4] =	stream.indirect_vreg.gather [hbm4b:s2+s3], $0x80, v38, vm0, $0xb8;
	[tilespmem:$0x1C200] =	vst v63  }
0x2f1: {  	s9 =	simm.s32 $0xCA00;
	v37 =	vperm.xlane v37, v30  }
0x2f2: {  	[tilespmem:s9], [sflag:$0x4] =	stream.indirect_vreg.gather [hbm4b:s6+s3], $0x80, v38, vm0, $0xb8;
	[tilespmem:$0x1C200] =	vst v63  }
0x2f3: {  	v37 =	vadd.s32 v31, v37;
	s9 =	simm.s32 $0xD200  }
0x2f4: {  	[tilespmem:s9], [sflag:$0x4] =	stream.indirect_vreg.gather [hbm4b:s7+s3], $0x80, v38, vm0, $0xb8;
	[tilespmem:$0x1C200] =	vst v63  }
0x2f5: {  	s13 =	simm.s32 $0xDA00  }
0x2f6: {  	[tilespmem:s13], [sflag:$0x4] =	stream.indirect_vreg.gather [hbm4b:s8+s3], $0x80, v38, vm0, $0xb8;
	[tilespmem:$0x1C200] =	vst v63  }
0x2f7: {  	s13 =	simm.s32 $0xE200  }
0x2f8: {  	[tilespmem:s13], [sflag:$0x4] =	stream.indirect_vreg.gather [hbm4b:s2+s3], $0x80, v37, vm0, $0xb8;
	[tilespmem:$0x1C200] =	vst v63  }
0x2f9: {  	s13 =	simm.s32 $0xEA00  }
0x2fa: {  	[tilespmem:s13], [sflag:$0x4] =	stream.indirect_vreg.gather [hbm4b:s6+s3], $0x80, v37, vm0, $0xb8;
	[tilespmem:$0x1C200] =	vst v63  }
0x2fb: {  	s13 =	simm.s32 $0xF200  }
0x2fc: {  	[tilespmem:s13], [sflag:$0x4] =	stream.indirect_vreg.gather [hbm4b:s7+s3], $0x80, v37, vm0, $0xb8;
	[tilespmem:$0x1C200] =	vst v63  }
0x2fd: {  	_ = 	snop  }
0x2fe: {  	[tilespmem:s19], [sflag:$0x4] =	stream.indirect_vreg.gather [hbm4b:s8+s3], $0x80, v37, vm0, $0xb8;
	[tilespmem:$0x1C200] =	vst v63  }
0x2ff: {  	_ =	swait.ge [sflag:s20], $0x4000  }
0x300: {  	[sflag:s20] =	ssyncset.done $0x0  }
0x301: {  	s0 =	simm.s32 $0x200;
	s19 =	rddreg [dreg:$0x17];
	[sflag:s20] =	ssyncadd.s32 $0xFFFFC000  }
0x302: {  	[hbm4b:s19+s3] =	stream.linear.scatter [tilespmem:s0], [sflag:$0x8], $0x4000, $0x38;
	[tilespmem:$0x1C200] =	vst v63  }
0x303: {  	_ =	swait.ge [sflag:s16], $0x4000  }
0x304: {  	[sflag:s16] =	ssyncset.done $0x0  }
0x305: {  	[sflag:s16] =	ssyncadd.s32 $0xFFFFC000  }
0x306: {  	v50 =	vld [tilespmem:$0x190];
	_ =	sdelay $0x4  }
0x307: {  	v51 =	vshll.u32 v50, $0x3  }
0x308: {  	v37 =	vand.u32 $0x7, v50;
	v38 =	vand.u32 $0xFFFFFFC0, v51  }
0x309: {  	v37 =	vor.u32 v37, v38  }
0x30a: {  	v38 =	vperm.xlane v37, v29;
	_ =	sdelay $0x1  }
0x30b: {  	v38 =	vadd.s32 v31, v38;
	_ =	sdelay $0x4  }
0x30c: {  	[tilespmem:s17], [sflag:$0x5] =	stream.indirect_vreg.gather [hbm4b:s2+s3], $0x80, v38, vm0, $0xb8;
	[tilespmem:$0x1C200] =	vst v63  }
0x30d: {  	v37 =	vperm.xlane v37, v30;
	s17 =	simm.s32 $0x10A00  }
0x30e: {  	[tilespmem:s17], [sflag:$0x5] =	stream.indirect_vreg.gather [hbm4b:s6+s3], $0x80, v38, vm0, $0xb8;
	[tilespmem:$0x1C200] =	vst v63  }
0x30f: {  	v37 =	vadd.s32 v31, v37;
	s17 =	simm.s32 $0x11200  }
0x310: {  	[tilespmem:s17], [sflag:$0x5] =	stream.indirect_vreg.gather [hbm4b:s7+s3], $0x80, v38, vm0, $0xb8;
	[tilespmem:$0x1C200] =	vst v63  }
0x311: {  	s17 =	simm.s32 $0x11A00  }
0x312: {  	[tilespmem:s17], [sflag:$0x5] =	stream.indirect_vreg.gather [hbm4b:s8+s3], $0x80, v38, vm0, $0xb8;
	[tilespmem:$0x1C200] =	vst v63  }
0x313: {  	s17 =	simm.s32 $0x12200  }
0x314: {  	[tilespmem:s17], [sflag:$0x5] =	stream.indirect_vreg.gather [hbm4b:s2+s3], $0x80, v37, vm0, $0xb8;
	[tilespmem:$0x1C200] =	vst v63  }
0x315: {  	s17 =	simm.s32 $0x12A00  }
0x316: {  	[tilespmem:s17], [sflag:$0x5] =	stream.indirect_vreg.gather [hbm4b:s6+s3], $0x80, v37, vm0, $0xb8;
	[tilespmem:$0x1C200] =	vst v63  }
0x317: {  	s17 =	simm.s32 $0x13200  }
0x318: {  	[tilespmem:s17], [sflag:$0x5] =	stream.indirect_vreg.gather [hbm4b:s7+s3], $0x80, v37, vm0, $0xb8;
	[tilespmem:$0x1C200] =	vst v63  }
0x319: {  	s17 =	simm.s32 $0x13A00  }
0x31a: {  	[tilespmem:s17], [sflag:$0x5] =	stream.indirect_vreg.gather [hbm4b:s8+s3], $0x80, v37, vm0, $0xb8;
	[tilespmem:$0x1C200] =	vst v63  }
0x31b: {  	_ =	swait.ge [sflag:s22], $0x4000  }
0x31c: {  	[sflag:s22] =	ssyncset.done $0x0  }
0x31d: {  	s17 =	rddreg [dreg:$0x18];
	[sflag:s22] =	ssyncadd.s32 $0xFFFFC000  }
0x31e: {  	[hbm4b:s17+s3] =	stream.linear.scatter [tilespmem:s15], [sflag:$0x9], $0x4000, $0x38;
	[tilespmem:$0x1C200] =	vst v63  }
0x31f: {  	_ =	swait.ge [sflag:s12], $0x4000  }
0x320: {  	[sflag:s12] =	ssyncset.done $0x0  }
0x321: {  	[sflag:s12] =	ssyncadd.s32 $0xFFFFC000  }
0x322: {  	v52 =	vld [tilespmem:$0x1A0];
	_ =	sdelay $0x4  }
0x323: {  	v53 =	vshll.u32 v52, $0x3  }
0x324: {  	v37 =	vand.u32 $0x7, v52;
	v38 =	vand.u32 $0xFFFFFFC0, v53  }
0x325: {  	v37 =	vor.u32 v37, v38  }
0x326: {  	v38 =	vperm.xlane v37, v29;
	_ =	sdelay $0x1  }
0x327: {  	v38 =	vadd.s32 v31, v38;
	_ =	sdelay $0x4  }
0x328: {  	[tilespmem:s23], [sflag:$0x6] =	stream.indirect_vreg.gather [hbm4b:s2+s3], $0x80, v38, vm0, $0xb8;
	[tilespmem:$0x1C200] =	vst v63  }
0x329: {  	s17 =	simm.s32 $0x14A00;
	v37 =	vperm.xlane v37, v30  }
0x32a: {  	[tilespmem:s17], [sflag:$0x6] =	stream.indirect_vreg.gather [hbm4b:s6+s3], $0x80, v38, vm0, $0xb8;
	[tilespmem:$0x1C200] =	vst v63  }
0x32b: {  	v37 =	vadd.s32 v31, v37;
	s17 =	simm.s32 $0x15200  }
0x32c: {  	[tilespmem:s17], [sflag:$0x6] =	stream.indirect_vreg.gather [hbm4b:s7+s3], $0x80, v38, vm0, $0xb8;
	[tilespmem:$0x1C200] =	vst v63  }
0x32d: {  	s17 =	simm.s32 $0x15A00  }
0x32e: {  	[tilespmem:s17], [sflag:$0x6] =	stream.indirect_vreg.gather [hbm4b:s8+s3], $0x80, v38, vm0, $0xb8;
	[tilespmem:$0x1C200] =	vst v63  }
0x32f: {  	s17 =	simm.s32 $0x16200  }
0x330: {  	[tilespmem:s17], [sflag:$0x6] =	stream.indirect_vreg.gather [hbm4b:s2+s3], $0x80, v37, vm0, $0xb8;
	[tilespmem:$0x1C200] =	vst v63  }
0x331: {  	s17 =	simm.s32 $0x16A00  }
0x332: {  	[tilespmem:s17], [sflag:$0x6] =	stream.indirect_vreg.gather [hbm4b:s6+s3], $0x80, v37, vm0, $0xb8;
	[tilespmem:$0x1C200] =	vst v63  }
0x333: {  	s17 =	simm.s32 $0x17200  }
0x334: {  	[tilespmem:s17], [sflag:$0x6] =	stream.indirect_vreg.gather [hbm4b:s7+s3], $0x80, v37, vm0, $0xb8;
	[tilespmem:$0x1C200] =	vst v63  }
0x335: {  	s17 =	simm.s32 $0x17A00  }
0x336: {  	[tilespmem:s17], [sflag:$0x6] =	stream.indirect_vreg.gather [hbm4b:s8+s3], $0x80, v37, vm0, $0xb8;
	[tilespmem:$0x1C200] =	vst v63  }
0x337: {  	_ =	swait.ge [sflag:s24], $0x4000  }
0x338: {  	[sflag:s24] =	ssyncset.done $0x0  }
0x339: {  	s17 =	rddreg [dreg:$0x19];
	[sflag:s24] =	ssyncadd.s32 $0xFFFFC000  }
0x33a: {  	[hbm4b:s17+s3] =	stream.linear.scatter [tilespmem:s25], [sflag:$0xA], $0x4000, $0x38;
	[tilespmem:$0x1C200] =	vst v63  }
0x33b: {  	_ =	swait.ge [sflag:s5], $0x4000  }
0x33c: {  	[sflag:s5] =	ssyncset.done $0x0  }
0x33d: {  	[sflag:s5] =	ssyncadd.s32 $0xFFFFC000  }
0x33e: {  	v54 =	vld [tilespmem:$0x1B0];
	_ =	sdelay $0x4  }
0x33f: {  	v55 =	vshll.u32 v54, $0x3  }
0x340: {  	v37 =	vand.u32 $0x7, v54;
	v38 =	vand.u32 $0xFFFFFFC0, v55  }
0x341: {  	v37 =	vor.u32 v37, v38  }
0x342: {  	v38 =	vperm.xlane v37, v29;
	_ =	sdelay $0x1  }
0x343: {  	v38 =	vadd.s32 v31, v38;
	_ =	sdelay $0x4  }
0x344: {  	[tilespmem:s21], [sflag:$0x7] =	stream.indirect_vreg.gather [hbm4b:s2+s3], $0x80, v38, vm0, $0xb8;
	[tilespmem:$0x1C200] =	vst v63  }
0x345: {  	s25 =	simm.s32 $0x18A00;
	v37 =	vperm.xlane v37, v30  }
0x346: {  	[tilespmem:s25], [sflag:$0x7] =	stream.indirect_vreg.gather [hbm4b:s6+s3], $0x80, v38, vm0, $0xb8;
	[tilespmem:$0x1C200] =	vst v63  }
0x347: {  	v37 =	vadd.s32 v31, v37;
	s25 =	simm.s32 $0x19200  }
0x348: {  	[tilespmem:s25], [sflag:$0x7] =	stream.indirect_vreg.gather [hbm4b:s7+s3], $0x80, v38, vm0, $0xb8;
	[tilespmem:$0x1C200] =	vst v63  }
0x349: {  	s28 =	simm.s32 $0x19A00  }
0x34a: {  	[tilespmem:s28], [sflag:$0x7] =	stream.indirect_vreg.gather [hbm4b:s8+s3], $0x80, v38, vm0, $0xb8;
	[tilespmem:$0x1C200] =	vst v63  }
0x34b: {  	s25 =	simm.s32 $0x1A200  }
0x34c: {  	[tilespmem:s25], [sflag:$0x7] =	stream.indirect_vreg.gather [hbm4b:s2+s3], $0x80, v37, vm0, $0xb8;
	[tilespmem:$0x1C200] =	vst v63  }
0x34d: {  	s28 =	simm.s32 $0x1AA00  }
0x34e: {  	[tilespmem:s28], [sflag:$0x7] =	stream.indirect_vreg.gather [hbm4b:s6+s3], $0x80, v37, vm0, $0xb8;
	[tilespmem:$0x1C200] =	vst v63  }
0x34f: {  	s25 =	simm.s32 $0x1B200  }
0x350: {  	[tilespmem:s25], [sflag:$0x7] =	stream.indirect_vreg.gather [hbm4b:s7+s3], $0x80, v37, vm0, $0xb8;
	[tilespmem:$0x1C200] =	vst v63  }
0x351: {  	s28 =	simm.s32 $0x1BA00  }
0x352: {  	[tilespmem:s28], [sflag:$0x7] =	stream.indirect_vreg.gather [hbm4b:s8+s3], $0x80, v37, vm0, $0xb8;
	[tilespmem:$0x1C200] =	vst v63  }
0x353: {  	_ =	swait.ge [sflag:s26], $0x4000  }
0x354: {  	[sflag:s26] =	ssyncset.done $0x0  }
0x355: {  	s25 =	rddreg [dreg:$0x1a];
	[sflag:s26] =	ssyncadd.s32 $0xFFFFC000  }
0x356: {  	[hbm4b:s25+s3] =	stream.linear.scatter [tilespmem:s4], [sflag:$0xB], $0x4000, $0x38;
	[tilespmem:$0x1C200] =	vst v63  }
0x357: {  	_ =	swait.ge [sflag:s29], $0x4000  }
0x358: {  	[sflag:s29] =	ssyncset.done $0x0  }
0x359: {  	[sflag:s29] =	ssyncadd.s32 $0xFFFFC000  }
0x35a: {  	v56 =	vld [tilespmem:$0x1C0];
	_ =	sdelay $0x4  }
0x35b: {  	v57 =	vshll.u32 v56, $0x3  }
0x35c: {  	v37 =	vand.u32 $0x7, v56;
	v38 =	vand.u32 $0xFFFFFFC0, v57  }
0x35d: {  	v37 =	vor.u32 v37, v38  }
0x35e: {  	v38 =	vperm.xlane v37, v29;
	_ =	sdelay $0x1  }
0x35f: {  	v38 =	vadd.s32 v31, v38;
	_ =	sdelay $0x4  }
0x360: {  	[tilespmem:s0], [sflag:$0x1] =	stream.indirect_vreg.gather [hbm4b:s2+s3], $0x80, v38, vm0, $0xb8;
	[tilespmem:$0x1C200] =	vst v63  }
0x361: {  	s28 =	simm.s32 $0xA00;
	v37 =	vperm.xlane v37, v30  }
0x362: {  	[tilespmem:s28], [sflag:$0x1] =	stream.indirect_vreg.gather [hbm4b:s6+s3], $0x80, v38, vm0, $0xb8;
	[tilespmem:$0x1C200] =	vst v63  }
0x363: {  	s13 =	simm.s32 $0x1200;
	v37 =	vadd.s32 v31, v37  }
0x364: {  	[tilespmem:s13], [sflag:$0x1] =	stream.indirect_vreg.gather [hbm4b:s7+s3], $0x80, v38, vm0, $0xb8;
	[tilespmem:$0x1C200] =	vst v63  }
0x365: {  	s25 =	simm.s32 $0x1A00  }
0x366: {  	[tilespmem:s25], [sflag:$0x1] =	stream.indirect_vreg.gather [hbm4b:s8+s3], $0x80, v38, vm0, $0xb8;
	[tilespmem:$0x1C200] =	vst v63  }
0x367: {  	s28 =	simm.s32 $0x2200  }
0x368: {  	[tilespmem:s28], [sflag:$0x1] =	stream.indirect_vreg.gather [hbm4b:s2+s3], $0x80, v37, vm0, $0xb8;
	[tilespmem:$0x1C200] =	vst v63  }
0x369: {  	s13 =	simm.s32 $0x2A00  }
0x36a: {  	[tilespmem:s13], [sflag:$0x1] =	stream.indirect_vreg.gather [hbm4b:s6+s3], $0x80, v37, vm0, $0xb8;
	[tilespmem:$0x1C200] =	vst v63  }
0x36b: {  	s25 =	simm.s32 $0x3200  }
0x36c: {  	[tilespmem:s25], [sflag:$0x1] =	stream.indirect_vreg.gather [hbm4b:s7+s3], $0x80, v37, vm0, $0xb8;
	[tilespmem:$0x1C200] =	vst v63  }
0x36d: {  	s28 =	simm.s32 $0x3A00  }
0x36e: {  	[tilespmem:s28], [sflag:$0x1] =	stream.indirect_vreg.gather [hbm4b:s8+s3], $0x80, v37, vm0, $0xb8;
	[tilespmem:$0x1C200] =	vst v63  }
0x36f: {  	_ =	swait.ge [sflag:s30], $0x4000  }
0x370: {  	[sflag:s30] =	ssyncset.done $0x0  }
0x371: {  	s19 =	simm.s32 $0x10200;
	s0 =	rddreg [dreg:$0x1b];
	[sflag:s30] =	ssyncadd.s32 $0xFFFFC000  }
0x372: {  	[hbm4b:s0+s3] =	stream.linear.scatter [tilespmem:s19], [sflag:$0xC], $0x4000, $0x38;
	[tilespmem:$0x1C200] =	vst v63  }
0x373: {  	_ =	swait.ge [sflag:s31], $0x4000  }
0x374: {  	[sflag:s31] =	ssyncset.done $0x0  }
0x375: {  	[sflag:s31] =	ssyncadd.s32 $0xFFFFC000  }
0x376: {  	v58 =	vld [tilespmem:$0x1D0];
	_ =	sdelay $0x4  }
0x377: {  	v59 =	vshll.u32 v58, $0x3  }
0x378: {  	v37 =	vand.u32 $0x7, v58;
	v38 =	vand.u32 $0xFFFFFFC0, v59  }
0x379: {  	v37 =	vor.u32 v37, v38  }
0x37a: {  	v38 =	vperm.xlane v37, v29;
	_ =	sdelay $0x1  }
0x37b: {  	v38 =	vadd.s32 v31, v38;
	_ =	sdelay $0x3  }
0x37c: {  	s15 =	simm.s32 $0x4200  }
0x37d: {  	[tilespmem:s15], [sflag:$0x2] =	stream.indirect_vreg.gather [hbm4b:s2+s3], $0x80, v38, vm0, $0xb8;
	[tilespmem:$0x1C200] =	vst v63  }
0x37e: {  	s25 =	simm.s32 $0x4A00;
	v37 =	vperm.xlane v37, v30  }
0x37f: {  	[tilespmem:s25], [sflag:$0x2] =	stream.indirect_vreg.gather [hbm4b:s6+s3], $0x80, v38, vm0, $0xb8;
	[tilespmem:$0x1C200] =	vst v63  }
0x380: {  	s28 =	simm.s32 $0x5200;
	v37 =	vadd.s32 v31, v37  }
0x381: {  	[tilespmem:s28], [sflag:$0x2] =	stream.indirect_vreg.gather [hbm4b:s7+s3], $0x80, v38, vm0, $0xb8;
	[tilespmem:$0x1C200] =	vst v63  }
0x382: {  	s30 =	simm.s32 $0x5A00  }
0x383: {  	[tilespmem:s30], [sflag:$0x2] =	stream.indirect_vreg.gather [hbm4b:s8+s3], $0x80, v38, vm0, $0xb8;
	[tilespmem:$0x1C200] =	vst v63  }
0x384: {  	s13 =	simm.s32 $0x6200  }
0x385: {  	[tilespmem:s13], [sflag:$0x2] =	stream.indirect_vreg.gather [hbm4b:s2+s3], $0x80, v37, vm0, $0xb8;
	[tilespmem:$0x1C200] =	vst v63  }
0x386: {  	s19 =	simm.s32 $0x6A00  }
0x387: {  	[tilespmem:s19], [sflag:$0x2] =	stream.indirect_vreg.gather [hbm4b:s6+s3], $0x80, v37, vm0, $0xb8;
	[tilespmem:$0x1C200] =	vst v63  }
0x388: {  	s25 =	simm.s32 $0x7200  }
0x389: {  	[tilespmem:s25], [sflag:$0x2] =	stream.indirect_vreg.gather [hbm4b:s7+s3], $0x80, v37, vm0, $0xb8;
	[tilespmem:$0x1C200] =	vst v63  }
0x38a: {  	s18 =	simm.s32 $0x7A00  }
0x38b: {  	[tilespmem:s18], [sflag:$0x2] =	stream.indirect_vreg.gather [hbm4b:s8+s3], $0x80, v37, vm0, $0xb8;
	[tilespmem:$0x1C200] =	vst v63  }
0x38c: {  	_ =	swait.ge [sflag:s1], $0x4000  }
0x38d: {  	[sflag:s1] =	ssyncset.done $0x0  }
0x38e: {  	s23 =	simm.s32 $0x14200;
	s28 =	rddreg [dreg:$0x1c];
	[sflag:s1] =	ssyncadd.s32 $0xFFFFC000  }
0x38f: {  	[hbm4b:s28+s3] =	stream.linear.scatter [tilespmem:s23], [sflag:$0xD], $0x4000, $0x38;
	[tilespmem:$0x1C200] =	vst v63  }
0x390: {  	_ =	swait.ge [sflag:s11], $0x4000  }
0x391: {  	[sflag:s11] =	ssyncset.done $0x0  }
0x392: {  	[sflag:s11] =	ssyncadd.s32 $0xFFFFC000  }
0x393: {  	v60 =	vld [tilespmem:$0x1E0];
	_ =	sdelay $0x4  }
0x394: {  	v61 =	vshll.u32 v60, $0x3  }
0x395: {  	v37 =	vand.u32 $0x7, v60;
	v38 =	vand.u32 $0xFFFFFFC0, v61  }
0x396: {  	v37 =	vor.u32 v37, v38  }
0x397: {  	v38 =	vperm.xlane v37, v29;
	_ =	sdelay $0x1  }
0x398: {  	v38 =	vadd.s32 v31, v38;
	_ =	sdelay $0x3  }
0x399: {  	s17 =	simm.s32 $0x8200  }
0x39a: {  	[tilespmem:s17], [sflag:$0x3] =	stream.indirect_vreg.gather [hbm4b:s2+s3], $0x80, v38, vm0, $0xb8;
	[tilespmem:$0x1C200] =	vst v63  }
0x39b: {  	s30 =	simm.s32 $0x8A00;
	v37 =	vperm.xlane v37, v30  }
0x39c: {  	[tilespmem:s30], [sflag:$0x3] =	stream.indirect_vreg.gather [hbm4b:s6+s3], $0x80, v38, vm0, $0xb8;
	[tilespmem:$0x1C200] =	vst v63  }
0x39d: {  	s1 =	simm.s32 $0x9200;
	v37 =	vadd.s32 v31, v37  }
0x39e: {  	[tilespmem:s1], [sflag:$0x3] =	stream.indirect_vreg.gather [hbm4b:s7+s3], $0x80, v38, vm0, $0xb8;
	[tilespmem:$0x1C200] =	vst v63  }
0x39f: {  	s13 =	simm.s32 $0x9A00  }
0x3a0: {  	[tilespmem:s13], [sflag:$0x3] =	stream.indirect_vreg.gather [hbm4b:s8+s3], $0x80, v38, vm0, $0xb8;
	[tilespmem:$0x1C200] =	vst v63  }
0x3a1: {  	s18 =	simm.s32 $0xA200  }
0x3a2: {  	[tilespmem:s18], [sflag:$0x3] =	stream.indirect_vreg.gather [hbm4b:s2+s3], $0x80, v37, vm0, $0xb8;
	[tilespmem:$0x1C200] =	vst v63  }
0x3a3: {  	s19 =	simm.s32 $0xAA00  }
0x3a4: {  	[tilespmem:s19], [sflag:$0x3] =	stream.indirect_vreg.gather [hbm4b:s6+s3], $0x80, v37, vm0, $0xb8;
	[tilespmem:$0x1C200] =	vst v63  }
0x3a5: {  	s23 =	simm.s32 $0xB200  }
0x3a6: {  	[tilespmem:s23], [sflag:$0x3] =	stream.indirect_vreg.gather [hbm4b:s7+s3], $0x80, v37, vm0, $0xb8;
	[tilespmem:$0x1C200] =	vst v63  }
0x3a7: {  	s25 =	simm.s32 $0xBA00  }
0x3a8: {  	[tilespmem:s25], [sflag:$0x3] =	stream.indirect_vreg.gather [hbm4b:s8+s3], $0x80, v37, vm0, $0xb8;
	[tilespmem:$0x1C200] =	vst v63  }
0x3a9: {  	_ =	swait.ge [sflag:s14], $0x4000  }
0x3aa: {  	[sflag:s14] =	ssyncset.done $0x0  }
0x3ab: {  	s21 =	simm.s32 $0x18200;
	s28 =	rddreg [dreg:$0x1d];
	[sflag:s14] =	ssyncadd.s32 $0xFFFFC000  }
0x3ac: {  	[hbm4b:s28+s3] =	stream.linear.scatter [tilespmem:s21], [sflag:$0xE], $0x4000, $0x38;
	[tilespmem:$0x1C200] =	vst v63  }
0x3ad: {  	_ =	swait.ge [sflag:s10], $0x4000  }
0x3ae: {  	[sflag:s10] =	ssyncset.done $0x0  }
0x3af: {  	[sflag:s10] =	ssyncadd.s32 $0xFFFFC000  }
0x3b0: {  	v62 =	vld [tilespmem:$0x1F0];
	_ =	sdelay $0x4  }
0x3b1: {  	v63 =	vshll.u32 v62, $0x3  }
0x3b2: {  	v37 =	vand.u32 $0x7, v62;
	v38 =	vand.u32 $0xFFFFFFC0, v63  }
0x3b3: {  	v37 =	vor.u32 v37, v38  }
0x3b4: {  	v38 =	vperm.xlane v37, v29;
	_ =	sdelay $0x1  }
0x3b5: {  	v38 =	vadd.s32 v31, v38;
	_ =	sdelay $0x3  }
0x3b6: {  	s1 =	simm.s32 $0xC200  }
0x3b7: {  	[tilespmem:s1], [sflag:$0x4] =	stream.indirect_vreg.gather [hbm4b:s2+s3], $0x80, v38, vm0, $0xb8;
	[tilespmem:$0x1C200] =	vst v63  }
0x3b8: {  	s30 =	simm.s32 $0xCA00;
	v37 =	vperm.xlane v37, v30  }
0x3b9: {  	[tilespmem:s30], [sflag:$0x4] =	stream.indirect_vreg.gather [hbm4b:s6+s3], $0x80, v38, vm0, $0xb8;
	[tilespmem:$0x1C200] =	vst v63  }
0x3ba: {  	v37 =	vadd.s32 v31, v37  }
0x3bb: {  	[tilespmem:s9], [sflag:$0x4] =	stream.indirect_vreg.gather [hbm4b:s7+s3], $0x80, v38, vm0, $0xb8;
	[tilespmem:$0x1C200] =	vst v63  }
0x3bc: {  	s9 =	simm.s32 $0xDA00  }
0x3bd: {  	[tilespmem:s9], [sflag:$0x4] =	stream.indirect_vreg.gather [hbm4b:s8+s3], $0x80, v38, vm0, $0xb8;
	[tilespmem:$0x1C200] =	vst v63  }
0x3be: {  	s13 =	simm.s32 $0xE200  }
0x3bf: {  	[tilespmem:s13], [sflag:$0x4] =	stream.indirect_vreg.gather [hbm4b:s2+s3], $0x80, v37, vm0, $0xb8;
	[tilespmem:$0x1C200] =	vst v63  }
0x3c0: {  	s14 =	simm.s32 $0xEA00  }
0x3c1: {  	[tilespmem:s14], [sflag:$0x4] =	stream.indirect_vreg.gather [hbm4b:s6+s3], $0x80, v37, vm0, $0xb8;
	[tilespmem:$0x1C200] =	vst v63  }
0x3c2: {  	s18 =	simm.s32 $0xF200  }
0x3c3: {  	[tilespmem:s18], [sflag:$0x4] =	stream.indirect_vreg.gather [hbm4b:s7+s3], $0x80, v37, vm0, $0xb8;
	[tilespmem:$0x1C200] =	vst v63  }
0x3c4: {  	s19 =	simm.s32 $0xFA00  }
0x3c5: {  	[tilespmem:s19], [sflag:$0x4] =	stream.indirect_vreg.gather [hbm4b:s8+s3], $0x80, v37, vm0, $0xb8;
	[tilespmem:$0x1C200] =	vst v63  }
0x3c6: {  	_ =	swait.ge [sflag:s20], $0x4000  }
0x3c7: {  	[sflag:s20] =	ssyncset.done $0x0  }
0x3c8: {  	s4 =	simm.s32 $0x200;
	s21 =	rddreg [dreg:$0x1e];
	[sflag:s20] =	ssyncadd.s32 $0xFFFFC000  }
0x3c9: {  	[hbm4b:s21+s3] =	stream.linear.scatter [tilespmem:s4], [sflag:$0x8], $0x4000, $0x38;
	[tilespmem:$0x1C200] =	vst v63  }
0x3ca: {  	_ =	swait.ge [sflag:s22], $0x4000  }
0x3cb: {  	[sflag:s22] =	ssyncset.done $0x0  }
0x3cc: {  	s23 =	rddreg [dreg:$0x1f];
	[sflag:s22] =	ssyncadd.s32 $0xFFFFC000  }
0x3cd: {  	[hbm4b:s23+s3] =	stream.linear.scatter [tilespmem:s15], [sflag:$0x9], $0x4000, $0x38;
	[tilespmem:$0x1C200] =	vst v63  }
0x3ce: {  	_ =	swait.ge [sflag:s24], $0x4000  }
0x3cf: {  	s25 =	sld [smem:$0x7F4]  }
0x3d0: {  	[sflag:s24] =	ssyncset.done $0x0  }
0x3d1: {  	[sflag:s24] =	ssyncadd.s32 $0xFFFFC000  }
0x3d2: {  	[hbm4b:s25+s3] =	stream.linear.scatter [tilespmem:s17], [sflag:$0xA], $0x4000, $0x38;
	[tilespmem:$0x1C200] =	vst v63  }
0x3d3: {  	s28 =	sld [smem:$0x7F3];
	_ =	swait.ge [sflag:s26], $0x4000  }
0x3d4: {  	s30 =	sld [smem:$0x7F6]  }
0x3d5: {  	[sflag:s26] =	ssyncset.done $0x0  }
0x3d6: {  	[sflag:s26] =	ssyncadd.s32 $0xFFFFC000  }
0x3d7: {  	[hbm4b:s30+s3] =	stream.linear.scatter [tilespmem:s1], [sflag:$0xB], $0x4000, $0x38;
	[tilespmem:$0x1C200] =	vst v63  }
0x3d8: {  	_ =	swait.ge [sflag:s29], $0x4000  }
0x3d9: {  	[sflag:s29] =	ssyncset.done $0x0  }
0x3da: {  	[sflag:s29] =	ssyncadd.s32 $0xFFFFC000  }
0x3db: {  	_ =	swait.ge [sflag:s31], $0x4000  }
0x3dc: {  	[sflag:s31] =	ssyncset.done $0x0  }
0x3dd: {  	[sflag:s31] =	ssyncadd.s32 $0xFFFFC000  }
0x3de: {  	_ =	swait.ge [sflag:s11], $0x4000  }
0x3df: {  	[sflag:s11] =	ssyncset.done $0x0  }
0x3e0: {  	[sflag:s11] =	ssyncadd.s32 $0xFFFFC000  }
0x3e1: {  	_ =	swait.ge [sflag:s10], $0x4000  }
0x3e2: {  	[sflag:s10] =	ssyncset.done $0x0  }
0x3e3: {  	[sflag:s10] =	ssyncadd.s32 $0xFFFFC000  }
0x3e4: {  	_ =	swait.ge [sflag:s16], $0x4000  }
0x3e5: {  	[sflag:s16] =	ssyncset.done $0x0  }
0x3e6: {  	[sflag:s16] =	ssyncadd.s32 $0xFFFFC000  }
0x3e7: {  	p0 =	sne.s32 s28, $0x1;
	_ =	swait.ge [sflag:s12], $0x4000  }
.Ltmp0:
0x3e8: {  	[sflag:s12] =	ssyncset.done $0x0;
	(pc) =	sbr.rel @p0 .LBB2_1-.Ltmp0, $4  }
0x3e9: {  	[sflag:s12] =	ssyncadd.s32 $0xFFFFC000  }
0x3ea: {  	_ =	swait.ge [sflag:s5], $0x4000  }
0x3eb: {  	[sflag:s5] =	ssyncset.done $0x0  }
0x3ec: {  	s4 =	sadd.s32 $0xFFFFFFFF, s28;
	[sflag:s5] =	ssyncadd.s32 $0xFFFFC000  }
0x3ed: {  	_ =	sfence.sel $0x180000  }
0x3ee: {  	[bflag:$0x0] =	sbarrier.arrive $0xFFFF  }
0x3ef: {  	_ =	strace $0x90000047  }
0x3f0: {  	s0 =	stileid.u32;
	[bflag:$0x2] =	sbarrier.arrive $0xFFFF  }
0x3f1: {  	p0 =	sne.s32 s0, $0x0;
	s0 =	rddreg [dreg:$0x2]  }
0x3f2: {  	s0 =	sadd.s32 @!p0 $0x100000, s0  }
0x3f3: {  	[sflag:s0] =	ssyncadd.tile.s32 @!p0 $0x1;
	_ =	shalt  }
.Lfunc_end2:
_tile_overlayer_lowered:
.L_overlay_start_2:
0x3f4: {  	(tag) =	ssettag $0x2  }
0x3f5: {  	s0 =	rddreg [dreg:$0x0];
	s2 =	stileid.u32  }
0x3f6: {  	s1 =	rddreg [dreg:$0x1];
	p0 =	sne.s32 s2, $0x0  }
0x3f7: {  	s3 =	rddreg [dreg:$0x2];
	[bflag:$0x3] =	sbarrier.arrive $0xFFFF;
	s2 =	simm.s32 @!p0 $0x1C0F  }
0x3f8: {  	[timem:s3], [sflag:s2] =	dma.local @!p0 [hbm:s0], s1  }
0x3f9: {  	s0 =	simm.s32 @!p0 $0xF  }
0x3fa: {  	_ =	swait.ge @!p0 [sflag:s0], s1  }
0x3fb: {  	s1 =	ssub.s32 @!p0 $0x0, s1;
	[sflag:s0] =	ssyncset.done @!p0 $0x0  }
0x3fc: {  	[sflag:s0] =	ssyncadd.s32 @!p0 s1  }
0x3fd: {  	[bflag:$0x3] =	sbarrier.arrive $0xFFFF  }
0x3fe: {  	_ =	shalt  }

</sc_bundles>
